<compile_context>
chip_gen: v7x
topology: tpu7x:2x2x1
jax: 0.10.2.dev20260603
libtpu: 0.0.44.dev20260713+nightly
codegen_flags: <defaults>
</compile_context>

<pallas_src>
import functools

import jax
import jax.numpy as jnp
from jax import lax
from jax.experimental import pallas as pl
from jax.experimental.pallas import tpu as pltpu
from jax.experimental.pallas import tpu_sc as plsc

NC = 2
NS = 16
NW = NC * NS
LANES = 16

OUT_CHUNK = 4096


def _make_gather(P, N, B):
    rows_per_w = P // NW
    n_chunks = B // OUT_CHUNK

    mesh = plsc.VectorSubcoreMesh(
        core_axis_name="c", subcore_axis_name="s",
        num_cores=NC, num_subcores=NS)

    @functools.partial(
        pl.kernel,
        out_type=jax.ShapeDtypeStruct((P, B), jnp.float32),
        mesh=mesh,
        scratch_types=[
            pltpu.VMEM((B,), jnp.int32),
            pltpu.VMEM((N,), jnp.float32),
            pltpu.VMEM((2, OUT_CHUNK), jnp.float32),
            pltpu.SemaphoreType.DMA,
            pltpu.SemaphoreType.DMA,
            pltpu.SemaphoreType.DMA,
        ],
        compiler_params=pltpu.CompilerParams(needs_layout_passes=False),
    )
    def gather_kernel(table_hbm, idx_hbm, out_hbm, idx_v, row_v, out_v,
                      wsem0, wsem1, isem):
        wid = lax.axis_index("s") * NC + lax.axis_index("c")
        wsems = (wsem0, wsem1)

        idx_cp = pltpu.async_copy(idx_hbm, idx_v, isem)
        pending = [None, None]

        for k in range(rows_per_w):
            rc = wid * rows_per_w + k
            pltpu.sync_copy(table_hbm.at[rc], row_v)
            if k == 0:
                idx_cp.wait()
            for chunk in range(n_chunks):
                buf = chunk % 2
                if pending[buf] is not None:
                    pending[buf].wait()
                    pending[buf] = None
                base = chunk * OUT_CHUNK

                def body(g, base=base, buf=buf):
                    iv = idx_v[pl.ds(base + g * LANES, LANES)]
                    out_v[buf, pl.ds(g * LANES, LANES)] = (
                        plsc.load_gather(row_v, [iv]))

                plsc.parallel_loop(0, OUT_CHUNK // LANES, unroll=16)(body)
                pending[buf] = pltpu.async_copy(
                    out_v.at[buf],
                    out_hbm.at[rc, pl.ds(base, OUT_CHUNK)],
                    wsems[buf])
        for p in pending:
            if p is not None:
                p.wait()

    return gather_kernel


def kernel(G, idx):
    R, N, C = G.shape
    B = idx.shape[0]
    table = jnp.transpose(G, (0, 2, 1)).reshape(R * C, N)
    out2 = _make_gather(R * C, N, B)(table, idx)
    return jnp.transpose(out2.reshape(R, C, B), (0, 2, 1))

# --- scband reference (transcript-rebuilt; emitter-appended) ---
"""Pipeline reference for scband-tensor-ring-core-89902255440660 (READ-ONLY COPY).

The authoritative reference and input builder live on the scoring server;
editing this copy changes nothing except your own understanding.
"""

import jax, jax.numpy as jnp
import numpy as np

N_K = 100000
RANK = 16
BATCH = 16384
INIT_STD = 0.01


def setup_inputs(seed: int = 0) -> dict:
    key = jax.random.key(seed)
    k1, k2 = jax.random.split(key)
    # Learned parameter: TR core G in R^{rank x n_k x rank}, init std = init_std / sqrt(rank * n_k)
    G = jax.random.normal(k1, (RANK, N_K, RANK), dtype=jnp.float32) * (INIT_STD / (RANK * N_K) ** 0.5)
    idx = jax.random.randint(k2, (BATCH,), 0, N_K, dtype=jnp.int32)
    return {"G": G, "idx": idx}


def reference(G, idx):
    # Faithful translation of TensorRingCore.forward with idx given:
    # return G[:, idx, :]  (gather along the mode dimension)
    return jnp.take(G, idx, axis=1)

if __name__ == "__main__":
    import jax
    _d = setup_inputs()
    print(jax.jit(kernel)(*tuple(_d.values())))

</pallas_src>

<mosaic_0001>
#map = affine_map<(d0, d1) -> (0, 0)>
#map1 = affine_map<(d0, d1) -> (0)>
module attributes {stable_mosaic.version = 14 : i64} {
  func.func @gather_kernel(%arg0: i32, %arg1: i32, %arg2: memref<256x100000xf32, #tpu.memory_space<hbm>>, %arg3: memref<16384xi32, #tpu.memory_space<hbm>>, %arg4: memref<256x16384xf32, #tpu.memory_space<hbm>>, %arg5: memref<16384xi32, #tpu.memory_space<vmem>>, %arg6: memref<100000xf32, #tpu.memory_space<vmem>>, %arg7: memref<2x4096xf32, #tpu.memory_space<vmem>>, %arg8: memref<!tpu.dma_semaphore, #tpu.memory_space<semaphore_mem>>, %arg9: memref<!tpu.dma_semaphore, #tpu.memory_space<semaphore_mem>>, %arg10: memref<!tpu.dma_semaphore, #tpu.memory_space<semaphore_mem>>) attributes {dimension_semantics = [#tpu.dimension_semantics<core_parallel>, #tpu.dimension_semantics<subcore_parallel>], iteration_bounds = array<i64: 2, 16>, scalar_prefetch = 0 : i64, scratch_operands = 6 : i64, tpu.core_type = #tpu.core_type<sc_vector_subcore>, window_params = [{transform_indices = #map}, {transform_indices = #map1}, {transform_indices = #map}]} {
    %mul3A = arith.constant 2 : i32
    %mul3A_0 = arith.muli %arg1, %mul3A : i32
    %add3A = arith.addi %mul3A_0, %arg0 : i32
    tpu.enqueue_dma source(%arg3 : memref<16384xi32, #tpu.memory_space<hbm>>) target(%arg5 : memref<16384xi32, #tpu.memory_space<vmem>>) target_semaphore(%arg10 : memref<!tpu.dma_semaphore, #tpu.memory_space<semaphore_mem>>)
    %mul3A_1 = arith.constant 8 : i32
    %mul3A_2 = arith.muli %add3A, %mul3A_1 : i32
    %add3A_3 = arith.constant 0 : i32
    %add3A_4 = arith.addi %mul3A_2, %add3A_3 : i32
    "tpu.region"() ({
      %run_scoped3A = tpu.sem_alloc : memref<!tpu.dma_semaphore, #tpu.memory_space<semaphore_mem>>
      %dma_start3A_958 = arith.constant 0 : i32
      %dma_start3A_959 = tpu.memref_slice %arg2[%add3A_4, %dma_start3A_958] : memref<256x100000xf32, #tpu.memory_space<hbm>> -> memref<1x100000xf32, #tpu.memory_space<hbm>>
      %dma_start3A_960 = tpu.memref_squeeze %dma_start3A_959 : memref<1x100000xf32, #tpu.memory_space<hbm>> -> memref<100000xf32, #tpu.memory_space<hbm>>
      %dma_start3A_961 = arith.constant 0 : i32
      %dma_start3A_962 = tpu.memref_slice %arg2[%add3A_4, %dma_start3A_961] : memref<256x100000xf32, #tpu.memory_space<hbm>> -> memref<1x100000xf32, #tpu.memory_space<hbm>>
      %dma_start3A_963 = tpu.memref_squeeze %dma_start3A_962 : memref<1x100000xf32, #tpu.memory_space<hbm>> -> memref<100000xf32, #tpu.memory_space<hbm>>
      tpu.enqueue_dma source(%dma_start3A_963 : memref<100000xf32, #tpu.memory_space<hbm>>) target(%arg6 : memref<100000xf32, #tpu.memory_space<vmem>>) target_semaphore(%run_scoped3A : memref<!tpu.dma_semaphore, #tpu.memory_space<semaphore_mem>>)
      %dma_wait3A_964 = arith.constant 0 : i32
      %dma_wait3A_965 = tpu.memref_slice %arg2[%add3A_4, %dma_wait3A_964] : memref<256x100000xf32, #tpu.memory_space<hbm>> -> memref<1x100000xf32, #tpu.memory_space<hbm>>
      %dma_wait3A_966 = tpu.memref_squeeze %dma_wait3A_965 : memref<1x100000xf32, #tpu.memory_space<hbm>> -> memref<100000xf32, #tpu.memory_space<hbm>>
      %dma_wait3A_967 = arith.constant 0 : i32
      %dma_wait3A_968 = tpu.memref_slice %arg2[%add3A_4, %dma_wait3A_967] : memref<256x100000xf32, #tpu.memory_space<hbm>> -> memref<1x100000xf32, #tpu.memory_space<hbm>>
      %dma_wait3A_969 = tpu.memref_squeeze %dma_wait3A_968 : memref<1x100000xf32, #tpu.memory_space<hbm>> -> memref<100000xf32, #tpu.memory_space<hbm>>
      tpu.wait_dma2 semaphore(%run_scoped3A : memref<!tpu.dma_semaphore, #tpu.memory_space<semaphore_mem>>) src(%dma_wait3A_969 : memref<100000xf32, #tpu.memory_space<hbm>>) dst(%arg6 : memref<100000xf32, #tpu.memory_space<vmem>>)
      tpu.yield
    }) : () -> ()
    tpu.wait_dma2 semaphore(%arg10 : memref<!tpu.dma_semaphore, #tpu.memory_space<semaphore_mem>>) src(%arg3 : memref<16384xi32, #tpu.memory_space<hbm>>) dst(%arg5 : memref<16384xi32, #tpu.memory_space<vmem>>)
    %parallel_loop3A = arith.constant 0 : i32
    %parallel_loop3A_5 = arith.constant 256 : i32
    %parallel_loop3A_6 = arith.constant 1 : i32
    scf.for %parallel_loop3A_958 = %parallel_loop3A to %parallel_loop3A_5 step %parallel_loop3A_6  : i32 {
      %parallel_loop3A_959 = arith.constant 16 : i32
      %parallel_loop3A_960 = arith.muli %parallel_loop3A_958, %parallel_loop3A_959 : i32
      %parallel_loop3A_961 = arith.constant 0 : i32
      %parallel_loop3A_962 = arith.addi %parallel_loop3A_961, %parallel_loop3A_960 : i32
      %parallel_loop3A_963 = arith.index_cast %parallel_loop3A_962 : i32 to index
      %parallel_loop3A_964 = tpu.vector_load %arg5[%parallel_loop3A_963] {strides = array<i32>} : memref<16384xi32, #tpu.memory_space<vmem>>, vector<16xi32>,
      %parallel_loop3A_965 = tpu.vector_load_idx %arg6[%parallel_loop3A_964] : memref<100000xf32, #tpu.memory_space<vmem>>[vector<16xi32>], vector<16xf32>,
      %parallel_loop3A_966 = arith.constant 16 : i32
      %parallel_loop3A_967 = arith.muli %parallel_loop3A_958, %parallel_loop3A_966 : i32
      %parallel_loop3A_968 = arith.constant 0 : i32
      %parallel_loop3A_969 = arith.index_cast %parallel_loop3A_968 : i32 to index
      %parallel_loop3A_970 = arith.index_cast %parallel_loop3A_967 : i32 to index
      %parallel_loop3A_971 = tpu.vector_load %arg7[%parallel_loop3A_969, %parallel_loop3A_970] {strides = array<i32>} : memref<2x4096xf32, #tpu.memory_space<vmem>>, vector<16xf32>,
      tpu.vector_store %arg7[%parallel_loop3A_969, %parallel_loop3A_970], %parallel_loop3A_965 {strides = array<i32>} : memref<2x4096xf32, #tpu.memory_space<vmem>>, vector<16xf32>,
    } {sc.loop_unroll_factor = 16 : i64, sc.parallel_access}
    %dma_start3A = arith.constant 0 : i32
    %dma_start3A_7 = arith.constant 0 : i32
    %dma_start3A_8 = tpu.memref_slice %arg7[%dma_start3A, %dma_start3A_7] : memref<2x4096xf32, #tpu.memory_space<vmem>> -> memref<1x4096xf32, #tpu.memory_space<vmem>>
    %dma_start3A_9 = tpu.memref_squeeze %dma_start3A_8 : memref<1x4096xf32, #tpu.memory_space<vmem>> -> memref<4096xf32, #tpu.memory_space<vmem>>
    %dma_start3A_10 = arith.constant 0 : i32
    %dma_start3A_11 = tpu.memref_slice %arg4[%add3A_4, %dma_start3A_10] : memref<256x16384xf32, #tpu.memory_space<hbm>> -> memref<1x4096xf32, #tpu.memory_space<hbm>>
    %dma_start3A_12 = tpu.memref_squeeze %dma_start3A_11 : memref<1x4096xf32, #tpu.memory_space<hbm>> -> memref<4096xf32, #tpu.memory_space<hbm>>
    %dma_start3A_13 = arith.constant 0 : i32
    %dma_start3A_14 = tpu.memref_slice %arg4[%add3A_4, %dma_start3A_13] : memref<256x16384xf32, #tpu.memory_space<hbm>> -> memref<1x4096xf32, #tpu.memory_space<hbm>>
    %dma_start3A_15 = tpu.memref_squeeze %dma_start3A_14 : memref<1x4096xf32, #tpu.memory_space<hbm>> -> memref<4096xf32, #tpu.memory_space<hbm>>
    %dma_start3A_16 = arith.constant 0 : i32
    %dma_start3A_17 = tpu.memref_slice %arg7[%dma_start3A, %dma_start3A_16] : memref<2x4096xf32, #tpu.memory_space<vmem>> -> memref<1x4096xf32, #tpu.memory_space<vmem>>
    %dma_start3A_18 = tpu.memref_squeeze %dma_start3A_17 : memref<1x4096xf32, #tpu.memory_space<vmem>> -> memref<4096xf32, #tpu.memory_space<vmem>>
    tpu.enqueue_dma source(%dma_start3A_18 : memref<4096xf32, #tpu.memory_space<vmem>>) target(%dma_start3A_15 : memref<4096xf32, #tpu.memory_space<hbm>>) target_semaphore(%arg8 : memref<!tpu.dma_semaphore, #tpu.memory_space<semaphore_mem>>)
    %parallel_loop3A_19 = arith.constant 0 : i32
    %parallel_loop3A_20 = arith.constant 256 : i32
    %parallel_loop3A_21 = arith.constant 1 : i32
    scf.for %parallel_loop3A_958 = %parallel_loop3A_19 to %parallel_loop3A_20 step %parallel_loop3A_21  : i32 {
      %parallel_loop3A_959 = arith.constant 16 : i32
      %parallel_loop3A_960 = arith.muli %parallel_loop3A_958, %parallel_loop3A_959 : i32
      %parallel_loop3A_961 = arith.constant 4096 : i32
      %parallel_loop3A_962 = arith.addi %parallel_loop3A_961, %parallel_loop3A_960 : i32
      %parallel_loop3A_963 = arith.index_cast %parallel_loop3A_962 : i32 to index
      %parallel_loop3A_964 = tpu.vector_load %arg5[%parallel_loop3A_963] {strides = array<i32>} : memref<16384xi32, #tpu.memory_space<vmem>>, vector<16xi32>,
      %parallel_loop3A_965 = tpu.vector_load_idx %arg6[%parallel_loop3A_964] : memref<100000xf32, #tpu.memory_space<vmem>>[vector<16xi32>], vector<16xf32>,
      %parallel_loop3A_966 = arith.constant 16 : i32
      %parallel_loop3A_967 = arith.muli %parallel_loop3A_958, %parallel_loop3A_966 : i32
      %parallel_loop3A_968 = arith.constant 1 : i32
      %parallel_loop3A_969 = arith.index_cast %parallel_loop3A_968 : i32 to index
      %parallel_loop3A_970 = arith.index_cast %parallel_loop3A_967 : i32 to index
      %parallel_loop3A_971 = tpu.vector_load %arg7[%parallel_loop3A_969, %parallel_loop3A_970] {strides = array<i32>} : memref<2x4096xf32, #tpu.memory_space<vmem>>, vector<16xf32>,
      tpu.vector_store %arg7[%parallel_loop3A_969, %parallel_loop3A_970], %parallel_loop3A_965 {strides = array<i32>} : memref<2x4096xf32, #tpu.memory_space<vmem>>, vector<16xf32>,
    } {sc.loop_unroll_factor = 16 : i64, sc.parallel_access}
    %dma_start3A_22 = arith.constant 1 : i32
    %dma_start3A_23 = arith.constant 0 : i32
    %dma_start3A_24 = tpu.memref_slice %arg7[%dma_start3A_22, %dma_start3A_23] : memref<2x4096xf32, #tpu.memory_space<vmem>> -> memref<1x4096xf32, #tpu.memory_space<vmem>>
    %dma_start3A_25 = tpu.memref_squeeze %dma_start3A_24 : memref<1x4096xf32, #tpu.memory_space<vmem>> -> memref<4096xf32, #tpu.memory_space<vmem>>
    %dma_start3A_26 = arith.constant 4096 : i32
    %dma_start3A_27 = tpu.memref_slice %arg4[%add3A_4, %dma_start3A_26] : memref<256x16384xf32, #tpu.memory_space<hbm>> -> memref<1x4096xf32, #tpu.memory_space<hbm>>
    %dma_start3A_28 = tpu.memref_squeeze %dma_start3A_27 : memref<1x4096xf32, #tpu.memory_space<hbm>> -> memref<4096xf32, #tpu.memory_space<hbm>>
    %dma_start3A_29 = arith.constant 4096 : i32
    %dma_start3A_30 = tpu.memref_slice %arg4[%add3A_4, %dma_start3A_29] : memref<256x16384xf32, #tpu.memory_space<hbm>> -> memref<1x4096xf32, #tpu.memory_space<hbm>>
    %dma_start3A_31 = tpu.memref_squeeze %dma_start3A_30 : memref<1x4096xf32, #tpu.memory_space<hbm>> -> memref<4096xf32, #tpu.memory_space<hbm>>
    %dma_start3A_32 = arith.constant 0 : i32
    %dma_start3A_33 = tpu.memref_slice %arg7[%dma_start3A_22, %dma_start3A_32] : memref<2x4096xf32, #tpu.memory_space<vmem>> -> memref<1x4096xf32, #tpu.memory_space<vmem>>
    %dma_start3A_34 = tpu.memref_squeeze %dma_start3A_33 : memref<1x4096xf32, #tpu.memory_space<vmem>> -> memref<4096xf32, #tpu.memory_space<vmem>>
    tpu.enqueue_dma source(%dma_start3A_34 : memref<4096xf32, #tpu.memory_space<vmem>>) target(%dma_start3A_31 : memref<4096xf32, #tpu.memory_space<hbm>>) target_semaphore(%arg9 : memref<!tpu.dma_semaphore, #tpu.memory_space<semaphore_mem>>)
    %dma_wait3A = arith.constant 0 : i32
    %dma_wait3A_35 = arith.constant 0 : i32
    %dma_wait3A_36 = tpu.memref_slice %arg7[%dma_wait3A, %dma_wait3A_35] : memref<2x4096xf32, #tpu.memory_space<vmem>> -> memref<1x4096xf32, #tpu.memory_space<vmem>>
    %dma_wait3A_37 = tpu.memref_squeeze %dma_wait3A_36 : memref<1x4096xf32, #tpu.memory_space<vmem>> -> memref<4096xf32, #tpu.memory_space<vmem>>
    %dma_wait3A_38 = arith.constant 0 : i32
    %dma_wait3A_39 = tpu.memref_slice %arg4[%add3A_4, %dma_wait3A_38] : memref<256x16384xf32, #tpu.memory_space<hbm>> -> memref<1x4096xf32, #tpu.memory_space<hbm>>
    %dma_wait3A_40 = tpu.memref_squeeze %dma_wait3A_39 : memref<1x4096xf32, #tpu.memory_space<hbm>> -> memref<4096xf32, #tpu.memory_space<hbm>>
    %dma_wait3A_41 = arith.constant 0 : i32
    %dma_wait3A_42 = tpu.memref_slice %arg4[%add3A_4, %dma_wait3A_41] : memref<256x16384xf32, #tpu.memory_space<hbm>> -> memref<1x4096xf32, #tpu.memory_space<hbm>>
    %dma_wait3A_43 = tpu.memref_squeeze %dma_wait3A_42 : memref<1x4096xf32, #tpu.memory_space<hbm>> -> memref<4096xf32, #tpu.memory_space<hbm>>
    %dma_wait3A_44 = arith.constant 0 : i32
    %dma_wait3A_45 = tpu.memref_slice %arg7[%dma_wait3A, %dma_wait3A_44] : memref<2x4096xf32, #tpu.memory_space<vmem>> -> memref<1x4096xf32, #tpu.memory_space<vmem>>
    %dma_wait3A_46 = tpu.memref_squeeze %dma_wait3A_45 : memref<1x4096xf32, #tpu.memory_space<vmem>> -> memref<4096xf32, #tpu.memory_space<vmem>>
    tpu.wait_dma2 semaphore(%arg8 : memref<!tpu.dma_semaphore, #tpu.memory_space<semaphore_mem>>) src(%dma_wait3A_46 : memref<4096xf32, #tpu.memory_space<vmem>>) dst(%dma_wait3A_43 : memref<4096xf32, #tpu.memory_space<hbm>>)
    %parallel_loop3A_47 = arith.constant 0 : i32
    %parallel_loop3A_48 = arith.constant 256 : i32
    %parallel_loop3A_49 = arith.constant 1 : i32
    scf.for %parallel_loop3A_958 = %parallel_loop3A_47 to %parallel_loop3A_48 step %parallel_loop3A_49  : i32 {
      %parallel_loop3A_959 = arith.constant 16 : i32
      %parallel_loop3A_960 = arith.muli %parallel_loop3A_958, %parallel_loop3A_959 : i32
      %parallel_loop3A_961 = arith.constant 8192 : i32
      %parallel_loop3A_962 = arith.addi %parallel_loop3A_961, %parallel_loop3A_960 : i32
      %parallel_loop3A_963 = arith.index_cast %parallel_loop3A_962 : i32 to index
      %parallel_loop3A_964 = tpu.vector_load %arg5[%parallel_loop3A_963] {strides = array<i32>} : memref<16384xi32, #tpu.memory_space<vmem>>, vector<16xi32>,
      %parallel_loop3A_965 = tpu.vector_load_idx %arg6[%parallel_loop3A_964] : memref<100000xf32, #tpu.memory_space<vmem>>[vector<16xi32>], vector<16xf32>,
      %parallel_loop3A_966 = arith.constant 16 : i32
      %parallel_loop3A_967 = arith.muli %parallel_loop3A_958, %parallel_loop3A_966 : i32
      %parallel_loop3A_968 = arith.constant 0 : i32
      %parallel_loop3A_969 = arith.index_cast %parallel_loop3A_968 : i32 to index
      %parallel_loop3A_970 = arith.index_cast %parallel_loop3A_967 : i32 to index
      %parallel_loop3A_971 = tpu.vector_load %arg7[%parallel_loop3A_969, %parallel_loop3A_970] {strides = array<i32>} : memref<2x4096xf32, #tpu.memory_space<vmem>>, vector<16xf32>,
      tpu.vector_store %arg7[%parallel_loop3A_969, %parallel_loop3A_970], %parallel_loop3A_965 {strides = array<i32>} : memref<2x4096xf32, #tpu.memory_space<vmem>>, vector<16xf32>,
    } {sc.loop_unroll_factor = 16 : i64, sc.parallel_access}
    %dma_start3A_50 = arith.constant 0 : i32
    %dma_start3A_51 = arith.constant 0 : i32
    %dma_start3A_52 = tpu.memref_slice %arg7[%dma_start3A_50, %dma_start3A_51] : memref<2x4096xf32, #tpu.memory_space<vmem>> -> memref<1x4096xf32, #tpu.memory_space<vmem>>
    %dma_start3A_53 = tpu.memref_squeeze %dma_start3A_52 : memref<1x4096xf32, #tpu.memory_space<vmem>> -> memref<4096xf32, #tpu.memory_space<vmem>>
    %dma_start3A_54 = arith.constant 8192 : i32
    %dma_start3A_55 = tpu.memref_slice %arg4[%add3A_4, %dma_start3A_54] : memref<256x16384xf32, #tpu.memory_space<hbm>> -> memref<1x4096xf32, #tpu.memory_space<hbm>>
    %dma_start3A_56 = tpu.memref_squeeze %dma_start3A_55 : memref<1x4096xf32, #tpu.memory_space<hbm>> -> memref<4096xf32, #tpu.memory_space<hbm>>
    %dma_start3A_57 = arith.constant 8192 : i32
    %dma_start3A_58 = tpu.memref_slice %arg4[%add3A_4, %dma_start3A_57] : memref<256x16384xf32, #tpu.memory_space<hbm>> -> memref<1x4096xf32, #tpu.memory_space<hbm>>
    %dma_start3A_59 = tpu.memref_squeeze %dma_start3A_58 : memref<1x4096xf32, #tpu.memory_space<hbm>> -> memref<4096xf32, #tpu.memory_space<hbm>>
    %dma_start3A_60 = arith.constant 0 : i32
    %dma_start3A_61 = tpu.memref_slice %arg7[%dma_start3A_50, %dma_start3A_60] : memref<2x4096xf32, #tpu.memory_space<vmem>> -> memref<1x4096xf32, #tpu.memory_space<vmem>>
    %dma_start3A_62 = tpu.memref_squeeze %dma_start3A_61 : memref<1x4096xf32, #tpu.memory_space<vmem>> -> memref<4096xf32, #tpu.memory_space<vmem>>
    tpu.enqueue_dma source(%dma_start3A_62 : memref<4096xf32, #tpu.memory_space<vmem>>) target(%dma_start3A_59 : memref<4096xf32, #tpu.memory_space<hbm>>) target_semaphore(%arg8 : memref<!tpu.dma_semaphore, #tpu.memory_space<semaphore_mem>>)
    %dma_wait3A_63 = arith.constant 1 : i32
    %dma_wait3A_64 = arith.constant 0 : i32
    %dma_wait3A_65 = tpu.memref_slice %arg7[%dma_wait3A_63, %dma_wait3A_64] : memref<2x4096xf32, #tpu.memory_space<vmem>> -> memref<1x4096xf32, #tpu.memory_space<vmem>>
    %dma_wait3A_66 = tpu.memref_squeeze %dma_wait3A_65 : memref<1x4096xf32, #tpu.memory_space<vmem>> -> memref<4096xf32, #tpu.memory_space<vmem>>
    %dma_wait3A_67 = arith.constant 4096 : i32
    %dma_wait3A_68 = tpu.memref_slice %arg4[%add3A_4, %dma_wait3A_67] : memref<256x16384xf32, #tpu.memory_space<hbm>> -> memref<1x4096xf32, #tpu.memory_space<hbm>>
    %dma_wait3A_69 = tpu.memref_squeeze %dma_wait3A_68 : memref<1x4096xf32, #tpu.memory_space<hbm>> -> memref<4096xf32, #tpu.memory_space<hbm>>
    %dma_wait3A_70 = arith.constant 4096 : i32
    %dma_wait3A_71 = tpu.memref_slice %arg4[%add3A_4, %dma_wait3A_70] : memref<256x16384xf32, #tpu.memory_space<hbm>> -> memref<1x4096xf32, #tpu.memory_space<hbm>>
    %dma_wait3A_72 = tpu.memref_squeeze %dma_wait3A_71 : memref<1x4096xf32, #tpu.memory_space<hbm>> -> memref<4096xf32, #tpu.memory_space<hbm>>
    %dma_wait3A_73 = arith.constant 0 : i32
    %dma_wait3A_74 = tpu.memref_slice %arg7[%dma_wait3A_63, %dma_wait3A_73] : memref<2x4096xf32, #tpu.memory_space<vmem>> -> memref<1x4096xf32, #tpu.memory_space<vmem>>
    %dma_wait3A_75 = tpu.memref_squeeze %dma_wait3A_74 : memref<1x4096xf32, #tpu.memory_space<vmem>> -> memref<4096xf32, #tpu.memory_space<vmem>>
    tpu.wait_dma2 semaphore(%arg9 : memref<!tpu.dma_semaphore, #tpu.memory_space<semaphore_mem>>) src(%dma_wait3A_75 : memref<4096xf32, #tpu.memory_space<vmem>>) dst(%dma_wait3A_72 : memref<4096xf32, #tpu.memory_space<hbm>>)
    %parallel_loop3A_76 = arith.constant 0 : i32
    %parallel_loop3A_77 = arith.constant 256 : i32
    %parallel_loop3A_78 = arith.constant 1 : i32
    scf.for %parallel_loop3A_958 = %parallel_loop3A_76 to %parallel_loop3A_77 step %parallel_loop3A_78  : i32 {
      %parallel_loop3A_959 = arith.constant 16 : i32
      %parallel_loop3A_960 = arith.muli %parallel_loop3A_958, %parallel_loop3A_959 : i32
      %parallel_loop3A_961 = arith.constant 12288 : i32
      %parallel_loop3A_962 = arith.addi %parallel_loop3A_961, %parallel_loop3A_960 : i32
      %parallel_loop3A_963 = arith.index_cast %parallel_loop3A_962 : i32 to index
      %parallel_loop3A_964 = tpu.vector_load %arg5[%parallel_loop3A_963] {strides = array<i32>} : memref<16384xi32, #tpu.memory_space<vmem>>, vector<16xi32>,
      %parallel_loop3A_965 = tpu.vector_load_idx %arg6[%parallel_loop3A_964] : memref<100000xf32, #tpu.memory_space<vmem>>[vector<16xi32>], vector<16xf32>,
      %parallel_loop3A_966 = arith.constant 16 : i32
      %parallel_loop3A_967 = arith.muli %parallel_loop3A_958, %parallel_loop3A_966 : i32
      %parallel_loop3A_968 = arith.constant 1 : i32
      %parallel_loop3A_969 = arith.index_cast %parallel_loop3A_968 : i32 to index
      %parallel_loop3A_970 = arith.index_cast %parallel_loop3A_967 : i32 to index
      %parallel_loop3A_971 = tpu.vector_load %arg7[%parallel_loop3A_969, %parallel_loop3A_970] {strides = array<i32>} : memref<2x4096xf32, #tpu.memory_space<vmem>>, vector<16xf32>,
      tpu.vector_store %arg7[%parallel_loop3A_969, %parallel_loop3A_970], %parallel_loop3A_965 {strides = array<i32>} : memref<2x4096xf32, #tpu.memory_space<vmem>>, vector<16xf32>,
    } {sc.loop_unroll_factor = 16 : i64, sc.parallel_access}
    %dma_start3A_79 = arith.constant 1 : i32
    %dma_start3A_80 = arith.constant 0 : i32
    %dma_start3A_81 = tpu.memref_slice %arg7[%dma_start3A_79, %dma_start3A_80] : memref<2x4096xf32, #tpu.memory_space<vmem>> -> memref<1x4096xf32, #tpu.memory_space<vmem>>
    %dma_start3A_82 = tpu.memref_squeeze %dma_start3A_81 : memref<1x4096xf32, #tpu.memory_space<vmem>> -> memref<4096xf32, #tpu.memory_space<vmem>>
    %dma_start3A_83 = arith.constant 12288 : i32
    %dma_start3A_84 = tpu.memref_slice %arg4[%add3A_4, %dma_start3A_83] : memref<256x16384xf32, #tpu.memory_space<hbm>> -> memref<1x4096xf32, #tpu.memory_space<hbm>>
    %dma_start3A_85 = tpu.memref_squeeze %dma_start3A_84 : memref<1x4096xf32, #tpu.memory_space<hbm>> -> memref<4096xf32, #tpu.memory_space<hbm>>
    %dma_start3A_86 = arith.constant 12288 : i32
    %dma_start3A_87 = tpu.memref_slice %arg4[%add3A_4, %dma_start3A_86] : memref<256x16384xf32, #tpu.memory_space<hbm>> -> memref<1x4096xf32, #tpu.memory_space<hbm>>
    %dma_start3A_88 = tpu.memref_squeeze %dma_start3A_87 : memref<1x4096xf32, #tpu.memory_space<hbm>> -> memref<4096xf32, #tpu.memory_space<hbm>>
    %dma_start3A_89 = arith.constant 0 : i32
    %dma_start3A_90 = tpu.memref_slice %arg7[%dma_start3A_79, %dma_start3A_89] : memref<2x4096xf32, #tpu.memory_space<vmem>> -> memref<1x4096xf32, #tpu.memory_space<vmem>>
    %dma_start3A_91 = tpu.memref_squeeze %dma_start3A_90 : memref<1x4096xf32, #tpu.memory_space<vmem>> -> memref<4096xf32, #tpu.memory_space<vmem>>
    tpu.enqueue_dma source(%dma_start3A_91 : memref<4096xf32, #tpu.memory_space<vmem>>) target(%dma_start3A_88 : memref<4096xf32, #tpu.memory_space<hbm>>) target_semaphore(%arg9 : memref<!tpu.dma_semaphore, #tpu.memory_space<semaphore_mem>>)
    %mul3A_92 = arith.constant 8 : i32
    %mul3A_93 = arith.muli %add3A, %mul3A_92 : i32
    %add3A_94 = arith.constant 1 : i32
    %add3A_95 = arith.addi %mul3A_93, %add3A_94 : i32
    "tpu.region"() ({
      %run_scoped3A = tpu.sem_alloc : memref<!tpu.dma_semaphore, #tpu.memory_space<semaphore_mem>>
      %dma_start3A_958 = arith.constant 0 : i32
      %dma_start3A_959 = tpu.memref_slice %arg2[%add3A_95, %dma_start3A_958] : memref<256x100000xf32, #tpu.memory_space<hbm>> -> memref<1x100000xf32, #tpu.memory_space<hbm>>
      %dma_start3A_960 = tpu.memref_squeeze %dma_start3A_959 : memref<1x100000xf32, #tpu.memory_space<hbm>> -> memref<100000xf32, #tpu.memory_space<hbm>>
      %dma_start3A_961 = arith.constant 0 : i32
      %dma_start3A_962 = tpu.memref_slice %arg2[%add3A_95, %dma_start3A_961] : memref<256x100000xf32, #tpu.memory_space<hbm>> -> memref<1x100000xf32, #tpu.memory_space<hbm>>
      %dma_start3A_963 = tpu.memref_squeeze %dma_start3A_962 : memref<1x100000xf32, #tpu.memory_space<hbm>> -> memref<100000xf32, #tpu.memory_space<hbm>>
      tpu.enqueue_dma source(%dma_start3A_963 : memref<100000xf32, #tpu.memory_space<hbm>>) target(%arg6 : memref<100000xf32, #tpu.memory_space<vmem>>) target_semaphore(%run_scoped3A : memref<!tpu.dma_semaphore, #tpu.memory_space<semaphore_mem>>)
      %dma_wait3A_964 = arith.constant 0 : i32
      %dma_wait3A_965 = tpu.memref_slice %arg2[%add3A_95, %dma_wait3A_964] : memref<256x100000xf32, #tpu.memory_space<hbm>> -> memref<1x100000xf32, #tpu.memory_space<hbm>>
      %dma_wait3A_966 = tpu.memref_squeeze %dma_wait3A_965 : memref<1x100000xf32, #tpu.memory_space<hbm>> -> memref<100000xf32, #tpu.memory_space<hbm>>
      %dma_wait3A_967 = arith.constant 0 : i32
      %dma_wait3A_968 = tpu.memref_slice %arg2[%add3A_95, %dma_wait3A_967] : memref<256x100000xf32, #tpu.memory_space<hbm>> -> memref<1x100000xf32, #tpu.memory_space<hbm>>
      %dma_wait3A_969 = tpu.memref_squeeze %dma_wait3A_968 : memref<1x100000xf32, #tpu.memory_space<hbm>> -> memref<100000xf32, #tpu.memory_space<hbm>>
      tpu.wait_dma2 semaphore(%run_scoped3A : memref<!tpu.dma_semaphore, #tpu.memory_space<semaphore_mem>>) src(%dma_wait3A_969 : memref<100000xf32, #tpu.memory_space<hbm>>) dst(%arg6 : memref<100000xf32, #tpu.memory_space<vmem>>)
      tpu.yield
    }) : () -> ()
    %dma_wait3A_96 = arith.constant 0 : i32
    %dma_wait3A_97 = arith.constant 0 : i32
    %dma_wait3A_98 = tpu.memref_slice %arg7[%dma_wait3A_96, %dma_wait3A_97] : memref<2x4096xf32, #tpu.memory_space<vmem>> -> memref<1x4096xf32, #tpu.memory_space<vmem>>
    %dma_wait3A_99 = tpu.memref_squeeze %dma_wait3A_98 : memref<1x4096xf32, #tpu.memory_space<vmem>> -> memref<4096xf32, #tpu.memory_space<vmem>>
    %dma_wait3A_100 = arith.constant 8192 : i32
    %dma_wait3A_101 = tpu.memref_slice %arg4[%add3A_4, %dma_wait3A_100] : memref<256x16384xf32, #tpu.memory_space<hbm>> -> memref<1x4096xf32, #tpu.memory_space<hbm>>
    %dma_wait3A_102 = tpu.memref_squeeze %dma_wait3A_101 : memref<1x4096xf32, #tpu.memory_space<hbm>> -> memref<4096xf32, #tpu.memory_space<hbm>>
    %dma_wait3A_103 = arith.constant 8192 : i32
    %dma_wait3A_104 = tpu.memref_slice %arg4[%add3A_4, %dma_wait3A_103] : memref<256x16384xf32, #tpu.memory_space<hbm>> -> memref<1x4096xf32, #tpu.memory_space<hbm>>
    %dma_wait3A_105 = tpu.memref_squeeze %dma_wait3A_104 : memref<1x4096xf32, #tpu.memory_space<hbm>> -> memref<4096xf32, #tpu.memory_space<hbm>>
    %dma_wait3A_106 = arith.constant 0 : i32
    %dma_wait3A_107 = tpu.memref_slice %arg7[%dma_wait3A_96, %dma_wait3A_106] : memref<2x4096xf32, #tpu.memory_space<vmem>> -> memref<1x4096xf32, #tpu.memory_space<vmem>>
    %dma_wait3A_108 = tpu.memref_squeeze %dma_wait3A_107 : memref<1x4096xf32, #tpu.memory_space<vmem>> -> memref<4096xf32, #tpu.memory_space<vmem>>
    tpu.wait_dma2 semaphore(%arg8 : memref<!tpu.dma_semaphore, #tpu.memory_space<semaphore_mem>>) src(%dma_wait3A_108 : memref<4096xf32, #tpu.memory_space<vmem>>) dst(%dma_wait3A_105 : memref<4096xf32, #tpu.memory_space<hbm>>)
    %parallel_loop3A_109 = arith.constant 0 : i32
    %parallel_loop3A_110 = arith.constant 256 : i32
    %parallel_loop3A_111 = arith.constant 1 : i32
    scf.for %parallel_loop3A_958 = %parallel_loop3A_109 to %parallel_loop3A_110 step %parallel_loop3A_111  : i32 {
      %parallel_loop3A_959 = arith.constant 16 : i32
      %parallel_loop3A_960 = arith.muli %parallel_loop3A_958, %parallel_loop3A_959 : i32
      %parallel_loop3A_961 = arith.constant 0 : i32
      %parallel_loop3A_962 = arith.addi %parallel_loop3A_961, %parallel_loop3A_960 : i32
      %parallel_loop3A_963 = arith.index_cast %parallel_loop3A_962 : i32 to index
      %parallel_loop3A_964 = tpu.vector_load %arg5[%parallel_loop3A_963] {strides = array<i32>} : memref<16384xi32, #tpu.memory_space<vmem>>, vector<16xi32>,
      %parallel_loop3A_965 = tpu.vector_load_idx %arg6[%parallel_loop3A_964] : memref<100000xf32, #tpu.memory_space<vmem>>[vector<16xi32>], vector<16xf32>,
      %parallel_loop3A_966 = arith.constant 16 : i32
      %parallel_loop3A_967 = arith.muli %parallel_loop3A_958, %parallel_loop3A_966 : i32
      %parallel_loop3A_968 = arith.constant 0 : i32
      %parallel_loop3A_969 = arith.index_cast %parallel_loop3A_968 : i32 to index
      %parallel_loop3A_970 = arith.index_cast %parallel_loop3A_967 : i32 to index
      %parallel_loop3A_971 = tpu.vector_load %arg7[%parallel_loop3A_969, %parallel_loop3A_970] {strides = array<i32>} : memref<2x4096xf32, #tpu.memory_space<vmem>>, vector<16xf32>,
      tpu.vector_store %arg7[%parallel_loop3A_969, %parallel_loop3A_970], %parallel_loop3A_965 {strides = array<i32>} : memref<2x4096xf32, #tpu.memory_space<vmem>>, vector<16xf32>,
    } {sc.loop_unroll_factor = 16 : i64, sc.parallel_access}
    %dma_start3A_112 = arith.constant 0 : i32
    %dma_start3A_113 = arith.constant 0 : i32
    %dma_start3A_114 = tpu.memref_slice %arg7[%dma_start3A_112, %dma_start3A_113] : memref<2x4096xf32, #tpu.memory_space<vmem>> -> memref<1x4096xf32, #tpu.memory_space<vmem>>
    %dma_start3A_115 = tpu.memref_squeeze %dma_start3A_114 : memref<1x4096xf32, #tpu.memory_space<vmem>> -> memref<4096xf32, #tpu.memory_space<vmem>>
    %dma_start3A_116 = arith.constant 0 : i32
    %dma_start3A_117 = tpu.memref_slice %arg4[%add3A_95, %dma_start3A_116] : memref<256x16384xf32, #tpu.memory_space<hbm>> -> memref<1x4096xf32, #tpu.memory_space<hbm>>
    %dma_start3A_118 = tpu.memref_squeeze %dma_start3A_117 : memref<1x4096xf32, #tpu.memory_space<hbm>> -> memref<4096xf32, #tpu.memory_space<hbm>>
    %dma_start3A_119 = arith.constant 0 : i32
    %dma_start3A_120 = tpu.memref_slice %arg4[%add3A_95, %dma_start3A_119] : memref<256x16384xf32, #tpu.memory_space<hbm>> -> memref<1x4096xf32, #tpu.memory_space<hbm>>
    %dma_start3A_121 = tpu.memref_squeeze %dma_start3A_120 : memref<1x4096xf32, #tpu.memory_space<hbm>> -> memref<4096xf32, #tpu.memory_space<hbm>>
    %dma_start3A_122 = arith.constant 0 : i32
    %dma_start3A_123 = tpu.memref_slice %arg7[%dma_start3A_112, %dma_start3A_122] : memref<2x4096xf32, #tpu.memory_space<vmem>> -> memref<1x4096xf32, #tpu.memory_space<vmem>>
    %dma_start3A_124 = tpu.memref_squeeze %dma_start3A_123 : memref<1x4096xf32, #tpu.memory_space<vmem>> -> memref<4096xf32, #tpu.memory_space<vmem>>
    tpu.enqueue_dma source(%dma_start3A_124 : memref<4096xf32, #tpu.memory_space<vmem>>) target(%dma_start3A_121 : memref<4096xf32, #tpu.memory_space<hbm>>) target_semaphore(%arg8 : memref<!tpu.dma_semaphore, #tpu.memory_space<semaphore_mem>>)
    %dma_wait3A_125 = arith.constant 1 : i32
    %dma_wait3A_126 = arith.constant 0 : i32
    %dma_wait3A_127 = tpu.memref_slice %arg7[%dma_wait3A_125, %dma_wait3A_126] : memref<2x4096xf32, #tpu.memory_space<vmem>> -> memref<1x4096xf32, #tpu.memory_space<vmem>>
    %dma_wait3A_128 = tpu.memref_squeeze %dma_wait3A_127 : memref<1x4096xf32, #tpu.memory_space<vmem>> -> memref<4096xf32, #tpu.memory_space<vmem>>
    %dma_wait3A_129 = arith.constant 12288 : i32
    %dma_wait3A_130 = tpu.memref_slice %arg4[%add3A_4, %dma_wait3A_129] : memref<256x16384xf32, #tpu.memory_space<hbm>> -> memref<1x4096xf32, #tpu.memory_space<hbm>>
    %dma_wait3A_131 = tpu.memref_squeeze %dma_wait3A_130 : memref<1x4096xf32, #tpu.memory_space<hbm>> -> memref<4096xf32, #tpu.memory_space<hbm>>
    %dma_wait3A_132 = arith.constant 12288 : i32
    %dma_wait3A_133 = tpu.memref_slice %arg4[%add3A_4, %dma_wait3A_132] : memref<256x16384xf32, #tpu.memory_space<hbm>> -> memref<1x4096xf32, #tpu.memory_space<hbm>>
    %dma_wait3A_134 = tpu.memref_squeeze %dma_wait3A_133 : memref<1x4096xf32, #tpu.memory_space<hbm>> -> memref<4096xf32, #tpu.memory_space<hbm>>
    %dma_wait3A_135 = arith.constant 0 : i32
    %dma_wait3A_136 = tpu.memref_slice %arg7[%dma_wait3A_125, %dma_wait3A_135] : memref<2x4096xf32, #tpu.memory_space<vmem>> -> memref<1x4096xf32, #tpu.memory_space<vmem>>
    %dma_wait3A_137 = tpu.memref_squeeze %dma_wait3A_136 : memref<1x4096xf32, #tpu.memory_space<vmem>> -> memref<4096xf32, #tpu.memory_space<vmem>>
    tpu.wait_dma2 semaphore(%arg9 : memref<!tpu.dma_semaphore, #tpu.memory_space<semaphore_mem>>) src(%dma_wait3A_137 : memref<4096xf32, #tpu.memory_space<vmem>>) dst(%dma_wait3A_134 : memref<4096xf32, #tpu.memory_space<hbm>>)
    %parallel_loop3A_138 = arith.constant 0 : i32
    %parallel_loop3A_139 = arith.constant 256 : i32
    %parallel_loop3A_140 = arith.constant 1 : i32
    scf.for %parallel_loop3A_958 = %parallel_loop3A_138 to %parallel_loop3A_139 step %parallel_loop3A_140  : i32 {
      %parallel_loop3A_959 = arith.constant 16 : i32
      %parallel_loop3A_960 = arith.muli %parallel_loop3A_958, %parallel_loop3A_959 : i32
      %parallel_loop3A_961 = arith.constant 4096 : i32
      %parallel_loop3A_962 = arith.addi %parallel_loop3A_961, %parallel_loop3A_960 : i32
      %parallel_loop3A_963 = arith.index_cast %parallel_loop3A_962 : i32 to index
      %parallel_loop3A_964 = tpu.vector_load %arg5[%parallel_loop3A_963] {strides = array<i32>} : memref<16384xi32, #tpu.memory_space<vmem>>, vector<16xi32>,
      %parallel_loop3A_965 = tpu.vector_load_idx %arg6[%parallel_loop3A_964] : memref<100000xf32, #tpu.memory_space<vmem>>[vector<16xi32>], vector<16xf32>,
      %parallel_loop3A_966 = arith.constant 16 : i32
      %parallel_loop3A_967 = arith.muli %parallel_loop3A_958, %parallel_loop3A_966 : i32
      %parallel_loop3A_968 = arith.constant 1 : i32
      %parallel_loop3A_969 = arith.index_cast %parallel_loop3A_968 : i32 to index
      %parallel_loop3A_970 = arith.index_cast %parallel_loop3A_967 : i32 to index
      %parallel_loop3A_971 = tpu.vector_load %arg7[%parallel_loop3A_969, %parallel_loop3A_970] {strides = array<i32>} : memref<2x4096xf32, #tpu.memory_space<vmem>>, vector<16xf32>,
      tpu.vector_store %arg7[%parallel_loop3A_969, %parallel_loop3A_970], %parallel_loop3A_965 {strides = array<i32>} : memref<2x4096xf32, #tpu.memory_space<vmem>>, vector<16xf32>,
    } {sc.loop_unroll_factor = 16 : i64, sc.parallel_access}
    %dma_start3A_141 = arith.constant 1 : i32
    %dma_start3A_142 = arith.constant 0 : i32
    %dma_start3A_143 = tpu.memref_slice %arg7[%dma_start3A_141, %dma_start3A_142] : memref<2x4096xf32, #tpu.memory_space<vmem>> -> memref<1x4096xf32, #tpu.memory_space<vmem>>
    %dma_start3A_144 = tpu.memref_squeeze %dma_start3A_143 : memref<1x4096xf32, #tpu.memory_space<vmem>> -> memref<4096xf32, #tpu.memory_space<vmem>>
    %dma_start3A_145 = arith.constant 4096 : i32
    %dma_start3A_146 = tpu.memref_slice %arg4[%add3A_95, %dma_start3A_145] : memref<256x16384xf32, #tpu.memory_space<hbm>> -> memref<1x4096xf32, #tpu.memory_space<hbm>>
    %dma_start3A_147 = tpu.memref_squeeze %dma_start3A_146 : memref<1x4096xf32, #tpu.memory_space<hbm>> -> memref<4096xf32, #tpu.memory_space<hbm>>
    %dma_start3A_148 = arith.constant 4096 : i32
    %dma_start3A_149 = tpu.memref_slice %arg4[%add3A_95, %dma_start3A_148] : memref<256x16384xf32, #tpu.memory_space<hbm>> -> memref<1x4096xf32, #tpu.memory_space<hbm>>
    %dma_start3A_150 = tpu.memref_squeeze %dma_start3A_149 : memref<1x4096xf32, #tpu.memory_space<hbm>> -> memref<4096xf32, #tpu.memory_space<hbm>>
    %dma_start3A_151 = arith.constant 0 : i32
    %dma_start3A_152 = tpu.memref_slice %arg7[%dma_start3A_141, %dma_start3A_151] : memref<2x4096xf32, #tpu.memory_space<vmem>> -> memref<1x4096xf32, #tpu.memory_space<vmem>>
    %dma_start3A_153 = tpu.memref_squeeze %dma_start3A_152 : memref<1x4096xf32, #tpu.memory_space<vmem>> -> memref<4096xf32, #tpu.memory_space<vmem>>
    tpu.enqueue_dma source(%dma_start3A_153 : memref<4096xf32, #tpu.memory_space<vmem>>) target(%dma_start3A_150 : memref<4096xf32, #tpu.memory_space<hbm>>) target_semaphore(%arg9 : memref<!tpu.dma_semaphore, #tpu.memory_space<semaphore_mem>>)
    %dma_wait3A_154 = arith.constant 0 : i32
    %dma_wait3A_155 = arith.constant 0 : i32
    %dma_wait3A_156 = tpu.memref_slice %arg7[%dma_wait3A_154, %dma_wait3A_155] : memref<2x4096xf32, #tpu.memory_space<vmem>> -> memref<1x4096xf32, #tpu.memory_space<vmem>>
    %dma_wait3A_157 = tpu.memref_squeeze %dma_wait3A_156 : memref<1x4096xf32, #tpu.memory_space<vmem>> -> memref<4096xf32, #tpu.memory_space<vmem>>
    %dma_wait3A_158 = arith.constant 0 : i32
    %dma_wait3A_159 = tpu.memref_slice %arg4[%add3A_95, %dma_wait3A_158] : memref<256x16384xf32, #tpu.memory_space<hbm>> -> memref<1x4096xf32, #tpu.memory_space<hbm>>
    %dma_wait3A_160 = tpu.memref_squeeze %dma_wait3A_159 : memref<1x4096xf32, #tpu.memory_space<hbm>> -> memref<4096xf32, #tpu.memory_space<hbm>>
    %dma_wait3A_161 = arith.constant 0 : i32
    %dma_wait3A_162 = tpu.memref_slice %arg4[%add3A_95, %dma_wait3A_161] : memref<256x16384xf32, #tpu.memory_space<hbm>> -> memref<1x4096xf32, #tpu.memory_space<hbm>>
    %dma_wait3A_163 = tpu.memref_squeeze %dma_wait3A_162 : memref<1x4096xf32, #tpu.memory_space<hbm>> -> memref<4096xf32, #tpu.memory_space<hbm>>
    %dma_wait3A_164 = arith.constant 0 : i32
    %dma_wait3A_165 = tpu.memref_slice %arg7[%dma_wait3A_154, %dma_wait3A_164] : memref<2x4096xf32, #tpu.memory_space<vmem>> -> memref<1x4096xf32, #tpu.memory_space<vmem>>
    %dma_wait3A_166 = tpu.memref_squeeze %dma_wait3A_165 : memref<1x4096xf32, #tpu.memory_space<vmem>> -> memref<4096xf32, #tpu.memory_space<vmem>>
    tpu.wait_dma2 semaphore(%arg8 : memref<!tpu.dma_semaphore, #tpu.memory_space<semaphore_mem>>) src(%dma_wait3A_166 : memref<4096xf32, #tpu.memory_space<vmem>>) dst(%dma_wait3A_163 : memref<4096xf32, #tpu.memory_space<hbm>>)
    %parallel_loop3A_167 = arith.constant 0 : i32
    %parallel_loop3A_168 = arith.constant 256 : i32
    %parallel_loop3A_169 = arith.constant 1 : i32
    scf.for %parallel_loop3A_958 = %parallel_loop3A_167 to %parallel_loop3A_168 step %parallel_loop3A_169  : i32 {
      %parallel_loop3A_959 = arith.constant 16 : i32
      %parallel_loop3A_960 = arith.muli %parallel_loop3A_958, %parallel_loop3A_959 : i32
      %parallel_loop3A_961 = arith.constant 8192 : i32
      %parallel_loop3A_962 = arith.addi %parallel_loop3A_961, %parallel_loop3A_960 : i32
      %parallel_loop3A_963 = arith.index_cast %parallel_loop3A_962 : i32 to index
      %parallel_loop3A_964 = tpu.vector_load %arg5[%parallel_loop3A_963] {strides = array<i32>} : memref<16384xi32, #tpu.memory_space<vmem>>, vector<16xi32>,
      %parallel_loop3A_965 = tpu.vector_load_idx %arg6[%parallel_loop3A_964] : memref<100000xf32, #tpu.memory_space<vmem>>[vector<16xi32>], vector<16xf32>,
      %parallel_loop3A_966 = arith.constant 16 : i32
      %parallel_loop3A_967 = arith.muli %parallel_loop3A_958, %parallel_loop3A_966 : i32
      %parallel_loop3A_968 = arith.constant 0 : i32
      %parallel_loop3A_969 = arith.index_cast %parallel_loop3A_968 : i32 to index
      %parallel_loop3A_970 = arith.index_cast %parallel_loop3A_967 : i32 to index
      %parallel_loop3A_971 = tpu.vector_load %arg7[%parallel_loop3A_969, %parallel_loop3A_970] {strides = array<i32>} : memref<2x4096xf32, #tpu.memory_space<vmem>>, vector<16xf32>,
      tpu.vector_store %arg7[%parallel_loop3A_969, %parallel_loop3A_970], %parallel_loop3A_965 {strides = array<i32>} : memref<2x4096xf32, #tpu.memory_space<vmem>>, vector<16xf32>,
    } {sc.loop_unroll_factor = 16 : i64, sc.parallel_access}
    %dma_start3A_170 = arith.constant 0 : i32
    %dma_start3A_171 = arith.constant 0 : i32
    %dma_start3A_172 = tpu.memref_slice %arg7[%dma_start3A_170, %dma_start3A_171] : memref<2x4096xf32, #tpu.memory_space<vmem>> -> memref<1x4096xf32, #tpu.memory_space<vmem>>
    %dma_start3A_173 = tpu.memref_squeeze %dma_start3A_172 : memref<1x4096xf32, #tpu.memory_space<vmem>> -> memref<4096xf32, #tpu.memory_space<vmem>>
    %dma_start3A_174 = arith.constant 8192 : i32
    %dma_start3A_175 = tpu.memref_slice %arg4[%add3A_95, %dma_start3A_174] : memref<256x16384xf32, #tpu.memory_space<hbm>> -> memref<1x4096xf32, #tpu.memory_space<hbm>>
    %dma_start3A_176 = tpu.memref_squeeze %dma_start3A_175 : memref<1x4096xf32, #tpu.memory_space<hbm>> -> memref<4096xf32, #tpu.memory_space<hbm>>
    %dma_start3A_177 = arith.constant 8192 : i32
    %dma_start3A_178 = tpu.memref_slice %arg4[%add3A_95, %dma_start3A_177] : memref<256x16384xf32, #tpu.memory_space<hbm>> -> memref<1x4096xf32, #tpu.memory_space<hbm>>
    %dma_start3A_179 = tpu.memref_squeeze %dma_start3A_178 : memref<1x4096xf32, #tpu.memory_space<hbm>> -> memref<4096xf32, #tpu.memory_space<hbm>>
    %dma_start3A_180 = arith.constant 0 : i32
    %dma_start3A_181 = tpu.memref_slice %arg7[%dma_start3A_170, %dma_start3A_180] : memref<2x4096xf32, #tpu.memory_space<vmem>> -> memref<1x4096xf32, #tpu.memory_space<vmem>>
    %dma_start3A_182 = tpu.memref_squeeze %dma_start3A_181 : memref<1x4096xf32, #tpu.memory_space<vmem>> -> memref<4096xf32, #tpu.memory_space<vmem>>
    tpu.enqueue_dma source(%dma_start3A_182 : memref<4096xf32, #tpu.memory_space<vmem>>) target(%dma_start3A_179 : memref<4096xf32, #tpu.memory_space<hbm>>) target_semaphore(%arg8 : memref<!tpu.dma_semaphore, #tpu.memory_space<semaphore_mem>>)
    %dma_wait3A_183 = arith.constant 1 : i32
    %dma_wait3A_184 = arith.constant 0 : i32
    %dma_wait3A_185 = tpu.memref_slice %arg7[%dma_wait3A_183, %dma_wait3A_184] : memref<2x4096xf32, #tpu.memory_space<vmem>> -> memref<1x4096xf32, #tpu.memory_space<vmem>>
    %dma_wait3A_186 = tpu.memref_squeeze %dma_wait3A_185 : memref<1x4096xf32, #tpu.memory_space<vmem>> -> memref<4096xf32, #tpu.memory_space<vmem>>
    %dma_wait3A_187 = arith.constant 4096 : i32
    %dma_wait3A_188 = tpu.memref_slice %arg4[%add3A_95, %dma_wait3A_187] : memref<256x16384xf32, #tpu.memory_space<hbm>> -> memref<1x4096xf32, #tpu.memory_space<hbm>>
    %dma_wait3A_189 = tpu.memref_squeeze %dma_wait3A_188 : memref<1x4096xf32, #tpu.memory_space<hbm>> -> memref<4096xf32, #tpu.memory_space<hbm>>
    %dma_wait3A_190 = arith.constant 4096 : i32
    %dma_wait3A_191 = tpu.memref_slice %arg4[%add3A_95, %dma_wait3A_190] : memref<256x16384xf32, #tpu.memory_space<hbm>> -> memref<1x4096xf32, #tpu.memory_space<hbm>>
    %dma_wait3A_192 = tpu.memref_squeeze %dma_wait3A_191 : memref<1x4096xf32, #tpu.memory_space<hbm>> -> memref<4096xf32, #tpu.memory_space<hbm>>
    %dma_wait3A_193 = arith.constant 0 : i32
    %dma_wait3A_194 = tpu.memref_slice %arg7[%dma_wait3A_183, %dma_wait3A_193] : memref<2x4096xf32, #tpu.memory_space<vmem>> -> memref<1x4096xf32, #tpu.memory_space<vmem>>
    %dma_wait3A_195 = tpu.memref_squeeze %dma_wait3A_194 : memref<1x4096xf32, #tpu.memory_space<vmem>> -> memref<4096xf32, #tpu.memory_space<vmem>>
    tpu.wait_dma2 semaphore(%arg9 : memref<!tpu.dma_semaphore, #tpu.memory_space<semaphore_mem>>) src(%dma_wait3A_195 : memref<4096xf32, #tpu.memory_space<vmem>>) dst(%dma_wait3A_192 : memref<4096xf32, #tpu.memory_space<hbm>>)
    %parallel_loop3A_196 = arith.constant 0 : i32
    %parallel_loop3A_197 = arith.constant 256 : i32
    %parallel_loop3A_198 = arith.constant 1 : i32
    scf.for %parallel_loop3A_958 = %parallel_loop3A_196 to %parallel_loop3A_197 step %parallel_loop3A_198  : i32 {
      %parallel_loop3A_959 = arith.constant 16 : i32
      %parallel_loop3A_960 = arith.muli %parallel_loop3A_958, %parallel_loop3A_959 : i32
      %parallel_loop3A_961 = arith.constant 12288 : i32
      %parallel_loop3A_962 = arith.addi %parallel_loop3A_961, %parallel_loop3A_960 : i32
      %parallel_loop3A_963 = arith.index_cast %parallel_loop3A_962 : i32 to index
      %parallel_loop3A_964 = tpu.vector_load %arg5[%parallel_loop3A_963] {strides = array<i32>} : memref<16384xi32, #tpu.memory_space<vmem>>, vector<16xi32>,
      %parallel_loop3A_965 = tpu.vector_load_idx %arg6[%parallel_loop3A_964] : memref<100000xf32, #tpu.memory_space<vmem>>[vector<16xi32>], vector<16xf32>,
      %parallel_loop3A_966 = arith.constant 16 : i32
      %parallel_loop3A_967 = arith.muli %parallel_loop3A_958, %parallel_loop3A_966 : i32
      %parallel_loop3A_968 = arith.constant 1 : i32
      %parallel_loop3A_969 = arith.index_cast %parallel_loop3A_968 : i32 to index
      %parallel_loop3A_970 = arith.index_cast %parallel_loop3A_967 : i32 to index
      %parallel_loop3A_971 = tpu.vector_load %arg7[%parallel_loop3A_969, %parallel_loop3A_970] {strides = array<i32>} : memref<2x4096xf32, #tpu.memory_space<vmem>>, vector<16xf32>,
      tpu.vector_store %arg7[%parallel_loop3A_969, %parallel_loop3A_970], %parallel_loop3A_965 {strides = array<i32>} : memref<2x4096xf32, #tpu.memory_space<vmem>>, vector<16xf32>,
    } {sc.loop_unroll_factor = 16 : i64, sc.parallel_access}
    %dma_start3A_199 = arith.constant 1 : i32
    %dma_start3A_200 = arith.constant 0 : i32
    %dma_start3A_201 = tpu.memref_slice %arg7[%dma_start3A_199, %dma_start3A_200] : memref<2x4096xf32, #tpu.memory_space<vmem>> -> memref<1x4096xf32, #tpu.memory_space<vmem>>
    %dma_start3A_202 = tpu.memref_squeeze %dma_start3A_201 : memref<1x4096xf32, #tpu.memory_space<vmem>> -> memref<4096xf32, #tpu.memory_space<vmem>>
    %dma_start3A_203 = arith.constant 12288 : i32
    %dma_start3A_204 = tpu.memref_slice %arg4[%add3A_95, %dma_start3A_203] : memref<256x16384xf32, #tpu.memory_space<hbm>> -> memref<1x4096xf32, #tpu.memory_space<hbm>>
    %dma_start3A_205 = tpu.memref_squeeze %dma_start3A_204 : memref<1x4096xf32, #tpu.memory_space<hbm>> -> memref<4096xf32, #tpu.memory_space<hbm>>
    %dma_start3A_206 = arith.constant 12288 : i32
    %dma_start3A_207 = tpu.memref_slice %arg4[%add3A_95, %dma_start3A_206] : memref<256x16384xf32, #tpu.memory_space<hbm>> -> memref<1x4096xf32, #tpu.memory_space<hbm>>
    %dma_start3A_208 = tpu.memref_squeeze %dma_start3A_207 : memref<1x4096xf32, #tpu.memory_space<hbm>> -> memref<4096xf32, #tpu.memory_space<hbm>>
    %dma_start3A_209 = arith.constant 0 : i32
    %dma_start3A_210 = tpu.memref_slice %arg7[%dma_start3A_199, %dma_start3A_209] : memref<2x4096xf32, #tpu.memory_space<vmem>> -> memref<1x4096xf32, #tpu.memory_space<vmem>>
    %dma_start3A_211 = tpu.memref_squeeze %dma_start3A_210 : memref<1x4096xf32, #tpu.memory_space<vmem>> -> memref<4096xf32, #tpu.memory_space<vmem>>
    tpu.enqueue_dma source(%dma_start3A_211 : memref<4096xf32, #tpu.memory_space<vmem>>) target(%dma_start3A_208 : memref<4096xf32, #tpu.memory_space<hbm>>) target_semaphore(%arg9 : memref<!tpu.dma_semaphore, #tpu.memory_space<semaphore_mem>>)
    %mul3A_212 = arith.constant 8 : i32
    %mul3A_213 = arith.muli %add3A, %mul3A_212 : i32
    %add3A_214 = arith.constant 2 : i32
    %add3A_215 = arith.addi %mul3A_213, %add3A_214 : i32
    "tpu.region"() ({
      %run_scoped3A = tpu.sem_alloc : memref<!tpu.dma_semaphore, #tpu.memory_space<semaphore_mem>>
      %dma_start3A_958 = arith.constant 0 : i32
      %dma_start3A_959 = tpu.memref_slice %arg2[%add3A_215, %dma_start3A_958] : memref<256x100000xf32, #tpu.memory_space<hbm>> -> memref<1x100000xf32, #tpu.memory_space<hbm>>
      %dma_start3A_960 = tpu.memref_squeeze %dma_start3A_959 : memref<1x100000xf32, #tpu.memory_space<hbm>> -> memref<100000xf32, #tpu.memory_space<hbm>>
      %dma_start3A_961 = arith.constant 0 : i32
      %dma_start3A_962 = tpu.memref_slice %arg2[%add3A_215, %dma_start3A_961] : memref<256x100000xf32, #tpu.memory_space<hbm>> -> memref<1x100000xf32, #tpu.memory_space<hbm>>
      %dma_start3A_963 = tpu.memref_squeeze %dma_start3A_962 : memref<1x100000xf32, #tpu.memory_space<hbm>> -> memref<100000xf32, #tpu.memory_space<hbm>>
      tpu.enqueue_dma source(%dma_start3A_963 : memref<100000xf32, #tpu.memory_space<hbm>>) target(%arg6 : memref<100000xf32, #tpu.memory_space<vmem>>) target_semaphore(%run_scoped3A : memref<!tpu.dma_semaphore, #tpu.memory_space<semaphore_mem>>)
      %dma_wait3A_964 = arith.constant 0 : i32
      %dma_wait3A_965 = tpu.memref_slice %arg2[%add3A_215, %dma_wait3A_964] : memref<256x100000xf32, #tpu.memory_space<hbm>> -> memref<1x100000xf32, #tpu.memory_space<hbm>>
      %dma_wait3A_966 = tpu.memref_squeeze %dma_wait3A_965 : memref<1x100000xf32, #tpu.memory_space<hbm>> -> memref<100000xf32, #tpu.memory_space<hbm>>
      %dma_wait3A_967 = arith.constant 0 : i32
      %dma_wait3A_968 = tpu.memref_slice %arg2[%add3A_215, %dma_wait3A_967] : memref<256x100000xf32, #tpu.memory_space<hbm>> -> memref<1x100000xf32, #tpu.memory_space<hbm>>
      %dma_wait3A_969 = tpu.memref_squeeze %dma_wait3A_968 : memref<1x100000xf32, #tpu.memory_space<hbm>> -> memref<100000xf32, #tpu.memory_space<hbm>>
      tpu.wait_dma2 semaphore(%run_scoped3A : memref<!tpu.dma_semaphore, #tpu.memory_space<semaphore_mem>>) src(%dma_wait3A_969 : memref<100000xf32, #tpu.memory_space<hbm>>) dst(%arg6 : memref<100000xf32, #tpu.memory_space<vmem>>)
      tpu.yield
    }) : () -> ()
    %dma_wait3A_216 = arith.constant 0 : i32
    %dma_wait3A_217 = arith.constant 0 : i32
    %dma_wait3A_218 = tpu.memref_slice %arg7[%dma_wait3A_216, %dma_wait3A_217] : memref<2x4096xf32, #tpu.memory_space<vmem>> -> memref<1x4096xf32, #tpu.memory_space<vmem>>
    %dma_wait3A_219 = tpu.memref_squeeze %dma_wait3A_218 : memref<1x4096xf32, #tpu.memory_space<vmem>> -> memref<4096xf32, #tpu.memory_space<vmem>>
    %dma_wait3A_220 = arith.constant 8192 : i32
    %dma_wait3A_221 = tpu.memref_slice %arg4[%add3A_95, %dma_wait3A_220] : memref<256x16384xf32, #tpu.memory_space<hbm>> -> memref<1x4096xf32, #tpu.memory_space<hbm>>
    %dma_wait3A_222 = tpu.memref_squeeze %dma_wait3A_221 : memref<1x4096xf32, #tpu.memory_space<hbm>> -> memref<4096xf32, #tpu.memory_space<hbm>>
    %dma_wait3A_223 = arith.constant 8192 : i32
    %dma_wait3A_224 = tpu.memref_slice %arg4[%add3A_95, %dma_wait3A_223] : memref<256x16384xf32, #tpu.memory_space<hbm>> -> memref<1x4096xf32, #tpu.memory_space<hbm>>
    %dma_wait3A_225 = tpu.memref_squeeze %dma_wait3A_224 : memref<1x4096xf32, #tpu.memory_space<hbm>> -> memref<4096xf32, #tpu.memory_space<hbm>>
    %dma_wait3A_226 = arith.constant 0 : i32
    %dma_wait3A_227 = tpu.memref_slice %arg7[%dma_wait3A_216, %dma_wait3A_226] : memref<2x4096xf32, #tpu.memory_space<vmem>> -> memref<1x4096xf32, #tpu.memory_space<vmem>>
    %dma_wait3A_228 = tpu.memref_squeeze %dma_wait3A_227 : memref<1x4096xf32, #tpu.memory_space<vmem>> -> memref<4096xf32, #tpu.memory_space<vmem>>
    tpu.wait_dma2 semaphore(%arg8 : memref<!tpu.dma_semaphore, #tpu.memory_space<semaphore_mem>>) src(%dma_wait3A_228 : memref<4096xf32, #tpu.memory_space<vmem>>) dst(%dma_wait3A_225 : memref<4096xf32, #tpu.memory_space<hbm>>)
    %parallel_loop3A_229 = arith.constant 0 : i32
    %parallel_loop3A_230 = arith.constant 256 : i32
    %parallel_loop3A_231 = arith.constant 1 : i32
    scf.for %parallel_loop3A_958 = %parallel_loop3A_229 to %parallel_loop3A_230 step %parallel_loop3A_231  : i32 {
      %parallel_loop3A_959 = arith.constant 16 : i32
      %parallel_loop3A_960 = arith.muli %parallel_loop3A_958, %parallel_loop3A_959 : i32
      %parallel_loop3A_961 = arith.constant 0 : i32
      %parallel_loop3A_962 = arith.addi %parallel_loop3A_961, %parallel_loop3A_960 : i32
      %parallel_loop3A_963 = arith.index_cast %parallel_loop3A_962 : i32 to index
      %parallel_loop3A_964 = tpu.vector_load %arg5[%parallel_loop3A_963] {strides = array<i32>} : memref<16384xi32, #tpu.memory_space<vmem>>, vector<16xi32>,
      %parallel_loop3A_965 = tpu.vector_load_idx %arg6[%parallel_loop3A_964] : memref<100000xf32, #tpu.memory_space<vmem>>[vector<16xi32>], vector<16xf32>,
      %parallel_loop3A_966 = arith.constant 16 : i32
      %parallel_loop3A_967 = arith.muli %parallel_loop3A_958, %parallel_loop3A_966 : i32
      %parallel_loop3A_968 = arith.constant 0 : i32
      %parallel_loop3A_969 = arith.index_cast %parallel_loop3A_968 : i32 to index
      %parallel_loop3A_970 = arith.index_cast %parallel_loop3A_967 : i32 to index
      %parallel_loop3A_971 = tpu.vector_load %arg7[%parallel_loop3A_969, %parallel_loop3A_970] {strides = array<i32>} : memref<2x4096xf32, #tpu.memory_space<vmem>>, vector<16xf32>,
      tpu.vector_store %arg7[%parallel_loop3A_969, %parallel_loop3A_970], %parallel_loop3A_965 {strides = array<i32>} : memref<2x4096xf32, #tpu.memory_space<vmem>>, vector<16xf32>,
    } {sc.loop_unroll_factor = 16 : i64, sc.parallel_access}
    %dma_start3A_232 = arith.constant 0 : i32
    %dma_start3A_233 = arith.constant 0 : i32
    %dma_start3A_234 = tpu.memref_slice %arg7[%dma_start3A_232, %dma_start3A_233] : memref<2x4096xf32, #tpu.memory_space<vmem>> -> memref<1x4096xf32, #tpu.memory_space<vmem>>
    %dma_start3A_235 = tpu.memref_squeeze %dma_start3A_234 : memref<1x4096xf32, #tpu.memory_space<vmem>> -> memref<4096xf32, #tpu.memory_space<vmem>>
    %dma_start3A_236 = arith.constant 0 : i32
    %dma_start3A_237 = tpu.memref_slice %arg4[%add3A_215, %dma_start3A_236] : memref<256x16384xf32, #tpu.memory_space<hbm>> -> memref<1x4096xf32, #tpu.memory_space<hbm>>
    %dma_start3A_238 = tpu.memref_squeeze %dma_start3A_237 : memref<1x4096xf32, #tpu.memory_space<hbm>> -> memref<4096xf32, #tpu.memory_space<hbm>>
    %dma_start3A_239 = arith.constant 0 : i32
    %dma_start3A_240 = tpu.memref_slice %arg4[%add3A_215, %dma_start3A_239] : memref<256x16384xf32, #tpu.memory_space<hbm>> -> memref<1x4096xf32, #tpu.memory_space<hbm>>
    %dma_start3A_241 = tpu.memref_squeeze %dma_start3A_240 : memref<1x4096xf32, #tpu.memory_space<hbm>> -> memref<4096xf32, #tpu.memory_space<hbm>>
    %dma_start3A_242 = arith.constant 0 : i32
    %dma_start3A_243 = tpu.memref_slice %arg7[%dma_start3A_232, %dma_start3A_242] : memref<2x4096xf32, #tpu.memory_space<vmem>> -> memref<1x4096xf32, #tpu.memory_space<vmem>>
    %dma_start3A_244 = tpu.memref_squeeze %dma_start3A_243 : memref<1x4096xf32, #tpu.memory_space<vmem>> -> memref<4096xf32, #tpu.memory_space<vmem>>
    tpu.enqueue_dma source(%dma_start3A_244 : memref<4096xf32, #tpu.memory_space<vmem>>) target(%dma_start3A_241 : memref<4096xf32, #tpu.memory_space<hbm>>) target_semaphore(%arg8 : memref<!tpu.dma_semaphore, #tpu.memory_space<semaphore_mem>>)
    %dma_wait3A_245 = arith.constant 1 : i32
    %dma_wait3A_246 = arith.constant 0 : i32
    %dma_wait3A_247 = tpu.memref_slice %arg7[%dma_wait3A_245, %dma_wait3A_246] : memref<2x4096xf32, #tpu.memory_space<vmem>> -> memref<1x4096xf32, #tpu.memory_space<vmem>>
    %dma_wait3A_248 = tpu.memref_squeeze %dma_wait3A_247 : memref<1x4096xf32, #tpu.memory_space<vmem>> -> memref<4096xf32, #tpu.memory_space<vmem>>
    %dma_wait3A_249 = arith.constant 12288 : i32
    %dma_wait3A_250 = tpu.memref_slice %arg4[%add3A_95, %dma_wait3A_249] : memref<256x16384xf32, #tpu.memory_space<hbm>> -> memref<1x4096xf32, #tpu.memory_space<hbm>>
    %dma_wait3A_251 = tpu.memref_squeeze %dma_wait3A_250 : memref<1x4096xf32, #tpu.memory_space<hbm>> -> memref<4096xf32, #tpu.memory_space<hbm>>
    %dma_wait3A_252 = arith.constant 12288 : i32
    %dma_wait3A_253 = tpu.memref_slice %arg4[%add3A_95, %dma_wait3A_252] : memref<256x16384xf32, #tpu.memory_space<hbm>> -> memref<1x4096xf32, #tpu.memory_space<hbm>>
    %dma_wait3A_254 = tpu.memref_squeeze %dma_wait3A_253 : memref<1x4096xf32, #tpu.memory_space<hbm>> -> memref<4096xf32, #tpu.memory_space<hbm>>
    %dma_wait3A_255 = arith.constant 0 : i32
    %dma_wait3A_256 = tpu.memref_slice %arg7[%dma_wait3A_245, %dma_wait3A_255] : memref<2x4096xf32, #tpu.memory_space<vmem>> -> memref<1x4096xf32, #tpu.memory_space<vmem>>
    %dma_wait3A_257 = tpu.memref_squeeze %dma_wait3A_256 : memref<1x4096xf32, #tpu.memory_space<vmem>> -> memref<4096xf32, #tpu.memory_space<vmem>>
    tpu.wait_dma2 semaphore(%arg9 : memref<!tpu.dma_semaphore, #tpu.memory_space<semaphore_mem>>) src(%dma_wait3A_257 : memref<4096xf32, #tpu.memory_space<vmem>>) dst(%dma_wait3A_254 : memref<4096xf32, #tpu.memory_space<hbm>>)
    %parallel_loop3A_258 = arith.constant 0 : i32
    %parallel_loop3A_259 = arith.constant 256 : i32
    %parallel_loop3A_260 = arith.constant 1 : i32
    scf.for %parallel_loop3A_958 = %parallel_loop3A_258 to %parallel_loop3A_259 step %parallel_loop3A_260  : i32 {
      %parallel_loop3A_959 = arith.constant 16 : i32
      %parallel_loop3A_960 = arith.muli %parallel_loop3A_958, %parallel_loop3A_959 : i32
      %parallel_loop3A_961 = arith.constant 4096 : i32
      %parallel_loop3A_962 = arith.addi %parallel_loop3A_961, %parallel_loop3A_960 : i32
      %parallel_loop3A_963 = arith.index_cast %parallel_loop3A_962 : i32 to index
      %parallel_loop3A_964 = tpu.vector_load %arg5[%parallel_loop3A_963] {strides = array<i32>} : memref<16384xi32, #tpu.memory_space<vmem>>, vector<16xi32>,
      %parallel_loop3A_965 = tpu.vector_load_idx %arg6[%parallel_loop3A_964] : memref<100000xf32, #tpu.memory_space<vmem>>[vector<16xi32>], vector<16xf32>,
      %parallel_loop3A_966 = arith.constant 16 : i32
      %parallel_loop3A_967 = arith.muli %parallel_loop3A_958, %parallel_loop3A_966 : i32
      %parallel_loop3A_968 = arith.constant 1 : i32
      %parallel_loop3A_969 = arith.index_cast %parallel_loop3A_968 : i32 to index
      %parallel_loop3A_970 = arith.index_cast %parallel_loop3A_967 : i32 to index
      %parallel_loop3A_971 = tpu.vector_load %arg7[%parallel_loop3A_969, %parallel_loop3A_970] {strides = array<i32>} : memref<2x4096xf32, #tpu.memory_space<vmem>>, vector<16xf32>,
      tpu.vector_store %arg7[%parallel_loop3A_969, %parallel_loop3A_970], %parallel_loop3A_965 {strides = array<i32>} : memref<2x4096xf32, #tpu.memory_space<vmem>>, vector<16xf32>,
    } {sc.loop_unroll_factor = 16 : i64, sc.parallel_access}
    %dma_start3A_261 = arith.constant 1 : i32
    %dma_start3A_262 = arith.constant 0 : i32
    %dma_start3A_263 = tpu.memref_slice %arg7[%dma_start3A_261, %dma_start3A_262] : memref<2x4096xf32, #tpu.memory_space<vmem>> -> memref<1x4096xf32, #tpu.memory_space<vmem>>
    %dma_start3A_264 = tpu.memref_squeeze %dma_start3A_263 : memref<1x4096xf32, #tpu.memory_space<vmem>> -> memref<4096xf32, #tpu.memory_space<vmem>>
    %dma_start3A_265 = arith.constant 4096 : i32
    %dma_start3A_266 = tpu.memref_slice %arg4[%add3A_215, %dma_start3A_265] : memref<256x16384xf32, #tpu.memory_space<hbm>> -> memref<1x4096xf32, #tpu.memory_space<hbm>>
    %dma_start3A_267 = tpu.memref_squeeze %dma_start3A_266 : memref<1x4096xf32, #tpu.memory_space<hbm>> -> memref<4096xf32, #tpu.memory_space<hbm>>
    %dma_start3A_268 = arith.constant 4096 : i32
    %dma_start3A_269 = tpu.memref_slice %arg4[%add3A_215, %dma_start3A_268] : memref<256x16384xf32, #tpu.memory_space<hbm>> -> memref<1x4096xf32, #tpu.memory_space<hbm>>
    %dma_start3A_270 = tpu.memref_squeeze %dma_start3A_269 : memref<1x4096xf32, #tpu.memory_space<hbm>> -> memref<4096xf32, #tpu.memory_space<hbm>>
    %dma_start3A_271 = arith.constant 0 : i32
    %dma_start3A_272 = tpu.memref_slice %arg7[%dma_start3A_261, %dma_start3A_271] : memref<2x4096xf32, #tpu.memory_space<vmem>> -> memref<1x4096xf32, #tpu.memory_space<vmem>>
    %dma_start3A_273 = tpu.memref_squeeze %dma_start3A_272 : memref<1x4096xf32, #tpu.memory_space<vmem>> -> memref<4096xf32, #tpu.memory_space<vmem>>
    tpu.enqueue_dma source(%dma_start3A_273 : memref<4096xf32, #tpu.memory_space<vmem>>) target(%dma_start3A_270 : memref<4096xf32, #tpu.memory_space<hbm>>) target_semaphore(%arg9 : memref<!tpu.dma_semaphore, #tpu.memory_space<semaphore_mem>>)
    %dma_wait3A_274 = arith.constant 0 : i32
    %dma_wait3A_275 = arith.constant 0 : i32
    %dma_wait3A_276 = tpu.memref_slice %arg7[%dma_wait3A_274, %dma_wait3A_275] : memref<2x4096xf32, #tpu.memory_space<vmem>> -> memref<1x4096xf32, #tpu.memory_space<vmem>>
    %dma_wait3A_277 = tpu.memref_squeeze %dma_wait3A_276 : memref<1x4096xf32, #tpu.memory_space<vmem>> -> memref<4096xf32, #tpu.memory_space<vmem>>
    %dma_wait3A_278 = arith.constant 0 : i32
    %dma_wait3A_279 = tpu.memref_slice %arg4[%add3A_215, %dma_wait3A_278] : memref<256x16384xf32, #tpu.memory_space<hbm>> -> memref<1x4096xf32, #tpu.memory_space<hbm>>
    %dma_wait3A_280 = tpu.memref_squeeze %dma_wait3A_279 : memref<1x4096xf32, #tpu.memory_space<hbm>> -> memref<4096xf32, #tpu.memory_space<hbm>>
    %dma_wait3A_281 = arith.constant 0 : i32
    %dma_wait3A_282 = tpu.memref_slice %arg4[%add3A_215, %dma_wait3A_281] : memref<256x16384xf32, #tpu.memory_space<hbm>> -> memref<1x4096xf32, #tpu.memory_space<hbm>>
    %dma_wait3A_283 = tpu.memref_squeeze %dma_wait3A_282 : memref<1x4096xf32, #tpu.memory_space<hbm>> -> memref<4096xf32, #tpu.memory_space<hbm>>
    %dma_wait3A_284 = arith.constant 0 : i32
    %dma_wait3A_285 = tpu.memref_slice %arg7[%dma_wait3A_274, %dma_wait3A_284] : memref<2x4096xf32, #tpu.memory_space<vmem>> -> memref<1x4096xf32, #tpu.memory_space<vmem>>
    %dma_wait3A_286 = tpu.memref_squeeze %dma_wait3A_285 : memref<1x4096xf32, #tpu.memory_space<vmem>> -> memref<4096xf32, #tpu.memory_space<vmem>>
    tpu.wait_dma2 semaphore(%arg8 : memref<!tpu.dma_semaphore, #tpu.memory_space<semaphore_mem>>) src(%dma_wait3A_286 : memref<4096xf32, #tpu.memory_space<vmem>>) dst(%dma_wait3A_283 : memref<4096xf32, #tpu.memory_space<hbm>>)
    %parallel_loop3A_287 = arith.constant 0 : i32
    %parallel_loop3A_288 = arith.constant 256 : i32
    %parallel_loop3A_289 = arith.constant 1 : i32
    scf.for %parallel_loop3A_958 = %parallel_loop3A_287 to %parallel_loop3A_288 step %parallel_loop3A_289  : i32 {
      %parallel_loop3A_959 = arith.constant 16 : i32
      %parallel_loop3A_960 = arith.muli %parallel_loop3A_958, %parallel_loop3A_959 : i32
      %parallel_loop3A_961 = arith.constant 8192 : i32
      %parallel_loop3A_962 = arith.addi %parallel_loop3A_961, %parallel_loop3A_960 : i32
      %parallel_loop3A_963 = arith.index_cast %parallel_loop3A_962 : i32 to index
      %parallel_loop3A_964 = tpu.vector_load %arg5[%parallel_loop3A_963] {strides = array<i32>} : memref<16384xi32, #tpu.memory_space<vmem>>, vector<16xi32>,
      %parallel_loop3A_965 = tpu.vector_load_idx %arg6[%parallel_loop3A_964] : memref<100000xf32, #tpu.memory_space<vmem>>[vector<16xi32>], vector<16xf32>,
      %parallel_loop3A_966 = arith.constant 16 : i32
      %parallel_loop3A_967 = arith.muli %parallel_loop3A_958, %parallel_loop3A_966 : i32
      %parallel_loop3A_968 = arith.constant 0 : i32
      %parallel_loop3A_969 = arith.index_cast %parallel_loop3A_968 : i32 to index
      %parallel_loop3A_970 = arith.index_cast %parallel_loop3A_967 : i32 to index
      %parallel_loop3A_971 = tpu.vector_load %arg7[%parallel_loop3A_969, %parallel_loop3A_970] {strides = array<i32>} : memref<2x4096xf32, #tpu.memory_space<vmem>>, vector<16xf32>,
      tpu.vector_store %arg7[%parallel_loop3A_969, %parallel_loop3A_970], %parallel_loop3A_965 {strides = array<i32>} : memref<2x4096xf32, #tpu.memory_space<vmem>>, vector<16xf32>,
    } {sc.loop_unroll_factor = 16 : i64, sc.parallel_access}
    %dma_start3A_290 = arith.constant 0 : i32
    %dma_start3A_291 = arith.constant 0 : i32
    %dma_start3A_292 = tpu.memref_slice %arg7[%dma_start3A_290, %dma_start3A_291] : memref<2x4096xf32, #tpu.memory_space<vmem>> -> memref<1x4096xf32, #tpu.memory_space<vmem>>
    %dma_start3A_293 = tpu.memref_squeeze %dma_start3A_292 : memref<1x4096xf32, #tpu.memory_space<vmem>> -> memref<4096xf32, #tpu.memory_space<vmem>>
    %dma_start3A_294 = arith.constant 8192 : i32
    %dma_start3A_295 = tpu.memref_slice %arg4[%add3A_215, %dma_start3A_294] : memref<256x16384xf32, #tpu.memory_space<hbm>> -> memref<1x4096xf32, #tpu.memory_space<hbm>>
    %dma_start3A_296 = tpu.memref_squeeze %dma_start3A_295 : memref<1x4096xf32, #tpu.memory_space<hbm>> -> memref<4096xf32, #tpu.memory_space<hbm>>
    %dma_start3A_297 = arith.constant 8192 : i32
    %dma_start3A_298 = tpu.memref_slice %arg4[%add3A_215, %dma_start3A_297] : memref<256x16384xf32, #tpu.memory_space<hbm>> -> memref<1x4096xf32, #tpu.memory_space<hbm>>
    %dma_start3A_299 = tpu.memref_squeeze %dma_start3A_298 : memref<1x4096xf32, #tpu.memory_space<hbm>> -> memref<4096xf32, #tpu.memory_space<hbm>>
    %dma_start3A_300 = arith.constant 0 : i32
    %dma_start3A_301 = tpu.memref_slice %arg7[%dma_start3A_290, %dma_start3A_300] : memref<2x4096xf32, #tpu.memory_space<vmem>> -> memref<1x4096xf32, #tpu.memory_space<vmem>>
    %dma_start3A_302 = tpu.memref_squeeze %dma_start3A_301 : memref<1x4096xf32, #tpu.memory_space<vmem>> -> memref<4096xf32, #tpu.memory_space<vmem>>
    tpu.enqueue_dma source(%dma_start3A_302 : memref<4096xf32, #tpu.memory_space<vmem>>) target(%dma_start3A_299 : memref<4096xf32, #tpu.memory_space<hbm>>) target_semaphore(%arg8 : memref<!tpu.dma_semaphore, #tpu.memory_space<semaphore_mem>>)
    %dma_wait3A_303 = arith.constant 1 : i32
    %dma_wait3A_304 = arith.constant 0 : i32
    %dma_wait3A_305 = tpu.memref_slice %arg7[%dma_wait3A_303, %dma_wait3A_304] : memref<2x4096xf32, #tpu.memory_space<vmem>> -> memref<1x4096xf32, #tpu.memory_space<vmem>>
    %dma_wait3A_306 = tpu.memref_squeeze %dma_wait3A_305 : memref<1x4096xf32, #tpu.memory_space<vmem>> -> memref<4096xf32, #tpu.memory_space<vmem>>
    %dma_wait3A_307 = arith.constant 4096 : i32
    %dma_wait3A_308 = tpu.memref_slice %arg4[%add3A_215, %dma_wait3A_307] : memref<256x16384xf32, #tpu.memory_space<hbm>> -> memref<1x4096xf32, #tpu.memory_space<hbm>>
    %dma_wait3A_309 = tpu.memref_squeeze %dma_wait3A_308 : memref<1x4096xf32, #tpu.memory_space<hbm>> -> memref<4096xf32, #tpu.memory_space<hbm>>
    %dma_wait3A_310 = arith.constant 4096 : i32
    %dma_wait3A_311 = tpu.memref_slice %arg4[%add3A_215, %dma_wait3A_310] : memref<256x16384xf32, #tpu.memory_space<hbm>> -> memref<1x4096xf32, #tpu.memory_space<hbm>>
    %dma_wait3A_312 = tpu.memref_squeeze %dma_wait3A_311 : memref<1x4096xf32, #tpu.memory_space<hbm>> -> memref<4096xf32, #tpu.memory_space<hbm>>
    %dma_wait3A_313 = arith.constant 0 : i32
    %dma_wait3A_314 = tpu.memref_slice %arg7[%dma_wait3A_303, %dma_wait3A_313] : memref<2x4096xf32, #tpu.memory_space<vmem>> -> memref<1x4096xf32, #tpu.memory_space<vmem>>
    %dma_wait3A_315 = tpu.memref_squeeze %dma_wait3A_314 : memref<1x4096xf32, #tpu.memory_space<vmem>> -> memref<4096xf32, #tpu.memory_space<vmem>>
    tpu.wait_dma2 semaphore(%arg9 : memref<!tpu.dma_semaphore, #tpu.memory_space<semaphore_mem>>) src(%dma_wait3A_315 : memref<4096xf32, #tpu.memory_space<vmem>>) dst(%dma_wait3A_312 : memref<4096xf32, #tpu.memory_space<hbm>>)
    %parallel_loop3A_316 = arith.constant 0 : i32
    %parallel_loop3A_317 = arith.constant 256 : i32
    %parallel_loop3A_318 = arith.constant 1 : i32
    scf.for %parallel_loop3A_958 = %parallel_loop3A_316 to %parallel_loop3A_317 step %parallel_loop3A_318  : i32 {
      %parallel_loop3A_959 = arith.constant 16 : i32
      %parallel_loop3A_960 = arith.muli %parallel_loop3A_958, %parallel_loop3A_959 : i32
      %parallel_loop3A_961 = arith.constant 12288 : i32
      %parallel_loop3A_962 = arith.addi %parallel_loop3A_961, %parallel_loop3A_960 : i32
      %parallel_loop3A_963 = arith.index_cast %parallel_loop3A_962 : i32 to index
      %parallel_loop3A_964 = tpu.vector_load %arg5[%parallel_loop3A_963] {strides = array<i32>} : memref<16384xi32, #tpu.memory_space<vmem>>, vector<16xi32>,
      %parallel_loop3A_965 = tpu.vector_load_idx %arg6[%parallel_loop3A_964] : memref<100000xf32, #tpu.memory_space<vmem>>[vector<16xi32>], vector<16xf32>,
      %parallel_loop3A_966 = arith.constant 16 : i32
      %parallel_loop3A_967 = arith.muli %parallel_loop3A_958, %parallel_loop3A_966 : i32
      %parallel_loop3A_968 = arith.constant 1 : i32
      %parallel_loop3A_969 = arith.index_cast %parallel_loop3A_968 : i32 to index
      %parallel_loop3A_970 = arith.index_cast %parallel_loop3A_967 : i32 to index
      %parallel_loop3A_971 = tpu.vector_load %arg7[%parallel_loop3A_969, %parallel_loop3A_970] {strides = array<i32>} : memref<2x4096xf32, #tpu.memory_space<vmem>>, vector<16xf32>,
      tpu.vector_store %arg7[%parallel_loop3A_969, %parallel_loop3A_970], %parallel_loop3A_965 {strides = array<i32>} : memref<2x4096xf32, #tpu.memory_space<vmem>>, vector<16xf32>,
    } {sc.loop_unroll_factor = 16 : i64, sc.parallel_access}
    %dma_start3A_319 = arith.constant 1 : i32
    %dma_start3A_320 = arith.constant 0 : i32
    %dma_start3A_321 = tpu.memref_slice %arg7[%dma_start3A_319, %dma_start3A_320] : memref<2x4096xf32, #tpu.memory_space<vmem>> -> memref<1x4096xf32, #tpu.memory_space<vmem>>
    %dma_start3A_322 = tpu.memref_squeeze %dma_start3A_321 : memref<1x4096xf32, #tpu.memory_space<vmem>> -> memref<4096xf32, #tpu.memory_space<vmem>>
    %dma_start3A_323 = arith.constant 12288 : i32
    %dma_start3A_324 = tpu.memref_slice %arg4[%add3A_215, %dma_start3A_323] : memref<256x16384xf32, #tpu.memory_space<hbm>> -> memref<1x4096xf32, #tpu.memory_space<hbm>>
    %dma_start3A_325 = tpu.memref_squeeze %dma_start3A_324 : memref<1x4096xf32, #tpu.memory_space<hbm>> -> memref<4096xf32, #tpu.memory_space<hbm>>
    %dma_start3A_326 = arith.constant 12288 : i32
    %dma_start3A_327 = tpu.memref_slice %arg4[%add3A_215, %dma_start3A_326] : memref<256x16384xf32, #tpu.memory_space<hbm>> -> memref<1x4096xf32, #tpu.memory_space<hbm>>
    %dma_start3A_328 = tpu.memref_squeeze %dma_start3A_327 : memref<1x4096xf32, #tpu.memory_space<hbm>> -> memref<4096xf32, #tpu.memory_space<hbm>>
    %dma_start3A_329 = arith.constant 0 : i32
    %dma_start3A_330 = tpu.memref_slice %arg7[%dma_start3A_319, %dma_start3A_329] : memref<2x4096xf32, #tpu.memory_space<vmem>> -> memref<1x4096xf32, #tpu.memory_space<vmem>>
    %dma_start3A_331 = tpu.memref_squeeze %dma_start3A_330 : memref<1x4096xf32, #tpu.memory_space<vmem>> -> memref<4096xf32, #tpu.memory_space<vmem>>
    tpu.enqueue_dma source(%dma_start3A_331 : memref<4096xf32, #tpu.memory_space<vmem>>) target(%dma_start3A_328 : memref<4096xf32, #tpu.memory_space<hbm>>) target_semaphore(%arg9 : memref<!tpu.dma_semaphore, #tpu.memory_space<semaphore_mem>>)
    %mul3A_332 = arith.constant 8 : i32
    %mul3A_333 = arith.muli %add3A, %mul3A_332 : i32
    %add3A_334 = arith.constant 3 : i32
    %add3A_335 = arith.addi %mul3A_333, %add3A_334 : i32
    "tpu.region"() ({
      %run_scoped3A = tpu.sem_alloc : memref<!tpu.dma_semaphore, #tpu.memory_space<semaphore_mem>>
      %dma_start3A_958 = arith.constant 0 : i32
      %dma_start3A_959 = tpu.memref_slice %arg2[%add3A_335, %dma_start3A_958] : memref<256x100000xf32, #tpu.memory_space<hbm>> -> memref<1x100000xf32, #tpu.memory_space<hbm>>
      %dma_start3A_960 = tpu.memref_squeeze %dma_start3A_959 : memref<1x100000xf32, #tpu.memory_space<hbm>> -> memref<100000xf32, #tpu.memory_space<hbm>>
      %dma_start3A_961 = arith.constant 0 : i32
      %dma_start3A_962 = tpu.memref_slice %arg2[%add3A_335, %dma_start3A_961] : memref<256x100000xf32, #tpu.memory_space<hbm>> -> memref<1x100000xf32, #tpu.memory_space<hbm>>
      %dma_start3A_963 = tpu.memref_squeeze %dma_start3A_962 : memref<1x100000xf32, #tpu.memory_space<hbm>> -> memref<100000xf32, #tpu.memory_space<hbm>>
      tpu.enqueue_dma source(%dma_start3A_963 : memref<100000xf32, #tpu.memory_space<hbm>>) target(%arg6 : memref<100000xf32, #tpu.memory_space<vmem>>) target_semaphore(%run_scoped3A : memref<!tpu.dma_semaphore, #tpu.memory_space<semaphore_mem>>)
      %dma_wait3A_964 = arith.constant 0 : i32
      %dma_wait3A_965 = tpu.memref_slice %arg2[%add3A_335, %dma_wait3A_964] : memref<256x100000xf32, #tpu.memory_space<hbm>> -> memref<1x100000xf32, #tpu.memory_space<hbm>>
      %dma_wait3A_966 = tpu.memref_squeeze %dma_wait3A_965 : memref<1x100000xf32, #tpu.memory_space<hbm>> -> memref<100000xf32, #tpu.memory_space<hbm>>
      %dma_wait3A_967 = arith.constant 0 : i32
      %dma_wait3A_968 = tpu.memref_slice %arg2[%add3A_335, %dma_wait3A_967] : memref<256x100000xf32, #tpu.memory_space<hbm>> -> memref<1x100000xf32, #tpu.memory_space<hbm>>
      %dma_wait3A_969 = tpu.memref_squeeze %dma_wait3A_968 : memref<1x100000xf32, #tpu.memory_space<hbm>> -> memref<100000xf32, #tpu.memory_space<hbm>>
      tpu.wait_dma2 semaphore(%run_scoped3A : memref<!tpu.dma_semaphore, #tpu.memory_space<semaphore_mem>>) src(%dma_wait3A_969 : memref<100000xf32, #tpu.memory_space<hbm>>) dst(%arg6 : memref<100000xf32, #tpu.memory_space<vmem>>)
      tpu.yield
    }) : () -> ()
    %dma_wait3A_336 = arith.constant 0 : i32
    %dma_wait3A_337 = arith.constant 0 : i32
    %dma_wait3A_338 = tpu.memref_slice %arg7[%dma_wait3A_336, %dma_wait3A_337] : memref<2x4096xf32, #tpu.memory_space<vmem>> -> memref<1x4096xf32, #tpu.memory_space<vmem>>
    %dma_wait3A_339 = tpu.memref_squeeze %dma_wait3A_338 : memref<1x4096xf32, #tpu.memory_space<vmem>> -> memref<4096xf32, #tpu.memory_space<vmem>>
    %dma_wait3A_340 = arith.constant 8192 : i32
    %dma_wait3A_341 = tpu.memref_slice %arg4[%add3A_215, %dma_wait3A_340] : memref<256x16384xf32, #tpu.memory_space<hbm>> -> memref<1x4096xf32, #tpu.memory_space<hbm>>
    %dma_wait3A_342 = tpu.memref_squeeze %dma_wait3A_341 : memref<1x4096xf32, #tpu.memory_space<hbm>> -> memref<4096xf32, #tpu.memory_space<hbm>>
    %dma_wait3A_343 = arith.constant 8192 : i32
    %dma_wait3A_344 = tpu.memref_slice %arg4[%add3A_215, %dma_wait3A_343] : memref<256x16384xf32, #tpu.memory_space<hbm>> -> memref<1x4096xf32, #tpu.memory_space<hbm>>
    %dma_wait3A_345 = tpu.memref_squeeze %dma_wait3A_344 : memref<1x4096xf32, #tpu.memory_space<hbm>> -> memref<4096xf32, #tpu.memory_space<hbm>>
    %dma_wait3A_346 = arith.constant 0 : i32
    %dma_wait3A_347 = tpu.memref_slice %arg7[%dma_wait3A_336, %dma_wait3A_346] : memref<2x4096xf32, #tpu.memory_space<vmem>> -> memref<1x4096xf32, #tpu.memory_space<vmem>>
    %dma_wait3A_348 = tpu.memref_squeeze %dma_wait3A_347 : memref<1x4096xf32, #tpu.memory_space<vmem>> -> memref<4096xf32, #tpu.memory_space<vmem>>
    tpu.wait_dma2 semaphore(%arg8 : memref<!tpu.dma_semaphore, #tpu.memory_space<semaphore_mem>>) src(%dma_wait3A_348 : memref<4096xf32, #tpu.memory_space<vmem>>) dst(%dma_wait3A_345 : memref<4096xf32, #tpu.memory_space<hbm>>)
    %parallel_loop3A_349 = arith.constant 0 : i32
    %parallel_loop3A_350 = arith.constant 256 : i32
    %parallel_loop3A_351 = arith.constant 1 : i32
    scf.for %parallel_loop3A_958 = %parallel_loop3A_349 to %parallel_loop3A_350 step %parallel_loop3A_351  : i32 {
      %parallel_loop3A_959 = arith.constant 16 : i32
      %parallel_loop3A_960 = arith.muli %parallel_loop3A_958, %parallel_loop3A_959 : i32
      %parallel_loop3A_961 = arith.constant 0 : i32
      %parallel_loop3A_962 = arith.addi %parallel_loop3A_961, %parallel_loop3A_960 : i32
      %parallel_loop3A_963 = arith.index_cast %parallel_loop3A_962 : i32 to index
      %parallel_loop3A_964 = tpu.vector_load %arg5[%parallel_loop3A_963] {strides = array<i32>} : memref<16384xi32, #tpu.memory_space<vmem>>, vector<16xi32>,
      %parallel_loop3A_965 = tpu.vector_load_idx %arg6[%parallel_loop3A_964] : memref<100000xf32, #tpu.memory_space<vmem>>[vector<16xi32>], vector<16xf32>,
      %parallel_loop3A_966 = arith.constant 16 : i32
      %parallel_loop3A_967 = arith.muli %parallel_loop3A_958, %parallel_loop3A_966 : i32
      %parallel_loop3A_968 = arith.constant 0 : i32
      %parallel_loop3A_969 = arith.index_cast %parallel_loop3A_968 : i32 to index
      %parallel_loop3A_970 = arith.index_cast %parallel_loop3A_967 : i32 to index
      %parallel_loop3A_971 = tpu.vector_load %arg7[%parallel_loop3A_969, %parallel_loop3A_970] {strides = array<i32>} : memref<2x4096xf32, #tpu.memory_space<vmem>>, vector<16xf32>,
      tpu.vector_store %arg7[%parallel_loop3A_969, %parallel_loop3A_970], %parallel_loop3A_965 {strides = array<i32>} : memref<2x4096xf32, #tpu.memory_space<vmem>>, vector<16xf32>,
    } {sc.loop_unroll_factor = 16 : i64, sc.parallel_access}
    %dma_start3A_352 = arith.constant 0 : i32
    %dma_start3A_353 = arith.constant 0 : i32
    %dma_start3A_354 = tpu.memref_slice %arg7[%dma_start3A_352, %dma_start3A_353] : memref<2x4096xf32, #tpu.memory_space<vmem>> -> memref<1x4096xf32, #tpu.memory_space<vmem>>
    %dma_start3A_355 = tpu.memref_squeeze %dma_start3A_354 : memref<1x4096xf32, #tpu.memory_space<vmem>> -> memref<4096xf32, #tpu.memory_space<vmem>>
    %dma_start3A_356 = arith.constant 0 : i32
    %dma_start3A_357 = tpu.memref_slice %arg4[%add3A_335, %dma_start3A_356] : memref<256x16384xf32, #tpu.memory_space<hbm>> -> memref<1x4096xf32, #tpu.memory_space<hbm>>
    %dma_start3A_358 = tpu.memref_squeeze %dma_start3A_357 : memref<1x4096xf32, #tpu.memory_space<hbm>> -> memref<4096xf32, #tpu.memory_space<hbm>>
    %dma_start3A_359 = arith.constant 0 : i32
    %dma_start3A_360 = tpu.memref_slice %arg4[%add3A_335, %dma_start3A_359] : memref<256x16384xf32, #tpu.memory_space<hbm>> -> memref<1x4096xf32, #tpu.memory_space<hbm>>
    %dma_start3A_361 = tpu.memref_squeeze %dma_start3A_360 : memref<1x4096xf32, #tpu.memory_space<hbm>> -> memref<4096xf32, #tpu.memory_space<hbm>>
    %dma_start3A_362 = arith.constant 0 : i32
    %dma_start3A_363 = tpu.memref_slice %arg7[%dma_start3A_352, %dma_start3A_362] : memref<2x4096xf32, #tpu.memory_space<vmem>> -> memref<1x4096xf32, #tpu.memory_space<vmem>>
    %dma_start3A_364 = tpu.memref_squeeze %dma_start3A_363 : memref<1x4096xf32, #tpu.memory_space<vmem>> -> memref<4096xf32, #tpu.memory_space<vmem>>
    tpu.enqueue_dma source(%dma_start3A_364 : memref<4096xf32, #tpu.memory_space<vmem>>) target(%dma_start3A_361 : memref<4096xf32, #tpu.memory_space<hbm>>) target_semaphore(%arg8 : memref<!tpu.dma_semaphore, #tpu.memory_space<semaphore_mem>>)
    %dma_wait3A_365 = arith.constant 1 : i32
    %dma_wait3A_366 = arith.constant 0 : i32
    %dma_wait3A_367 = tpu.memref_slice %arg7[%dma_wait3A_365, %dma_wait3A_366] : memref<2x4096xf32, #tpu.memory_space<vmem>> -> memref<1x4096xf32, #tpu.memory_space<vmem>>
    %dma_wait3A_368 = tpu.memref_squeeze %dma_wait3A_367 : memref<1x4096xf32, #tpu.memory_space<vmem>> -> memref<4096xf32, #tpu.memory_space<vmem>>
    %dma_wait3A_369 = arith.constant 12288 : i32
    %dma_wait3A_370 = tpu.memref_slice %arg4[%add3A_215, %dma_wait3A_369] : memref<256x16384xf32, #tpu.memory_space<hbm>> -> memref<1x4096xf32, #tpu.memory_space<hbm>>
    %dma_wait3A_371 = tpu.memref_squeeze %dma_wait3A_370 : memref<1x4096xf32, #tpu.memory_space<hbm>> -> memref<4096xf32, #tpu.memory_space<hbm>>
    %dma_wait3A_372 = arith.constant 12288 : i32
    %dma_wait3A_373 = tpu.memref_slice %arg4[%add3A_215, %dma_wait3A_372] : memref<256x16384xf32, #tpu.memory_space<hbm>> -> memref<1x4096xf32, #tpu.memory_space<hbm>>
    %dma_wait3A_374 = tpu.memref_squeeze %dma_wait3A_373 : memref<1x4096xf32, #tpu.memory_space<hbm>> -> memref<4096xf32, #tpu.memory_space<hbm>>
    %dma_wait3A_375 = arith.constant 0 : i32
    %dma_wait3A_376 = tpu.memref_slice %arg7[%dma_wait3A_365, %dma_wait3A_375] : memref<2x4096xf32, #tpu.memory_space<vmem>> -> memref<1x4096xf32, #tpu.memory_space<vmem>>
    %dma_wait3A_377 = tpu.memref_squeeze %dma_wait3A_376 : memref<1x4096xf32, #tpu.memory_space<vmem>> -> memref<4096xf32, #tpu.memory_space<vmem>>
    tpu.wait_dma2 semaphore(%arg9 : memref<!tpu.dma_semaphore, #tpu.memory_space<semaphore_mem>>) src(%dma_wait3A_377 : memref<4096xf32, #tpu.memory_space<vmem>>) dst(%dma_wait3A_374 : memref<4096xf32, #tpu.memory_space<hbm>>)
    %parallel_loop3A_378 = arith.constant 0 : i32
    %parallel_loop3A_379 = arith.constant 256 : i32
    %parallel_loop3A_380 = arith.constant 1 : i32
    scf.for %parallel_loop3A_958 = %parallel_loop3A_378 to %parallel_loop3A_379 step %parallel_loop3A_380  : i32 {
      %parallel_loop3A_959 = arith.constant 16 : i32
      %parallel_loop3A_960 = arith.muli %parallel_loop3A_958, %parallel_loop3A_959 : i32
      %parallel_loop3A_961 = arith.constant 4096 : i32
      %parallel_loop3A_962 = arith.addi %parallel_loop3A_961, %parallel_loop3A_960 : i32
      %parallel_loop3A_963 = arith.index_cast %parallel_loop3A_962 : i32 to index
      %parallel_loop3A_964 = tpu.vector_load %arg5[%parallel_loop3A_963] {strides = array<i32>} : memref<16384xi32, #tpu.memory_space<vmem>>, vector<16xi32>,
      %parallel_loop3A_965 = tpu.vector_load_idx %arg6[%parallel_loop3A_964] : memref<100000xf32, #tpu.memory_space<vmem>>[vector<16xi32>], vector<16xf32>,
      %parallel_loop3A_966 = arith.constant 16 : i32
      %parallel_loop3A_967 = arith.muli %parallel_loop3A_958, %parallel_loop3A_966 : i32
      %parallel_loop3A_968 = arith.constant 1 : i32
      %parallel_loop3A_969 = arith.index_cast %parallel_loop3A_968 : i32 to index
      %parallel_loop3A_970 = arith.index_cast %parallel_loop3A_967 : i32 to index
      %parallel_loop3A_971 = tpu.vector_load %arg7[%parallel_loop3A_969, %parallel_loop3A_970] {strides = array<i32>} : memref<2x4096xf32, #tpu.memory_space<vmem>>, vector<16xf32>,
      tpu.vector_store %arg7[%parallel_loop3A_969, %parallel_loop3A_970], %parallel_loop3A_965 {strides = array<i32>} : memref<2x4096xf32, #tpu.memory_space<vmem>>, vector<16xf32>,
    } {sc.loop_unroll_factor = 16 : i64, sc.parallel_access}
    %dma_start3A_381 = arith.constant 1 : i32
    %dma_start3A_382 = arith.constant 0 : i32
    %dma_start3A_383 = tpu.memref_slice %arg7[%dma_start3A_381, %dma_start3A_382] : memref<2x4096xf32, #tpu.memory_space<vmem>> -> memref<1x4096xf32, #tpu.memory_space<vmem>>
    %dma_start3A_384 = tpu.memref_squeeze %dma_start3A_383 : memref<1x4096xf32, #tpu.memory_space<vmem>> -> memref<4096xf32, #tpu.memory_space<vmem>>
    %dma_start3A_385 = arith.constant 4096 : i32
    %dma_start3A_386 = tpu.memref_slice %arg4[%add3A_335, %dma_start3A_385] : memref<256x16384xf32, #tpu.memory_space<hbm>> -> memref<1x4096xf32, #tpu.memory_space<hbm>>
    %dma_start3A_387 = tpu.memref_squeeze %dma_start3A_386 : memref<1x4096xf32, #tpu.memory_space<hbm>> -> memref<4096xf32, #tpu.memory_space<hbm>>
    %dma_start3A_388 = arith.constant 4096 : i32
    %dma_start3A_389 = tpu.memref_slice %arg4[%add3A_335, %dma_start3A_388] : memref<256x16384xf32, #tpu.memory_space<hbm>> -> memref<1x4096xf32, #tpu.memory_space<hbm>>
    %dma_start3A_390 = tpu.memref_squeeze %dma_start3A_389 : memref<1x4096xf32, #tpu.memory_space<hbm>> -> memref<4096xf32, #tpu.memory_space<hbm>>
    %dma_start3A_391 = arith.constant 0 : i32
    %dma_start3A_392 = tpu.memref_slice %arg7[%dma_start3A_381, %dma_start3A_391] : memref<2x4096xf32, #tpu.memory_space<vmem>> -> memref<1x4096xf32, #tpu.memory_space<vmem>>
    %dma_start3A_393 = tpu.memref_squeeze %dma_start3A_392 : memref<1x4096xf32, #tpu.memory_space<vmem>> -> memref<4096xf32, #tpu.memory_space<vmem>>
    tpu.enqueue_dma source(%dma_start3A_393 : memref<4096xf32, #tpu.memory_space<vmem>>) target(%dma_start3A_390 : memref<4096xf32, #tpu.memory_space<hbm>>) target_semaphore(%arg9 : memref<!tpu.dma_semaphore, #tpu.memory_space<semaphore_mem>>)
    %dma_wait3A_394 = arith.constant 0 : i32
    %dma_wait3A_395 = arith.constant 0 : i32
    %dma_wait3A_396 = tpu.memref_slice %arg7[%dma_wait3A_394, %dma_wait3A_395] : memref<2x4096xf32, #tpu.memory_space<vmem>> -> memref<1x4096xf32, #tpu.memory_space<vmem>>
    %dma_wait3A_397 = tpu.memref_squeeze %dma_wait3A_396 : memref<1x4096xf32, #tpu.memory_space<vmem>> -> memref<4096xf32, #tpu.memory_space<vmem>>
    %dma_wait3A_398 = arith.constant 0 : i32
    %dma_wait3A_399 = tpu.memref_slice %arg4[%add3A_335, %dma_wait3A_398] : memref<256x16384xf32, #tpu.memory_space<hbm>> -> memref<1x4096xf32, #tpu.memory_space<hbm>>
    %dma_wait3A_400 = tpu.memref_squeeze %dma_wait3A_399 : memref<1x4096xf32, #tpu.memory_space<hbm>> -> memref<4096xf32, #tpu.memory_space<hbm>>
    %dma_wait3A_401 = arith.constant 0 : i32
    %dma_wait3A_402 = tpu.memref_slice %arg4[%add3A_335, %dma_wait3A_401] : memref<256x16384xf32, #tpu.memory_space<hbm>> -> memref<1x4096xf32, #tpu.memory_space<hbm>>
    %dma_wait3A_403 = tpu.memref_squeeze %dma_wait3A_402 : memref<1x4096xf32, #tpu.memory_space<hbm>> -> memref<4096xf32, #tpu.memory_space<hbm>>
    %dma_wait3A_404 = arith.constant 0 : i32
    %dma_wait3A_405 = tpu.memref_slice %arg7[%dma_wait3A_394, %dma_wait3A_404] : memref<2x4096xf32, #tpu.memory_space<vmem>> -> memref<1x4096xf32, #tpu.memory_space<vmem>>
    %dma_wait3A_406 = tpu.memref_squeeze %dma_wait3A_405 : memref<1x4096xf32, #tpu.memory_space<vmem>> -> memref<4096xf32, #tpu.memory_space<vmem>>
    tpu.wait_dma2 semaphore(%arg8 : memref<!tpu.dma_semaphore, #tpu.memory_space<semaphore_mem>>) src(%dma_wait3A_406 : memref<4096xf32, #tpu.memory_space<vmem>>) dst(%dma_wait3A_403 : memref<4096xf32, #tpu.memory_space<hbm>>)
    %parallel_loop3A_407 = arith.constant 0 : i32
    %parallel_loop3A_408 = arith.constant 256 : i32
    %parallel_loop3A_409 = arith.constant 1 : i32
    scf.for %parallel_loop3A_958 = %parallel_loop3A_407 to %parallel_loop3A_408 step %parallel_loop3A_409  : i32 {
      %parallel_loop3A_959 = arith.constant 16 : i32
      %parallel_loop3A_960 = arith.muli %parallel_loop3A_958, %parallel_loop3A_959 : i32
      %parallel_loop3A_961 = arith.constant 8192 : i32
      %parallel_loop3A_962 = arith.addi %parallel_loop3A_961, %parallel_loop3A_960 : i32
      %parallel_loop3A_963 = arith.index_cast %parallel_loop3A_962 : i32 to index
      %parallel_loop3A_964 = tpu.vector_load %arg5[%parallel_loop3A_963] {strides = array<i32>} : memref<16384xi32, #tpu.memory_space<vmem>>, vector<16xi32>,
      %parallel_loop3A_965 = tpu.vector_load_idx %arg6[%parallel_loop3A_964] : memref<100000xf32, #tpu.memory_space<vmem>>[vector<16xi32>], vector<16xf32>,
      %parallel_loop3A_966 = arith.constant 16 : i32
      %parallel_loop3A_967 = arith.muli %parallel_loop3A_958, %parallel_loop3A_966 : i32
      %parallel_loop3A_968 = arith.constant 0 : i32
      %parallel_loop3A_969 = arith.index_cast %parallel_loop3A_968 : i32 to index
      %parallel_loop3A_970 = arith.index_cast %parallel_loop3A_967 : i32 to index
      %parallel_loop3A_971 = tpu.vector_load %arg7[%parallel_loop3A_969, %parallel_loop3A_970] {strides = array<i32>} : memref<2x4096xf32, #tpu.memory_space<vmem>>, vector<16xf32>,
      tpu.vector_store %arg7[%parallel_loop3A_969, %parallel_loop3A_970], %parallel_loop3A_965 {strides = array<i32>} : memref<2x4096xf32, #tpu.memory_space<vmem>>, vector<16xf32>,
    } {sc.loop_unroll_factor = 16 : i64, sc.parallel_access}
    %dma_start3A_410 = arith.constant 0 : i32
    %dma_start3A_411 = arith.constant 0 : i32
    %dma_start3A_412 = tpu.memref_slice %arg7[%dma_start3A_410, %dma_start3A_411] : memref<2x4096xf32, #tpu.memory_space<vmem>> -> memref<1x4096xf32, #tpu.memory_space<vmem>>
    %dma_start3A_413 = tpu.memref_squeeze %dma_start3A_412 : memref<1x4096xf32, #tpu.memory_space<vmem>> -> memref<4096xf32, #tpu.memory_space<vmem>>
    %dma_start3A_414 = arith.constant 8192 : i32
    %dma_start3A_415 = tpu.memref_slice %arg4[%add3A_335, %dma_start3A_414] : memref<256x16384xf32, #tpu.memory_space<hbm>> -> memref<1x4096xf32, #tpu.memory_space<hbm>>
    %dma_start3A_416 = tpu.memref_squeeze %dma_start3A_415 : memref<1x4096xf32, #tpu.memory_space<hbm>> -> memref<4096xf32, #tpu.memory_space<hbm>>
    %dma_start3A_417 = arith.constant 8192 : i32
    %dma_start3A_418 = tpu.memref_slice %arg4[%add3A_335, %dma_start3A_417] : memref<256x16384xf32, #tpu.memory_space<hbm>> -> memref<1x4096xf32, #tpu.memory_space<hbm>>
    %dma_start3A_419 = tpu.memref_squeeze %dma_start3A_418 : memref<1x4096xf32, #tpu.memory_space<hbm>> -> memref<4096xf32, #tpu.memory_space<hbm>>
    %dma_start3A_420 = arith.constant 0 : i32
    %dma_start3A_421 = tpu.memref_slice %arg7[%dma_start3A_410, %dma_start3A_420] : memref<2x4096xf32, #tpu.memory_space<vmem>> -> memref<1x4096xf32, #tpu.memory_space<vmem>>
    %dma_start3A_422 = tpu.memref_squeeze %dma_start3A_421 : memref<1x4096xf32, #tpu.memory_space<vmem>> -> memref<4096xf32, #tpu.memory_space<vmem>>
    tpu.enqueue_dma source(%dma_start3A_422 : memref<4096xf32, #tpu.memory_space<vmem>>) target(%dma_start3A_419 : memref<4096xf32, #tpu.memory_space<hbm>>) target_semaphore(%arg8 : memref<!tpu.dma_semaphore, #tpu.memory_space<semaphore_mem>>)
    %dma_wait3A_423 = arith.constant 1 : i32
    %dma_wait3A_424 = arith.constant 0 : i32
    %dma_wait3A_425 = tpu.memref_slice %arg7[%dma_wait3A_423, %dma_wait3A_424] : memref<2x4096xf32, #tpu.memory_space<vmem>> -> memref<1x4096xf32, #tpu.memory_space<vmem>>
    %dma_wait3A_426 = tpu.memref_squeeze %dma_wait3A_425 : memref<1x4096xf32, #tpu.memory_space<vmem>> -> memref<4096xf32, #tpu.memory_space<vmem>>
    %dma_wait3A_427 = arith.constant 4096 : i32
    %dma_wait3A_428 = tpu.memref_slice %arg4[%add3A_335, %dma_wait3A_427] : memref<256x16384xf32, #tpu.memory_space<hbm>> -> memref<1x4096xf32, #tpu.memory_space<hbm>>
    %dma_wait3A_429 = tpu.memref_squeeze %dma_wait3A_428 : memref<1x4096xf32, #tpu.memory_space<hbm>> -> memref<4096xf32, #tpu.memory_space<hbm>>
    %dma_wait3A_430 = arith.constant 4096 : i32
    %dma_wait3A_431 = tpu.memref_slice %arg4[%add3A_335, %dma_wait3A_430] : memref<256x16384xf32, #tpu.memory_space<hbm>> -> memref<1x4096xf32, #tpu.memory_space<hbm>>
    %dma_wait3A_432 = tpu.memref_squeeze %dma_wait3A_431 : memref<1x4096xf32, #tpu.memory_space<hbm>> -> memref<4096xf32, #tpu.memory_space<hbm>>
    %dma_wait3A_433 = arith.constant 0 : i32
    %dma_wait3A_434 = tpu.memref_slice %arg7[%dma_wait3A_423, %dma_wait3A_433] : memref<2x4096xf32, #tpu.memory_space<vmem>> -> memref<1x4096xf32, #tpu.memory_space<vmem>>
    %dma_wait3A_435 = tpu.memref_squeeze %dma_wait3A_434 : memref<1x4096xf32, #tpu.memory_space<vmem>> -> memref<4096xf32, #tpu.memory_space<vmem>>
    tpu.wait_dma2 semaphore(%arg9 : memref<!tpu.dma_semaphore, #tpu.memory_space<semaphore_mem>>) src(%dma_wait3A_435 : memref<4096xf32, #tpu.memory_space<vmem>>) dst(%dma_wait3A_432 : memref<4096xf32, #tpu.memory_space<hbm>>)
    %parallel_loop3A_436 = arith.constant 0 : i32
    %parallel_loop3A_437 = arith.constant 256 : i32
    %parallel_loop3A_438 = arith.constant 1 : i32
    scf.for %parallel_loop3A_958 = %parallel_loop3A_436 to %parallel_loop3A_437 step %parallel_loop3A_438  : i32 {
      %parallel_loop3A_959 = arith.constant 16 : i32
      %parallel_loop3A_960 = arith.muli %parallel_loop3A_958, %parallel_loop3A_959 : i32
      %parallel_loop3A_961 = arith.constant 12288 : i32
      %parallel_loop3A_962 = arith.addi %parallel_loop3A_961, %parallel_loop3A_960 : i32
      %parallel_loop3A_963 = arith.index_cast %parallel_loop3A_962 : i32 to index
      %parallel_loop3A_964 = tpu.vector_load %arg5[%parallel_loop3A_963] {strides = array<i32>} : memref<16384xi32, #tpu.memory_space<vmem>>, vector<16xi32>,
      %parallel_loop3A_965 = tpu.vector_load_idx %arg6[%parallel_loop3A_964] : memref<100000xf32, #tpu.memory_space<vmem>>[vector<16xi32>], vector<16xf32>,
      %parallel_loop3A_966 = arith.constant 16 : i32
      %parallel_loop3A_967 = arith.muli %parallel_loop3A_958, %parallel_loop3A_966 : i32
      %parallel_loop3A_968 = arith.constant 1 : i32
      %parallel_loop3A_969 = arith.index_cast %parallel_loop3A_968 : i32 to index
      %parallel_loop3A_970 = arith.index_cast %parallel_loop3A_967 : i32 to index
      %parallel_loop3A_971 = tpu.vector_load %arg7[%parallel_loop3A_969, %parallel_loop3A_970] {strides = array<i32>} : memref<2x4096xf32, #tpu.memory_space<vmem>>, vector<16xf32>,
      tpu.vector_store %arg7[%parallel_loop3A_969, %parallel_loop3A_970], %parallel_loop3A_965 {strides = array<i32>} : memref<2x4096xf32, #tpu.memory_space<vmem>>, vector<16xf32>,
    } {sc.loop_unroll_factor = 16 : i64, sc.parallel_access}
    %dma_start3A_439 = arith.constant 1 : i32
    %dma_start3A_440 = arith.constant 0 : i32
    %dma_start3A_441 = tpu.memref_slice %arg7[%dma_start3A_439, %dma_start3A_440] : memref<2x4096xf32, #tpu.memory_space<vmem>> -> memref<1x4096xf32, #tpu.memory_space<vmem>>
    %dma_start3A_442 = tpu.memref_squeeze %dma_start3A_441 : memref<1x4096xf32, #tpu.memory_space<vmem>> -> memref<4096xf32, #tpu.memory_space<vmem>>
    %dma_start3A_443 = arith.constant 12288 : i32
    %dma_start3A_444 = tpu.memref_slice %arg4[%add3A_335, %dma_start3A_443] : memref<256x16384xf32, #tpu.memory_space<hbm>> -> memref<1x4096xf32, #tpu.memory_space<hbm>>
    %dma_start3A_445 = tpu.memref_squeeze %dma_start3A_444 : memref<1x4096xf32, #tpu.memory_space<hbm>> -> memref<4096xf32, #tpu.memory_space<hbm>>
    %dma_start3A_446 = arith.constant 12288 : i32
    %dma_start3A_447 = tpu.memref_slice %arg4[%add3A_335, %dma_start3A_446] : memref<256x16384xf32, #tpu.memory_space<hbm>> -> memref<1x4096xf32, #tpu.memory_space<hbm>>
    %dma_start3A_448 = tpu.memref_squeeze %dma_start3A_447 : memref<1x4096xf32, #tpu.memory_space<hbm>> -> memref<4096xf32, #tpu.memory_space<hbm>>
    %dma_start3A_449 = arith.constant 0 : i32
    %dma_start3A_450 = tpu.memref_slice %arg7[%dma_start3A_439, %dma_start3A_449] : memref<2x4096xf32, #tpu.memory_space<vmem>> -> memref<1x4096xf32, #tpu.memory_space<vmem>>
    %dma_start3A_451 = tpu.memref_squeeze %dma_start3A_450 : memref<1x4096xf32, #tpu.memory_space<vmem>> -> memref<4096xf32, #tpu.memory_space<vmem>>
    tpu.enqueue_dma source(%dma_start3A_451 : memref<4096xf32, #tpu.memory_space<vmem>>) target(%dma_start3A_448 : memref<4096xf32, #tpu.memory_space<hbm>>) target_semaphore(%arg9 : memref<!tpu.dma_semaphore, #tpu.memory_space<semaphore_mem>>)
    %mul3A_452 = arith.constant 8 : i32
    %mul3A_453 = arith.muli %add3A, %mul3A_452 : i32
    %add3A_454 = arith.constant 4 : i32
    %add3A_455 = arith.addi %mul3A_453, %add3A_454 : i32
    "tpu.region"() ({
      %run_scoped3A = tpu.sem_alloc : memref<!tpu.dma_semaphore, #tpu.memory_space<semaphore_mem>>
      %dma_start3A_958 = arith.constant 0 : i32
      %dma_start3A_959 = tpu.memref_slice %arg2[%add3A_455, %dma_start3A_958] : memref<256x100000xf32, #tpu.memory_space<hbm>> -> memref<1x100000xf32, #tpu.memory_space<hbm>>
      %dma_start3A_960 = tpu.memref_squeeze %dma_start3A_959 : memref<1x100000xf32, #tpu.memory_space<hbm>> -> memref<100000xf32, #tpu.memory_space<hbm>>
      %dma_start3A_961 = arith.constant 0 : i32
      %dma_start3A_962 = tpu.memref_slice %arg2[%add3A_455, %dma_start3A_961] : memref<256x100000xf32, #tpu.memory_space<hbm>> -> memref<1x100000xf32, #tpu.memory_space<hbm>>
      %dma_start3A_963 = tpu.memref_squeeze %dma_start3A_962 : memref<1x100000xf32, #tpu.memory_space<hbm>> -> memref<100000xf32, #tpu.memory_space<hbm>>
      tpu.enqueue_dma source(%dma_start3A_963 : memref<100000xf32, #tpu.memory_space<hbm>>) target(%arg6 : memref<100000xf32, #tpu.memory_space<vmem>>) target_semaphore(%run_scoped3A : memref<!tpu.dma_semaphore, #tpu.memory_space<semaphore_mem>>)
      %dma_wait3A_964 = arith.constant 0 : i32
      %dma_wait3A_965 = tpu.memref_slice %arg2[%add3A_455, %dma_wait3A_964] : memref<256x100000xf32, #tpu.memory_space<hbm>> -> memref<1x100000xf32, #tpu.memory_space<hbm>>
      %dma_wait3A_966 = tpu.memref_squeeze %dma_wait3A_965 : memref<1x100000xf32, #tpu.memory_space<hbm>> -> memref<100000xf32, #tpu.memory_space<hbm>>
      %dma_wait3A_967 = arith.constant 0 : i32
      %dma_wait3A_968 = tpu.memref_slice %arg2[%add3A_455, %dma_wait3A_967] : memref<256x100000xf32, #tpu.memory_space<hbm>> -> memref<1x100000xf32, #tpu.memory_space<hbm>>
      %dma_wait3A_969 = tpu.memref_squeeze %dma_wait3A_968 : memref<1x100000xf32, #tpu.memory_space<hbm>> -> memref<100000xf32, #tpu.memory_space<hbm>>
      tpu.wait_dma2 semaphore(%run_scoped3A : memref<!tpu.dma_semaphore, #tpu.memory_space<semaphore_mem>>) src(%dma_wait3A_969 : memref<100000xf32, #tpu.memory_space<hbm>>) dst(%arg6 : memref<100000xf32, #tpu.memory_space<vmem>>)
      tpu.yield
    }) : () -> ()
    %dma_wait3A_456 = arith.constant 0 : i32
    %dma_wait3A_457 = arith.constant 0 : i32
    %dma_wait3A_458 = tpu.memref_slice %arg7[%dma_wait3A_456, %dma_wait3A_457] : memref<2x4096xf32, #tpu.memory_space<vmem>> -> memref<1x4096xf32, #tpu.memory_space<vmem>>
    %dma_wait3A_459 = tpu.memref_squeeze %dma_wait3A_458 : memref<1x4096xf32, #tpu.memory_space<vmem>> -> memref<4096xf32, #tpu.memory_space<vmem>>
    %dma_wait3A_460 = arith.constant 8192 : i32
    %dma_wait3A_461 = tpu.memref_slice %arg4[%add3A_335, %dma_wait3A_460] : memref<256x16384xf32, #tpu.memory_space<hbm>> -> memref<1x4096xf32, #tpu.memory_space<hbm>>
    %dma_wait3A_462 = tpu.memref_squeeze %dma_wait3A_461 : memref<1x4096xf32, #tpu.memory_space<hbm>> -> memref<4096xf32, #tpu.memory_space<hbm>>
    %dma_wait3A_463 = arith.constant 8192 : i32
    %dma_wait3A_464 = tpu.memref_slice %arg4[%add3A_335, %dma_wait3A_463] : memref<256x16384xf32, #tpu.memory_space<hbm>> -> memref<1x4096xf32, #tpu.memory_space<hbm>>
    %dma_wait3A_465 = tpu.memref_squeeze %dma_wait3A_464 : memref<1x4096xf32, #tpu.memory_space<hbm>> -> memref<4096xf32, #tpu.memory_space<hbm>>
    %dma_wait3A_466 = arith.constant 0 : i32
    %dma_wait3A_467 = tpu.memref_slice %arg7[%dma_wait3A_456, %dma_wait3A_466] : memref<2x4096xf32, #tpu.memory_space<vmem>> -> memref<1x4096xf32, #tpu.memory_space<vmem>>
    %dma_wait3A_468 = tpu.memref_squeeze %dma_wait3A_467 : memref<1x4096xf32, #tpu.memory_space<vmem>> -> memref<4096xf32, #tpu.memory_space<vmem>>
    tpu.wait_dma2 semaphore(%arg8 : memref<!tpu.dma_semaphore, #tpu.memory_space<semaphore_mem>>) src(%dma_wait3A_468 : memref<4096xf32, #tpu.memory_space<vmem>>) dst(%dma_wait3A_465 : memref<4096xf32, #tpu.memory_space<hbm>>)
    %parallel_loop3A_469 = arith.constant 0 : i32
    %parallel_loop3A_470 = arith.constant 256 : i32
    %parallel_loop3A_471 = arith.constant 1 : i32
    scf.for %parallel_loop3A_958 = %parallel_loop3A_469 to %parallel_loop3A_470 step %parallel_loop3A_471  : i32 {
      %parallel_loop3A_959 = arith.constant 16 : i32
      %parallel_loop3A_960 = arith.muli %parallel_loop3A_958, %parallel_loop3A_959 : i32
      %parallel_loop3A_961 = arith.constant 0 : i32
      %parallel_loop3A_962 = arith.addi %parallel_loop3A_961, %parallel_loop3A_960 : i32
      %parallel_loop3A_963 = arith.index_cast %parallel_loop3A_962 : i32 to index
      %parallel_loop3A_964 = tpu.vector_load %arg5[%parallel_loop3A_963] {strides = array<i32>} : memref<16384xi32, #tpu.memory_space<vmem>>, vector<16xi32>,
      %parallel_loop3A_965 = tpu.vector_load_idx %arg6[%parallel_loop3A_964] : memref<100000xf32, #tpu.memory_space<vmem>>[vector<16xi32>], vector<16xf32>,
      %parallel_loop3A_966 = arith.constant 16 : i32
      %parallel_loop3A_967 = arith.muli %parallel_loop3A_958, %parallel_loop3A_966 : i32
      %parallel_loop3A_968 = arith.constant 0 : i32
      %parallel_loop3A_969 = arith.index_cast %parallel_loop3A_968 : i32 to index
      %parallel_loop3A_970 = arith.index_cast %parallel_loop3A_967 : i32 to index
      %parallel_loop3A_971 = tpu.vector_load %arg7[%parallel_loop3A_969, %parallel_loop3A_970] {strides = array<i32>} : memref<2x4096xf32, #tpu.memory_space<vmem>>, vector<16xf32>,
      tpu.vector_store %arg7[%parallel_loop3A_969, %parallel_loop3A_970], %parallel_loop3A_965 {strides = array<i32>} : memref<2x4096xf32, #tpu.memory_space<vmem>>, vector<16xf32>,
    } {sc.loop_unroll_factor = 16 : i64, sc.parallel_access}
    %dma_start3A_472 = arith.constant 0 : i32
    %dma_start3A_473 = arith.constant 0 : i32
    %dma_start3A_474 = tpu.memref_slice %arg7[%dma_start3A_472, %dma_start3A_473] : memref<2x4096xf32, #tpu.memory_space<vmem>> -> memref<1x4096xf32, #tpu.memory_space<vmem>>
    %dma_start3A_475 = tpu.memref_squeeze %dma_start3A_474 : memref<1x4096xf32, #tpu.memory_space<vmem>> -> memref<4096xf32, #tpu.memory_space<vmem>>
    %dma_start3A_476 = arith.constant 0 : i32
    %dma_start3A_477 = tpu.memref_slice %arg4[%add3A_455, %dma_start3A_476] : memref<256x16384xf32, #tpu.memory_space<hbm>> -> memref<1x4096xf32, #tpu.memory_space<hbm>>
    %dma_start3A_478 = tpu.memref_squeeze %dma_start3A_477 : memref<1x4096xf32, #tpu.memory_space<hbm>> -> memref<4096xf32, #tpu.memory_space<hbm>>
    %dma_start3A_479 = arith.constant 0 : i32
    %dma_start3A_480 = tpu.memref_slice %arg4[%add3A_455, %dma_start3A_479] : memref<256x16384xf32, #tpu.memory_space<hbm>> -> memref<1x4096xf32, #tpu.memory_space<hbm>>
    %dma_start3A_481 = tpu.memref_squeeze %dma_start3A_480 : memref<1x4096xf32, #tpu.memory_space<hbm>> -> memref<4096xf32, #tpu.memory_space<hbm>>
    %dma_start3A_482 = arith.constant 0 : i32
    %dma_start3A_483 = tpu.memref_slice %arg7[%dma_start3A_472, %dma_start3A_482] : memref<2x4096xf32, #tpu.memory_space<vmem>> -> memref<1x4096xf32, #tpu.memory_space<vmem>>
    %dma_start3A_484 = tpu.memref_squeeze %dma_start3A_483 : memref<1x4096xf32, #tpu.memory_space<vmem>> -> memref<4096xf32, #tpu.memory_space<vmem>>
    tpu.enqueue_dma source(%dma_start3A_484 : memref<4096xf32, #tpu.memory_space<vmem>>) target(%dma_start3A_481 : memref<4096xf32, #tpu.memory_space<hbm>>) target_semaphore(%arg8 : memref<!tpu.dma_semaphore, #tpu.memory_space<semaphore_mem>>)
    %dma_wait3A_485 = arith.constant 1 : i32
    %dma_wait3A_486 = arith.constant 0 : i32
    %dma_wait3A_487 = tpu.memref_slice %arg7[%dma_wait3A_485, %dma_wait3A_486] : memref<2x4096xf32, #tpu.memory_space<vmem>> -> memref<1x4096xf32, #tpu.memory_space<vmem>>
    %dma_wait3A_488 = tpu.memref_squeeze %dma_wait3A_487 : memref<1x4096xf32, #tpu.memory_space<vmem>> -> memref<4096xf32, #tpu.memory_space<vmem>>
    %dma_wait3A_489 = arith.constant 12288 : i32
    %dma_wait3A_490 = tpu.memref_slice %arg4[%add3A_335, %dma_wait3A_489] : memref<256x16384xf32, #tpu.memory_space<hbm>> -> memref<1x4096xf32, #tpu.memory_space<hbm>>
    %dma_wait3A_491 = tpu.memref_squeeze %dma_wait3A_490 : memref<1x4096xf32, #tpu.memory_space<hbm>> -> memref<4096xf32, #tpu.memory_space<hbm>>
    %dma_wait3A_492 = arith.constant 12288 : i32
    %dma_wait3A_493 = tpu.memref_slice %arg4[%add3A_335, %dma_wait3A_492] : memref<256x16384xf32, #tpu.memory_space<hbm>> -> memref<1x4096xf32, #tpu.memory_space<hbm>>
    %dma_wait3A_494 = tpu.memref_squeeze %dma_wait3A_493 : memref<1x4096xf32, #tpu.memory_space<hbm>> -> memref<4096xf32, #tpu.memory_space<hbm>>
    %dma_wait3A_495 = arith.constant 0 : i32
    %dma_wait3A_496 = tpu.memref_slice %arg7[%dma_wait3A_485, %dma_wait3A_495] : memref<2x4096xf32, #tpu.memory_space<vmem>> -> memref<1x4096xf32, #tpu.memory_space<vmem>>
    %dma_wait3A_497 = tpu.memref_squeeze %dma_wait3A_496 : memref<1x4096xf32, #tpu.memory_space<vmem>> -> memref<4096xf32, #tpu.memory_space<vmem>>
    tpu.wait_dma2 semaphore(%arg9 : memref<!tpu.dma_semaphore, #tpu.memory_space<semaphore_mem>>) src(%dma_wait3A_497 : memref<4096xf32, #tpu.memory_space<vmem>>) dst(%dma_wait3A_494 : memref<4096xf32, #tpu.memory_space<hbm>>)
    %parallel_loop3A_498 = arith.constant 0 : i32
    %parallel_loop3A_499 = arith.constant 256 : i32
    %parallel_loop3A_500 = arith.constant 1 : i32
    scf.for %parallel_loop3A_958 = %parallel_loop3A_498 to %parallel_loop3A_499 step %parallel_loop3A_500  : i32 {
      %parallel_loop3A_959 = arith.constant 16 : i32
      %parallel_loop3A_960 = arith.muli %parallel_loop3A_958, %parallel_loop3A_959 : i32
      %parallel_loop3A_961 = arith.constant 4096 : i32
      %parallel_loop3A_962 = arith.addi %parallel_loop3A_961, %parallel_loop3A_960 : i32
      %parallel_loop3A_963 = arith.index_cast %parallel_loop3A_962 : i32 to index
      %parallel_loop3A_964 = tpu.vector_load %arg5[%parallel_loop3A_963] {strides = array<i32>} : memref<16384xi32, #tpu.memory_space<vmem>>, vector<16xi32>,
      %parallel_loop3A_965 = tpu.vector_load_idx %arg6[%parallel_loop3A_964] : memref<100000xf32, #tpu.memory_space<vmem>>[vector<16xi32>], vector<16xf32>,
      %parallel_loop3A_966 = arith.constant 16 : i32
      %parallel_loop3A_967 = arith.muli %parallel_loop3A_958, %parallel_loop3A_966 : i32
      %parallel_loop3A_968 = arith.constant 1 : i32
      %parallel_loop3A_969 = arith.index_cast %parallel_loop3A_968 : i32 to index
      %parallel_loop3A_970 = arith.index_cast %parallel_loop3A_967 : i32 to index
      %parallel_loop3A_971 = tpu.vector_load %arg7[%parallel_loop3A_969, %parallel_loop3A_970] {strides = array<i32>} : memref<2x4096xf32, #tpu.memory_space<vmem>>, vector<16xf32>,
      tpu.vector_store %arg7[%parallel_loop3A_969, %parallel_loop3A_970], %parallel_loop3A_965 {strides = array<i32>} : memref<2x4096xf32, #tpu.memory_space<vmem>>, vector<16xf32>,
    } {sc.loop_unroll_factor = 16 : i64, sc.parallel_access}
    %dma_start3A_501 = arith.constant 1 : i32
    %dma_start3A_502 = arith.constant 0 : i32
    %dma_start3A_503 = tpu.memref_slice %arg7[%dma_start3A_501, %dma_start3A_502] : memref<2x4096xf32, #tpu.memory_space<vmem>> -> memref<1x4096xf32, #tpu.memory_space<vmem>>
    %dma_start3A_504 = tpu.memref_squeeze %dma_start3A_503 : memref<1x4096xf32, #tpu.memory_space<vmem>> -> memref<4096xf32, #tpu.memory_space<vmem>>
    %dma_start3A_505 = arith.constant 4096 : i32
    %dma_start3A_506 = tpu.memref_slice %arg4[%add3A_455, %dma_start3A_505] : memref<256x16384xf32, #tpu.memory_space<hbm>> -> memref<1x4096xf32, #tpu.memory_space<hbm>>
    %dma_start3A_507 = tpu.memref_squeeze %dma_start3A_506 : memref<1x4096xf32, #tpu.memory_space<hbm>> -> memref<4096xf32, #tpu.memory_space<hbm>>
    %dma_start3A_508 = arith.constant 4096 : i32
    %dma_start3A_509 = tpu.memref_slice %arg4[%add3A_455, %dma_start3A_508] : memref<256x16384xf32, #tpu.memory_space<hbm>> -> memref<1x4096xf32, #tpu.memory_space<hbm>>
    %dma_start3A_510 = tpu.memref_squeeze %dma_start3A_509 : memref<1x4096xf32, #tpu.memory_space<hbm>> -> memref<4096xf32, #tpu.memory_space<hbm>>
    %dma_start3A_511 = arith.constant 0 : i32
    %dma_start3A_512 = tpu.memref_slice %arg7[%dma_start3A_501, %dma_start3A_511] : memref<2x4096xf32, #tpu.memory_space<vmem>> -> memref<1x4096xf32, #tpu.memory_space<vmem>>
    %dma_start3A_513 = tpu.memref_squeeze %dma_start3A_512 : memref<1x4096xf32, #tpu.memory_space<vmem>> -> memref<4096xf32, #tpu.memory_space<vmem>>
    tpu.enqueue_dma source(%dma_start3A_513 : memref<4096xf32, #tpu.memory_space<vmem>>) target(%dma_start3A_510 : memref<4096xf32, #tpu.memory_space<hbm>>) target_semaphore(%arg9 : memref<!tpu.dma_semaphore, #tpu.memory_space<semaphore_mem>>)
    %dma_wait3A_514 = arith.constant 0 : i32
    %dma_wait3A_515 = arith.constant 0 : i32
    %dma_wait3A_516 = tpu.memref_slice %arg7[%dma_wait3A_514, %dma_wait3A_515] : memref<2x4096xf32, #tpu.memory_space<vmem>> -> memref<1x4096xf32, #tpu.memory_space<vmem>>
    %dma_wait3A_517 = tpu.memref_squeeze %dma_wait3A_516 : memref<1x4096xf32, #tpu.memory_space<vmem>> -> memref<4096xf32, #tpu.memory_space<vmem>>
    %dma_wait3A_518 = arith.constant 0 : i32
    %dma_wait3A_519 = tpu.memref_slice %arg4[%add3A_455, %dma_wait3A_518] : memref<256x16384xf32, #tpu.memory_space<hbm>> -> memref<1x4096xf32, #tpu.memory_space<hbm>>
    %dma_wait3A_520 = tpu.memref_squeeze %dma_wait3A_519 : memref<1x4096xf32, #tpu.memory_space<hbm>> -> memref<4096xf32, #tpu.memory_space<hbm>>
    %dma_wait3A_521 = arith.constant 0 : i32
    %dma_wait3A_522 = tpu.memref_slice %arg4[%add3A_455, %dma_wait3A_521] : memref<256x16384xf32, #tpu.memory_space<hbm>> -> memref<1x4096xf32, #tpu.memory_space<hbm>>
    %dma_wait3A_523 = tpu.memref_squeeze %dma_wait3A_522 : memref<1x4096xf32, #tpu.memory_space<hbm>> -> memref<4096xf32, #tpu.memory_space<hbm>>
    %dma_wait3A_524 = arith.constant 0 : i32
    %dma_wait3A_525 = tpu.memref_slice %arg7[%dma_wait3A_514, %dma_wait3A_524] : memref<2x4096xf32, #tpu.memory_space<vmem>> -> memref<1x4096xf32, #tpu.memory_space<vmem>>
    %dma_wait3A_526 = tpu.memref_squeeze %dma_wait3A_525 : memref<1x4096xf32, #tpu.memory_space<vmem>> -> memref<4096xf32, #tpu.memory_space<vmem>>
    tpu.wait_dma2 semaphore(%arg8 : memref<!tpu.dma_semaphore, #tpu.memory_space<semaphore_mem>>) src(%dma_wait3A_526 : memref<4096xf32, #tpu.memory_space<vmem>>) dst(%dma_wait3A_523 : memref<4096xf32, #tpu.memory_space<hbm>>)
    %parallel_loop3A_527 = arith.constant 0 : i32
    %parallel_loop3A_528 = arith.constant 256 : i32
    %parallel_loop3A_529 = arith.constant 1 : i32
    scf.for %parallel_loop3A_958 = %parallel_loop3A_527 to %parallel_loop3A_528 step %parallel_loop3A_529  : i32 {
      %parallel_loop3A_959 = arith.constant 16 : i32
      %parallel_loop3A_960 = arith.muli %parallel_loop3A_958, %parallel_loop3A_959 : i32
      %parallel_loop3A_961 = arith.constant 8192 : i32
      %parallel_loop3A_962 = arith.addi %parallel_loop3A_961, %parallel_loop3A_960 : i32
      %parallel_loop3A_963 = arith.index_cast %parallel_loop3A_962 : i32 to index
      %parallel_loop3A_964 = tpu.vector_load %arg5[%parallel_loop3A_963] {strides = array<i32>} : memref<16384xi32, #tpu.memory_space<vmem>>, vector<16xi32>,
      %parallel_loop3A_965 = tpu.vector_load_idx %arg6[%parallel_loop3A_964] : memref<100000xf32, #tpu.memory_space<vmem>>[vector<16xi32>], vector<16xf32>,
      %parallel_loop3A_966 = arith.constant 16 : i32
      %parallel_loop3A_967 = arith.muli %parallel_loop3A_958, %parallel_loop3A_966 : i32
      %parallel_loop3A_968 = arith.constant 0 : i32
      %parallel_loop3A_969 = arith.index_cast %parallel_loop3A_968 : i32 to index
      %parallel_loop3A_970 = arith.index_cast %parallel_loop3A_967 : i32 to index
      %parallel_loop3A_971 = tpu.vector_load %arg7[%parallel_loop3A_969, %parallel_loop3A_970] {strides = array<i32>} : memref<2x4096xf32, #tpu.memory_space<vmem>>, vector<16xf32>,
      tpu.vector_store %arg7[%parallel_loop3A_969, %parallel_loop3A_970], %parallel_loop3A_965 {strides = array<i32>} : memref<2x4096xf32, #tpu.memory_space<vmem>>, vector<16xf32>,
    } {sc.loop_unroll_factor = 16 : i64, sc.parallel_access}
    %dma_start3A_530 = arith.constant 0 : i32
    %dma_start3A_531 = arith.constant 0 : i32
    %dma_start3A_532 = tpu.memref_slice %arg7[%dma_start3A_530, %dma_start3A_531] : memref<2x4096xf32, #tpu.memory_space<vmem>> -> memref<1x4096xf32, #tpu.memory_space<vmem>>
    %dma_start3A_533 = tpu.memref_squeeze %dma_start3A_532 : memref<1x4096xf32, #tpu.memory_space<vmem>> -> memref<4096xf32, #tpu.memory_space<vmem>>
    %dma_start3A_534 = arith.constant 8192 : i32
    %dma_start3A_535 = tpu.memref_slice %arg4[%add3A_455, %dma_start3A_534] : memref<256x16384xf32, #tpu.memory_space<hbm>> -> memref<1x4096xf32, #tpu.memory_space<hbm>>
    %dma_start3A_536 = tpu.memref_squeeze %dma_start3A_535 : memref<1x4096xf32, #tpu.memory_space<hbm>> -> memref<4096xf32, #tpu.memory_space<hbm>>
    %dma_start3A_537 = arith.constant 8192 : i32
    %dma_start3A_538 = tpu.memref_slice %arg4[%add3A_455, %dma_start3A_537] : memref<256x16384xf32, #tpu.memory_space<hbm>> -> memref<1x4096xf32, #tpu.memory_space<hbm>>
    %dma_start3A_539 = tpu.memref_squeeze %dma_start3A_538 : memref<1x4096xf32, #tpu.memory_space<hbm>> -> memref<4096xf32, #tpu.memory_space<hbm>>
    %dma_start3A_540 = arith.constant 0 : i32
    %dma_start3A_541 = tpu.memref_slice %arg7[%dma_start3A_530, %dma_start3A_540] : memref<2x4096xf32, #tpu.memory_space<vmem>> -> memref<1x4096xf32, #tpu.memory_space<vmem>>
    %dma_start3A_542 = tpu.memref_squeeze %dma_start3A_541 : memref<1x4096xf32, #tpu.memory_space<vmem>> -> memref<4096xf32, #tpu.memory_space<vmem>>
    tpu.enqueue_dma source(%dma_start3A_542 : memref<4096xf32, #tpu.memory_space<vmem>>) target(%dma_start3A_539 : memref<4096xf32, #tpu.memory_space<hbm>>) target_semaphore(%arg8 : memref<!tpu.dma_semaphore, #tpu.memory_space<semaphore_mem>>)
    %dma_wait3A_543 = arith.constant 1 : i32
    %dma_wait3A_544 = arith.constant 0 : i32
    %dma_wait3A_545 = tpu.memref_slice %arg7[%dma_wait3A_543, %dma_wait3A_544] : memref<2x4096xf32, #tpu.memory_space<vmem>> -> memref<1x4096xf32, #tpu.memory_space<vmem>>
    %dma_wait3A_546 = tpu.memref_squeeze %dma_wait3A_545 : memref<1x4096xf32, #tpu.memory_space<vmem>> -> memref<4096xf32, #tpu.memory_space<vmem>>
    %dma_wait3A_547 = arith.constant 4096 : i32
    %dma_wait3A_548 = tpu.memref_slice %arg4[%add3A_455, %dma_wait3A_547] : memref<256x16384xf32, #tpu.memory_space<hbm>> -> memref<1x4096xf32, #tpu.memory_space<hbm>>
    %dma_wait3A_549 = tpu.memref_squeeze %dma_wait3A_548 : memref<1x4096xf32, #tpu.memory_space<hbm>> -> memref<4096xf32, #tpu.memory_space<hbm>>
    %dma_wait3A_550 = arith.constant 4096 : i32
    %dma_wait3A_551 = tpu.memref_slice %arg4[%add3A_455, %dma_wait3A_550] : memref<256x16384xf32, #tpu.memory_space<hbm>> -> memref<1x4096xf32, #tpu.memory_space<hbm>>
    %dma_wait3A_552 = tpu.memref_squeeze %dma_wait3A_551 : memref<1x4096xf32, #tpu.memory_space<hbm>> -> memref<4096xf32, #tpu.memory_space<hbm>>
    %dma_wait3A_553 = arith.constant 0 : i32
    %dma_wait3A_554 = tpu.memref_slice %arg7[%dma_wait3A_543, %dma_wait3A_553] : memref<2x4096xf32, #tpu.memory_space<vmem>> -> memref<1x4096xf32, #tpu.memory_space<vmem>>
    %dma_wait3A_555 = tpu.memref_squeeze %dma_wait3A_554 : memref<1x4096xf32, #tpu.memory_space<vmem>> -> memref<4096xf32, #tpu.memory_space<vmem>>
    tpu.wait_dma2 semaphore(%arg9 : memref<!tpu.dma_semaphore, #tpu.memory_space<semaphore_mem>>) src(%dma_wait3A_555 : memref<4096xf32, #tpu.memory_space<vmem>>) dst(%dma_wait3A_552 : memref<4096xf32, #tpu.memory_space<hbm>>)
    %parallel_loop3A_556 = arith.constant 0 : i32
    %parallel_loop3A_557 = arith.constant 256 : i32
    %parallel_loop3A_558 = arith.constant 1 : i32
    scf.for %parallel_loop3A_958 = %parallel_loop3A_556 to %parallel_loop3A_557 step %parallel_loop3A_558  : i32 {
      %parallel_loop3A_959 = arith.constant 16 : i32
      %parallel_loop3A_960 = arith.muli %parallel_loop3A_958, %parallel_loop3A_959 : i32
      %parallel_loop3A_961 = arith.constant 12288 : i32
      %parallel_loop3A_962 = arith.addi %parallel_loop3A_961, %parallel_loop3A_960 : i32
      %parallel_loop3A_963 = arith.index_cast %parallel_loop3A_962 : i32 to index
      %parallel_loop3A_964 = tpu.vector_load %arg5[%parallel_loop3A_963] {strides = array<i32>} : memref<16384xi32, #tpu.memory_space<vmem>>, vector<16xi32>,
      %parallel_loop3A_965 = tpu.vector_load_idx %arg6[%parallel_loop3A_964] : memref<100000xf32, #tpu.memory_space<vmem>>[vector<16xi32>], vector<16xf32>,
      %parallel_loop3A_966 = arith.constant 16 : i32
      %parallel_loop3A_967 = arith.muli %parallel_loop3A_958, %parallel_loop3A_966 : i32
      %parallel_loop3A_968 = arith.constant 1 : i32
      %parallel_loop3A_969 = arith.index_cast %parallel_loop3A_968 : i32 to index
      %parallel_loop3A_970 = arith.index_cast %parallel_loop3A_967 : i32 to index
      %parallel_loop3A_971 = tpu.vector_load %arg7[%parallel_loop3A_969, %parallel_loop3A_970] {strides = array<i32>} : memref<2x4096xf32, #tpu.memory_space<vmem>>, vector<16xf32>,
      tpu.vector_store %arg7[%parallel_loop3A_969, %parallel_loop3A_970], %parallel_loop3A_965 {strides = array<i32>} : memref<2x4096xf32, #tpu.memory_space<vmem>>, vector<16xf32>,
    } {sc.loop_unroll_factor = 16 : i64, sc.parallel_access}
    %dma_start3A_559 = arith.constant 1 : i32
    %dma_start3A_560 = arith.constant 0 : i32
    %dma_start3A_561 = tpu.memref_slice %arg7[%dma_start3A_559, %dma_start3A_560] : memref<2x4096xf32, #tpu.memory_space<vmem>> -> memref<1x4096xf32, #tpu.memory_space<vmem>>
    %dma_start3A_562 = tpu.memref_squeeze %dma_start3A_561 : memref<1x4096xf32, #tpu.memory_space<vmem>> -> memref<4096xf32, #tpu.memory_space<vmem>>
    %dma_start3A_563 = arith.constant 12288 : i32
    %dma_start3A_564 = tpu.memref_slice %arg4[%add3A_455, %dma_start3A_563] : memref<256x16384xf32, #tpu.memory_space<hbm>> -> memref<1x4096xf32, #tpu.memory_space<hbm>>
    %dma_start3A_565 = tpu.memref_squeeze %dma_start3A_564 : memref<1x4096xf32, #tpu.memory_space<hbm>> -> memref<4096xf32, #tpu.memory_space<hbm>>
    %dma_start3A_566 = arith.constant 12288 : i32
    %dma_start3A_567 = tpu.memref_slice %arg4[%add3A_455, %dma_start3A_566] : memref<256x16384xf32, #tpu.memory_space<hbm>> -> memref<1x4096xf32, #tpu.memory_space<hbm>>
    %dma_start3A_568 = tpu.memref_squeeze %dma_start3A_567 : memref<1x4096xf32, #tpu.memory_space<hbm>> -> memref<4096xf32, #tpu.memory_space<hbm>>
    %dma_start3A_569 = arith.constant 0 : i32
    %dma_start3A_570 = tpu.memref_slice %arg7[%dma_start3A_559, %dma_start3A_569] : memref<2x4096xf32, #tpu.memory_space<vmem>> -> memref<1x4096xf32, #tpu.memory_space<vmem>>
    %dma_start3A_571 = tpu.memref_squeeze %dma_start3A_570 : memref<1x4096xf32, #tpu.memory_space<vmem>> -> memref<4096xf32, #tpu.memory_space<vmem>>
    tpu.enqueue_dma source(%dma_start3A_571 : memref<4096xf32, #tpu.memory_space<vmem>>) target(%dma_start3A_568 : memref<4096xf32, #tpu.memory_space<hbm>>) target_semaphore(%arg9 : memref<!tpu.dma_semaphore, #tpu.memory_space<semaphore_mem>>)
    %mul3A_572 = arith.constant 8 : i32
    %mul3A_573 = arith.muli %add3A, %mul3A_572 : i32
    %add3A_574 = arith.constant 5 : i32
    %add3A_575 = arith.addi %mul3A_573, %add3A_574 : i32
    "tpu.region"() ({
      %run_scoped3A = tpu.sem_alloc : memref<!tpu.dma_semaphore, #tpu.memory_space<semaphore_mem>>
      %dma_start3A_958 = arith.constant 0 : i32
      %dma_start3A_959 = tpu.memref_slice %arg2[%add3A_575, %dma_start3A_958] : memref<256x100000xf32, #tpu.memory_space<hbm>> -> memref<1x100000xf32, #tpu.memory_space<hbm>>
      %dma_start3A_960 = tpu.memref_squeeze %dma_start3A_959 : memref<1x100000xf32, #tpu.memory_space<hbm>> -> memref<100000xf32, #tpu.memory_space<hbm>>
      %dma_start3A_961 = arith.constant 0 : i32
      %dma_start3A_962 = tpu.memref_slice %arg2[%add3A_575, %dma_start3A_961] : memref<256x100000xf32, #tpu.memory_space<hbm>> -> memref<1x100000xf32, #tpu.memory_space<hbm>>
      %dma_start3A_963 = tpu.memref_squeeze %dma_start3A_962 : memref<1x100000xf32, #tpu.memory_space<hbm>> -> memref<100000xf32, #tpu.memory_space<hbm>>
      tpu.enqueue_dma source(%dma_start3A_963 : memref<100000xf32, #tpu.memory_space<hbm>>) target(%arg6 : memref<100000xf32, #tpu.memory_space<vmem>>) target_semaphore(%run_scoped3A : memref<!tpu.dma_semaphore, #tpu.memory_space<semaphore_mem>>)
      %dma_wait3A_964 = arith.constant 0 : i32
      %dma_wait3A_965 = tpu.memref_slice %arg2[%add3A_575, %dma_wait3A_964] : memref<256x100000xf32, #tpu.memory_space<hbm>> -> memref<1x100000xf32, #tpu.memory_space<hbm>>
      %dma_wait3A_966 = tpu.memref_squeeze %dma_wait3A_965 : memref<1x100000xf32, #tpu.memory_space<hbm>> -> memref<100000xf32, #tpu.memory_space<hbm>>
      %dma_wait3A_967 = arith.constant 0 : i32
      %dma_wait3A_968 = tpu.memref_slice %arg2[%add3A_575, %dma_wait3A_967] : memref<256x100000xf32, #tpu.memory_space<hbm>> -> memref<1x100000xf32, #tpu.memory_space<hbm>>
      %dma_wait3A_969 = tpu.memref_squeeze %dma_wait3A_968 : memref<1x100000xf32, #tpu.memory_space<hbm>> -> memref<100000xf32, #tpu.memory_space<hbm>>
      tpu.wait_dma2 semaphore(%run_scoped3A : memref<!tpu.dma_semaphore, #tpu.memory_space<semaphore_mem>>) src(%dma_wait3A_969 : memref<100000xf32, #tpu.memory_space<hbm>>) dst(%arg6 : memref<100000xf32, #tpu.memory_space<vmem>>)
      tpu.yield
    }) : () -> ()
    %dma_wait3A_576 = arith.constant 0 : i32
    %dma_wait3A_577 = arith.constant 0 : i32
    %dma_wait3A_578 = tpu.memref_slice %arg7[%dma_wait3A_576, %dma_wait3A_577] : memref<2x4096xf32, #tpu.memory_space<vmem>> -> memref<1x4096xf32, #tpu.memory_space<vmem>>
    %dma_wait3A_579 = tpu.memref_squeeze %dma_wait3A_578 : memref<1x4096xf32, #tpu.memory_space<vmem>> -> memref<4096xf32, #tpu.memory_space<vmem>>
    %dma_wait3A_580 = arith.constant 8192 : i32
    %dma_wait3A_581 = tpu.memref_slice %arg4[%add3A_455, %dma_wait3A_580] : memref<256x16384xf32, #tpu.memory_space<hbm>> -> memref<1x4096xf32, #tpu.memory_space<hbm>>
    %dma_wait3A_582 = tpu.memref_squeeze %dma_wait3A_581 : memref<1x4096xf32, #tpu.memory_space<hbm>> -> memref<4096xf32, #tpu.memory_space<hbm>>
    %dma_wait3A_583 = arith.constant 8192 : i32
    %dma_wait3A_584 = tpu.memref_slice %arg4[%add3A_455, %dma_wait3A_583] : memref<256x16384xf32, #tpu.memory_space<hbm>> -> memref<1x4096xf32, #tpu.memory_space<hbm>>
    %dma_wait3A_585 = tpu.memref_squeeze %dma_wait3A_584 : memref<1x4096xf32, #tpu.memory_space<hbm>> -> memref<4096xf32, #tpu.memory_space<hbm>>
    %dma_wait3A_586 = arith.constant 0 : i32
    %dma_wait3A_587 = tpu.memref_slice %arg7[%dma_wait3A_576, %dma_wait3A_586] : memref<2x4096xf32, #tpu.memory_space<vmem>> -> memref<1x4096xf32, #tpu.memory_space<vmem>>
    %dma_wait3A_588 = tpu.memref_squeeze %dma_wait3A_587 : memref<1x4096xf32, #tpu.memory_space<vmem>> -> memref<4096xf32, #tpu.memory_space<vmem>>
    tpu.wait_dma2 semaphore(%arg8 : memref<!tpu.dma_semaphore, #tpu.memory_space<semaphore_mem>>) src(%dma_wait3A_588 : memref<4096xf32, #tpu.memory_space<vmem>>) dst(%dma_wait3A_585 : memref<4096xf32, #tpu.memory_space<hbm>>)
    %parallel_loop3A_589 = arith.constant 0 : i32
    %parallel_loop3A_590 = arith.constant 256 : i32
    %parallel_loop3A_591 = arith.constant 1 : i32
    scf.for %parallel_loop3A_958 = %parallel_loop3A_589 to %parallel_loop3A_590 step %parallel_loop3A_591  : i32 {
      %parallel_loop3A_959 = arith.constant 16 : i32
      %parallel_loop3A_960 = arith.muli %parallel_loop3A_958, %parallel_loop3A_959 : i32
      %parallel_loop3A_961 = arith.constant 0 : i32
      %parallel_loop3A_962 = arith.addi %parallel_loop3A_961, %parallel_loop3A_960 : i32
      %parallel_loop3A_963 = arith.index_cast %parallel_loop3A_962 : i32 to index
      %parallel_loop3A_964 = tpu.vector_load %arg5[%parallel_loop3A_963] {strides = array<i32>} : memref<16384xi32, #tpu.memory_space<vmem>>, vector<16xi32>,
      %parallel_loop3A_965 = tpu.vector_load_idx %arg6[%parallel_loop3A_964] : memref<100000xf32, #tpu.memory_space<vmem>>[vector<16xi32>], vector<16xf32>,
      %parallel_loop3A_966 = arith.constant 16 : i32
      %parallel_loop3A_967 = arith.muli %parallel_loop3A_958, %parallel_loop3A_966 : i32
      %parallel_loop3A_968 = arith.constant 0 : i32
      %parallel_loop3A_969 = arith.index_cast %parallel_loop3A_968 : i32 to index
      %parallel_loop3A_970 = arith.index_cast %parallel_loop3A_967 : i32 to index
      %parallel_loop3A_971 = tpu.vector_load %arg7[%parallel_loop3A_969, %parallel_loop3A_970] {strides = array<i32>} : memref<2x4096xf32, #tpu.memory_space<vmem>>, vector<16xf32>,
      tpu.vector_store %arg7[%parallel_loop3A_969, %parallel_loop3A_970], %parallel_loop3A_965 {strides = array<i32>} : memref<2x4096xf32, #tpu.memory_space<vmem>>, vector<16xf32>,
    } {sc.loop_unroll_factor = 16 : i64, sc.parallel_access}
    %dma_start3A_592 = arith.constant 0 : i32
    %dma_start3A_593 = arith.constant 0 : i32
    %dma_start3A_594 = tpu.memref_slice %arg7[%dma_start3A_592, %dma_start3A_593] : memref<2x4096xf32, #tpu.memory_space<vmem>> -> memref<1x4096xf32, #tpu.memory_space<vmem>>
    %dma_start3A_595 = tpu.memref_squeeze %dma_start3A_594 : memref<1x4096xf32, #tpu.memory_space<vmem>> -> memref<4096xf32, #tpu.memory_space<vmem>>
    %dma_start3A_596 = arith.constant 0 : i32
    %dma_start3A_597 = tpu.memref_slice %arg4[%add3A_575, %dma_start3A_596] : memref<256x16384xf32, #tpu.memory_space<hbm>> -> memref<1x4096xf32, #tpu.memory_space<hbm>>
    %dma_start3A_598 = tpu.memref_squeeze %dma_start3A_597 : memref<1x4096xf32, #tpu.memory_space<hbm>> -> memref<4096xf32, #tpu.memory_space<hbm>>
    %dma_start3A_599 = arith.constant 0 : i32
    %dma_start3A_600 = tpu.memref_slice %arg4[%add3A_575, %dma_start3A_599] : memref<256x16384xf32, #tpu.memory_space<hbm>> -> memref<1x4096xf32, #tpu.memory_space<hbm>>
    %dma_start3A_601 = tpu.memref_squeeze %dma_start3A_600 : memref<1x4096xf32, #tpu.memory_space<hbm>> -> memref<4096xf32, #tpu.memory_space<hbm>>
    %dma_start3A_602 = arith.constant 0 : i32
    %dma_start3A_603 = tpu.memref_slice %arg7[%dma_start3A_592, %dma_start3A_602] : memref<2x4096xf32, #tpu.memory_space<vmem>> -> memref<1x4096xf32, #tpu.memory_space<vmem>>
    %dma_start3A_604 = tpu.memref_squeeze %dma_start3A_603 : memref<1x4096xf32, #tpu.memory_space<vmem>> -> memref<4096xf32, #tpu.memory_space<vmem>>
    tpu.enqueue_dma source(%dma_start3A_604 : memref<4096xf32, #tpu.memory_space<vmem>>) target(%dma_start3A_601 : memref<4096xf32, #tpu.memory_space<hbm>>) target_semaphore(%arg8 : memref<!tpu.dma_semaphore, #tpu.memory_space<semaphore_mem>>)
    %dma_wait3A_605 = arith.constant 1 : i32
    %dma_wait3A_606 = arith.constant 0 : i32
    %dma_wait3A_607 = tpu.memref_slice %arg7[%dma_wait3A_605, %dma_wait3A_606] : memref<2x4096xf32, #tpu.memory_space<vmem>> -> memref<1x4096xf32, #tpu.memory_space<vmem>>
    %dma_wait3A_608 = tpu.memref_squeeze %dma_wait3A_607 : memref<1x4096xf32, #tpu.memory_space<vmem>> -> memref<4096xf32, #tpu.memory_space<vmem>>
    %dma_wait3A_609 = arith.constant 12288 : i32
    %dma_wait3A_610 = tpu.memref_slice %arg4[%add3A_455, %dma_wait3A_609] : memref<256x16384xf32, #tpu.memory_space<hbm>> -> memref<1x4096xf32, #tpu.memory_space<hbm>>
    %dma_wait3A_611 = tpu.memref_squeeze %dma_wait3A_610 : memref<1x4096xf32, #tpu.memory_space<hbm>> -> memref<4096xf32, #tpu.memory_space<hbm>>
    %dma_wait3A_612 = arith.constant 12288 : i32
    %dma_wait3A_613 = tpu.memref_slice %arg4[%add3A_455, %dma_wait3A_612] : memref<256x16384xf32, #tpu.memory_space<hbm>> -> memref<1x4096xf32, #tpu.memory_space<hbm>>
    %dma_wait3A_614 = tpu.memref_squeeze %dma_wait3A_613 : memref<1x4096xf32, #tpu.memory_space<hbm>> -> memref<4096xf32, #tpu.memory_space<hbm>>
    %dma_wait3A_615 = arith.constant 0 : i32
    %dma_wait3A_616 = tpu.memref_slice %arg7[%dma_wait3A_605, %dma_wait3A_615] : memref<2x4096xf32, #tpu.memory_space<vmem>> -> memref<1x4096xf32, #tpu.memory_space<vmem>>
    %dma_wait3A_617 = tpu.memref_squeeze %dma_wait3A_616 : memref<1x4096xf32, #tpu.memory_space<vmem>> -> memref<4096xf32, #tpu.memory_space<vmem>>
    tpu.wait_dma2 semaphore(%arg9 : memref<!tpu.dma_semaphore, #tpu.memory_space<semaphore_mem>>) src(%dma_wait3A_617 : memref<4096xf32, #tpu.memory_space<vmem>>) dst(%dma_wait3A_614 : memref<4096xf32, #tpu.memory_space<hbm>>)
    %parallel_loop3A_618 = arith.constant 0 : i32
    %parallel_loop3A_619 = arith.constant 256 : i32
    %parallel_loop3A_620 = arith.constant 1 : i32
    scf.for %parallel_loop3A_958 = %parallel_loop3A_618 to %parallel_loop3A_619 step %parallel_loop3A_620  : i32 {
      %parallel_loop3A_959 = arith.constant 16 : i32
      %parallel_loop3A_960 = arith.muli %parallel_loop3A_958, %parallel_loop3A_959 : i32
      %parallel_loop3A_961 = arith.constant 4096 : i32
      %parallel_loop3A_962 = arith.addi %parallel_loop3A_961, %parallel_loop3A_960 : i32
      %parallel_loop3A_963 = arith.index_cast %parallel_loop3A_962 : i32 to index
      %parallel_loop3A_964 = tpu.vector_load %arg5[%parallel_loop3A_963] {strides = array<i32>} : memref<16384xi32, #tpu.memory_space<vmem>>, vector<16xi32>,
      %parallel_loop3A_965 = tpu.vector_load_idx %arg6[%parallel_loop3A_964] : memref<100000xf32, #tpu.memory_space<vmem>>[vector<16xi32>], vector<16xf32>,
      %parallel_loop3A_966 = arith.constant 16 : i32
      %parallel_loop3A_967 = arith.muli %parallel_loop3A_958, %parallel_loop3A_966 : i32
      %parallel_loop3A_968 = arith.constant 1 : i32
      %parallel_loop3A_969 = arith.index_cast %parallel_loop3A_968 : i32 to index
      %parallel_loop3A_970 = arith.index_cast %parallel_loop3A_967 : i32 to index
      %parallel_loop3A_971 = tpu.vector_load %arg7[%parallel_loop3A_969, %parallel_loop3A_970] {strides = array<i32>} : memref<2x4096xf32, #tpu.memory_space<vmem>>, vector<16xf32>,
      tpu.vector_store %arg7[%parallel_loop3A_969, %parallel_loop3A_970], %parallel_loop3A_965 {strides = array<i32>} : memref<2x4096xf32, #tpu.memory_space<vmem>>, vector<16xf32>,
    } {sc.loop_unroll_factor = 16 : i64, sc.parallel_access}
    %dma_start3A_621 = arith.constant 1 : i32
    %dma_start3A_622 = arith.constant 0 : i32
    %dma_start3A_623 = tpu.memref_slice %arg7[%dma_start3A_621, %dma_start3A_622] : memref<2x4096xf32, #tpu.memory_space<vmem>> -> memref<1x4096xf32, #tpu.memory_space<vmem>>
    %dma_start3A_624 = tpu.memref_squeeze %dma_start3A_623 : memref<1x4096xf32, #tpu.memory_space<vmem>> -> memref<4096xf32, #tpu.memory_space<vmem>>
    %dma_start3A_625 = arith.constant 4096 : i32
    %dma_start3A_626 = tpu.memref_slice %arg4[%add3A_575, %dma_start3A_625] : memref<256x16384xf32, #tpu.memory_space<hbm>> -> memref<1x4096xf32, #tpu.memory_space<hbm>>
    %dma_start3A_627 = tpu.memref_squeeze %dma_start3A_626 : memref<1x4096xf32, #tpu.memory_space<hbm>> -> memref<4096xf32, #tpu.memory_space<hbm>>
    %dma_start3A_628 = arith.constant 4096 : i32
    %dma_start3A_629 = tpu.memref_slice %arg4[%add3A_575, %dma_start3A_628] : memref<256x16384xf32, #tpu.memory_space<hbm>> -> memref<1x4096xf32, #tpu.memory_space<hbm>>
    %dma_start3A_630 = tpu.memref_squeeze %dma_start3A_629 : memref<1x4096xf32, #tpu.memory_space<hbm>> -> memref<4096xf32, #tpu.memory_space<hbm>>
    %dma_start3A_631 = arith.constant 0 : i32
    %dma_start3A_632 = tpu.memref_slice %arg7[%dma_start3A_621, %dma_start3A_631] : memref<2x4096xf32, #tpu.memory_space<vmem>> -> memref<1x4096xf32, #tpu.memory_space<vmem>>
    %dma_start3A_633 = tpu.memref_squeeze %dma_start3A_632 : memref<1x4096xf32, #tpu.memory_space<vmem>> -> memref<4096xf32, #tpu.memory_space<vmem>>
    tpu.enqueue_dma source(%dma_start3A_633 : memref<4096xf32, #tpu.memory_space<vmem>>) target(%dma_start3A_630 : memref<4096xf32, #tpu.memory_space<hbm>>) target_semaphore(%arg9 : memref<!tpu.dma_semaphore, #tpu.memory_space<semaphore_mem>>)
    %dma_wait3A_634 = arith.constant 0 : i32
    %dma_wait3A_635 = arith.constant 0 : i32
    %dma_wait3A_636 = tpu.memref_slice %arg7[%dma_wait3A_634, %dma_wait3A_635] : memref<2x4096xf32, #tpu.memory_space<vmem>> -> memref<1x4096xf32, #tpu.memory_space<vmem>>
    %dma_wait3A_637 = tpu.memref_squeeze %dma_wait3A_636 : memref<1x4096xf32, #tpu.memory_space<vmem>> -> memref<4096xf32, #tpu.memory_space<vmem>>
    %dma_wait3A_638 = arith.constant 0 : i32
    %dma_wait3A_639 = tpu.memref_slice %arg4[%add3A_575, %dma_wait3A_638] : memref<256x16384xf32, #tpu.memory_space<hbm>> -> memref<1x4096xf32, #tpu.memory_space<hbm>>
    %dma_wait3A_640 = tpu.memref_squeeze %dma_wait3A_639 : memref<1x4096xf32, #tpu.memory_space<hbm>> -> memref<4096xf32, #tpu.memory_space<hbm>>
    %dma_wait3A_641 = arith.constant 0 : i32
    %dma_wait3A_642 = tpu.memref_slice %arg4[%add3A_575, %dma_wait3A_641] : memref<256x16384xf32, #tpu.memory_space<hbm>> -> memref<1x4096xf32, #tpu.memory_space<hbm>>
    %dma_wait3A_643 = tpu.memref_squeeze %dma_wait3A_642 : memref<1x4096xf32, #tpu.memory_space<hbm>> -> memref<4096xf32, #tpu.memory_space<hbm>>
    %dma_wait3A_644 = arith.constant 0 : i32
    %dma_wait3A_645 = tpu.memref_slice %arg7[%dma_wait3A_634, %dma_wait3A_644] : memref<2x4096xf32, #tpu.memory_space<vmem>> -> memref<1x4096xf32, #tpu.memory_space<vmem>>
    %dma_wait3A_646 = tpu.memref_squeeze %dma_wait3A_645 : memref<1x4096xf32, #tpu.memory_space<vmem>> -> memref<4096xf32, #tpu.memory_space<vmem>>
    tpu.wait_dma2 semaphore(%arg8 : memref<!tpu.dma_semaphore, #tpu.memory_space<semaphore_mem>>) src(%dma_wait3A_646 : memref<4096xf32, #tpu.memory_space<vmem>>) dst(%dma_wait3A_643 : memref<4096xf32, #tpu.memory_space<hbm>>)
    %parallel_loop3A_647 = arith.constant 0 : i32
    %parallel_loop3A_648 = arith.constant 256 : i32
    %parallel_loop3A_649 = arith.constant 1 : i32
    scf.for %parallel_loop3A_958 = %parallel_loop3A_647 to %parallel_loop3A_648 step %parallel_loop3A_649  : i32 {
      %parallel_loop3A_959 = arith.constant 16 : i32
      %parallel_loop3A_960 = arith.muli %parallel_loop3A_958, %parallel_loop3A_959 : i32
      %parallel_loop3A_961 = arith.constant 8192 : i32
      %parallel_loop3A_962 = arith.addi %parallel_loop3A_961, %parallel_loop3A_960 : i32
      %parallel_loop3A_963 = arith.index_cast %parallel_loop3A_962 : i32 to index
      %parallel_loop3A_964 = tpu.vector_load %arg5[%parallel_loop3A_963] {strides = array<i32>} : memref<16384xi32, #tpu.memory_space<vmem>>, vector<16xi32>,
      %parallel_loop3A_965 = tpu.vector_load_idx %arg6[%parallel_loop3A_964] : memref<100000xf32, #tpu.memory_space<vmem>>[vector<16xi32>], vector<16xf32>,
      %parallel_loop3A_966 = arith.constant 16 : i32
      %parallel_loop3A_967 = arith.muli %parallel_loop3A_958, %parallel_loop3A_966 : i32
      %parallel_loop3A_968 = arith.constant 0 : i32
      %parallel_loop3A_969 = arith.index_cast %parallel_loop3A_968 : i32 to index
      %parallel_loop3A_970 = arith.index_cast %parallel_loop3A_967 : i32 to index
      %parallel_loop3A_971 = tpu.vector_load %arg7[%parallel_loop3A_969, %parallel_loop3A_970] {strides = array<i32>} : memref<2x4096xf32, #tpu.memory_space<vmem>>, vector<16xf32>,
      tpu.vector_store %arg7[%parallel_loop3A_969, %parallel_loop3A_970], %parallel_loop3A_965 {strides = array<i32>} : memref<2x4096xf32, #tpu.memory_space<vmem>>, vector<16xf32>,
    } {sc.loop_unroll_factor = 16 : i64, sc.parallel_access}
    %dma_start3A_650 = arith.constant 0 : i32
    %dma_start3A_651 = arith.constant 0 : i32
    %dma_start3A_652 = tpu.memref_slice %arg7[%dma_start3A_650, %dma_start3A_651] : memref<2x4096xf32, #tpu.memory_space<vmem>> -> memref<1x4096xf32, #tpu.memory_space<vmem>>
    %dma_start3A_653 = tpu.memref_squeeze %dma_start3A_652 : memref<1x4096xf32, #tpu.memory_space<vmem>> -> memref<4096xf32, #tpu.memory_space<vmem>>
    %dma_start3A_654 = arith.constant 8192 : i32
    %dma_start3A_655 = tpu.memref_slice %arg4[%add3A_575, %dma_start3A_654] : memref<256x16384xf32, #tpu.memory_space<hbm>> -> memref<1x4096xf32, #tpu.memory_space<hbm>>
    %dma_start3A_656 = tpu.memref_squeeze %dma_start3A_655 : memref<1x4096xf32, #tpu.memory_space<hbm>> -> memref<4096xf32, #tpu.memory_space<hbm>>
    %dma_start3A_657 = arith.constant 8192 : i32
    %dma_start3A_658 = tpu.memref_slice %arg4[%add3A_575, %dma_start3A_657] : memref<256x16384xf32, #tpu.memory_space<hbm>> -> memref<1x4096xf32, #tpu.memory_space<hbm>>
    %dma_start3A_659 = tpu.memref_squeeze %dma_start3A_658 : memref<1x4096xf32, #tpu.memory_space<hbm>> -> memref<4096xf32, #tpu.memory_space<hbm>>
    %dma_start3A_660 = arith.constant 0 : i32
    %dma_start3A_661 = tpu.memref_slice %arg7[%dma_start3A_650, %dma_start3A_660] : memref<2x4096xf32, #tpu.memory_space<vmem>> -> memref<1x4096xf32, #tpu.memory_space<vmem>>
    %dma_start3A_662 = tpu.memref_squeeze %dma_start3A_661 : memref<1x4096xf32, #tpu.memory_space<vmem>> -> memref<4096xf32, #tpu.memory_space<vmem>>
    tpu.enqueue_dma source(%dma_start3A_662 : memref<4096xf32, #tpu.memory_space<vmem>>) target(%dma_start3A_659 : memref<4096xf32, #tpu.memory_space<hbm>>) target_semaphore(%arg8 : memref<!tpu.dma_semaphore, #tpu.memory_space<semaphore_mem>>)
    %dma_wait3A_663 = arith.constant 1 : i32
    %dma_wait3A_664 = arith.constant 0 : i32
    %dma_wait3A_665 = tpu.memref_slice %arg7[%dma_wait3A_663, %dma_wait3A_664] : memref<2x4096xf32, #tpu.memory_space<vmem>> -> memref<1x4096xf32, #tpu.memory_space<vmem>>
    %dma_wait3A_666 = tpu.memref_squeeze %dma_wait3A_665 : memref<1x4096xf32, #tpu.memory_space<vmem>> -> memref<4096xf32, #tpu.memory_space<vmem>>
    %dma_wait3A_667 = arith.constant 4096 : i32
    %dma_wait3A_668 = tpu.memref_slice %arg4[%add3A_575, %dma_wait3A_667] : memref<256x16384xf32, #tpu.memory_space<hbm>> -> memref<1x4096xf32, #tpu.memory_space<hbm>>
    %dma_wait3A_669 = tpu.memref_squeeze %dma_wait3A_668 : memref<1x4096xf32, #tpu.memory_space<hbm>> -> memref<4096xf32, #tpu.memory_space<hbm>>
    %dma_wait3A_670 = arith.constant 4096 : i32
    %dma_wait3A_671 = tpu.memref_slice %arg4[%add3A_575, %dma_wait3A_670] : memref<256x16384xf32, #tpu.memory_space<hbm>> -> memref<1x4096xf32, #tpu.memory_space<hbm>>
    %dma_wait3A_672 = tpu.memref_squeeze %dma_wait3A_671 : memref<1x4096xf32, #tpu.memory_space<hbm>> -> memref<4096xf32, #tpu.memory_space<hbm>>
    %dma_wait3A_673 = arith.constant 0 : i32
    %dma_wait3A_674 = tpu.memref_slice %arg7[%dma_wait3A_663, %dma_wait3A_673] : memref<2x4096xf32, #tpu.memory_space<vmem>> -> memref<1x4096xf32, #tpu.memory_space<vmem>>
    %dma_wait3A_675 = tpu.memref_squeeze %dma_wait3A_674 : memref<1x4096xf32, #tpu.memory_space<vmem>> -> memref<4096xf32, #tpu.memory_space<vmem>>
    tpu.wait_dma2 semaphore(%arg9 : memref<!tpu.dma_semaphore, #tpu.memory_space<semaphore_mem>>) src(%dma_wait3A_675 : memref<4096xf32, #tpu.memory_space<vmem>>) dst(%dma_wait3A_672 : memref<4096xf32, #tpu.memory_space<hbm>>)
    %parallel_loop3A_676 = arith.constant 0 : i32
    %parallel_loop3A_677 = arith.constant 256 : i32
    %parallel_loop3A_678 = arith.constant 1 : i32
    scf.for %parallel_loop3A_958 = %parallel_loop3A_676 to %parallel_loop3A_677 step %parallel_loop3A_678  : i32 {
      %parallel_loop3A_959 = arith.constant 16 : i32
      %parallel_loop3A_960 = arith.muli %parallel_loop3A_958, %parallel_loop3A_959 : i32
      %parallel_loop3A_961 = arith.constant 12288 : i32
      %parallel_loop3A_962 = arith.addi %parallel_loop3A_961, %parallel_loop3A_960 : i32
      %parallel_loop3A_963 = arith.index_cast %parallel_loop3A_962 : i32 to index
      %parallel_loop3A_964 = tpu.vector_load %arg5[%parallel_loop3A_963] {strides = array<i32>} : memref<16384xi32, #tpu.memory_space<vmem>>, vector<16xi32>,
      %parallel_loop3A_965 = tpu.vector_load_idx %arg6[%parallel_loop3A_964] : memref<100000xf32, #tpu.memory_space<vmem>>[vector<16xi32>], vector<16xf32>,
      %parallel_loop3A_966 = arith.constant 16 : i32
      %parallel_loop3A_967 = arith.muli %parallel_loop3A_958, %parallel_loop3A_966 : i32
      %parallel_loop3A_968 = arith.constant 1 : i32
      %parallel_loop3A_969 = arith.index_cast %parallel_loop3A_968 : i32 to index
      %parallel_loop3A_970 = arith.index_cast %parallel_loop3A_967 : i32 to index
      %parallel_loop3A_971 = tpu.vector_load %arg7[%parallel_loop3A_969, %parallel_loop3A_970] {strides = array<i32>} : memref<2x4096xf32, #tpu.memory_space<vmem>>, vector<16xf32>,
      tpu.vector_store %arg7[%parallel_loop3A_969, %parallel_loop3A_970], %parallel_loop3A_965 {strides = array<i32>} : memref<2x4096xf32, #tpu.memory_space<vmem>>, vector<16xf32>,
    } {sc.loop_unroll_factor = 16 : i64, sc.parallel_access}
    %dma_start3A_679 = arith.constant 1 : i32
    %dma_start3A_680 = arith.constant 0 : i32
    %dma_start3A_681 = tpu.memref_slice %arg7[%dma_start3A_679, %dma_start3A_680] : memref<2x4096xf32, #tpu.memory_space<vmem>> -> memref<1x4096xf32, #tpu.memory_space<vmem>>
    %dma_start3A_682 = tpu.memref_squeeze %dma_start3A_681 : memref<1x4096xf32, #tpu.memory_space<vmem>> -> memref<4096xf32, #tpu.memory_space<vmem>>
    %dma_start3A_683 = arith.constant 12288 : i32
    %dma_start3A_684 = tpu.memref_slice %arg4[%add3A_575, %dma_start3A_683] : memref<256x16384xf32, #tpu.memory_space<hbm>> -> memref<1x4096xf32, #tpu.memory_space<hbm>>
    %dma_start3A_685 = tpu.memref_squeeze %dma_start3A_684 : memref<1x4096xf32, #tpu.memory_space<hbm>> -> memref<4096xf32, #tpu.memory_space<hbm>>
    %dma_start3A_686 = arith.constant 12288 : i32
    %dma_start3A_687 = tpu.memref_slice %arg4[%add3A_575, %dma_start3A_686] : memref<256x16384xf32, #tpu.memory_space<hbm>> -> memref<1x4096xf32, #tpu.memory_space<hbm>>
    %dma_start3A_688 = tpu.memref_squeeze %dma_start3A_687 : memref<1x4096xf32, #tpu.memory_space<hbm>> -> memref<4096xf32, #tpu.memory_space<hbm>>
    %dma_start3A_689 = arith.constant 0 : i32
    %dma_start3A_690 = tpu.memref_slice %arg7[%dma_start3A_679, %dma_start3A_689] : memref<2x4096xf32, #tpu.memory_space<vmem>> -> memref<1x4096xf32, #tpu.memory_space<vmem>>
    %dma_start3A_691 = tpu.memref_squeeze %dma_start3A_690 : memref<1x4096xf32, #tpu.memory_space<vmem>> -> memref<4096xf32, #tpu.memory_space<vmem>>
    tpu.enqueue_dma source(%dma_start3A_691 : memref<4096xf32, #tpu.memory_space<vmem>>) target(%dma_start3A_688 : memref<4096xf32, #tpu.memory_space<hbm>>) target_semaphore(%arg9 : memref<!tpu.dma_semaphore, #tpu.memory_space<semaphore_mem>>)
    %mul3A_692 = arith.constant 8 : i32
    %mul3A_693 = arith.muli %add3A, %mul3A_692 : i32
    %add3A_694 = arith.constant 6 : i32
    %add3A_695 = arith.addi %mul3A_693, %add3A_694 : i32
    "tpu.region"() ({
      %run_scoped3A = tpu.sem_alloc : memref<!tpu.dma_semaphore, #tpu.memory_space<semaphore_mem>>
      %dma_start3A_958 = arith.constant 0 : i32
      %dma_start3A_959 = tpu.memref_slice %arg2[%add3A_695, %dma_start3A_958] : memref<256x100000xf32, #tpu.memory_space<hbm>> -> memref<1x100000xf32, #tpu.memory_space<hbm>>
      %dma_start3A_960 = tpu.memref_squeeze %dma_start3A_959 : memref<1x100000xf32, #tpu.memory_space<hbm>> -> memref<100000xf32, #tpu.memory_space<hbm>>
      %dma_start3A_961 = arith.constant 0 : i32
      %dma_start3A_962 = tpu.memref_slice %arg2[%add3A_695, %dma_start3A_961] : memref<256x100000xf32, #tpu.memory_space<hbm>> -> memref<1x100000xf32, #tpu.memory_space<hbm>>
      %dma_start3A_963 = tpu.memref_squeeze %dma_start3A_962 : memref<1x100000xf32, #tpu.memory_space<hbm>> -> memref<100000xf32, #tpu.memory_space<hbm>>
      tpu.enqueue_dma source(%dma_start3A_963 : memref<100000xf32, #tpu.memory_space<hbm>>) target(%arg6 : memref<100000xf32, #tpu.memory_space<vmem>>) target_semaphore(%run_scoped3A : memref<!tpu.dma_semaphore, #tpu.memory_space<semaphore_mem>>)
      %dma_wait3A_964 = arith.constant 0 : i32
      %dma_wait3A_965 = tpu.memref_slice %arg2[%add3A_695, %dma_wait3A_964] : memref<256x100000xf32, #tpu.memory_space<hbm>> -> memref<1x100000xf32, #tpu.memory_space<hbm>>
      %dma_wait3A_966 = tpu.memref_squeeze %dma_wait3A_965 : memref<1x100000xf32, #tpu.memory_space<hbm>> -> memref<100000xf32, #tpu.memory_space<hbm>>
      %dma_wait3A_967 = arith.constant 0 : i32
      %dma_wait3A_968 = tpu.memref_slice %arg2[%add3A_695, %dma_wait3A_967] : memref<256x100000xf32, #tpu.memory_space<hbm>> -> memref<1x100000xf32, #tpu.memory_space<hbm>>
      %dma_wait3A_969 = tpu.memref_squeeze %dma_wait3A_968 : memref<1x100000xf32, #tpu.memory_space<hbm>> -> memref<100000xf32, #tpu.memory_space<hbm>>
      tpu.wait_dma2 semaphore(%run_scoped3A : memref<!tpu.dma_semaphore, #tpu.memory_space<semaphore_mem>>) src(%dma_wait3A_969 : memref<100000xf32, #tpu.memory_space<hbm>>) dst(%arg6 : memref<100000xf32, #tpu.memory_space<vmem>>)
      tpu.yield
    }) : () -> ()
    %dma_wait3A_696 = arith.constant 0 : i32
    %dma_wait3A_697 = arith.constant 0 : i32
    %dma_wait3A_698 = tpu.memref_slice %arg7[%dma_wait3A_696, %dma_wait3A_697] : memref<2x4096xf32, #tpu.memory_space<vmem>> -> memref<1x4096xf32, #tpu.memory_space<vmem>>
    %dma_wait3A_699 = tpu.memref_squeeze %dma_wait3A_698 : memref<1x4096xf32, #tpu.memory_space<vmem>> -> memref<4096xf32, #tpu.memory_space<vmem>>
    %dma_wait3A_700 = arith.constant 8192 : i32
    %dma_wait3A_701 = tpu.memref_slice %arg4[%add3A_575, %dma_wait3A_700] : memref<256x16384xf32, #tpu.memory_space<hbm>> -> memref<1x4096xf32, #tpu.memory_space<hbm>>
    %dma_wait3A_702 = tpu.memref_squeeze %dma_wait3A_701 : memref<1x4096xf32, #tpu.memory_space<hbm>> -> memref<4096xf32, #tpu.memory_space<hbm>>
    %dma_wait3A_703 = arith.constant 8192 : i32
    %dma_wait3A_704 = tpu.memref_slice %arg4[%add3A_575, %dma_wait3A_703] : memref<256x16384xf32, #tpu.memory_space<hbm>> -> memref<1x4096xf32, #tpu.memory_space<hbm>>
    %dma_wait3A_705 = tpu.memref_squeeze %dma_wait3A_704 : memref<1x4096xf32, #tpu.memory_space<hbm>> -> memref<4096xf32, #tpu.memory_space<hbm>>
    %dma_wait3A_706 = arith.constant 0 : i32
    %dma_wait3A_707 = tpu.memref_slice %arg7[%dma_wait3A_696, %dma_wait3A_706] : memref<2x4096xf32, #tpu.memory_space<vmem>> -> memref<1x4096xf32, #tpu.memory_space<vmem>>
    %dma_wait3A_708 = tpu.memref_squeeze %dma_wait3A_707 : memref<1x4096xf32, #tpu.memory_space<vmem>> -> memref<4096xf32, #tpu.memory_space<vmem>>
    tpu.wait_dma2 semaphore(%arg8 : memref<!tpu.dma_semaphore, #tpu.memory_space<semaphore_mem>>) src(%dma_wait3A_708 : memref<4096xf32, #tpu.memory_space<vmem>>) dst(%dma_wait3A_705 : memref<4096xf32, #tpu.memory_space<hbm>>)
    %parallel_loop3A_709 = arith.constant 0 : i32
    %parallel_loop3A_710 = arith.constant 256 : i32
    %parallel_loop3A_711 = arith.constant 1 : i32
    scf.for %parallel_loop3A_958 = %parallel_loop3A_709 to %parallel_loop3A_710 step %parallel_loop3A_711  : i32 {
      %parallel_loop3A_959 = arith.constant 16 : i32
      %parallel_loop3A_960 = arith.muli %parallel_loop3A_958, %parallel_loop3A_959 : i32
      %parallel_loop3A_961 = arith.constant 0 : i32
      %parallel_loop3A_962 = arith.addi %parallel_loop3A_961, %parallel_loop3A_960 : i32
      %parallel_loop3A_963 = arith.index_cast %parallel_loop3A_962 : i32 to index
      %parallel_loop3A_964 = tpu.vector_load %arg5[%parallel_loop3A_963] {strides = array<i32>} : memref<16384xi32, #tpu.memory_space<vmem>>, vector<16xi32>,
      %parallel_loop3A_965 = tpu.vector_load_idx %arg6[%parallel_loop3A_964] : memref<100000xf32, #tpu.memory_space<vmem>>[vector<16xi32>], vector<16xf32>,
      %parallel_loop3A_966 = arith.constant 16 : i32
      %parallel_loop3A_967 = arith.muli %parallel_loop3A_958, %parallel_loop3A_966 : i32
      %parallel_loop3A_968 = arith.constant 0 : i32
      %parallel_loop3A_969 = arith.index_cast %parallel_loop3A_968 : i32 to index
      %parallel_loop3A_970 = arith.index_cast %parallel_loop3A_967 : i32 to index
      %parallel_loop3A_971 = tpu.vector_load %arg7[%parallel_loop3A_969, %parallel_loop3A_970] {strides = array<i32>} : memref<2x4096xf32, #tpu.memory_space<vmem>>, vector<16xf32>,
      tpu.vector_store %arg7[%parallel_loop3A_969, %parallel_loop3A_970], %parallel_loop3A_965 {strides = array<i32>} : memref<2x4096xf32, #tpu.memory_space<vmem>>, vector<16xf32>,
    } {sc.loop_unroll_factor = 16 : i64, sc.parallel_access}
    %dma_start3A_712 = arith.constant 0 : i32
    %dma_start3A_713 = arith.constant 0 : i32
    %dma_start3A_714 = tpu.memref_slice %arg7[%dma_start3A_712, %dma_start3A_713] : memref<2x4096xf32, #tpu.memory_space<vmem>> -> memref<1x4096xf32, #tpu.memory_space<vmem>>
    %dma_start3A_715 = tpu.memref_squeeze %dma_start3A_714 : memref<1x4096xf32, #tpu.memory_space<vmem>> -> memref<4096xf32, #tpu.memory_space<vmem>>
    %dma_start3A_716 = arith.constant 0 : i32
    %dma_start3A_717 = tpu.memref_slice %arg4[%add3A_695, %dma_start3A_716] : memref<256x16384xf32, #tpu.memory_space<hbm>> -> memref<1x4096xf32, #tpu.memory_space<hbm>>
    %dma_start3A_718 = tpu.memref_squeeze %dma_start3A_717 : memref<1x4096xf32, #tpu.memory_space<hbm>> -> memref<4096xf32, #tpu.memory_space<hbm>>
    %dma_start3A_719 = arith.constant 0 : i32
    %dma_start3A_720 = tpu.memref_slice %arg4[%add3A_695, %dma_start3A_719] : memref<256x16384xf32, #tpu.memory_space<hbm>> -> memref<1x4096xf32, #tpu.memory_space<hbm>>
    %dma_start3A_721 = tpu.memref_squeeze %dma_start3A_720 : memref<1x4096xf32, #tpu.memory_space<hbm>> -> memref<4096xf32, #tpu.memory_space<hbm>>
    %dma_start3A_722 = arith.constant 0 : i32
    %dma_start3A_723 = tpu.memref_slice %arg7[%dma_start3A_712, %dma_start3A_722] : memref<2x4096xf32, #tpu.memory_space<vmem>> -> memref<1x4096xf32, #tpu.memory_space<vmem>>
    %dma_start3A_724 = tpu.memref_squeeze %dma_start3A_723 : memref<1x4096xf32, #tpu.memory_space<vmem>> -> memref<4096xf32, #tpu.memory_space<vmem>>
    tpu.enqueue_dma source(%dma_start3A_724 : memref<4096xf32, #tpu.memory_space<vmem>>) target(%dma_start3A_721 : memref<4096xf32, #tpu.memory_space<hbm>>) target_semaphore(%arg8 : memref<!tpu.dma_semaphore, #tpu.memory_space<semaphore_mem>>)
    %dma_wait3A_725 = arith.constant 1 : i32
    %dma_wait3A_726 = arith.constant 0 : i32
    %dma_wait3A_727 = tpu.memref_slice %arg7[%dma_wait3A_725, %dma_wait3A_726] : memref<2x4096xf32, #tpu.memory_space<vmem>> -> memref<1x4096xf32, #tpu.memory_space<vmem>>
    %dma_wait3A_728 = tpu.memref_squeeze %dma_wait3A_727 : memref<1x4096xf32, #tpu.memory_space<vmem>> -> memref<4096xf32, #tpu.memory_space<vmem>>
    %dma_wait3A_729 = arith.constant 12288 : i32
    %dma_wait3A_730 = tpu.memref_slice %arg4[%add3A_575, %dma_wait3A_729] : memref<256x16384xf32, #tpu.memory_space<hbm>> -> memref<1x4096xf32, #tpu.memory_space<hbm>>
    %dma_wait3A_731 = tpu.memref_squeeze %dma_wait3A_730 : memref<1x4096xf32, #tpu.memory_space<hbm>> -> memref<4096xf32, #tpu.memory_space<hbm>>
    %dma_wait3A_732 = arith.constant 12288 : i32
    %dma_wait3A_733 = tpu.memref_slice %arg4[%add3A_575, %dma_wait3A_732] : memref<256x16384xf32, #tpu.memory_space<hbm>> -> memref<1x4096xf32, #tpu.memory_space<hbm>>
    %dma_wait3A_734 = tpu.memref_squeeze %dma_wait3A_733 : memref<1x4096xf32, #tpu.memory_space<hbm>> -> memref<4096xf32, #tpu.memory_space<hbm>>
    %dma_wait3A_735 = arith.constant 0 : i32
    %dma_wait3A_736 = tpu.memref_slice %arg7[%dma_wait3A_725, %dma_wait3A_735] : memref<2x4096xf32, #tpu.memory_space<vmem>> -> memref<1x4096xf32, #tpu.memory_space<vmem>>
    %dma_wait3A_737 = tpu.memref_squeeze %dma_wait3A_736 : memref<1x4096xf32, #tpu.memory_space<vmem>> -> memref<4096xf32, #tpu.memory_space<vmem>>
    tpu.wait_dma2 semaphore(%arg9 : memref<!tpu.dma_semaphore, #tpu.memory_space<semaphore_mem>>) src(%dma_wait3A_737 : memref<4096xf32, #tpu.memory_space<vmem>>) dst(%dma_wait3A_734 : memref<4096xf32, #tpu.memory_space<hbm>>)
    %parallel_loop3A_738 = arith.constant 0 : i32
    %parallel_loop3A_739 = arith.constant 256 : i32
    %parallel_loop3A_740 = arith.constant 1 : i32
    scf.for %parallel_loop3A_958 = %parallel_loop3A_738 to %parallel_loop3A_739 step %parallel_loop3A_740  : i32 {
      %parallel_loop3A_959 = arith.constant 16 : i32
      %parallel_loop3A_960 = arith.muli %parallel_loop3A_958, %parallel_loop3A_959 : i32
      %parallel_loop3A_961 = arith.constant 4096 : i32
      %parallel_loop3A_962 = arith.addi %parallel_loop3A_961, %parallel_loop3A_960 : i32
      %parallel_loop3A_963 = arith.index_cast %parallel_loop3A_962 : i32 to index
      %parallel_loop3A_964 = tpu.vector_load %arg5[%parallel_loop3A_963] {strides = array<i32>} : memref<16384xi32, #tpu.memory_space<vmem>>, vector<16xi32>,
      %parallel_loop3A_965 = tpu.vector_load_idx %arg6[%parallel_loop3A_964] : memref<100000xf32, #tpu.memory_space<vmem>>[vector<16xi32>], vector<16xf32>,
      %parallel_loop3A_966 = arith.constant 16 : i32
      %parallel_loop3A_967 = arith.muli %parallel_loop3A_958, %parallel_loop3A_966 : i32
      %parallel_loop3A_968 = arith.constant 1 : i32
      %parallel_loop3A_969 = arith.index_cast %parallel_loop3A_968 : i32 to index
      %parallel_loop3A_970 = arith.index_cast %parallel_loop3A_967 : i32 to index
      %parallel_loop3A_971 = tpu.vector_load %arg7[%parallel_loop3A_969, %parallel_loop3A_970] {strides = array<i32>} : memref<2x4096xf32, #tpu.memory_space<vmem>>, vector<16xf32>,
      tpu.vector_store %arg7[%parallel_loop3A_969, %parallel_loop3A_970], %parallel_loop3A_965 {strides = array<i32>} : memref<2x4096xf32, #tpu.memory_space<vmem>>, vector<16xf32>,
    } {sc.loop_unroll_factor = 16 : i64, sc.parallel_access}
    %dma_start3A_741 = arith.constant 1 : i32
    %dma_start3A_742 = arith.constant 0 : i32
    %dma_start3A_743 = tpu.memref_slice %arg7[%dma_start3A_741, %dma_start3A_742] : memref<2x4096xf32, #tpu.memory_space<vmem>> -> memref<1x4096xf32, #tpu.memory_space<vmem>>
    %dma_start3A_744 = tpu.memref_squeeze %dma_start3A_743 : memref<1x4096xf32, #tpu.memory_space<vmem>> -> memref<4096xf32, #tpu.memory_space<vmem>>
    %dma_start3A_745 = arith.constant 4096 : i32
    %dma_start3A_746 = tpu.memref_slice %arg4[%add3A_695, %dma_start3A_745] : memref<256x16384xf32, #tpu.memory_space<hbm>> -> memref<1x4096xf32, #tpu.memory_space<hbm>>
    %dma_start3A_747 = tpu.memref_squeeze %dma_start3A_746 : memref<1x4096xf32, #tpu.memory_space<hbm>> -> memref<4096xf32, #tpu.memory_space<hbm>>
    %dma_start3A_748 = arith.constant 4096 : i32
    %dma_start3A_749 = tpu.memref_slice %arg4[%add3A_695, %dma_start3A_748] : memref<256x16384xf32, #tpu.memory_space<hbm>> -> memref<1x4096xf32, #tpu.memory_space<hbm>>
    %dma_start3A_750 = tpu.memref_squeeze %dma_start3A_749 : memref<1x4096xf32, #tpu.memory_space<hbm>> -> memref<4096xf32, #tpu.memory_space<hbm>>
    %dma_start3A_751 = arith.constant 0 : i32
    %dma_start3A_752 = tpu.memref_slice %arg7[%dma_start3A_741, %dma_start3A_751] : memref<2x4096xf32, #tpu.memory_space<vmem>> -> memref<1x4096xf32, #tpu.memory_space<vmem>>
    %dma_start3A_753 = tpu.memref_squeeze %dma_start3A_752 : memref<1x4096xf32, #tpu.memory_space<vmem>> -> memref<4096xf32, #tpu.memory_space<vmem>>
    tpu.enqueue_dma source(%dma_start3A_753 : memref<4096xf32, #tpu.memory_space<vmem>>) target(%dma_start3A_750 : memref<4096xf32, #tpu.memory_space<hbm>>) target_semaphore(%arg9 : memref<!tpu.dma_semaphore, #tpu.memory_space<semaphore_mem>>)
    %dma_wait3A_754 = arith.constant 0 : i32
    %dma_wait3A_755 = arith.constant 0 : i32
    %dma_wait3A_756 = tpu.memref_slice %arg7[%dma_wait3A_754, %dma_wait3A_755] : memref<2x4096xf32, #tpu.memory_space<vmem>> -> memref<1x4096xf32, #tpu.memory_space<vmem>>
    %dma_wait3A_757 = tpu.memref_squeeze %dma_wait3A_756 : memref<1x4096xf32, #tpu.memory_space<vmem>> -> memref<4096xf32, #tpu.memory_space<vmem>>
    %dma_wait3A_758 = arith.constant 0 : i32
    %dma_wait3A_759 = tpu.memref_slice %arg4[%add3A_695, %dma_wait3A_758] : memref<256x16384xf32, #tpu.memory_space<hbm>> -> memref<1x4096xf32, #tpu.memory_space<hbm>>
    %dma_wait3A_760 = tpu.memref_squeeze %dma_wait3A_759 : memref<1x4096xf32, #tpu.memory_space<hbm>> -> memref<4096xf32, #tpu.memory_space<hbm>>
    %dma_wait3A_761 = arith.constant 0 : i32
    %dma_wait3A_762 = tpu.memref_slice %arg4[%add3A_695, %dma_wait3A_761] : memref<256x16384xf32, #tpu.memory_space<hbm>> -> memref<1x4096xf32, #tpu.memory_space<hbm>>
    %dma_wait3A_763 = tpu.memref_squeeze %dma_wait3A_762 : memref<1x4096xf32, #tpu.memory_space<hbm>> -> memref<4096xf32, #tpu.memory_space<hbm>>
    %dma_wait3A_764 = arith.constant 0 : i32
    %dma_wait3A_765 = tpu.memref_slice %arg7[%dma_wait3A_754, %dma_wait3A_764] : memref<2x4096xf32, #tpu.memory_space<vmem>> -> memref<1x4096xf32, #tpu.memory_space<vmem>>
    %dma_wait3A_766 = tpu.memref_squeeze %dma_wait3A_765 : memref<1x4096xf32, #tpu.memory_space<vmem>> -> memref<4096xf32, #tpu.memory_space<vmem>>
    tpu.wait_dma2 semaphore(%arg8 : memref<!tpu.dma_semaphore, #tpu.memory_space<semaphore_mem>>) src(%dma_wait3A_766 : memref<4096xf32, #tpu.memory_space<vmem>>) dst(%dma_wait3A_763 : memref<4096xf32, #tpu.memory_space<hbm>>)
    %parallel_loop3A_767 = arith.constant 0 : i32
    %parallel_loop3A_768 = arith.constant 256 : i32
    %parallel_loop3A_769 = arith.constant 1 : i32
    scf.for %parallel_loop3A_958 = %parallel_loop3A_767 to %parallel_loop3A_768 step %parallel_loop3A_769  : i32 {
      %parallel_loop3A_959 = arith.constant 16 : i32
      %parallel_loop3A_960 = arith.muli %parallel_loop3A_958, %parallel_loop3A_959 : i32
      %parallel_loop3A_961 = arith.constant 8192 : i32
      %parallel_loop3A_962 = arith.addi %parallel_loop3A_961, %parallel_loop3A_960 : i32
      %parallel_loop3A_963 = arith.index_cast %parallel_loop3A_962 : i32 to index
      %parallel_loop3A_964 = tpu.vector_load %arg5[%parallel_loop3A_963] {strides = array<i32>} : memref<16384xi32, #tpu.memory_space<vmem>>, vector<16xi32>,
      %parallel_loop3A_965 = tpu.vector_load_idx %arg6[%parallel_loop3A_964] : memref<100000xf32, #tpu.memory_space<vmem>>[vector<16xi32>], vector<16xf32>,
      %parallel_loop3A_966 = arith.constant 16 : i32
      %parallel_loop3A_967 = arith.muli %parallel_loop3A_958, %parallel_loop3A_966 : i32
      %parallel_loop3A_968 = arith.constant 0 : i32
      %parallel_loop3A_969 = arith.index_cast %parallel_loop3A_968 : i32 to index
      %parallel_loop3A_970 = arith.index_cast %parallel_loop3A_967 : i32 to index
      %parallel_loop3A_971 = tpu.vector_load %arg7[%parallel_loop3A_969, %parallel_loop3A_970] {strides = array<i32>} : memref<2x4096xf32, #tpu.memory_space<vmem>>, vector<16xf32>,
      tpu.vector_store %arg7[%parallel_loop3A_969, %parallel_loop3A_970], %parallel_loop3A_965 {strides = array<i32>} : memref<2x4096xf32, #tpu.memory_space<vmem>>, vector<16xf32>,
    } {sc.loop_unroll_factor = 16 : i64, sc.parallel_access}
    %dma_start3A_770 = arith.constant 0 : i32
    %dma_start3A_771 = arith.constant 0 : i32
    %dma_start3A_772 = tpu.memref_slice %arg7[%dma_start3A_770, %dma_start3A_771] : memref<2x4096xf32, #tpu.memory_space<vmem>> -> memref<1x4096xf32, #tpu.memory_space<vmem>>
    %dma_start3A_773 = tpu.memref_squeeze %dma_start3A_772 : memref<1x4096xf32, #tpu.memory_space<vmem>> -> memref<4096xf32, #tpu.memory_space<vmem>>
    %dma_start3A_774 = arith.constant 8192 : i32
    %dma_start3A_775 = tpu.memref_slice %arg4[%add3A_695, %dma_start3A_774] : memref<256x16384xf32, #tpu.memory_space<hbm>> -> memref<1x4096xf32, #tpu.memory_space<hbm>>
    %dma_start3A_776 = tpu.memref_squeeze %dma_start3A_775 : memref<1x4096xf32, #tpu.memory_space<hbm>> -> memref<4096xf32, #tpu.memory_space<hbm>>
    %dma_start3A_777 = arith.constant 8192 : i32
    %dma_start3A_778 = tpu.memref_slice %arg4[%add3A_695, %dma_start3A_777] : memref<256x16384xf32, #tpu.memory_space<hbm>> -> memref<1x4096xf32, #tpu.memory_space<hbm>>
    %dma_start3A_779 = tpu.memref_squeeze %dma_start3A_778 : memref<1x4096xf32, #tpu.memory_space<hbm>> -> memref<4096xf32, #tpu.memory_space<hbm>>
    %dma_start3A_780 = arith.constant 0 : i32
    %dma_start3A_781 = tpu.memref_slice %arg7[%dma_start3A_770, %dma_start3A_780] : memref<2x4096xf32, #tpu.memory_space<vmem>> -> memref<1x4096xf32, #tpu.memory_space<vmem>>
    %dma_start3A_782 = tpu.memref_squeeze %dma_start3A_781 : memref<1x4096xf32, #tpu.memory_space<vmem>> -> memref<4096xf32, #tpu.memory_space<vmem>>
    tpu.enqueue_dma source(%dma_start3A_782 : memref<4096xf32, #tpu.memory_space<vmem>>) target(%dma_start3A_779 : memref<4096xf32, #tpu.memory_space<hbm>>) target_semaphore(%arg8 : memref<!tpu.dma_semaphore, #tpu.memory_space<semaphore_mem>>)
    %dma_wait3A_783 = arith.constant 1 : i32
    %dma_wait3A_784 = arith.constant 0 : i32
    %dma_wait3A_785 = tpu.memref_slice %arg7[%dma_wait3A_783, %dma_wait3A_784] : memref<2x4096xf32, #tpu.memory_space<vmem>> -> memref<1x4096xf32, #tpu.memory_space<vmem>>
    %dma_wait3A_786 = tpu.memref_squeeze %dma_wait3A_785 : memref<1x4096xf32, #tpu.memory_space<vmem>> -> memref<4096xf32, #tpu.memory_space<vmem>>
    %dma_wait3A_787 = arith.constant 4096 : i32
    %dma_wait3A_788 = tpu.memref_slice %arg4[%add3A_695, %dma_wait3A_787] : memref<256x16384xf32, #tpu.memory_space<hbm>> -> memref<1x4096xf32, #tpu.memory_space<hbm>>
    %dma_wait3A_789 = tpu.memref_squeeze %dma_wait3A_788 : memref<1x4096xf32, #tpu.memory_space<hbm>> -> memref<4096xf32, #tpu.memory_space<hbm>>
    %dma_wait3A_790 = arith.constant 4096 : i32
    %dma_wait3A_791 = tpu.memref_slice %arg4[%add3A_695, %dma_wait3A_790] : memref<256x16384xf32, #tpu.memory_space<hbm>> -> memref<1x4096xf32, #tpu.memory_space<hbm>>
    %dma_wait3A_792 = tpu.memref_squeeze %dma_wait3A_791 : memref<1x4096xf32, #tpu.memory_space<hbm>> -> memref<4096xf32, #tpu.memory_space<hbm>>
    %dma_wait3A_793 = arith.constant 0 : i32
    %dma_wait3A_794 = tpu.memref_slice %arg7[%dma_wait3A_783, %dma_wait3A_793] : memref<2x4096xf32, #tpu.memory_space<vmem>> -> memref<1x4096xf32, #tpu.memory_space<vmem>>
    %dma_wait3A_795 = tpu.memref_squeeze %dma_wait3A_794 : memref<1x4096xf32, #tpu.memory_space<vmem>> -> memref<4096xf32, #tpu.memory_space<vmem>>
    tpu.wait_dma2 semaphore(%arg9 : memref<!tpu.dma_semaphore, #tpu.memory_space<semaphore_mem>>) src(%dma_wait3A_795 : memref<4096xf32, #tpu.memory_space<vmem>>) dst(%dma_wait3A_792 : memref<4096xf32, #tpu.memory_space<hbm>>)
    %parallel_loop3A_796 = arith.constant 0 : i32
    %parallel_loop3A_797 = arith.constant 256 : i32
    %parallel_loop3A_798 = arith.constant 1 : i32
    scf.for %parallel_loop3A_958 = %parallel_loop3A_796 to %parallel_loop3A_797 step %parallel_loop3A_798  : i32 {
      %parallel_loop3A_959 = arith.constant 16 : i32
      %parallel_loop3A_960 = arith.muli %parallel_loop3A_958, %parallel_loop3A_959 : i32
      %parallel_loop3A_961 = arith.constant 12288 : i32
      %parallel_loop3A_962 = arith.addi %parallel_loop3A_961, %parallel_loop3A_960 : i32
      %parallel_loop3A_963 = arith.index_cast %parallel_loop3A_962 : i32 to index
      %parallel_loop3A_964 = tpu.vector_load %arg5[%parallel_loop3A_963] {strides = array<i32>} : memref<16384xi32, #tpu.memory_space<vmem>>, vector<16xi32>,
      %parallel_loop3A_965 = tpu.vector_load_idx %arg6[%parallel_loop3A_964] : memref<100000xf32, #tpu.memory_space<vmem>>[vector<16xi32>], vector<16xf32>,
      %parallel_loop3A_966 = arith.constant 16 : i32
      %parallel_loop3A_967 = arith.muli %parallel_loop3A_958, %parallel_loop3A_966 : i32
      %parallel_loop3A_968 = arith.constant 1 : i32
      %parallel_loop3A_969 = arith.index_cast %parallel_loop3A_968 : i32 to index
      %parallel_loop3A_970 = arith.index_cast %parallel_loop3A_967 : i32 to index
      %parallel_loop3A_971 = tpu.vector_load %arg7[%parallel_loop3A_969, %parallel_loop3A_970] {strides = array<i32>} : memref<2x4096xf32, #tpu.memory_space<vmem>>, vector<16xf32>,
      tpu.vector_store %arg7[%parallel_loop3A_969, %parallel_loop3A_970], %parallel_loop3A_965 {strides = array<i32>} : memref<2x4096xf32, #tpu.memory_space<vmem>>, vector<16xf32>,
    } {sc.loop_unroll_factor = 16 : i64, sc.parallel_access}
    %dma_start3A_799 = arith.constant 1 : i32
    %dma_start3A_800 = arith.constant 0 : i32
    %dma_start3A_801 = tpu.memref_slice %arg7[%dma_start3A_799, %dma_start3A_800] : memref<2x4096xf32, #tpu.memory_space<vmem>> -> memref<1x4096xf32, #tpu.memory_space<vmem>>
    %dma_start3A_802 = tpu.memref_squeeze %dma_start3A_801 : memref<1x4096xf32, #tpu.memory_space<vmem>> -> memref<4096xf32, #tpu.memory_space<vmem>>
    %dma_start3A_803 = arith.constant 12288 : i32
    %dma_start3A_804 = tpu.memref_slice %arg4[%add3A_695, %dma_start3A_803] : memref<256x16384xf32, #tpu.memory_space<hbm>> -> memref<1x4096xf32, #tpu.memory_space<hbm>>
    %dma_start3A_805 = tpu.memref_squeeze %dma_start3A_804 : memref<1x4096xf32, #tpu.memory_space<hbm>> -> memref<4096xf32, #tpu.memory_space<hbm>>
    %dma_start3A_806 = arith.constant 12288 : i32
    %dma_start3A_807 = tpu.memref_slice %arg4[%add3A_695, %dma_start3A_806] : memref<256x16384xf32, #tpu.memory_space<hbm>> -> memref<1x4096xf32, #tpu.memory_space<hbm>>
    %dma_start3A_808 = tpu.memref_squeeze %dma_start3A_807 : memref<1x4096xf32, #tpu.memory_space<hbm>> -> memref<4096xf32, #tpu.memory_space<hbm>>
    %dma_start3A_809 = arith.constant 0 : i32
    %dma_start3A_810 = tpu.memref_slice %arg7[%dma_start3A_799, %dma_start3A_809] : memref<2x4096xf32, #tpu.memory_space<vmem>> -> memref<1x4096xf32, #tpu.memory_space<vmem>>
    %dma_start3A_811 = tpu.memref_squeeze %dma_start3A_810 : memref<1x4096xf32, #tpu.memory_space<vmem>> -> memref<4096xf32, #tpu.memory_space<vmem>>
    tpu.enqueue_dma source(%dma_start3A_811 : memref<4096xf32, #tpu.memory_space<vmem>>) target(%dma_start3A_808 : memref<4096xf32, #tpu.memory_space<hbm>>) target_semaphore(%arg9 : memref<!tpu.dma_semaphore, #tpu.memory_space<semaphore_mem>>)
    %mul3A_812 = arith.constant 8 : i32
    %mul3A_813 = arith.muli %add3A, %mul3A_812 : i32
    %add3A_814 = arith.constant 7 : i32
    %add3A_815 = arith.addi %mul3A_813, %add3A_814 : i32
    "tpu.region"() ({
      %run_scoped3A = tpu.sem_alloc : memref<!tpu.dma_semaphore, #tpu.memory_space<semaphore_mem>>
      %dma_start3A_958 = arith.constant 0 : i32
      %dma_start3A_959 = tpu.memref_slice %arg2[%add3A_815, %dma_start3A_958] : memref<256x100000xf32, #tpu.memory_space<hbm>> -> memref<1x100000xf32, #tpu.memory_space<hbm>>
      %dma_start3A_960 = tpu.memref_squeeze %dma_start3A_959 : memref<1x100000xf32, #tpu.memory_space<hbm>> -> memref<100000xf32, #tpu.memory_space<hbm>>
      %dma_start3A_961 = arith.constant 0 : i32
      %dma_start3A_962 = tpu.memref_slice %arg2[%add3A_815, %dma_start3A_961] : memref<256x100000xf32, #tpu.memory_space<hbm>> -> memref<1x100000xf32, #tpu.memory_space<hbm>>
      %dma_start3A_963 = tpu.memref_squeeze %dma_start3A_962 : memref<1x100000xf32, #tpu.memory_space<hbm>> -> memref<100000xf32, #tpu.memory_space<hbm>>
      tpu.enqueue_dma source(%dma_start3A_963 : memref<100000xf32, #tpu.memory_space<hbm>>) target(%arg6 : memref<100000xf32, #tpu.memory_space<vmem>>) target_semaphore(%run_scoped3A : memref<!tpu.dma_semaphore, #tpu.memory_space<semaphore_mem>>)
      %dma_wait3A_964 = arith.constant 0 : i32
      %dma_wait3A_965 = tpu.memref_slice %arg2[%add3A_815, %dma_wait3A_964] : memref<256x100000xf32, #tpu.memory_space<hbm>> -> memref<1x100000xf32, #tpu.memory_space<hbm>>
      %dma_wait3A_966 = tpu.memref_squeeze %dma_wait3A_965 : memref<1x100000xf32, #tpu.memory_space<hbm>> -> memref<100000xf32, #tpu.memory_space<hbm>>
      %dma_wait3A_967 = arith.constant 0 : i32
      %dma_wait3A_968 = tpu.memref_slice %arg2[%add3A_815, %dma_wait3A_967] : memref<256x100000xf32, #tpu.memory_space<hbm>> -> memref<1x100000xf32, #tpu.memory_space<hbm>>
      %dma_wait3A_969 = tpu.memref_squeeze %dma_wait3A_968 : memref<1x100000xf32, #tpu.memory_space<hbm>> -> memref<100000xf32, #tpu.memory_space<hbm>>
      tpu.wait_dma2 semaphore(%run_scoped3A : memref<!tpu.dma_semaphore, #tpu.memory_space<semaphore_mem>>) src(%dma_wait3A_969 : memref<100000xf32, #tpu.memory_space<hbm>>) dst(%arg6 : memref<100000xf32, #tpu.memory_space<vmem>>)
      tpu.yield
    }) : () -> ()
    %dma_wait3A_816 = arith.constant 0 : i32
    %dma_wait3A_817 = arith.constant 0 : i32
    %dma_wait3A_818 = tpu.memref_slice %arg7[%dma_wait3A_816, %dma_wait3A_817] : memref<2x4096xf32, #tpu.memory_space<vmem>> -> memref<1x4096xf32, #tpu.memory_space<vmem>>
    %dma_wait3A_819 = tpu.memref_squeeze %dma_wait3A_818 : memref<1x4096xf32, #tpu.memory_space<vmem>> -> memref<4096xf32, #tpu.memory_space<vmem>>
    %dma_wait3A_820 = arith.constant 8192 : i32
    %dma_wait3A_821 = tpu.memref_slice %arg4[%add3A_695, %dma_wait3A_820] : memref<256x16384xf32, #tpu.memory_space<hbm>> -> memref<1x4096xf32, #tpu.memory_space<hbm>>
    %dma_wait3A_822 = tpu.memref_squeeze %dma_wait3A_821 : memref<1x4096xf32, #tpu.memory_space<hbm>> -> memref<4096xf32, #tpu.memory_space<hbm>>
    %dma_wait3A_823 = arith.constant 8192 : i32
    %dma_wait3A_824 = tpu.memref_slice %arg4[%add3A_695, %dma_wait3A_823] : memref<256x16384xf32, #tpu.memory_space<hbm>> -> memref<1x4096xf32, #tpu.memory_space<hbm>>
    %dma_wait3A_825 = tpu.memref_squeeze %dma_wait3A_824 : memref<1x4096xf32, #tpu.memory_space<hbm>> -> memref<4096xf32, #tpu.memory_space<hbm>>
    %dma_wait3A_826 = arith.constant 0 : i32
    %dma_wait3A_827 = tpu.memref_slice %arg7[%dma_wait3A_816, %dma_wait3A_826] : memref<2x4096xf32, #tpu.memory_space<vmem>> -> memref<1x4096xf32, #tpu.memory_space<vmem>>
    %dma_wait3A_828 = tpu.memref_squeeze %dma_wait3A_827 : memref<1x4096xf32, #tpu.memory_space<vmem>> -> memref<4096xf32, #tpu.memory_space<vmem>>
    tpu.wait_dma2 semaphore(%arg8 : memref<!tpu.dma_semaphore, #tpu.memory_space<semaphore_mem>>) src(%dma_wait3A_828 : memref<4096xf32, #tpu.memory_space<vmem>>) dst(%dma_wait3A_825 : memref<4096xf32, #tpu.memory_space<hbm>>)
    %parallel_loop3A_829 = arith.constant 0 : i32
    %parallel_loop3A_830 = arith.constant 256 : i32
    %parallel_loop3A_831 = arith.constant 1 : i32
    scf.for %parallel_loop3A_958 = %parallel_loop3A_829 to %parallel_loop3A_830 step %parallel_loop3A_831  : i32 {
      %parallel_loop3A_959 = arith.constant 16 : i32
      %parallel_loop3A_960 = arith.muli %parallel_loop3A_958, %parallel_loop3A_959 : i32
      %parallel_loop3A_961 = arith.constant 0 : i32
      %parallel_loop3A_962 = arith.addi %parallel_loop3A_961, %parallel_loop3A_960 : i32
      %parallel_loop3A_963 = arith.index_cast %parallel_loop3A_962 : i32 to index
      %parallel_loop3A_964 = tpu.vector_load %arg5[%parallel_loop3A_963] {strides = array<i32>} : memref<16384xi32, #tpu.memory_space<vmem>>, vector<16xi32>,
      %parallel_loop3A_965 = tpu.vector_load_idx %arg6[%parallel_loop3A_964] : memref<100000xf32, #tpu.memory_space<vmem>>[vector<16xi32>], vector<16xf32>,
      %parallel_loop3A_966 = arith.constant 16 : i32
      %parallel_loop3A_967 = arith.muli %parallel_loop3A_958, %parallel_loop3A_966 : i32
      %parallel_loop3A_968 = arith.constant 0 : i32
      %parallel_loop3A_969 = arith.index_cast %parallel_loop3A_968 : i32 to index
      %parallel_loop3A_970 = arith.index_cast %parallel_loop3A_967 : i32 to index
      %parallel_loop3A_971 = tpu.vector_load %arg7[%parallel_loop3A_969, %parallel_loop3A_970] {strides = array<i32>} : memref<2x4096xf32, #tpu.memory_space<vmem>>, vector<16xf32>,
      tpu.vector_store %arg7[%parallel_loop3A_969, %parallel_loop3A_970], %parallel_loop3A_965 {strides = array<i32>} : memref<2x4096xf32, #tpu.memory_space<vmem>>, vector<16xf32>,
    } {sc.loop_unroll_factor = 16 : i64, sc.parallel_access}
    %dma_start3A_832 = arith.constant 0 : i32
    %dma_start3A_833 = arith.constant 0 : i32
    %dma_start3A_834 = tpu.memref_slice %arg7[%dma_start3A_832, %dma_start3A_833] : memref<2x4096xf32, #tpu.memory_space<vmem>> -> memref<1x4096xf32, #tpu.memory_space<vmem>>
    %dma_start3A_835 = tpu.memref_squeeze %dma_start3A_834 : memref<1x4096xf32, #tpu.memory_space<vmem>> -> memref<4096xf32, #tpu.memory_space<vmem>>
    %dma_start3A_836 = arith.constant 0 : i32
    %dma_start3A_837 = tpu.memref_slice %arg4[%add3A_815, %dma_start3A_836] : memref<256x16384xf32, #tpu.memory_space<hbm>> -> memref<1x4096xf32, #tpu.memory_space<hbm>>
    %dma_start3A_838 = tpu.memref_squeeze %dma_start3A_837 : memref<1x4096xf32, #tpu.memory_space<hbm>> -> memref<4096xf32, #tpu.memory_space<hbm>>
    %dma_start3A_839 = arith.constant 0 : i32
    %dma_start3A_840 = tpu.memref_slice %arg4[%add3A_815, %dma_start3A_839] : memref<256x16384xf32, #tpu.memory_space<hbm>> -> memref<1x4096xf32, #tpu.memory_space<hbm>>
    %dma_start3A_841 = tpu.memref_squeeze %dma_start3A_840 : memref<1x4096xf32, #tpu.memory_space<hbm>> -> memref<4096xf32, #tpu.memory_space<hbm>>
    %dma_start3A_842 = arith.constant 0 : i32
    %dma_start3A_843 = tpu.memref_slice %arg7[%dma_start3A_832, %dma_start3A_842] : memref<2x4096xf32, #tpu.memory_space<vmem>> -> memref<1x4096xf32, #tpu.memory_space<vmem>>
    %dma_start3A_844 = tpu.memref_squeeze %dma_start3A_843 : memref<1x4096xf32, #tpu.memory_space<vmem>> -> memref<4096xf32, #tpu.memory_space<vmem>>
    tpu.enqueue_dma source(%dma_start3A_844 : memref<4096xf32, #tpu.memory_space<vmem>>) target(%dma_start3A_841 : memref<4096xf32, #tpu.memory_space<hbm>>) target_semaphore(%arg8 : memref<!tpu.dma_semaphore, #tpu.memory_space<semaphore_mem>>)
    %dma_wait3A_845 = arith.constant 1 : i32
    %dma_wait3A_846 = arith.constant 0 : i32
    %dma_wait3A_847 = tpu.memref_slice %arg7[%dma_wait3A_845, %dma_wait3A_846] : memref<2x4096xf32, #tpu.memory_space<vmem>> -> memref<1x4096xf32, #tpu.memory_space<vmem>>
    %dma_wait3A_848 = tpu.memref_squeeze %dma_wait3A_847 : memref<1x4096xf32, #tpu.memory_space<vmem>> -> memref<4096xf32, #tpu.memory_space<vmem>>
    %dma_wait3A_849 = arith.constant 12288 : i32
    %dma_wait3A_850 = tpu.memref_slice %arg4[%add3A_695, %dma_wait3A_849] : memref<256x16384xf32, #tpu.memory_space<hbm>> -> memref<1x4096xf32, #tpu.memory_space<hbm>>
    %dma_wait3A_851 = tpu.memref_squeeze %dma_wait3A_850 : memref<1x4096xf32, #tpu.memory_space<hbm>> -> memref<4096xf32, #tpu.memory_space<hbm>>
    %dma_wait3A_852 = arith.constant 12288 : i32
    %dma_wait3A_853 = tpu.memref_slice %arg4[%add3A_695, %dma_wait3A_852] : memref<256x16384xf32, #tpu.memory_space<hbm>> -> memref<1x4096xf32, #tpu.memory_space<hbm>>
    %dma_wait3A_854 = tpu.memref_squeeze %dma_wait3A_853 : memref<1x4096xf32, #tpu.memory_space<hbm>> -> memref<4096xf32, #tpu.memory_space<hbm>>
    %dma_wait3A_855 = arith.constant 0 : i32
    %dma_wait3A_856 = tpu.memref_slice %arg7[%dma_wait3A_845, %dma_wait3A_855] : memref<2x4096xf32, #tpu.memory_space<vmem>> -> memref<1x4096xf32, #tpu.memory_space<vmem>>
    %dma_wait3A_857 = tpu.memref_squeeze %dma_wait3A_856 : memref<1x4096xf32, #tpu.memory_space<vmem>> -> memref<4096xf32, #tpu.memory_space<vmem>>
    tpu.wait_dma2 semaphore(%arg9 : memref<!tpu.dma_semaphore, #tpu.memory_space<semaphore_mem>>) src(%dma_wait3A_857 : memref<4096xf32, #tpu.memory_space<vmem>>) dst(%dma_wait3A_854 : memref<4096xf32, #tpu.memory_space<hbm>>)
    %parallel_loop3A_858 = arith.constant 0 : i32
    %parallel_loop3A_859 = arith.constant 256 : i32
    %parallel_loop3A_860 = arith.constant 1 : i32
    scf.for %parallel_loop3A_958 = %parallel_loop3A_858 to %parallel_loop3A_859 step %parallel_loop3A_860  : i32 {
      %parallel_loop3A_959 = arith.constant 16 : i32
      %parallel_loop3A_960 = arith.muli %parallel_loop3A_958, %parallel_loop3A_959 : i32
      %parallel_loop3A_961 = arith.constant 4096 : i32
      %parallel_loop3A_962 = arith.addi %parallel_loop3A_961, %parallel_loop3A_960 : i32
      %parallel_loop3A_963 = arith.index_cast %parallel_loop3A_962 : i32 to index
      %parallel_loop3A_964 = tpu.vector_load %arg5[%parallel_loop3A_963] {strides = array<i32>} : memref<16384xi32, #tpu.memory_space<vmem>>, vector<16xi32>,
      %parallel_loop3A_965 = tpu.vector_load_idx %arg6[%parallel_loop3A_964] : memref<100000xf32, #tpu.memory_space<vmem>>[vector<16xi32>], vector<16xf32>,
      %parallel_loop3A_966 = arith.constant 16 : i32
      %parallel_loop3A_967 = arith.muli %parallel_loop3A_958, %parallel_loop3A_966 : i32
      %parallel_loop3A_968 = arith.constant 1 : i32
      %parallel_loop3A_969 = arith.index_cast %parallel_loop3A_968 : i32 to index
      %parallel_loop3A_970 = arith.index_cast %parallel_loop3A_967 : i32 to index
      %parallel_loop3A_971 = tpu.vector_load %arg7[%parallel_loop3A_969, %parallel_loop3A_970] {strides = array<i32>} : memref<2x4096xf32, #tpu.memory_space<vmem>>, vector<16xf32>,
      tpu.vector_store %arg7[%parallel_loop3A_969, %parallel_loop3A_970], %parallel_loop3A_965 {strides = array<i32>} : memref<2x4096xf32, #tpu.memory_space<vmem>>, vector<16xf32>,
    } {sc.loop_unroll_factor = 16 : i64, sc.parallel_access}
    %dma_start3A_861 = arith.constant 1 : i32
    %dma_start3A_862 = arith.constant 0 : i32
    %dma_start3A_863 = tpu.memref_slice %arg7[%dma_start3A_861, %dma_start3A_862] : memref<2x4096xf32, #tpu.memory_space<vmem>> -> memref<1x4096xf32, #tpu.memory_space<vmem>>
    %dma_start3A_864 = tpu.memref_squeeze %dma_start3A_863 : memref<1x4096xf32, #tpu.memory_space<vmem>> -> memref<4096xf32, #tpu.memory_space<vmem>>
    %dma_start3A_865 = arith.constant 4096 : i32
    %dma_start3A_866 = tpu.memref_slice %arg4[%add3A_815, %dma_start3A_865] : memref<256x16384xf32, #tpu.memory_space<hbm>> -> memref<1x4096xf32, #tpu.memory_space<hbm>>
    %dma_start3A_867 = tpu.memref_squeeze %dma_start3A_866 : memref<1x4096xf32, #tpu.memory_space<hbm>> -> memref<4096xf32, #tpu.memory_space<hbm>>
    %dma_start3A_868 = arith.constant 4096 : i32
    %dma_start3A_869 = tpu.memref_slice %arg4[%add3A_815, %dma_start3A_868] : memref<256x16384xf32, #tpu.memory_space<hbm>> -> memref<1x4096xf32, #tpu.memory_space<hbm>>
    %dma_start3A_870 = tpu.memref_squeeze %dma_start3A_869 : memref<1x4096xf32, #tpu.memory_space<hbm>> -> memref<4096xf32, #tpu.memory_space<hbm>>
    %dma_start3A_871 = arith.constant 0 : i32
    %dma_start3A_872 = tpu.memref_slice %arg7[%dma_start3A_861, %dma_start3A_871] : memref<2x4096xf32, #tpu.memory_space<vmem>> -> memref<1x4096xf32, #tpu.memory_space<vmem>>
    %dma_start3A_873 = tpu.memref_squeeze %dma_start3A_872 : memref<1x4096xf32, #tpu.memory_space<vmem>> -> memref<4096xf32, #tpu.memory_space<vmem>>
    tpu.enqueue_dma source(%dma_start3A_873 : memref<4096xf32, #tpu.memory_space<vmem>>) target(%dma_start3A_870 : memref<4096xf32, #tpu.memory_space<hbm>>) target_semaphore(%arg9 : memref<!tpu.dma_semaphore, #tpu.memory_space<semaphore_mem>>)
    %dma_wait3A_874 = arith.constant 0 : i32
    %dma_wait3A_875 = arith.constant 0 : i32
    %dma_wait3A_876 = tpu.memref_slice %arg7[%dma_wait3A_874, %dma_wait3A_875] : memref<2x4096xf32, #tpu.memory_space<vmem>> -> memref<1x4096xf32, #tpu.memory_space<vmem>>
    %dma_wait3A_877 = tpu.memref_squeeze %dma_wait3A_876 : memref<1x4096xf32, #tpu.memory_space<vmem>> -> memref<4096xf32, #tpu.memory_space<vmem>>
    %dma_wait3A_878 = arith.constant 0 : i32
    %dma_wait3A_879 = tpu.memref_slice %arg4[%add3A_815, %dma_wait3A_878] : memref<256x16384xf32, #tpu.memory_space<hbm>> -> memref<1x4096xf32, #tpu.memory_space<hbm>>
    %dma_wait3A_880 = tpu.memref_squeeze %dma_wait3A_879 : memref<1x4096xf32, #tpu.memory_space<hbm>> -> memref<4096xf32, #tpu.memory_space<hbm>>
    %dma_wait3A_881 = arith.constant 0 : i32
    %dma_wait3A_882 = tpu.memref_slice %arg4[%add3A_815, %dma_wait3A_881] : memref<256x16384xf32, #tpu.memory_space<hbm>> -> memref<1x4096xf32, #tpu.memory_space<hbm>>
    %dma_wait3A_883 = tpu.memref_squeeze %dma_wait3A_882 : memref<1x4096xf32, #tpu.memory_space<hbm>> -> memref<4096xf32, #tpu.memory_space<hbm>>
    %dma_wait3A_884 = arith.constant 0 : i32
    %dma_wait3A_885 = tpu.memref_slice %arg7[%dma_wait3A_874, %dma_wait3A_884] : memref<2x4096xf32, #tpu.memory_space<vmem>> -> memref<1x4096xf32, #tpu.memory_space<vmem>>
    %dma_wait3A_886 = tpu.memref_squeeze %dma_wait3A_885 : memref<1x4096xf32, #tpu.memory_space<vmem>> -> memref<4096xf32, #tpu.memory_space<vmem>>
    tpu.wait_dma2 semaphore(%arg8 : memref<!tpu.dma_semaphore, #tpu.memory_space<semaphore_mem>>) src(%dma_wait3A_886 : memref<4096xf32, #tpu.memory_space<vmem>>) dst(%dma_wait3A_883 : memref<4096xf32, #tpu.memory_space<hbm>>)
    %parallel_loop3A_887 = arith.constant 0 : i32
    %parallel_loop3A_888 = arith.constant 256 : i32
    %parallel_loop3A_889 = arith.constant 1 : i32
    scf.for %parallel_loop3A_958 = %parallel_loop3A_887 to %parallel_loop3A_888 step %parallel_loop3A_889  : i32 {
      %parallel_loop3A_959 = arith.constant 16 : i32
      %parallel_loop3A_960 = arith.muli %parallel_loop3A_958, %parallel_loop3A_959 : i32
      %parallel_loop3A_961 = arith.constant 8192 : i32
      %parallel_loop3A_962 = arith.addi %parallel_loop3A_961, %parallel_loop3A_960 : i32
      %parallel_loop3A_963 = arith.index_cast %parallel_loop3A_962 : i32 to index
      %parallel_loop3A_964 = tpu.vector_load %arg5[%parallel_loop3A_963] {strides = array<i32>} : memref<16384xi32, #tpu.memory_space<vmem>>, vector<16xi32>,
      %parallel_loop3A_965 = tpu.vector_load_idx %arg6[%parallel_loop3A_964] : memref<100000xf32, #tpu.memory_space<vmem>>[vector<16xi32>], vector<16xf32>,
      %parallel_loop3A_966 = arith.constant 16 : i32
      %parallel_loop3A_967 = arith.muli %parallel_loop3A_958, %parallel_loop3A_966 : i32
      %parallel_loop3A_968 = arith.constant 0 : i32
      %parallel_loop3A_969 = arith.index_cast %parallel_loop3A_968 : i32 to index
      %parallel_loop3A_970 = arith.index_cast %parallel_loop3A_967 : i32 to index
      %parallel_loop3A_971 = tpu.vector_load %arg7[%parallel_loop3A_969, %parallel_loop3A_970] {strides = array<i32>} : memref<2x4096xf32, #tpu.memory_space<vmem>>, vector<16xf32>,
      tpu.vector_store %arg7[%parallel_loop3A_969, %parallel_loop3A_970], %parallel_loop3A_965 {strides = array<i32>} : memref<2x4096xf32, #tpu.memory_space<vmem>>, vector<16xf32>,
    } {sc.loop_unroll_factor = 16 : i64, sc.parallel_access}
    %dma_start3A_890 = arith.constant 0 : i32
    %dma_start3A_891 = arith.constant 0 : i32
    %dma_start3A_892 = tpu.memref_slice %arg7[%dma_start3A_890, %dma_start3A_891] : memref<2x4096xf32, #tpu.memory_space<vmem>> -> memref<1x4096xf32, #tpu.memory_space<vmem>>
    %dma_start3A_893 = tpu.memref_squeeze %dma_start3A_892 : memref<1x4096xf32, #tpu.memory_space<vmem>> -> memref<4096xf32, #tpu.memory_space<vmem>>
    %dma_start3A_894 = arith.constant 8192 : i32
    %dma_start3A_895 = tpu.memref_slice %arg4[%add3A_815, %dma_start3A_894] : memref<256x16384xf32, #tpu.memory_space<hbm>> -> memref<1x4096xf32, #tpu.memory_space<hbm>>
    %dma_start3A_896 = tpu.memref_squeeze %dma_start3A_895 : memref<1x4096xf32, #tpu.memory_space<hbm>> -> memref<4096xf32, #tpu.memory_space<hbm>>
    %dma_start3A_897 = arith.constant 8192 : i32
    %dma_start3A_898 = tpu.memref_slice %arg4[%add3A_815, %dma_start3A_897] : memref<256x16384xf32, #tpu.memory_space<hbm>> -> memref<1x4096xf32, #tpu.memory_space<hbm>>
    %dma_start3A_899 = tpu.memref_squeeze %dma_start3A_898 : memref<1x4096xf32, #tpu.memory_space<hbm>> -> memref<4096xf32, #tpu.memory_space<hbm>>
    %dma_start3A_900 = arith.constant 0 : i32
    %dma_start3A_901 = tpu.memref_slice %arg7[%dma_start3A_890, %dma_start3A_900] : memref<2x4096xf32, #tpu.memory_space<vmem>> -> memref<1x4096xf32, #tpu.memory_space<vmem>>
    %dma_start3A_902 = tpu.memref_squeeze %dma_start3A_901 : memref<1x4096xf32, #tpu.memory_space<vmem>> -> memref<4096xf32, #tpu.memory_space<vmem>>
    tpu.enqueue_dma source(%dma_start3A_902 : memref<4096xf32, #tpu.memory_space<vmem>>) target(%dma_start3A_899 : memref<4096xf32, #tpu.memory_space<hbm>>) target_semaphore(%arg8 : memref<!tpu.dma_semaphore, #tpu.memory_space<semaphore_mem>>)
    %dma_wait3A_903 = arith.constant 1 : i32
    %dma_wait3A_904 = arith.constant 0 : i32
    %dma_wait3A_905 = tpu.memref_slice %arg7[%dma_wait3A_903, %dma_wait3A_904] : memref<2x4096xf32, #tpu.memory_space<vmem>> -> memref<1x4096xf32, #tpu.memory_space<vmem>>
    %dma_wait3A_906 = tpu.memref_squeeze %dma_wait3A_905 : memref<1x4096xf32, #tpu.memory_space<vmem>> -> memref<4096xf32, #tpu.memory_space<vmem>>
    %dma_wait3A_907 = arith.constant 4096 : i32
    %dma_wait3A_908 = tpu.memref_slice %arg4[%add3A_815, %dma_wait3A_907] : memref<256x16384xf32, #tpu.memory_space<hbm>> -> memref<1x4096xf32, #tpu.memory_space<hbm>>
    %dma_wait3A_909 = tpu.memref_squeeze %dma_wait3A_908 : memref<1x4096xf32, #tpu.memory_space<hbm>> -> memref<4096xf32, #tpu.memory_space<hbm>>
    %dma_wait3A_910 = arith.constant 4096 : i32
    %dma_wait3A_911 = tpu.memref_slice %arg4[%add3A_815, %dma_wait3A_910] : memref<256x16384xf32, #tpu.memory_space<hbm>> -> memref<1x4096xf32, #tpu.memory_space<hbm>>
    %dma_wait3A_912 = tpu.memref_squeeze %dma_wait3A_911 : memref<1x4096xf32, #tpu.memory_space<hbm>> -> memref<4096xf32, #tpu.memory_space<hbm>>
    %dma_wait3A_913 = arith.constant 0 : i32
    %dma_wait3A_914 = tpu.memref_slice %arg7[%dma_wait3A_903, %dma_wait3A_913] : memref<2x4096xf32, #tpu.memory_space<vmem>> -> memref<1x4096xf32, #tpu.memory_space<vmem>>
    %dma_wait3A_915 = tpu.memref_squeeze %dma_wait3A_914 : memref<1x4096xf32, #tpu.memory_space<vmem>> -> memref<4096xf32, #tpu.memory_space<vmem>>
    tpu.wait_dma2 semaphore(%arg9 : memref<!tpu.dma_semaphore, #tpu.memory_space<semaphore_mem>>) src(%dma_wait3A_915 : memref<4096xf32, #tpu.memory_space<vmem>>) dst(%dma_wait3A_912 : memref<4096xf32, #tpu.memory_space<hbm>>)
    %parallel_loop3A_916 = arith.constant 0 : i32
    %parallel_loop3A_917 = arith.constant 256 : i32
    %parallel_loop3A_918 = arith.constant 1 : i32
    scf.for %parallel_loop3A_958 = %parallel_loop3A_916 to %parallel_loop3A_917 step %parallel_loop3A_918  : i32 {
      %parallel_loop3A_959 = arith.constant 16 : i32
      %parallel_loop3A_960 = arith.muli %parallel_loop3A_958, %parallel_loop3A_959 : i32
      %parallel_loop3A_961 = arith.constant 12288 : i32
      %parallel_loop3A_962 = arith.addi %parallel_loop3A_961, %parallel_loop3A_960 : i32
      %parallel_loop3A_963 = arith.index_cast %parallel_loop3A_962 : i32 to index
      %parallel_loop3A_964 = tpu.vector_load %arg5[%parallel_loop3A_963] {strides = array<i32>} : memref<16384xi32, #tpu.memory_space<vmem>>, vector<16xi32>,
      %parallel_loop3A_965 = tpu.vector_load_idx %arg6[%parallel_loop3A_964] : memref<100000xf32, #tpu.memory_space<vmem>>[vector<16xi32>], vector<16xf32>,
      %parallel_loop3A_966 = arith.constant 16 : i32
      %parallel_loop3A_967 = arith.muli %parallel_loop3A_958, %parallel_loop3A_966 : i32
      %parallel_loop3A_968 = arith.constant 1 : i32
      %parallel_loop3A_969 = arith.index_cast %parallel_loop3A_968 : i32 to index
      %parallel_loop3A_970 = arith.index_cast %parallel_loop3A_967 : i32 to index
      %parallel_loop3A_971 = tpu.vector_load %arg7[%parallel_loop3A_969, %parallel_loop3A_970] {strides = array<i32>} : memref<2x4096xf32, #tpu.memory_space<vmem>>, vector<16xf32>,
      tpu.vector_store %arg7[%parallel_loop3A_969, %parallel_loop3A_970], %parallel_loop3A_965 {strides = array<i32>} : memref<2x4096xf32, #tpu.memory_space<vmem>>, vector<16xf32>,
    } {sc.loop_unroll_factor = 16 : i64, sc.parallel_access}
    %dma_start3A_919 = arith.constant 1 : i32
    %dma_start3A_920 = arith.constant 0 : i32
    %dma_start3A_921 = tpu.memref_slice %arg7[%dma_start3A_919, %dma_start3A_920] : memref<2x4096xf32, #tpu.memory_space<vmem>> -> memref<1x4096xf32, #tpu.memory_space<vmem>>
    %dma_start3A_922 = tpu.memref_squeeze %dma_start3A_921 : memref<1x4096xf32, #tpu.memory_space<vmem>> -> memref<4096xf32, #tpu.memory_space<vmem>>
    %dma_start3A_923 = arith.constant 12288 : i32
    %dma_start3A_924 = tpu.memref_slice %arg4[%add3A_815, %dma_start3A_923] : memref<256x16384xf32, #tpu.memory_space<hbm>> -> memref<1x4096xf32, #tpu.memory_space<hbm>>
    %dma_start3A_925 = tpu.memref_squeeze %dma_start3A_924 : memref<1x4096xf32, #tpu.memory_space<hbm>> -> memref<4096xf32, #tpu.memory_space<hbm>>
    %dma_start3A_926 = arith.constant 12288 : i32
    %dma_start3A_927 = tpu.memref_slice %arg4[%add3A_815, %dma_start3A_926] : memref<256x16384xf32, #tpu.memory_space<hbm>> -> memref<1x4096xf32, #tpu.memory_space<hbm>>
    %dma_start3A_928 = tpu.memref_squeeze %dma_start3A_927 : memref<1x4096xf32, #tpu.memory_space<hbm>> -> memref<4096xf32, #tpu.memory_space<hbm>>
    %dma_start3A_929 = arith.constant 0 : i32
    %dma_start3A_930 = tpu.memref_slice %arg7[%dma_start3A_919, %dma_start3A_929] : memref<2x4096xf32, #tpu.memory_space<vmem>> -> memref<1x4096xf32, #tpu.memory_space<vmem>>
    %dma_start3A_931 = tpu.memref_squeeze %dma_start3A_930 : memref<1x4096xf32, #tpu.memory_space<vmem>> -> memref<4096xf32, #tpu.memory_space<vmem>>
    tpu.enqueue_dma source(%dma_start3A_931 : memref<4096xf32, #tpu.memory_space<vmem>>) target(%dma_start3A_928 : memref<4096xf32, #tpu.memory_space<hbm>>) target_semaphore(%arg9 : memref<!tpu.dma_semaphore, #tpu.memory_space<semaphore_mem>>)
    %dma_wait3A_932 = arith.constant 0 : i32
    %dma_wait3A_933 = arith.constant 0 : i32
    %dma_wait3A_934 = tpu.memref_slice %arg7[%dma_wait3A_932, %dma_wait3A_933] : memref<2x4096xf32, #tpu.memory_space<vmem>> -> memref<1x4096xf32, #tpu.memory_space<vmem>>
    %dma_wait3A_935 = tpu.memref_squeeze %dma_wait3A_934 : memref<1x4096xf32, #tpu.memory_space<vmem>> -> memref<4096xf32, #tpu.memory_space<vmem>>
    %dma_wait3A_936 = arith.constant 8192 : i32
    %dma_wait3A_937 = tpu.memref_slice %arg4[%add3A_815, %dma_wait3A_936] : memref<256x16384xf32, #tpu.memory_space<hbm>> -> memref<1x4096xf32, #tpu.memory_space<hbm>>
    %dma_wait3A_938 = tpu.memref_squeeze %dma_wait3A_937 : memref<1x4096xf32, #tpu.memory_space<hbm>> -> memref<4096xf32, #tpu.memory_space<hbm>>
    %dma_wait3A_939 = arith.constant 8192 : i32
    %dma_wait3A_940 = tpu.memref_slice %arg4[%add3A_815, %dma_wait3A_939] : memref<256x16384xf32, #tpu.memory_space<hbm>> -> memref<1x4096xf32, #tpu.memory_space<hbm>>
    %dma_wait3A_941 = tpu.memref_squeeze %dma_wait3A_940 : memref<1x4096xf32, #tpu.memory_space<hbm>> -> memref<4096xf32, #tpu.memory_space<hbm>>
    %dma_wait3A_942 = arith.constant 0 : i32
    %dma_wait3A_943 = tpu.memref_slice %arg7[%dma_wait3A_932, %dma_wait3A_942] : memref<2x4096xf32, #tpu.memory_space<vmem>> -> memref<1x4096xf32, #tpu.memory_space<vmem>>
    %dma_wait3A_944 = tpu.memref_squeeze %dma_wait3A_943 : memref<1x4096xf32, #tpu.memory_space<vmem>> -> memref<4096xf32, #tpu.memory_space<vmem>>
    tpu.wait_dma2 semaphore(%arg8 : memref<!tpu.dma_semaphore, #tpu.memory_space<semaphore_mem>>) src(%dma_wait3A_944 : memref<4096xf32, #tpu.memory_space<vmem>>) dst(%dma_wait3A_941 : memref<4096xf32, #tpu.memory_space<hbm>>)
    %dma_wait3A_945 = arith.constant 1 : i32
    %dma_wait3A_946 = arith.constant 0 : i32
    %dma_wait3A_947 = tpu.memref_slice %arg7[%dma_wait3A_945, %dma_wait3A_946] : memref<2x4096xf32, #tpu.memory_space<vmem>> -> memref<1x4096xf32, #tpu.memory_space<vmem>>
    %dma_wait3A_948 = tpu.memref_squeeze %dma_wait3A_947 : memref<1x4096xf32, #tpu.memory_space<vmem>> -> memref<4096xf32, #tpu.memory_space<vmem>>
    %dma_wait3A_949 = arith.constant 12288 : i32
    %dma_wait3A_950 = tpu.memref_slice %arg4[%add3A_815, %dma_wait3A_949] : memref<256x16384xf32, #tpu.memory_space<hbm>> -> memref<1x4096xf32, #tpu.memory_space<hbm>>
    %dma_wait3A_951 = tpu.memref_squeeze %dma_wait3A_950 : memref<1x4096xf32, #tpu.memory_space<hbm>> -> memref<4096xf32, #tpu.memory_space<hbm>>
    %dma_wait3A_952 = arith.constant 12288 : i32
    %dma_wait3A_953 = tpu.memref_slice %arg4[%add3A_815, %dma_wait3A_952] : memref<256x16384xf32, #tpu.memory_space<hbm>> -> memref<1x4096xf32, #tpu.memory_space<hbm>>
    %dma_wait3A_954 = tpu.memref_squeeze %dma_wait3A_953 : memref<1x4096xf32, #tpu.memory_space<hbm>> -> memref<4096xf32, #tpu.memory_space<hbm>>
    %dma_wait3A_955 = arith.constant 0 : i32
    %dma_wait3A_956 = tpu.memref_slice %arg7[%dma_wait3A_945, %dma_wait3A_955] : memref<2x4096xf32, #tpu.memory_space<vmem>> -> memref<1x4096xf32, #tpu.memory_space<vmem>>
    %dma_wait3A_957 = tpu.memref_squeeze %dma_wait3A_956 : memref<1x4096xf32, #tpu.memory_space<vmem>> -> memref<4096xf32, #tpu.memory_space<vmem>>
    tpu.wait_dma2 semaphore(%arg9 : memref<!tpu.dma_semaphore, #tpu.memory_space<semaphore_mem>>) src(%dma_wait3A_957 : memref<4096xf32, #tpu.memory_space<vmem>>) dst(%dma_wait3A_954 : memref<4096xf32, #tpu.memory_space<hbm>>)
    return
  }
}

</mosaic_0001>

<sc_bundles>
// kernel: kernel.3.cloned.1.call-start
scs
__scs_entry_jumppad:
0x0: {  	(pc) =	sbr.rel $0x88, $3  }
0x1: {  	(tag) =	ssettag $0x0;
	lr =	simm.s32 $0x1  }
0x2: {  	[smem:$0x3F9F] =	sst lr;
	_ =	strace $0xD0000000  }
0x3: {  	_ = 	snop  }
0x4: {  	_ = 	snop  }
0x5: {  	_ = 	snop  }
0x6: {  	_ = 	snop  }
0x7: {  	_ = 	snop  }
__scs_overlays_trampoline_lowered:
0x8: {  	[smem:$0x3FAE] =	sst s0  }
0x9: {  	[smem:$0x3FAF] =	sst s1  }
0xa: {  	[smem:$0x3FB0] =	sst s2  }
0xb: {  	[smem:$0x3FB1] =	sst s3  }
0xc: {  	[smem:$0x3FB2] =	sst s4  }
0xd: {  	[smem:$0x3FB3] =	sst s5  }
0xe: {  	[smem:$0x3FB4] =	sst s6  }
0xf: {  	[smem:$0x3FB5] =	sst s7  }
0x10: {  	[smem:$0x3FB6] =	sst s8  }
0x11: {  	[smem:$0x3FB7] =	sst s9;
	s0 =	simm.s32 @!p0 $0x0  }
0x12: {  	s1 =	sld [smem:$0x3F9D];
	s0 =	simm.s32 @p0 $0x1  }
0x13: {  	[smem:$0x3FB8] =	sst s0;
	s0 =	simm.s32 @!p1 $0x0  }
0x14: {  	s2 =	sld [smem:$0x3F9C];
	s0 =	simm.s32 @p1 $0x1  }
0x15: {  	[smem:$0x3FB9] =	sst s0;
	s0 =	simm.s32 @!p2 $0x0  }
0x16: {  	s3 =	sld [smem:$0x3FDB];
	s0 =	simm.s32 @p2 $0x1  }
0x17: {  	s4 =	simm.s32 $0x1BF5;
	[smem:$0x3FBB] =	sst s0  }
0x18: {  	s0 =	sld [smem:$0x3F9E];
	_ =	swait.ge [sflag:s4], $0x0  }
0x19: {  	s7 =	sld [smem:$0x3F9F]  }
0x1a: {  	s8 =	sadd.s32 $0xFFFFE003, lr  }
0x1b: {  	s9 =	sadd.s32 $0xFFFFFEF7, lr;
	s5 =	simm.s32 $0xFFFFFFFF;
	p2 =	slt.u32 s8, $0xFFFFF086  }
0x1c: {  	p1 =	slt.u32 s9, $0xF7A;
	s5 =	simm.s32 @!p2 $0x0  }
0x1d: {  	s5 =	simm.s32 @p1 $0x1;
	p0 =	seq.s32 s7, s2  }
0x1e: {  	s7 =	smul.u32 @!p0 $0xF7A, s2;
	p2 =	seq.s32 @!p0 s5, $0x0  }
0x1f: {  	s9 =	smul.u32 $0xF7A, s1;
	s8 =	simm.s32 @!p0 $0x1BF5;
	p2 =	por !p2, p0  }
0x20: {  	[sflag:s8] =	ssyncset.s32 @!p0 $0xFFFFF086;
	s6 =	sadd.s32 @!p0 s3, s7;
	s7 =	simm.s32 @!p0 $0x108  }
0x21: {  	s3 =	sadd.s32 s3, s9;
	s6 =	sadd.s32 @!p0 $0x88, s6;
	s7 =	simm.s32 @p2 $0x1082  }
0x22: {  	[simem:s7], [sflag:s8] =	dma.local @!p0 [hbm:s6], $0xF7A  }
0x23: {  	s9 =	sor.u32 $0xD0000000, s2;
	s6 =	simm.s32 $0x108;
	_ =	swait.ge @!p0 [sflag:s8], $0x0  }
0x24: {  	s3 =	sadd.s32 $0x88, s3;
	s6 =	simm.s32 @!p1 $0x1082;
	[sflag:s4] =	ssyncset.s32 $0xFFFFF086  }
0x25: {  	[simem:s6], [sflag:s4] =	dma.local [hbm:s3], $0xF7A  }
0x26: {  	[smem:$0x3F9F] =	sst s1;
	(tag) =	ssettag s2;
	_ =	strace s9  }
0x27: {  	s1 =	sld [smem:$0x3FAF]  }
0x28: {  	s2 =	sld [smem:$0x3FB0]  }
0x29: {  	s4 =	sld [smem:$0x3FB2]  }
0x2a: {  	p0 =	seq.s32 s5, $0x0;
	s5 =	sld [smem:$0x3FB3]  }
0x2b: {  	s6 =	sld [smem:$0x3FB4]  }
0x2c: {  	s7 =	sld [smem:$0x3FB5]  }
0x2d: {  	s3 =	simm.s32 $0x108;
	s8 =	sld [smem:$0x3FB6]  }
0x2e: {  	s3 =	simm.s32 @!p0 $0x1082;
	s9 =	sld [smem:$0x3FB7]  }
0x2f: {  	lr =	sadd.s32 s0, s3;
	s0 =	sld [smem:$0x3FAE]  }
0x30: {  	s3 =	sld [smem:$0x3FB1]  }
0x31: {  	[smem:$0x3FBA] =	sst s10  }
0x32: {  	s10 =	sld [smem:$0x3FB8];
	_ =	sdelay $0x3  }
0x33: {  	p0 =	seq.s32 s10, $0x1;
	s10 =	sld [smem:$0x3FBA];
	_ =	sdelay $0x3  }
0x34: {  	[smem:$0x3FBA] =	sst s10  }
0x35: {  	s10 =	sld [smem:$0x3FB9];
	_ =	sdelay $0x3  }
0x36: {  	p1 =	seq.s32 s10, $0x1;
	s10 =	sld [smem:$0x3FBA];
	_ =	sdelay $0x3  }
0x37: {  	[smem:$0x3FBA] =	sst s10  }
0x38: {  	s10 =	sld [smem:$0x3FBB]  }
0x39: {  	_ = 	snop;
	(pc) =	sbr.ind lr, $3  }
0x3a: {  	_ = 	snop  }
0x3b: {  	_ = 	snop  }
0x3c: {  	p2 =	seq.s32 s10, $0x1;
	s10 =	sld [smem:$0x3FBA]  }
0x3d: {  	_ =	shalt  }
0x3e: {  	_ =	shalt  }
0x3f: {  	_ =	shalt  }
0x40: {  	_ =	shalt  }
0x41: {  	_ =	shalt  }
0x42: {  	_ =	shalt  }
0x43: {  	_ =	shalt  }
0x44: {  	_ =	shalt  }
0x45: {  	_ =	shalt  }
0x46: {  	_ =	shalt  }
0x47: {  	_ =	shalt  }
0x48: {  	_ =	shalt  }
0x49: {  	_ =	shalt  }
0x4a: {  	_ =	shalt  }
0x4b: {  	_ =	shalt  }
0x4c: {  	_ =	shalt  }
0x4d: {  	_ =	shalt  }
0x4e: {  	_ =	shalt  }
0x4f: {  	_ =	shalt  }
0x50: {  	_ =	shalt  }
0x51: {  	_ =	shalt  }
0x52: {  	_ =	shalt  }
0x53: {  	_ =	shalt  }
0x54: {  	_ =	shalt  }
0x55: {  	_ =	shalt  }
0x56: {  	_ =	shalt  }
0x57: {  	_ =	shalt  }
0x58: {  	_ =	shalt  }
0x59: {  	_ =	shalt  }
0x5a: {  	_ =	shalt  }
0x5b: {  	_ =	shalt  }
0x5c: {  	_ =	shalt  }
0x5d: {  	_ =	shalt  }
0x5e: {  	_ =	shalt  }
0x5f: {  	_ =	shalt  }
0x60: {  	_ =	shalt  }
0x61: {  	_ =	shalt  }
0x62: {  	_ =	shalt  }
0x63: {  	_ =	shalt  }
0x64: {  	_ =	shalt  }
0x65: {  	_ =	shalt  }
0x66: {  	_ =	shalt  }
0x67: {  	_ =	shalt  }
0x68: {  	_ =	shalt  }
0x69: {  	_ =	shalt  }
0x6a: {  	_ =	shalt  }
0x6b: {  	_ =	shalt  }
0x6c: {  	_ =	shalt  }
0x6d: {  	_ =	shalt  }
0x6e: {  	_ =	shalt  }
0x6f: {  	_ =	shalt  }
0x70: {  	_ =	shalt  }
0x71: {  	_ =	shalt  }
0x72: {  	_ =	shalt  }
0x73: {  	_ =	shalt  }
0x74: {  	_ =	shalt  }
0x75: {  	_ =	shalt  }
0x76: {  	_ =	shalt  }
0x77: {  	_ =	shalt  }
0x78: {  	_ =	shalt  }
0x79: {  	_ =	shalt  }
0x7a: {  	_ =	shalt  }
0x7b: {  	_ =	shalt  }
0x7c: {  	_ =	shalt  }
0x7d: {  	_ =	shalt  }
0x7e: {  	_ =	shalt  }
0x7f: {  	_ =	shalt  }
0x80: {  	_ =	shalt  }
0x81: {  	_ =	shalt  }
0x82: {  	_ =	shalt  }
0x83: {  	_ =	shalt  }
0x84: {  	_ =	shalt  }
0x85: {  	_ =	shalt  }
0x86: {  	_ =	shalt  }
0x87: {  	_ =	shalt  }
.Lfunc_end0:
.L_simem_size_0:
called_computation_lowered:
.L_overlay_start_0:
0x88: {  	s2 =	sld [smem:$0x3FD9]  }
0x89: {  	s3 =	sld [smem:$0x3FFE];
	_ =	sdelay $0x1  }
0x8a: {  	s1 =	srdreg.scid  }
0x8b: {  	s0 =	sand.u32 $0x1, s1  }
0x8c: {  	s18 =	sshll.u32 s0, $0xA;
	s2 =	sadd.s32 s3, s2  }
0x8d: {  	s2 =	sadd.s32 s2, s18  }
0x8e: {  	[smem:$0x3FC6] =	sst s2  }
0x8f: {  	_ = 	snop  }
0x90: {  	s2 =	sld [smem:$0x3FC9]  }
0x91: {  	s19 =	sld [smem:$0x3FC8]  }
0x92: {  	s4 =	sld [smem:$0x3FD0];
	(tm) =	ssettm $0x1  }
0x93: {  	s5 =	sld [smem:$0x3FFB];
	_ =	sdelay $0x3  }
0x94: {  	_ =	strace s5  }
0x95: {  	s5 =	sld [smem:$0x3FFC];
	_ =	sdelay $0x3  }
0x96: {  	_ =	strace s5  }
0x97: {  	s5 =	sld [smem:$0x3FFD];
	_ =	sdelay $0x3  }
0x98: {  	_ =	strace s5  }
0x99: {  	_ =	strace $0x8FFFFFFF  }
0x9a: {  	s20 =	sld [smem:$0x3FDB];
	_ =	sdelay $0x1  }
0x9b: {  	s6 =	simm.s32 $_scs_section_size  }
0x9c: {  	s7 =	simm.s32 $_size__tile_overlayer_lowered;
	s8 =	simm.s32 $_tile_overlayer_lowered  }
0x9d: {  	s23 =	simm.s32 $0x1BFF;
	s22 =	sshll.u32 s8, $0x1;
	s5 =	sadd.s32 s6, s20  }
0x9e: {  	s9 =	simm.s32 $0x0;
	s21 =	sshll.u32 s7, $0x1;
	s7 =	sadd.s32 s22, s5  }
0x9f: {  	[timem:s9], [sflag:s23] =	dma.local [hbm:s7], s21  }
0xa0: {  	_ =	swait.ge [sflag:s23], s21  }
0xa1: {  	s6 =	ssub.s32 $0x0, s21;
	[sflag:s23] =	ssyncset.done $0x0  }
0xa2: {  	[sflag:s23] =	ssyncadd.s32 s6;
	_ =	sdelay $0x1  }
0xa3: {  	s24 =	simm.s32 $0x1B8B  }
0xa4: {  	_ =	swait.ge [sflag:s24], $0x1  }
0xa5: {  	[sflag:s24] =	ssyncset.done $0x0  }
0xa6: {  	s25 =	simm.s32 $0x1B8E;
	[sflag:s24] =	ssyncadd.s32 $0xFFFFFFFF  }
0xa7: {  	s26 =	simm.s32 $execute0_lowered;
	[smem:$0x3FD2] =	sst s25  }
0xa8: {  	s6 =	sshll.u32 s26, $0x1;
	_ =	strace $0x80000046;
	[dreg:$0x1] =	wrdreg $0xFFFFFFFF  }
0xa9: {  	s28 =	simm.s32 $_size_execute0_lowered;
	s5 =	sadd.s32 s5, s6;
	[dreg:$0x0] =	wrdreg $0x0  }
0xaa: {  	s6 =	sshll.u32 s28, $0x1;
	[dreg:$0x2] =	wrdreg s5  }
0xab: {  	[dreg:$0x3] =	wrdreg s6  }
0xac: {  	[dreg:$0x4] =	wrdreg $0xC0  }
0xad: {  	_ =	task [dreg:s9], $0x5FFFF  }
0xae: {  	[dreg:$0x1] =	wrdreg $0xFFFFFFFF  }
0xaf: {  	[dreg:$0x0] =	wrdreg $0x60  }
0xb0: {  	[dreg:$0x2] =	wrdreg s2  }
0xb1: {  	[dreg:$0x3] =	wrdreg s19  }
0xb2: {  	[dreg:$0x4] =	wrdreg s4  }
0xb3: {  	[dreg:$0x5] =	wrdreg $0x9  }
0xb4: {  	_ =	task.clear_ibuf [dreg:s9], $0x6FFFF;
	_ =	strace $0x90000046  }
0xb5: {  	s29 =	simm.s32 $0x9;
	_ =	strace $0x80000048  }
0xb6: {  	_ =	swait.ge [sflag:s29], $0x1  }
0xb7: {  	[sflag:s29] =	ssyncadd.s32 $0xFFFFFFFF  }
0xb8: {  	_ =	strace $0x90000048  }
0xb9: {  	_ =	sfence  }
0xba: {  	s30 =	sld [smem:$0x0];
	_ =	sdelay $0x2  }
0xbb: {  	s31 =	sshll.u32 s1, $0xD;
	s1 =	sshrl.u32 s1, $0x2  }
0xbc: {  	s3 =	sand.u32 $0x4000, s31;
	s1 =	sadd.s32 s1, s30  }
0xbd: {  	s0 =	sor.u32 s3, s0;
	s1 =	sshll.u32 s1, $0x11  }
0xbe: {  	s0 =	sor.u32 s1, s0  }
0xbf: {  	s0 =	sadd.s32 $0x8F2B, s0  }
0xc0: {  	[sflag:s0] =	ssyncadd.remote.s32 $0x1  }
0xc1: {  	_ =	sfence.sel $0xFFFF  }
0xc2: {  	[dreg:$0x0] =	wrdreg $0xFFFFFFFF;
	(pc) =	sbr.abs _section_cstart, $3  }
0xc3: {  	[dreg:$0x1] =	wrdreg $0xFFFFFFFF  }
0xc4: {  	_ =	task.clear_ibuf [dreg:s9], $0x2FFFF;
	_ =	strace $0x9FFFFFFF  }
0xc5: {  	(tm) =	ssettm $0x7FFFFFFF  }
tec
execute0_lowered:
.L_overlay_start_1:
0x0: {  	(tag) =	ssettag $0x1  }
0x1: {  	s1 =	srdreg.scid  }
0x2: {  	s0 =	rddreg [dreg:$0x0];
	s3 =	stileid.u32;
	s1 =	sand.u32 $0x1, s1  }
0x3: {  	s2 =	rddreg [dreg:$0x2];
	s5 =	sshll.u32 s1, $0x3;
	s1 =	ssub.s32 $0x2, s1  }
0x4: {  	s4 =	sshll.u32 s3, $0x4;
	s3 =	simm.s32 $0x0;
	s6 =	sshrl.u32 s1, $0x1  }
0x5: {  	[smem:$0x7FF] =	sst s3;
	s4 =	sor.u32 s5, s4;
	s1 =	ssub.s32 s1, s6  }
0x6: {  	s5 =	sshrl.u32 s4, $0x3;
	s4 =	sshll.u32 s4, $0xB;
	s24 =	smax.u32 s1, $0x1  }
0x7: {  	_ =	strace $0x80000047;
	s12 =	sadd.s32 s2, s4;
	[dreg:$0x16] =	wrdreg s24  }
0x8: {  	s2 =	sadd.s32 $0x1000, s12;
	[dreg:$0x4] =	wrdreg s12  }
0x9: {  	s7 =	sadd.s32 $0x1010, s12;
	[dreg:$0x6] =	wrdreg s2  }
0xa: {  	s8 =	sadd.s32 $0x3010, s12;
	[dreg:$0xb] =	wrdreg s7  }
0xb: {  	s5 =	smul.u32 $0x18700, s5;
	s10 =	sadd.s32 $0x1020, s12;
	[dreg:$0xd] =	wrdreg s8  }
0xc: {  	s13 =	sadd.s32 $0x2000, s12;
	s11 =	sadd.s32 $0x3020, s12;
	[dreg:$0x10] =	wrdreg s10  }
0xd: {  	s15 =	sadd.s32 $0x10, s12;
	s16 =	sadd.s32 $0x2010, s12;
	[dreg:$0x12] =	wrdreg s11  }
0xe: {  	s17 =	sadd.s32 $0x20, s12;
	s18 =	sadd.s32 $0x2020, s12;
	[dreg:$0x7] =	wrdreg s13  }
0xf: {  	s20 =	sadd.s32 $0x30, s12;
	s21 =	sadd.s32 $0x1030, s12;
	[dreg:$0xa] =	wrdreg s15  }
0x10: {  	s22 =	sadd.s32 $0x2030, s12;
	s23 =	sadd.s32 $0x3030, s12;
	[dreg:$0xc] =	wrdreg s16  }
0x11: {  	s26 =	sadd.s32 $0x40, s12;
	s28 =	sadd.s32 $0x1040, s12;
	[dreg:$0xf] =	wrdreg s17  }
0x12: {  	s29 =	sadd.s32 $0x2040, s12;
	s30 =	sadd.s32 $0x3040, s12;
	[dreg:$0x11] =	wrdreg s18  }
0x13: {  	s4 =	sadd.s32 s0, s5;
	s5 =	sadd.s32 $0x3000, s12;
	[dreg:$0x14] =	wrdreg s20  }
0x14: {  	s1 =	sadd.s32 $0x50, s12;
	s24 =	sadd.s32 $0x1060, s12;
	[dreg:$0x8] =	wrdreg s5  }
0x15: {  	s31 =	sadd.s32 $0x3060, s12;
	s6 =	sadd.s32 $0x10, s4;
	[dreg:$0x5] =	wrdreg s4  }
0x16: {  	s0 =	sadd.s32 $0x1050, s12;
	s9 =	sadd.s32 $0x20, s4;
	[dreg:$0x9] =	wrdreg s6  }
0x17: {  	s2 =	sadd.s32 $0x2050, s12;
	s14 =	sadd.s32 $0x30, s4;
	[dreg:$0xe] =	wrdreg s9  }
0x18: {  	s7 =	simm.s32 $0x4000;
	s19 =	sadd.s32 $0x40, s4;
	[dreg:$0x13] =	wrdreg s14  }
0x19: {  	s11 =	simm.s32 $0x0;
	s25 =	sadd.s32 $0x50, s4;
	[dreg:$0x15] =	wrdreg s19  }
0x1a: {  	s5 =	sadd.s32 $0x60, s4;
	s4 =	sadd.s32 $0x70, s4;
	[dreg:$0x17] =	wrdreg s25  }
0x1b: {  	s9 =	sadd.s32 $0x3050, s12;
	[dreg:$0x18] =	wrdreg s5;
	s19 =	sadd.s32 $0x60, s12  }
0x1c: {  	s25 =	sadd.s32 $0x2060, s12;
	[dreg:$0x19] =	wrdreg s4;
	s14 =	sadd.s32 $0x70, s12  }
0x1d: {  	s5 =	sadd.s32 $0x1070, s12;
	s4 =	sadd.s32 $0x2070, s12;
	s6 =	sadd.s32 $0x3070, s12  }
.LBB2_1:
0x1e: {  	[dreg:$0x1a] =	wrdreg s11  }
0x1f: {  	s8 =	rddreg [dreg:$0x1];
	s16 =	simm.s32 $0x80  }
0x20: {  	[tilespmem:s3], [sflag:$0x3] =	stream.linear.gather [hbm4b:s8+s3], $0x4000, $0x38;
	[tilespmem:$0x1E700] =	vst v63  }
0x21: {  	s10 =	rddreg [dreg:$0x5];
	s17 =	simm.s32 $0x400;
	s18 =	simm.s32 $0x4  }
0x22: {  	[tilespmem:s7], [sflag:$0x4] =	stream.strided.gather [hbm4b:s10+s16], $0x18700, s17, s16, $0x38;
	[tilespmem:$0x1E700] =	vst v63  }
0x23: {  	_ =	swait.ge [sflag:s18], $0x18700  }
0x24: {  	[sflag:s18] =	ssyncset.done $0x0  }
0x25: {  	s20 =	simm.s32 $0x3;
	[sflag:s18] =	ssyncadd.s32 $0xFFFE7900  }
0x26: {  	_ =	swait.ge [sflag:s20], $0x4000  }
0x27: {  	[sflag:s20] =	ssyncset.done $0x0  }
0x28: {  	[sflag:s20] =	ssyncadd.s32 $0xFFFFC000  }
0x29: {  	v0 =	vld [tilespmem:s16+$0x70]  }
0x2a: {  	v1 =	vld [tilespmem:s16+$0xFFFFFF90]  }
0x2b: {  	v2 =	vld [tilespmem:s16+$0xFFFFFFA0]  }
0x2c: {  	v3 =	vld [tilespmem:s16+$0xFFFFFFB0]  }
0x2d: {  	v4 =	vld [tilespmem:s16+$0xFFFFFFC0]  }
0x2e: {  	v5 =	vld [tilespmem:s16+$0xFFFFFFD0]  }
0x2f: {  	v6 =	vld [tilespmem:s16+$0xFFFFFFE0]  }
0x30: {  	v7 =	vld [tilespmem:s16+$0xFFFFFFF0]  }
0x31: {  	v8 =	vld [tilespmem:s16+$0x0]  }
0x32: {  	v9 =	vld [tilespmem:s16+$0x10]  }
0x33: {  	v10 =	vld [tilespmem:s16+$0x20]  }
0x34: {  	v11 =	vld [tilespmem:s16+$0x30]  }
0x35: {  	v12 =	vld [tilespmem:s16+$0x40]  }
0x36: {  	v13 =	vld [tilespmem:s16+$0x50]  }
0x37: {  	v14 =	vld [tilespmem:s16+$0x60]  }
0x38: {  	v15 =	vld [tilespmem:s16+$0xFFFFFF80]  }
0x39: {  	v0 =	vld.idx.msk [tilespmem:v0+s7+$0x0], $0xffff  }
0x3a: {  	v1 =	vld.idx.msk [tilespmem:v1+s7+$0x0], $0xffff  }
0x3b: {  	v2 =	vld.idx.msk [tilespmem:v2+s7+$0x0], $0xffff  }
0x3c: {  	v3 =	vld.idx.msk [tilespmem:v3+s7+$0x0], $0xffff  }
0x3d: {  	v4 =	vld.idx.msk [tilespmem:v4+s7+$0x0], $0xffff  }
0x3e: {  	s8 =	simm.s32 $0x1C800;
	v5 =	vld.idx.msk [tilespmem:v5+s7+$0x0], $0xffff  }
0x3f: {  	v6 =	vld.idx.msk [tilespmem:v6+s7+$0x0], $0xffff;
	[tilespmem:s8+$0x70] =	vst v0  }
0x40: {  	v7 =	vld.idx.msk [tilespmem:v7+s7+$0x0], $0xffff;
	[tilespmem:s8+$0xFFFFFF10] =	vst v1  }
0x41: {  	v15 =	vld.idx.msk [tilespmem:v15+s7+$0x0], $0xffff;
	[tilespmem:s8+$0xFFFFFF20] =	vst v2  }
0x42: {  	v8 =	vld.idx.msk [tilespmem:v8+s7+$0x0], $0xffff;
	[tilespmem:s8+$0xFFFFFF30] =	vst v3  }
0x43: {  	[tilespmem:s8+$0xFFFFFF40] =	vst v4;
	v0 =	vld.idx.msk [tilespmem:v9+s7+$0x0], $0xffff  }
0x44: {  	[tilespmem:s8+$0xFFFFFF50] =	vst v5;
	v1 =	vld.idx.msk [tilespmem:v10+s7+$0x0], $0xffff  }
0x45: {  	[tilespmem:s8+$0xFFFFFF60] =	vst v6;
	v2 =	vld.idx.msk [tilespmem:v11+s7+$0x0], $0xffff  }
0x46: {  	[tilespmem:s8+$0xFFFFFF70] =	vst v7;
	v3 =	vld.idx.msk [tilespmem:v12+s7+$0x0], $0xffff  }
0x47: {  	[tilespmem:s8+$0xFFFFFF00] =	vst v15;
	v4 =	vld.idx.msk [tilespmem:v13+s7+$0x0], $0xffff  }
0x48: {  	s11 =	simm.s32 $0x180;
	s10 =	simm.s32 $0x0;
	[tilespmem:s8+$0x0] =	vst v8;
	v5 =	vld.idx.msk [tilespmem:v14+s7+$0x0], $0xffff  }
.LBB2_2:
0x49: {  	v6 =	vld [tilespmem:s11+$0x70];
	s10 =	sadd.s32 $0x10, s10;
	[tilespmem:s8+$0x10] =	vst v0  }
0x4a: {  	v0 =	vld [tilespmem:s11+$0xFFFFFF90];
	p0 =	slt.u32 s10, $0xF0;
	[tilespmem:s8+$0x20] =	vst v1  }
0x4b: {  	v1 =	vld [tilespmem:s11+$0xFFFFFFA0];
	[tilespmem:s8+$0x30] =	vst v2  }
0x4c: {  	v2 =	vld [tilespmem:s11+$0xFFFFFFB0];
	[tilespmem:s8+$0x40] =	vst v3  }
0x4d: {  	v3 =	vld [tilespmem:s11+$0xFFFFFFC0];
	[tilespmem:s8+$0x50] =	vst v4  }
0x4e: {  	v4 =	vld [tilespmem:s11+$0xFFFFFFD0];
	[tilespmem:s8+$0x60] =	vst v5  }
0x4f: {  	v5 =	vld [tilespmem:s11+$0xFFFFFFE0]  }
0x50: {  	v7 =	vld [tilespmem:s11+$0xFFFFFFF0]  }
0x51: {  	v6 =	vld.idx.msk [tilespmem:v6+s7+$0x0], $0xffff  }
0x52: {  	v8 =	vld [tilespmem:s11+$0x0]  }
0x53: {  	v9 =	vld [tilespmem:s11+$0x10]  }
0x54: {  	v10 =	vld [tilespmem:s11+$0x20]  }
0x55: {  	v11 =	vld [tilespmem:s11+$0x30]  }
0x56: {  	s8 =	sadd.s32 $0x200, s8;
	v12 =	vld [tilespmem:s11+$0x40]  }
0x57: {  	v13 =	vld [tilespmem:s11+$0x50];
	[tilespmem:s8+$0x70] =	vst v6  }
0x58: {  	v6 =	vld [tilespmem:s11+$0x60]  }
0x59: {  	v14 =	vld [tilespmem:s11+$0xFFFFFF80]  }
0x5a: {  	v0 =	vld.idx.msk [tilespmem:v0+s7+$0x0], $0xffff  }
0x5b: {  	v1 =	vld.idx.msk [tilespmem:v1+s7+$0x0], $0xffff  }
0x5c: {  	v2 =	vld.idx.msk [tilespmem:v2+s7+$0x0], $0xffff  }
0x5d: {  	v3 =	vld.idx.msk [tilespmem:v3+s7+$0x0], $0xffff  }
0x5e: {  	v4 =	vld.idx.msk [tilespmem:v4+s7+$0x0], $0xffff  }
0x5f: {  	v5 =	vld.idx.msk [tilespmem:v5+s7+$0x0], $0xffff  }
0x60: {  	[tilespmem:s8+$0xFFFFFF10] =	vst v0;
	v7 =	vld.idx.msk [tilespmem:v7+s7+$0x0], $0xffff  }
0x61: {  	v14 =	vld.idx.msk [tilespmem:v14+s7+$0x0], $0xffff;
	[tilespmem:s8+$0xFFFFFF20] =	vst v1  }
0x62: {  	[tilespmem:s8+$0xFFFFFF30] =	vst v2;
	v8 =	vld.idx.msk [tilespmem:v8+s7+$0x0], $0xffff  }
0x63: {  	[tilespmem:s8+$0xFFFFFF40] =	vst v3;
	v0 =	vld.idx.msk [tilespmem:v9+s7+$0x0], $0xffff  }
.Ltmp0:
0x64: {  	[tilespmem:s8+$0xFFFFFF50] =	vst v4;
	v1 =	vld.idx.msk [tilespmem:v10+s7+$0x0], $0xffff;
	(pc) =	sbr.rel @p0 .LBB2_2-.Ltmp0, $4  }
0x65: {  	[tilespmem:s8+$0xFFFFFF60] =	vst v5;
	v2 =	vld.idx.msk [tilespmem:v11+s7+$0x0], $0xffff  }
0x66: {  	[tilespmem:s8+$0xFFFFFF70] =	vst v7;
	v3 =	vld.idx.msk [tilespmem:v12+s7+$0x0], $0xffff  }
0x67: {  	[tilespmem:s8+$0xFFFFFF00] =	vst v14;
	v4 =	vld.idx.msk [tilespmem:v13+s7+$0x0], $0xffff  }
0x68: {  	s11 =	sadd.s32 $0x100, s11;
	[tilespmem:s8+$0x0] =	vst v8;
	v5 =	vld.idx.msk [tilespmem:v6+s7+$0x0], $0xffff  }
0x69: {  	[tilespmem:s8+$0x10] =	vst v0  }
0x6a: {  	[tilespmem:s8+$0x20] =	vst v1  }
0x6b: {  	[tilespmem:s8+$0x30] =	vst v2  }
0x6c: {  	[tilespmem:s8+$0x40] =	vst v3  }
0x6d: {  	[tilespmem:s8+$0x50] =	vst v4  }
0x6e: {  	s10 =	simm.s32 $0x1C700;
	[tilespmem:s8+$0x60] =	vst v5;
	s8 =	simm.s32 $0x0  }
.LBB2_4:
0x6f: {  	p0 =	sne.s32 s8, $0xF80  }
.Ltmp1:
0x70: {  	_ = 	snop;
	(pc) =	sbr.rel @p0 .LBB2_4-.Ltmp1, $4  }
0x71: {  	_ = 	snop  }
0x72: {  	s11 =	sadd.s32 s8, s12  }
0x73: {  	[hbm4b:s11+s3] =	stream.linear.scatter [tilespmem:s10], [sflag:$0x1], $0x80, $0x38;
	[tilespmem:$0x1E700] =	vst v63  }
0x74: {  	s8 =	sadd.s32 $0x80, s8;
	s10 =	sadd.s32 $0x100, s10  }
0x75: {  	s8 =	simm.s32 $0x10F0  }
0x76: {  	v0 =	vld [tilespmem:s8+$0x0]  }
0x77: {  	v1 =	vld [tilespmem:s8+$0xFFFFFF20]  }
0x78: {  	v2 =	vld [tilespmem:s8+$0xFFFFFF30]  }
0x79: {  	v3 =	vld [tilespmem:s8+$0xFFFFFF40]  }
0x7a: {  	v4 =	vld [tilespmem:s8+$0xFFFFFF50]  }
0x7b: {  	v5 =	vld [tilespmem:s8+$0xFFFFFF60]  }
0x7c: {  	v6 =	vld [tilespmem:s8+$0xFFFFFF70]  }
0x7d: {  	v7 =	vld [tilespmem:s8+$0xFFFFFF80]  }
0x7e: {  	v8 =	vld [tilespmem:s8+$0xFFFFFF90]  }
0x7f: {  	v9 =	vld [tilespmem:s8+$0xFFFFFFA0]  }
0x80: {  	v10 =	vld [tilespmem:s8+$0xFFFFFFB0]  }
0x81: {  	v11 =	vld [tilespmem:s8+$0xFFFFFFC0]  }
0x82: {  	v12 =	vld [tilespmem:s8+$0xFFFFFFD0]  }
0x83: {  	v13 =	vld [tilespmem:s8+$0xFFFFFFE0]  }
0x84: {  	v14 =	vld [tilespmem:s8+$0xFFFFFFF0]  }
0x85: {  	v15 =	vld [tilespmem:s8+$0xFFFFFF10]  }
0x86: {  	v0 =	vld.idx.msk [tilespmem:v0+s7+$0x0], $0xffff  }
0x87: {  	v1 =	vld.idx.msk [tilespmem:v1+s7+$0x0], $0xffff  }
0x88: {  	v2 =	vld.idx.msk [tilespmem:v2+s7+$0x0], $0xffff  }
0x89: {  	v3 =	vld.idx.msk [tilespmem:v3+s7+$0x0], $0xffff  }
0x8a: {  	v4 =	vld.idx.msk [tilespmem:v4+s7+$0x0], $0xffff  }
0x8b: {  	s8 =	simm.s32 $0x1C880;
	v5 =	vld.idx.msk [tilespmem:v5+s7+$0x0], $0xffff  }
0x8c: {  	v6 =	vld.idx.msk [tilespmem:v6+s7+$0x0], $0xffff;
	[tilespmem:s8+$0x70] =	vst v0  }
0x8d: {  	v7 =	vld.idx.msk [tilespmem:v7+s7+$0x0], $0xffff;
	[tilespmem:s8+$0xFFFFFF10] =	vst v1  }
0x8e: {  	v15 =	vld.idx.msk [tilespmem:v15+s7+$0x0], $0xffff;
	[tilespmem:s8+$0xFFFFFF20] =	vst v2  }
0x8f: {  	v8 =	vld.idx.msk [tilespmem:v8+s7+$0x0], $0xffff;
	[tilespmem:s8+$0xFFFFFF30] =	vst v3  }
0x90: {  	[tilespmem:s8+$0xFFFFFF40] =	vst v4;
	v0 =	vld.idx.msk [tilespmem:v9+s7+$0x0], $0xffff  }
0x91: {  	[tilespmem:s8+$0xFFFFFF50] =	vst v5;
	v1 =	vld.idx.msk [tilespmem:v10+s7+$0x0], $0xffff  }
0x92: {  	[tilespmem:s8+$0xFFFFFF60] =	vst v6;
	v2 =	vld.idx.msk [tilespmem:v11+s7+$0x0], $0xffff  }
0x93: {  	[tilespmem:s8+$0xFFFFFF70] =	vst v7;
	v3 =	vld.idx.msk [tilespmem:v12+s7+$0x0], $0xffff  }
0x94: {  	[tilespmem:s8+$0xFFFFFF00] =	vst v15;
	v4 =	vld.idx.msk [tilespmem:v13+s7+$0x0], $0xffff  }
0x95: {  	s10 =	simm.s32 $0x0;
	s11 =	simm.s32 $0x11F0;
	[tilespmem:s8+$0x0] =	vst v8;
	v5 =	vld.idx.msk [tilespmem:v14+s7+$0x0], $0xffff  }
.LBB2_6:
0x96: {  	v6 =	vld [tilespmem:s11+$0x0];
	s10 =	sadd.s32 $0x10, s10;
	[tilespmem:s8+$0x10] =	vst v0  }
0x97: {  	v0 =	vld [tilespmem:s11+$0xFFFFFF20];
	p0 =	slt.u32 s10, $0xF0;
	[tilespmem:s8+$0x20] =	vst v1  }
0x98: {  	v1 =	vld [tilespmem:s11+$0xFFFFFF30];
	[tilespmem:s8+$0x30] =	vst v2  }
0x99: {  	v2 =	vld [tilespmem:s11+$0xFFFFFF40];
	[tilespmem:s8+$0x40] =	vst v3  }
0x9a: {  	v3 =	vld [tilespmem:s11+$0xFFFFFF50];
	[tilespmem:s8+$0x50] =	vst v4  }
0x9b: {  	v4 =	vld [tilespmem:s11+$0xFFFFFF60];
	[tilespmem:s8+$0x60] =	vst v5  }
0x9c: {  	v5 =	vld [tilespmem:s11+$0xFFFFFF70]  }
0x9d: {  	v7 =	vld [tilespmem:s11+$0xFFFFFF80]  }
0x9e: {  	v6 =	vld.idx.msk [tilespmem:v6+s7+$0x0], $0xffff  }
0x9f: {  	v8 =	vld [tilespmem:s11+$0xFFFFFF90]  }
0xa0: {  	v9 =	vld [tilespmem:s11+$0xFFFFFFA0]  }
0xa1: {  	v10 =	vld [tilespmem:s11+$0xFFFFFFB0]  }
0xa2: {  	v11 =	vld [tilespmem:s11+$0xFFFFFFC0]  }
0xa3: {  	s8 =	sadd.s32 $0x200, s8;
	v12 =	vld [tilespmem:s11+$0xFFFFFFD0]  }
0xa4: {  	v13 =	vld [tilespmem:s11+$0xFFFFFFE0];
	[tilespmem:s8+$0x70] =	vst v6  }
0xa5: {  	v6 =	vld [tilespmem:s11+$0xFFFFFFF0]  }
0xa6: {  	v14 =	vld [tilespmem:s11+$0xFFFFFF10]  }
0xa7: {  	v0 =	vld.idx.msk [tilespmem:v0+s7+$0x0], $0xffff  }
0xa8: {  	v1 =	vld.idx.msk [tilespmem:v1+s7+$0x0], $0xffff  }
0xa9: {  	v2 =	vld.idx.msk [tilespmem:v2+s7+$0x0], $0xffff  }
0xaa: {  	v3 =	vld.idx.msk [tilespmem:v3+s7+$0x0], $0xffff  }
0xab: {  	v4 =	vld.idx.msk [tilespmem:v4+s7+$0x0], $0xffff  }
0xac: {  	v5 =	vld.idx.msk [tilespmem:v5+s7+$0x0], $0xffff  }
0xad: {  	[tilespmem:s8+$0xFFFFFF10] =	vst v0;
	v7 =	vld.idx.msk [tilespmem:v7+s7+$0x0], $0xffff  }
0xae: {  	v14 =	vld.idx.msk [tilespmem:v14+s7+$0x0], $0xffff;
	[tilespmem:s8+$0xFFFFFF20] =	vst v1  }
0xaf: {  	[tilespmem:s8+$0xFFFFFF30] =	vst v2;
	v8 =	vld.idx.msk [tilespmem:v8+s7+$0x0], $0xffff  }
0xb0: {  	[tilespmem:s8+$0xFFFFFF40] =	vst v3;
	v0 =	vld.idx.msk [tilespmem:v9+s7+$0x0], $0xffff  }
.Ltmp2:
0xb1: {  	[tilespmem:s8+$0xFFFFFF50] =	vst v4;
	v1 =	vld.idx.msk [tilespmem:v10+s7+$0x0], $0xffff;
	(pc) =	sbr.rel @p0 .LBB2_6-.Ltmp2, $4  }
0xb2: {  	[tilespmem:s8+$0xFFFFFF60] =	vst v5;
	v2 =	vld.idx.msk [tilespmem:v11+s7+$0x0], $0xffff  }
0xb3: {  	[tilespmem:s8+$0xFFFFFF70] =	vst v7;
	v3 =	vld.idx.msk [tilespmem:v12+s7+$0x0], $0xffff  }
0xb4: {  	[tilespmem:s8+$0xFFFFFF00] =	vst v14;
	v4 =	vld.idx.msk [tilespmem:v13+s7+$0x0], $0xffff  }
0xb5: {  	s11 =	sadd.s32 $0x100, s11;
	[tilespmem:s8+$0x0] =	vst v8;
	v5 =	vld.idx.msk [tilespmem:v6+s7+$0x0], $0xffff  }
0xb6: {  	[tilespmem:s8+$0x10] =	vst v0  }
0xb7: {  	[tilespmem:s8+$0x20] =	vst v1  }
0xb8: {  	[tilespmem:s8+$0x30] =	vst v2  }
0xb9: {  	[tilespmem:s8+$0x40] =	vst v3  }
0xba: {  	[tilespmem:s8+$0x50] =	vst v4  }
0xbb: {  	[tilespmem:s8+$0x60] =	vst v5  }
0xbc: {  	s10 =	simm.s32 $0x1C780;
	s13 =	rddreg [dreg:$0x6]  }
0xbd: {  	s11 =	simm.s32 $0x1C880;
	s8 =	simm.s32 $0x80;
	s12 =	sadd.s32 $0x0, s13  }
.LBB2_8:
0xbe: {  	[hbm4b:s12+s3] =	stream.linear.scatter [tilespmem:s10], [sflag:$0x2], $0x80, $0x38;
	[tilespmem:$0x1E700] =	vst v63  }
0xbf: {  	s12 =	smov.u32 s8;
	s10 =	smov.u32 s11;
	p0 =	sne.s32 s8, $0xF80  }
.Ltmp3:
0xc0: {  	s8 =	sadd.s32 $0x80, s8;
	(pc) =	sbr.rel @p0 .LBB2_8-.Ltmp3, $2  }
0xc1: {  	_ =	sdelay $0x2  }
0xc2: {  	s11 =	sadd.s32 $0x100, s11;
	s12 =	sadd.s32 s12, s13  }
0xc3: {  	[hbm4b:s12+s3] =	stream.linear.scatter [tilespmem:s10], [sflag:$0x2], $0x80, $0x38;
	[tilespmem:$0x1E700] =	vst v63  }
0xc4: {  	s8 =	simm.s32 $0x1  }
0xc5: {  	_ =	swait.ge [sflag:s8], $0x1000  }
0xc6: {  	[sflag:s8] =	ssyncset.done $0x0  }
0xc7: {  	s20 =	simm.s32 $0x20F0;
	[sflag:s8] =	ssyncadd.s32 $0xFFFFF000  }
0xc8: {  	v0 =	vld [tilespmem:s20+$0x0]  }
0xc9: {  	v1 =	vld [tilespmem:s20+$0xFFFFFF20]  }
0xca: {  	v2 =	vld [tilespmem:s20+$0xFFFFFF30]  }
0xcb: {  	v3 =	vld [tilespmem:s20+$0xFFFFFF40]  }
0xcc: {  	v4 =	vld [tilespmem:s20+$0xFFFFFF50]  }
0xcd: {  	v5 =	vld [tilespmem:s20+$0xFFFFFF60]  }
0xce: {  	v6 =	vld [tilespmem:s20+$0xFFFFFF70]  }
0xcf: {  	v7 =	vld [tilespmem:s20+$0xFFFFFF80]  }
0xd0: {  	v8 =	vld [tilespmem:s20+$0xFFFFFF90]  }
0xd1: {  	v9 =	vld [tilespmem:s20+$0xFFFFFFA0]  }
0xd2: {  	v10 =	vld [tilespmem:s20+$0xFFFFFFB0]  }
0xd3: {  	v11 =	vld [tilespmem:s20+$0xFFFFFFC0]  }
0xd4: {  	v12 =	vld [tilespmem:s20+$0xFFFFFFD0]  }
0xd5: {  	v13 =	vld [tilespmem:s20+$0xFFFFFFE0]  }
0xd6: {  	v14 =	vld [tilespmem:s20+$0xFFFFFFF0]  }
0xd7: {  	v15 =	vld [tilespmem:s20+$0xFFFFFF10]  }
0xd8: {  	v0 =	vld.idx.msk [tilespmem:v0+s7+$0x0], $0xffff  }
0xd9: {  	v1 =	vld.idx.msk [tilespmem:v1+s7+$0x0], $0xffff  }
0xda: {  	v2 =	vld.idx.msk [tilespmem:v2+s7+$0x0], $0xffff  }
0xdb: {  	v3 =	vld.idx.msk [tilespmem:v3+s7+$0x0], $0xffff  }
0xdc: {  	v4 =	vld.idx.msk [tilespmem:v4+s7+$0x0], $0xffff  }
0xdd: {  	s8 =	simm.s32 $0x1C800;
	v5 =	vld.idx.msk [tilespmem:v5+s7+$0x0], $0xffff  }
0xde: {  	v6 =	vld.idx.msk [tilespmem:v6+s7+$0x0], $0xffff;
	[tilespmem:s8+$0x70] =	vst v0  }
0xdf: {  	v7 =	vld.idx.msk [tilespmem:v7+s7+$0x0], $0xffff;
	[tilespmem:s8+$0xFFFFFF10] =	vst v1  }
0xe0: {  	v15 =	vld.idx.msk [tilespmem:v15+s7+$0x0], $0xffff;
	[tilespmem:s8+$0xFFFFFF20] =	vst v2  }
0xe1: {  	v8 =	vld.idx.msk [tilespmem:v8+s7+$0x0], $0xffff;
	[tilespmem:s8+$0xFFFFFF30] =	vst v3  }
0xe2: {  	[tilespmem:s8+$0xFFFFFF40] =	vst v4;
	v0 =	vld.idx.msk [tilespmem:v9+s7+$0x0], $0xffff  }
0xe3: {  	[tilespmem:s8+$0xFFFFFF50] =	vst v5;
	v1 =	vld.idx.msk [tilespmem:v10+s7+$0x0], $0xffff  }
0xe4: {  	[tilespmem:s8+$0xFFFFFF60] =	vst v6;
	v2 =	vld.idx.msk [tilespmem:v11+s7+$0x0], $0xffff  }
0xe5: {  	[tilespmem:s8+$0xFFFFFF70] =	vst v7;
	v3 =	vld.idx.msk [tilespmem:v12+s7+$0x0], $0xffff  }
0xe6: {  	[tilespmem:s8+$0xFFFFFF00] =	vst v15;
	v4 =	vld.idx.msk [tilespmem:v13+s7+$0x0], $0xffff  }
0xe7: {  	s10 =	simm.s32 $0x0;
	s11 =	simm.s32 $0x21F0;
	[tilespmem:s8+$0x0] =	vst v8;
	v5 =	vld.idx.msk [tilespmem:v14+s7+$0x0], $0xffff  }
.LBB2_10:
0xe8: {  	v6 =	vld [tilespmem:s11+$0x0];
	s10 =	sadd.s32 $0x10, s10;
	[tilespmem:s8+$0x10] =	vst v0  }
0xe9: {  	v0 =	vld [tilespmem:s11+$0xFFFFFF20];
	p0 =	slt.u32 s10, $0xF0;
	[tilespmem:s8+$0x20] =	vst v1  }
0xea: {  	v1 =	vld [tilespmem:s11+$0xFFFFFF30];
	[tilespmem:s8+$0x30] =	vst v2  }
0xeb: {  	v2 =	vld [tilespmem:s11+$0xFFFFFF40];
	[tilespmem:s8+$0x40] =	vst v3  }
0xec: {  	v3 =	vld [tilespmem:s11+$0xFFFFFF50];
	[tilespmem:s8+$0x50] =	vst v4  }
0xed: {  	v4 =	vld [tilespmem:s11+$0xFFFFFF60];
	[tilespmem:s8+$0x60] =	vst v5  }
0xee: {  	v5 =	vld [tilespmem:s11+$0xFFFFFF70]  }
0xef: {  	v7 =	vld [tilespmem:s11+$0xFFFFFF80]  }
0xf0: {  	v6 =	vld.idx.msk [tilespmem:v6+s7+$0x0], $0xffff  }
0xf1: {  	v8 =	vld [tilespmem:s11+$0xFFFFFF90]  }
0xf2: {  	v9 =	vld [tilespmem:s11+$0xFFFFFFA0]  }
0xf3: {  	v10 =	vld [tilespmem:s11+$0xFFFFFFB0]  }
0xf4: {  	v11 =	vld [tilespmem:s11+$0xFFFFFFC0]  }
0xf5: {  	s8 =	sadd.s32 $0x200, s8;
	v12 =	vld [tilespmem:s11+$0xFFFFFFD0]  }
0xf6: {  	v13 =	vld [tilespmem:s11+$0xFFFFFFE0];
	[tilespmem:s8+$0x70] =	vst v6  }
0xf7: {  	v6 =	vld [tilespmem:s11+$0xFFFFFFF0]  }
0xf8: {  	v14 =	vld [tilespmem:s11+$0xFFFFFF10]  }
0xf9: {  	v0 =	vld.idx.msk [tilespmem:v0+s7+$0x0], $0xffff  }
0xfa: {  	v1 =	vld.idx.msk [tilespmem:v1+s7+$0x0], $0xffff  }
0xfb: {  	v2 =	vld.idx.msk [tilespmem:v2+s7+$0x0], $0xffff  }
0xfc: {  	v3 =	vld.idx.msk [tilespmem:v3+s7+$0x0], $0xffff  }
0xfd: {  	v4 =	vld.idx.msk [tilespmem:v4+s7+$0x0], $0xffff  }
0xfe: {  	v5 =	vld.idx.msk [tilespmem:v5+s7+$0x0], $0xffff  }
0xff: {  	[tilespmem:s8+$0xFFFFFF10] =	vst v0;
	v7 =	vld.idx.msk [tilespmem:v7+s7+$0x0], $0xffff  }
0x100: {  	v14 =	vld.idx.msk [tilespmem:v14+s7+$0x0], $0xffff;
	[tilespmem:s8+$0xFFFFFF20] =	vst v1  }
0x101: {  	[tilespmem:s8+$0xFFFFFF30] =	vst v2;
	v8 =	vld.idx.msk [tilespmem:v8+s7+$0x0], $0xffff  }
0x102: {  	[tilespmem:s8+$0xFFFFFF40] =	vst v3;
	v0 =	vld.idx.msk [tilespmem:v9+s7+$0x0], $0xffff  }
.Ltmp4:
0x103: {  	[tilespmem:s8+$0xFFFFFF50] =	vst v4;
	v1 =	vld.idx.msk [tilespmem:v10+s7+$0x0], $0xffff;
	(pc) =	sbr.rel @p0 .LBB2_10-.Ltmp4, $4  }
0x104: {  	[tilespmem:s8+$0xFFFFFF60] =	vst v5;
	v2 =	vld.idx.msk [tilespmem:v11+s7+$0x0], $0xffff  }
0x105: {  	[tilespmem:s8+$0xFFFFFF70] =	vst v7;
	v3 =	vld.idx.msk [tilespmem:v12+s7+$0x0], $0xffff  }
0x106: {  	[tilespmem:s8+$0xFFFFFF00] =	vst v14;
	v4 =	vld.idx.msk [tilespmem:v13+s7+$0x0], $0xffff  }
0x107: {  	s11 =	sadd.s32 $0x100, s11;
	[tilespmem:s8+$0x0] =	vst v8;
	v5 =	vld.idx.msk [tilespmem:v6+s7+$0x0], $0xffff  }
0x108: {  	[tilespmem:s8+$0x10] =	vst v0  }
0x109: {  	[tilespmem:s8+$0x20] =	vst v1  }
0x10a: {  	[tilespmem:s8+$0x30] =	vst v2  }
0x10b: {  	[tilespmem:s8+$0x40] =	vst v3  }
0x10c: {  	[tilespmem:s8+$0x50] =	vst v4  }
0x10d: {  	[tilespmem:s8+$0x60] =	vst v5  }
0x10e: {  	s10 =	simm.s32 $0x1C700;
	s13 =	rddreg [dreg:$0x7]  }
0x10f: {  	s11 =	simm.s32 $0x1C800;
	s8 =	simm.s32 $0x80;
	s12 =	sadd.s32 $0x0, s13  }
.LBB2_12:
0x110: {  	[hbm4b:s12+s3] =	stream.linear.scatter [tilespmem:s10], [sflag:$0x1], $0x80, $0x38;
	[tilespmem:$0x1E700] =	vst v63  }
0x111: {  	s12 =	smov.u32 s8;
	s10 =	smov.u32 s11;
	p0 =	sne.s32 s8, $0xF80  }
.Ltmp5:
0x112: {  	s8 =	sadd.s32 $0x80, s8;
	(pc) =	sbr.rel @p0 .LBB2_12-.Ltmp5, $2  }
0x113: {  	_ =	sdelay $0x2  }
0x114: {  	s11 =	sadd.s32 $0x100, s11;
	s12 =	sadd.s32 s12, s13  }
0x115: {  	[hbm4b:s12+s3] =	stream.linear.scatter [tilespmem:s10], [sflag:$0x1], $0x80, $0x38;
	[tilespmem:$0x1E700] =	vst v63  }
0x116: {  	s8 =	simm.s32 $0x2  }
0x117: {  	_ =	swait.ge [sflag:s8], $0x1000  }
0x118: {  	[sflag:s8] =	ssyncset.done $0x0  }
0x119: {  	s20 =	simm.s32 $0x30F0;
	[sflag:s8] =	ssyncadd.s32 $0xFFFFF000  }
0x11a: {  	v0 =	vld [tilespmem:s20+$0x0]  }
0x11b: {  	v1 =	vld [tilespmem:s20+$0xFFFFFF20]  }
0x11c: {  	v2 =	vld [tilespmem:s20+$0xFFFFFF30]  }
0x11d: {  	v3 =	vld [tilespmem:s20+$0xFFFFFF40]  }
0x11e: {  	v4 =	vld [tilespmem:s20+$0xFFFFFF50]  }
0x11f: {  	v5 =	vld [tilespmem:s20+$0xFFFFFF60]  }
0x120: {  	v6 =	vld [tilespmem:s20+$0xFFFFFF70]  }
0x121: {  	v7 =	vld [tilespmem:s20+$0xFFFFFF80]  }
0x122: {  	v8 =	vld [tilespmem:s20+$0xFFFFFF90]  }
0x123: {  	v9 =	vld [tilespmem:s20+$0xFFFFFFA0]  }
0x124: {  	v10 =	vld [tilespmem:s20+$0xFFFFFFB0]  }
0x125: {  	v11 =	vld [tilespmem:s20+$0xFFFFFFC0]  }
0x126: {  	v12 =	vld [tilespmem:s20+$0xFFFFFFD0]  }
0x127: {  	v13 =	vld [tilespmem:s20+$0xFFFFFFE0]  }
0x128: {  	v14 =	vld [tilespmem:s20+$0xFFFFFFF0]  }
0x129: {  	v15 =	vld [tilespmem:s20+$0xFFFFFF10]  }
0x12a: {  	v0 =	vld.idx.msk [tilespmem:v0+s7+$0x0], $0xffff  }
0x12b: {  	v1 =	vld.idx.msk [tilespmem:v1+s7+$0x0], $0xffff  }
0x12c: {  	v2 =	vld.idx.msk [tilespmem:v2+s7+$0x0], $0xffff  }
0x12d: {  	v3 =	vld.idx.msk [tilespmem:v3+s7+$0x0], $0xffff  }
0x12e: {  	v4 =	vld.idx.msk [tilespmem:v4+s7+$0x0], $0xffff  }
0x12f: {  	s8 =	simm.s32 $0x1C880;
	v5 =	vld.idx.msk [tilespmem:v5+s7+$0x0], $0xffff  }
0x130: {  	v6 =	vld.idx.msk [tilespmem:v6+s7+$0x0], $0xffff;
	[tilespmem:s8+$0x70] =	vst v0  }
0x131: {  	v7 =	vld.idx.msk [tilespmem:v7+s7+$0x0], $0xffff;
	[tilespmem:s8+$0xFFFFFF10] =	vst v1  }
0x132: {  	v15 =	vld.idx.msk [tilespmem:v15+s7+$0x0], $0xffff;
	[tilespmem:s8+$0xFFFFFF20] =	vst v2  }
0x133: {  	v8 =	vld.idx.msk [tilespmem:v8+s7+$0x0], $0xffff;
	[tilespmem:s8+$0xFFFFFF30] =	vst v3  }
0x134: {  	[tilespmem:s8+$0xFFFFFF40] =	vst v4;
	v0 =	vld.idx.msk [tilespmem:v9+s7+$0x0], $0xffff  }
0x135: {  	[tilespmem:s8+$0xFFFFFF50] =	vst v5;
	v1 =	vld.idx.msk [tilespmem:v10+s7+$0x0], $0xffff  }
0x136: {  	[tilespmem:s8+$0xFFFFFF60] =	vst v6;
	v2 =	vld.idx.msk [tilespmem:v11+s7+$0x0], $0xffff  }
0x137: {  	[tilespmem:s8+$0xFFFFFF70] =	vst v7;
	v3 =	vld.idx.msk [tilespmem:v12+s7+$0x0], $0xffff  }
0x138: {  	[tilespmem:s8+$0xFFFFFF00] =	vst v15;
	v4 =	vld.idx.msk [tilespmem:v13+s7+$0x0], $0xffff  }
0x139: {  	s10 =	simm.s32 $0x0;
	s11 =	simm.s32 $0x31F0;
	[tilespmem:s8+$0x0] =	vst v8;
	v5 =	vld.idx.msk [tilespmem:v14+s7+$0x0], $0xffff  }
.LBB2_14:
0x13a: {  	v6 =	vld [tilespmem:s11+$0x0];
	s10 =	sadd.s32 $0x10, s10;
	[tilespmem:s8+$0x10] =	vst v0  }
0x13b: {  	v0 =	vld [tilespmem:s11+$0xFFFFFF20];
	p0 =	slt.u32 s10, $0xF0;
	[tilespmem:s8+$0x20] =	vst v1  }
0x13c: {  	v1 =	vld [tilespmem:s11+$0xFFFFFF30];
	[tilespmem:s8+$0x30] =	vst v2  }
0x13d: {  	v2 =	vld [tilespmem:s11+$0xFFFFFF40];
	[tilespmem:s8+$0x40] =	vst v3  }
0x13e: {  	v3 =	vld [tilespmem:s11+$0xFFFFFF50];
	[tilespmem:s8+$0x50] =	vst v4  }
0x13f: {  	v4 =	vld [tilespmem:s11+$0xFFFFFF60];
	[tilespmem:s8+$0x60] =	vst v5  }
0x140: {  	v5 =	vld [tilespmem:s11+$0xFFFFFF70]  }
0x141: {  	v7 =	vld [tilespmem:s11+$0xFFFFFF80]  }
0x142: {  	v6 =	vld.idx.msk [tilespmem:v6+s7+$0x0], $0xffff  }
0x143: {  	v8 =	vld [tilespmem:s11+$0xFFFFFF90]  }
0x144: {  	v9 =	vld [tilespmem:s11+$0xFFFFFFA0]  }
0x145: {  	v10 =	vld [tilespmem:s11+$0xFFFFFFB0]  }
0x146: {  	v11 =	vld [tilespmem:s11+$0xFFFFFFC0]  }
0x147: {  	s8 =	sadd.s32 $0x200, s8;
	v12 =	vld [tilespmem:s11+$0xFFFFFFD0]  }
0x148: {  	v13 =	vld [tilespmem:s11+$0xFFFFFFE0];
	[tilespmem:s8+$0x70] =	vst v6  }
0x149: {  	v6 =	vld [tilespmem:s11+$0xFFFFFFF0]  }
0x14a: {  	v14 =	vld [tilespmem:s11+$0xFFFFFF10]  }
0x14b: {  	v0 =	vld.idx.msk [tilespmem:v0+s7+$0x0], $0xffff  }
0x14c: {  	v1 =	vld.idx.msk [tilespmem:v1+s7+$0x0], $0xffff  }
0x14d: {  	v2 =	vld.idx.msk [tilespmem:v2+s7+$0x0], $0xffff  }
0x14e: {  	v3 =	vld.idx.msk [tilespmem:v3+s7+$0x0], $0xffff  }
0x14f: {  	v4 =	vld.idx.msk [tilespmem:v4+s7+$0x0], $0xffff  }
0x150: {  	v5 =	vld.idx.msk [tilespmem:v5+s7+$0x0], $0xffff  }
0x151: {  	[tilespmem:s8+$0xFFFFFF10] =	vst v0;
	v7 =	vld.idx.msk [tilespmem:v7+s7+$0x0], $0xffff  }
0x152: {  	v14 =	vld.idx.msk [tilespmem:v14+s7+$0x0], $0xffff;
	[tilespmem:s8+$0xFFFFFF20] =	vst v1  }
0x153: {  	[tilespmem:s8+$0xFFFFFF30] =	vst v2;
	v8 =	vld.idx.msk [tilespmem:v8+s7+$0x0], $0xffff  }
0x154: {  	[tilespmem:s8+$0xFFFFFF40] =	vst v3;
	v0 =	vld.idx.msk [tilespmem:v9+s7+$0x0], $0xffff  }
.Ltmp6:
0x155: {  	[tilespmem:s8+$0xFFFFFF50] =	vst v4;
	v1 =	vld.idx.msk [tilespmem:v10+s7+$0x0], $0xffff;
	(pc) =	sbr.rel @p0 .LBB2_14-.Ltmp6, $4  }
0x156: {  	[tilespmem:s8+$0xFFFFFF60] =	vst v5;
	v2 =	vld.idx.msk [tilespmem:v11+s7+$0x0], $0xffff  }
0x157: {  	[tilespmem:s8+$0xFFFFFF70] =	vst v7;
	v3 =	vld.idx.msk [tilespmem:v12+s7+$0x0], $0xffff  }
0x158: {  	[tilespmem:s8+$0xFFFFFF00] =	vst v14;
	v4 =	vld.idx.msk [tilespmem:v13+s7+$0x0], $0xffff  }
0x159: {  	s11 =	sadd.s32 $0x100, s11;
	[tilespmem:s8+$0x0] =	vst v8;
	v5 =	vld.idx.msk [tilespmem:v6+s7+$0x0], $0xffff  }
0x15a: {  	[tilespmem:s8+$0x10] =	vst v0  }
0x15b: {  	[tilespmem:s8+$0x20] =	vst v1  }
0x15c: {  	[tilespmem:s8+$0x30] =	vst v2  }
0x15d: {  	[tilespmem:s8+$0x40] =	vst v3  }
0x15e: {  	[tilespmem:s8+$0x50] =	vst v4  }
0x15f: {  	[tilespmem:s8+$0x60] =	vst v5  }
0x160: {  	s10 =	simm.s32 $0x1C780;
	s15 =	rddreg [dreg:$0x8]  }
0x161: {  	s11 =	simm.s32 $0x1C880;
	s8 =	simm.s32 $0x80;
	s12 =	sadd.s32 $0x0, s15  }
.LBB2_16:
0x162: {  	[hbm4b:s12+s3] =	stream.linear.scatter [tilespmem:s10], [sflag:$0x2], $0x80, $0x38;
	[tilespmem:$0x1E700] =	vst v63  }
0x163: {  	s12 =	smov.u32 s8;
	s10 =	smov.u32 s11;
	p0 =	sne.s32 s8, $0xF80  }
.Ltmp7:
0x164: {  	s8 =	sadd.s32 $0x80, s8;
	(pc) =	sbr.rel @p0 .LBB2_16-.Ltmp7, $2  }
0x165: {  	_ =	sdelay $0x2  }
0x166: {  	s11 =	sadd.s32 $0x100, s11;
	s12 =	sadd.s32 s12, s15  }
0x167: {  	[hbm4b:s12+s3] =	stream.linear.scatter [tilespmem:s10], [sflag:$0x2], $0x80, $0x38;
	[tilespmem:$0x1E700] =	vst v63  }
0x168: {  	s8 =	simm.s32 $0x80  }
0x169: {  	s17 =	rddreg [dreg:$0x9];
	s11 =	simm.s32 $0x400;
	s18 =	simm.s32 $0x4  }
0x16a: {  	[tilespmem:s7], [sflag:$0x4] =	stream.strided.gather [hbm4b:s17+s8], $0x18700, s11, s8, $0x38;
	[tilespmem:$0x1E700] =	vst v63  }
0x16b: {  	_ =	swait.ge [sflag:s18], $0x18700  }
0x16c: {  	[sflag:s18] =	ssyncset.done $0x0  }
0x16d: {  	s20 =	simm.s32 $0x1;
	[sflag:s18] =	ssyncadd.s32 $0xFFFE7900  }
0x16e: {  	_ =	swait.ge [sflag:s20], $0x1000  }
0x16f: {  	[sflag:s20] =	ssyncset.done $0x0  }
0x170: {  	[sflag:s20] =	ssyncadd.s32 $0xFFFFF000  }
0x171: {  	v0 =	vld [tilespmem:s8+$0x70]  }
0x172: {  	v1 =	vld [tilespmem:s8+$0xFFFFFF90]  }
0x173: {  	v2 =	vld [tilespmem:s8+$0xFFFFFFA0]  }
0x174: {  	v3 =	vld [tilespmem:s8+$0xFFFFFFB0]  }
0x175: {  	v4 =	vld [tilespmem:s8+$0xFFFFFFC0]  }
0x176: {  	v5 =	vld [tilespmem:s8+$0xFFFFFFD0]  }
0x177: {  	v6 =	vld [tilespmem:s8+$0xFFFFFFE0]  }
0x178: {  	v7 =	vld [tilespmem:s8+$0xFFFFFFF0]  }
0x179: {  	v8 =	vld [tilespmem:s8+$0x0]  }
0x17a: {  	v9 =	vld [tilespmem:s8+$0x10]  }
0x17b: {  	v10 =	vld [tilespmem:s8+$0x20]  }
0x17c: {  	v11 =	vld [tilespmem:s8+$0x30]  }
0x17d: {  	v12 =	vld [tilespmem:s8+$0x40]  }
0x17e: {  	v13 =	vld [tilespmem:s8+$0x50]  }
0x17f: {  	v14 =	vld [tilespmem:s8+$0x60]  }
0x180: {  	v15 =	vld [tilespmem:s8+$0xFFFFFF80]  }
0x181: {  	v0 =	vld.idx.msk [tilespmem:v0+s7+$0x0], $0xffff  }
0x182: {  	v1 =	vld.idx.msk [tilespmem:v1+s7+$0x0], $0xffff  }
0x183: {  	v2 =	vld.idx.msk [tilespmem:v2+s7+$0x0], $0xffff  }
0x184: {  	v3 =	vld.idx.msk [tilespmem:v3+s7+$0x0], $0xffff  }
0x185: {  	v4 =	vld.idx.msk [tilespmem:v4+s7+$0x0], $0xffff  }
0x186: {  	s8 =	simm.s32 $0x1C800;
	v5 =	vld.idx.msk [tilespmem:v5+s7+$0x0], $0xffff  }
0x187: {  	v6 =	vld.idx.msk [tilespmem:v6+s7+$0x0], $0xffff;
	[tilespmem:s8+$0x70] =	vst v0  }
0x188: {  	v7 =	vld.idx.msk [tilespmem:v7+s7+$0x0], $0xffff;
	[tilespmem:s8+$0xFFFFFF10] =	vst v1  }
0x189: {  	v15 =	vld.idx.msk [tilespmem:v15+s7+$0x0], $0xffff;
	[tilespmem:s8+$0xFFFFFF20] =	vst v2  }
0x18a: {  	v8 =	vld.idx.msk [tilespmem:v8+s7+$0x0], $0xffff;
	[tilespmem:s8+$0xFFFFFF30] =	vst v3  }
0x18b: {  	[tilespmem:s8+$0xFFFFFF40] =	vst v4;
	v0 =	vld.idx.msk [tilespmem:v9+s7+$0x0], $0xffff  }
0x18c: {  	[tilespmem:s8+$0xFFFFFF50] =	vst v5;
	v1 =	vld.idx.msk [tilespmem:v10+s7+$0x0], $0xffff  }
0x18d: {  	[tilespmem:s8+$0xFFFFFF60] =	vst v6;
	v2 =	vld.idx.msk [tilespmem:v11+s7+$0x0], $0xffff  }
0x18e: {  	[tilespmem:s8+$0xFFFFFF70] =	vst v7;
	v3 =	vld.idx.msk [tilespmem:v12+s7+$0x0], $0xffff  }
0x18f: {  	[tilespmem:s8+$0xFFFFFF00] =	vst v15;
	v4 =	vld.idx.msk [tilespmem:v13+s7+$0x0], $0xffff  }
0x190: {  	s10 =	simm.s32 $0x0;
	s11 =	simm.s32 $0x180;
	[tilespmem:s8+$0x0] =	vst v8;
	v5 =	vld.idx.msk [tilespmem:v14+s7+$0x0], $0xffff  }
.LBB2_18:
0x191: {  	v6 =	vld [tilespmem:s11+$0x70];
	s10 =	sadd.s32 $0x10, s10;
	[tilespmem:s8+$0x10] =	vst v0  }
0x192: {  	v0 =	vld [tilespmem:s11+$0xFFFFFF90];
	p0 =	slt.u32 s10, $0xF0;
	[tilespmem:s8+$0x20] =	vst v1  }
0x193: {  	v1 =	vld [tilespmem:s11+$0xFFFFFFA0];
	[tilespmem:s8+$0x30] =	vst v2  }
0x194: {  	v2 =	vld [tilespmem:s11+$0xFFFFFFB0];
	[tilespmem:s8+$0x40] =	vst v3  }
0x195: {  	v3 =	vld [tilespmem:s11+$0xFFFFFFC0];
	[tilespmem:s8+$0x50] =	vst v4  }
0x196: {  	v4 =	vld [tilespmem:s11+$0xFFFFFFD0];
	[tilespmem:s8+$0x60] =	vst v5  }
0x197: {  	v5 =	vld [tilespmem:s11+$0xFFFFFFE0]  }
0x198: {  	v7 =	vld [tilespmem:s11+$0xFFFFFFF0]  }
0x199: {  	v6 =	vld.idx.msk [tilespmem:v6+s7+$0x0], $0xffff  }
0x19a: {  	v8 =	vld [tilespmem:s11+$0x0]  }
0x19b: {  	v9 =	vld [tilespmem:s11+$0x10]  }
0x19c: {  	v10 =	vld [tilespmem:s11+$0x20]  }
0x19d: {  	v11 =	vld [tilespmem:s11+$0x30]  }
0x19e: {  	s8 =	sadd.s32 $0x200, s8;
	v12 =	vld [tilespmem:s11+$0x40]  }
0x19f: {  	v13 =	vld [tilespmem:s11+$0x50];
	[tilespmem:s8+$0x70] =	vst v6  }
0x1a0: {  	v6 =	vld [tilespmem:s11+$0x60]  }
0x1a1: {  	v14 =	vld [tilespmem:s11+$0xFFFFFF80]  }
0x1a2: {  	v0 =	vld.idx.msk [tilespmem:v0+s7+$0x0], $0xffff  }
0x1a3: {  	v1 =	vld.idx.msk [tilespmem:v1+s7+$0x0], $0xffff  }
0x1a4: {  	v2 =	vld.idx.msk [tilespmem:v2+s7+$0x0], $0xffff  }
0x1a5: {  	v3 =	vld.idx.msk [tilespmem:v3+s7+$0x0], $0xffff  }
0x1a6: {  	v4 =	vld.idx.msk [tilespmem:v4+s7+$0x0], $0xffff  }
0x1a7: {  	v5 =	vld.idx.msk [tilespmem:v5+s7+$0x0], $0xffff  }
0x1a8: {  	[tilespmem:s8+$0xFFFFFF10] =	vst v0;
	v7 =	vld.idx.msk [tilespmem:v7+s7+$0x0], $0xffff  }
0x1a9: {  	v14 =	vld.idx.msk [tilespmem:v14+s7+$0x0], $0xffff;
	[tilespmem:s8+$0xFFFFFF20] =	vst v1  }
0x1aa: {  	[tilespmem:s8+$0xFFFFFF30] =	vst v2;
	v8 =	vld.idx.msk [tilespmem:v8+s7+$0x0], $0xffff  }
0x1ab: {  	[tilespmem:s8+$0xFFFFFF40] =	vst v3;
	v0 =	vld.idx.msk [tilespmem:v9+s7+$0x0], $0xffff  }
.Ltmp8:
0x1ac: {  	[tilespmem:s8+$0xFFFFFF50] =	vst v4;
	v1 =	vld.idx.msk [tilespmem:v10+s7+$0x0], $0xffff;
	(pc) =	sbr.rel @p0 .LBB2_18-.Ltmp8, $4  }
0x1ad: {  	[tilespmem:s8+$0xFFFFFF60] =	vst v5;
	v2 =	vld.idx.msk [tilespmem:v11+s7+$0x0], $0xffff  }
0x1ae: {  	[tilespmem:s8+$0xFFFFFF70] =	vst v7;
	v3 =	vld.idx.msk [tilespmem:v12+s7+$0x0], $0xffff  }
0x1af: {  	[tilespmem:s8+$0xFFFFFF00] =	vst v14;
	v4 =	vld.idx.msk [tilespmem:v13+s7+$0x0], $0xffff  }
0x1b0: {  	s11 =	sadd.s32 $0x100, s11;
	[tilespmem:s8+$0x0] =	vst v8;
	v5 =	vld.idx.msk [tilespmem:v6+s7+$0x0], $0xffff  }
0x1b1: {  	[tilespmem:s8+$0x10] =	vst v0  }
0x1b2: {  	[tilespmem:s8+$0x20] =	vst v1  }
0x1b3: {  	[tilespmem:s8+$0x30] =	vst v2  }
0x1b4: {  	[tilespmem:s8+$0x40] =	vst v3  }
0x1b5: {  	[tilespmem:s8+$0x50] =	vst v4  }
0x1b6: {  	[tilespmem:s8+$0x60] =	vst v5  }
0x1b7: {  	s10 =	simm.s32 $0x1C700;
	s15 =	rddreg [dreg:$0xa]  }
0x1b8: {  	s11 =	simm.s32 $0x1C800;
	s8 =	simm.s32 $0x80;
	s12 =	sadd.s32 $0x0, s15  }
.LBB2_20:
0x1b9: {  	[hbm4b:s12+s3] =	stream.linear.scatter [tilespmem:s10], [sflag:$0x1], $0x80, $0x38;
	[tilespmem:$0x1E700] =	vst v63  }
0x1ba: {  	s12 =	smov.u32 s8;
	s10 =	smov.u32 s11;
	p0 =	sne.s32 s8, $0xF80  }
.Ltmp9:
0x1bb: {  	s8 =	sadd.s32 $0x80, s8;
	(pc) =	sbr.rel @p0 .LBB2_20-.Ltmp9, $2  }
0x1bc: {  	_ =	sdelay $0x2  }
0x1bd: {  	s11 =	sadd.s32 $0x100, s11;
	s12 =	sadd.s32 s12, s15  }
0x1be: {  	[hbm4b:s12+s3] =	stream.linear.scatter [tilespmem:s10], [sflag:$0x1], $0x80, $0x38;
	[tilespmem:$0x1E700] =	vst v63  }
0x1bf: {  	s8 =	simm.s32 $0x2  }
0x1c0: {  	_ =	swait.ge [sflag:s8], $0x1000  }
0x1c1: {  	[sflag:s8] =	ssyncset.done $0x0  }
0x1c2: {  	s20 =	simm.s32 $0x10F0;
	[sflag:s8] =	ssyncadd.s32 $0xFFFFF000  }
0x1c3: {  	v0 =	vld [tilespmem:s20+$0x0]  }
0x1c4: {  	v1 =	vld [tilespmem:s20+$0xFFFFFF20]  }
0x1c5: {  	v2 =	vld [tilespmem:s20+$0xFFFFFF30]  }
0x1c6: {  	v3 =	vld [tilespmem:s20+$0xFFFFFF40]  }
0x1c7: {  	v4 =	vld [tilespmem:s20+$0xFFFFFF50]  }
0x1c8: {  	v5 =	vld [tilespmem:s20+$0xFFFFFF60]  }
0x1c9: {  	v6 =	vld [tilespmem:s20+$0xFFFFFF70]  }
0x1ca: {  	v7 =	vld [tilespmem:s20+$0xFFFFFF80]  }
0x1cb: {  	v8 =	vld [tilespmem:s20+$0xFFFFFF90]  }
0x1cc: {  	v9 =	vld [tilespmem:s20+$0xFFFFFFA0]  }
0x1cd: {  	v10 =	vld [tilespmem:s20+$0xFFFFFFB0]  }
0x1ce: {  	v11 =	vld [tilespmem:s20+$0xFFFFFFC0]  }
0x1cf: {  	v12 =	vld [tilespmem:s20+$0xFFFFFFD0]  }
0x1d0: {  	v13 =	vld [tilespmem:s20+$0xFFFFFFE0]  }
0x1d1: {  	v14 =	vld [tilespmem:s20+$0xFFFFFFF0]  }
0x1d2: {  	v15 =	vld [tilespmem:s20+$0xFFFFFF10]  }
0x1d3: {  	v0 =	vld.idx.msk [tilespmem:v0+s7+$0x0], $0xffff  }
0x1d4: {  	v1 =	vld.idx.msk [tilespmem:v1+s7+$0x0], $0xffff  }
0x1d5: {  	v2 =	vld.idx.msk [tilespmem:v2+s7+$0x0], $0xffff  }
0x1d6: {  	v3 =	vld.idx.msk [tilespmem:v3+s7+$0x0], $0xffff  }
0x1d7: {  	v4 =	vld.idx.msk [tilespmem:v4+s7+$0x0], $0xffff  }
0x1d8: {  	s8 =	simm.s32 $0x1C880;
	v5 =	vld.idx.msk [tilespmem:v5+s7+$0x0], $0xffff  }
0x1d9: {  	v6 =	vld.idx.msk [tilespmem:v6+s7+$0x0], $0xffff;
	[tilespmem:s8+$0x70] =	vst v0  }
0x1da: {  	v7 =	vld.idx.msk [tilespmem:v7+s7+$0x0], $0xffff;
	[tilespmem:s8+$0xFFFFFF10] =	vst v1  }
0x1db: {  	v15 =	vld.idx.msk [tilespmem:v15+s7+$0x0], $0xffff;
	[tilespmem:s8+$0xFFFFFF20] =	vst v2  }
0x1dc: {  	v8 =	vld.idx.msk [tilespmem:v8+s7+$0x0], $0xffff;
	[tilespmem:s8+$0xFFFFFF30] =	vst v3  }
0x1dd: {  	[tilespmem:s8+$0xFFFFFF40] =	vst v4;
	v0 =	vld.idx.msk [tilespmem:v9+s7+$0x0], $0xffff  }
0x1de: {  	[tilespmem:s8+$0xFFFFFF50] =	vst v5;
	v1 =	vld.idx.msk [tilespmem:v10+s7+$0x0], $0xffff  }
0x1df: {  	[tilespmem:s8+$0xFFFFFF60] =	vst v6;
	v2 =	vld.idx.msk [tilespmem:v11+s7+$0x0], $0xffff  }
0x1e0: {  	[tilespmem:s8+$0xFFFFFF70] =	vst v7;
	v3 =	vld.idx.msk [tilespmem:v12+s7+$0x0], $0xffff  }
0x1e1: {  	[tilespmem:s8+$0xFFFFFF00] =	vst v15;
	v4 =	vld.idx.msk [tilespmem:v13+s7+$0x0], $0xffff  }
0x1e2: {  	s10 =	simm.s32 $0x0;
	s11 =	simm.s32 $0x11F0;
	[tilespmem:s8+$0x0] =	vst v8;
	v5 =	vld.idx.msk [tilespmem:v14+s7+$0x0], $0xffff  }
.LBB2_22:
0x1e3: {  	v6 =	vld [tilespmem:s11+$0x0];
	s10 =	sadd.s32 $0x10, s10;
	[tilespmem:s8+$0x10] =	vst v0  }
0x1e4: {  	v0 =	vld [tilespmem:s11+$0xFFFFFF20];
	p0 =	slt.u32 s10, $0xF0;
	[tilespmem:s8+$0x20] =	vst v1  }
0x1e5: {  	v1 =	vld [tilespmem:s11+$0xFFFFFF30];
	[tilespmem:s8+$0x30] =	vst v2  }
0x1e6: {  	v2 =	vld [tilespmem:s11+$0xFFFFFF40];
	[tilespmem:s8+$0x40] =	vst v3  }
0x1e7: {  	v3 =	vld [tilespmem:s11+$0xFFFFFF50];
	[tilespmem:s8+$0x50] =	vst v4  }
0x1e8: {  	v4 =	vld [tilespmem:s11+$0xFFFFFF60];
	[tilespmem:s8+$0x60] =	vst v5  }
0x1e9: {  	v5 =	vld [tilespmem:s11+$0xFFFFFF70]  }
0x1ea: {  	v7 =	vld [tilespmem:s11+$0xFFFFFF80]  }
0x1eb: {  	v6 =	vld.idx.msk [tilespmem:v6+s7+$0x0], $0xffff  }
0x1ec: {  	v8 =	vld [tilespmem:s11+$0xFFFFFF90]  }
0x1ed: {  	v9 =	vld [tilespmem:s11+$0xFFFFFFA0]  }
0x1ee: {  	v10 =	vld [tilespmem:s11+$0xFFFFFFB0]  }
0x1ef: {  	v11 =	vld [tilespmem:s11+$0xFFFFFFC0]  }
0x1f0: {  	s8 =	sadd.s32 $0x200, s8;
	v12 =	vld [tilespmem:s11+$0xFFFFFFD0]  }
0x1f1: {  	v13 =	vld [tilespmem:s11+$0xFFFFFFE0];
	[tilespmem:s8+$0x70] =	vst v6  }
0x1f2: {  	v6 =	vld [tilespmem:s11+$0xFFFFFFF0]  }
0x1f3: {  	v14 =	vld [tilespmem:s11+$0xFFFFFF10]  }
0x1f4: {  	v0 =	vld.idx.msk [tilespmem:v0+s7+$0x0], $0xffff  }
0x1f5: {  	v1 =	vld.idx.msk [tilespmem:v1+s7+$0x0], $0xffff  }
0x1f6: {  	v2 =	vld.idx.msk [tilespmem:v2+s7+$0x0], $0xffff  }
0x1f7: {  	v3 =	vld.idx.msk [tilespmem:v3+s7+$0x0], $0xffff  }
0x1f8: {  	v4 =	vld.idx.msk [tilespmem:v4+s7+$0x0], $0xffff  }
0x1f9: {  	v5 =	vld.idx.msk [tilespmem:v5+s7+$0x0], $0xffff  }
0x1fa: {  	[tilespmem:s8+$0xFFFFFF10] =	vst v0;
	v7 =	vld.idx.msk [tilespmem:v7+s7+$0x0], $0xffff  }
0x1fb: {  	v14 =	vld.idx.msk [tilespmem:v14+s7+$0x0], $0xffff;
	[tilespmem:s8+$0xFFFFFF20] =	vst v1  }
0x1fc: {  	[tilespmem:s8+$0xFFFFFF30] =	vst v2;
	v8 =	vld.idx.msk [tilespmem:v8+s7+$0x0], $0xffff  }
0x1fd: {  	[tilespmem:s8+$0xFFFFFF40] =	vst v3;
	v0 =	vld.idx.msk [tilespmem:v9+s7+$0x0], $0xffff  }
.Ltmp10:
0x1fe: {  	[tilespmem:s8+$0xFFFFFF50] =	vst v4;
	v1 =	vld.idx.msk [tilespmem:v10+s7+$0x0], $0xffff;
	(pc) =	sbr.rel @p0 .LBB2_22-.Ltmp10, $4  }
0x1ff: {  	[tilespmem:s8+$0xFFFFFF60] =	vst v5;
	v2 =	vld.idx.msk [tilespmem:v11+s7+$0x0], $0xffff  }
0x200: {  	[tilespmem:s8+$0xFFFFFF70] =	vst v7;
	v3 =	vld.idx.msk [tilespmem:v12+s7+$0x0], $0xffff  }
0x201: {  	[tilespmem:s8+$0xFFFFFF00] =	vst v14;
	v4 =	vld.idx.msk [tilespmem:v13+s7+$0x0], $0xffff  }
0x202: {  	s11 =	sadd.s32 $0x100, s11;
	[tilespmem:s8+$0x0] =	vst v8;
	v5 =	vld.idx.msk [tilespmem:v6+s7+$0x0], $0xffff  }
0x203: {  	[tilespmem:s8+$0x10] =	vst v0  }
0x204: {  	[tilespmem:s8+$0x20] =	vst v1  }
0x205: {  	[tilespmem:s8+$0x30] =	vst v2  }
0x206: {  	[tilespmem:s8+$0x40] =	vst v3  }
0x207: {  	[tilespmem:s8+$0x50] =	vst v4  }
0x208: {  	[tilespmem:s8+$0x60] =	vst v5  }
0x209: {  	s10 =	simm.s32 $0x1C780;
	s16 =	rddreg [dreg:$0xb]  }
0x20a: {  	s11 =	simm.s32 $0x1C880;
	s8 =	simm.s32 $0x80;
	s12 =	sadd.s32 $0x0, s16  }
.LBB2_24:
0x20b: {  	[hbm4b:s12+s3] =	stream.linear.scatter [tilespmem:s10], [sflag:$0x2], $0x80, $0x38;
	[tilespmem:$0x1E700] =	vst v63  }
0x20c: {  	s12 =	smov.u32 s8;
	s10 =	smov.u32 s11;
	p0 =	sne.s32 s8, $0xF80  }
.Ltmp11:
0x20d: {  	s8 =	sadd.s32 $0x80, s8;
	(pc) =	sbr.rel @p0 .LBB2_24-.Ltmp11, $2  }
0x20e: {  	_ =	sdelay $0x2  }
0x20f: {  	s11 =	sadd.s32 $0x100, s11;
	s12 =	sadd.s32 s12, s16  }
0x210: {  	[hbm4b:s12+s3] =	stream.linear.scatter [tilespmem:s10], [sflag:$0x2], $0x80, $0x38;
	[tilespmem:$0x1E700] =	vst v63  }
0x211: {  	s8 =	simm.s32 $0x1  }
0x212: {  	_ =	swait.ge [sflag:s8], $0x1000  }
0x213: {  	[sflag:s8] =	ssyncset.done $0x0  }
0x214: {  	s20 =	simm.s32 $0x20F0;
	[sflag:s8] =	ssyncadd.s32 $0xFFFFF000  }
0x215: {  	v0 =	vld [tilespmem:s20+$0x0]  }
0x216: {  	v1 =	vld [tilespmem:s20+$0xFFFFFF20]  }
0x217: {  	v2 =	vld [tilespmem:s20+$0xFFFFFF30]  }
0x218: {  	v3 =	vld [tilespmem:s20+$0xFFFFFF40]  }
0x219: {  	v4 =	vld [tilespmem:s20+$0xFFFFFF50]  }
0x21a: {  	v5 =	vld [tilespmem:s20+$0xFFFFFF60]  }
0x21b: {  	v6 =	vld [tilespmem:s20+$0xFFFFFF70]  }
0x21c: {  	v7 =	vld [tilespmem:s20+$0xFFFFFF80]  }
0x21d: {  	v8 =	vld [tilespmem:s20+$0xFFFFFF90]  }
0x21e: {  	v9 =	vld [tilespmem:s20+$0xFFFFFFA0]  }
0x21f: {  	v10 =	vld [tilespmem:s20+$0xFFFFFFB0]  }
0x220: {  	v11 =	vld [tilespmem:s20+$0xFFFFFFC0]  }
0x221: {  	v12 =	vld [tilespmem:s20+$0xFFFFFFD0]  }
0x222: {  	v13 =	vld [tilespmem:s20+$0xFFFFFFE0]  }
0x223: {  	v14 =	vld [tilespmem:s20+$0xFFFFFFF0]  }
0x224: {  	v15 =	vld [tilespmem:s20+$0xFFFFFF10]  }
0x225: {  	v0 =	vld.idx.msk [tilespmem:v0+s7+$0x0], $0xffff  }
0x226: {  	v1 =	vld.idx.msk [tilespmem:v1+s7+$0x0], $0xffff  }
0x227: {  	v2 =	vld.idx.msk [tilespmem:v2+s7+$0x0], $0xffff  }
0x228: {  	v3 =	vld.idx.msk [tilespmem:v3+s7+$0x0], $0xffff  }
0x229: {  	v4 =	vld.idx.msk [tilespmem:v4+s7+$0x0], $0xffff  }
0x22a: {  	s8 =	simm.s32 $0x1C800;
	v5 =	vld.idx.msk [tilespmem:v5+s7+$0x0], $0xffff  }
0x22b: {  	v6 =	vld.idx.msk [tilespmem:v6+s7+$0x0], $0xffff;
	[tilespmem:s8+$0x70] =	vst v0  }
0x22c: {  	v7 =	vld.idx.msk [tilespmem:v7+s7+$0x0], $0xffff;
	[tilespmem:s8+$0xFFFFFF10] =	vst v1  }
0x22d: {  	v15 =	vld.idx.msk [tilespmem:v15+s7+$0x0], $0xffff;
	[tilespmem:s8+$0xFFFFFF20] =	vst v2  }
0x22e: {  	v8 =	vld.idx.msk [tilespmem:v8+s7+$0x0], $0xffff;
	[tilespmem:s8+$0xFFFFFF30] =	vst v3  }
0x22f: {  	[tilespmem:s8+$0xFFFFFF40] =	vst v4;
	v0 =	vld.idx.msk [tilespmem:v9+s7+$0x0], $0xffff  }
0x230: {  	[tilespmem:s8+$0xFFFFFF50] =	vst v5;
	v1 =	vld.idx.msk [tilespmem:v10+s7+$0x0], $0xffff  }
0x231: {  	[tilespmem:s8+$0xFFFFFF60] =	vst v6;
	v2 =	vld.idx.msk [tilespmem:v11+s7+$0x0], $0xffff  }
0x232: {  	[tilespmem:s8+$0xFFFFFF70] =	vst v7;
	v3 =	vld.idx.msk [tilespmem:v12+s7+$0x0], $0xffff  }
0x233: {  	[tilespmem:s8+$0xFFFFFF00] =	vst v15;
	v4 =	vld.idx.msk [tilespmem:v13+s7+$0x0], $0xffff  }
0x234: {  	s10 =	simm.s32 $0x0;
	s11 =	simm.s32 $0x21F0;
	[tilespmem:s8+$0x0] =	vst v8;
	v5 =	vld.idx.msk [tilespmem:v14+s7+$0x0], $0xffff  }
.LBB2_26:
0x235: {  	v6 =	vld [tilespmem:s11+$0x0];
	s10 =	sadd.s32 $0x10, s10;
	[tilespmem:s8+$0x10] =	vst v0  }
0x236: {  	v0 =	vld [tilespmem:s11+$0xFFFFFF20];
	p0 =	slt.u32 s10, $0xF0;
	[tilespmem:s8+$0x20] =	vst v1  }
0x237: {  	v1 =	vld [tilespmem:s11+$0xFFFFFF30];
	[tilespmem:s8+$0x30] =	vst v2  }
0x238: {  	v2 =	vld [tilespmem:s11+$0xFFFFFF40];
	[tilespmem:s8+$0x40] =	vst v3  }
0x239: {  	v3 =	vld [tilespmem:s11+$0xFFFFFF50];
	[tilespmem:s8+$0x50] =	vst v4  }
0x23a: {  	v4 =	vld [tilespmem:s11+$0xFFFFFF60];
	[tilespmem:s8+$0x60] =	vst v5  }
0x23b: {  	v5 =	vld [tilespmem:s11+$0xFFFFFF70]  }
0x23c: {  	v7 =	vld [tilespmem:s11+$0xFFFFFF80]  }
0x23d: {  	v6 =	vld.idx.msk [tilespmem:v6+s7+$0x0], $0xffff  }
0x23e: {  	v8 =	vld [tilespmem:s11+$0xFFFFFF90]  }
0x23f: {  	v9 =	vld [tilespmem:s11+$0xFFFFFFA0]  }
0x240: {  	v10 =	vld [tilespmem:s11+$0xFFFFFFB0]  }
0x241: {  	v11 =	vld [tilespmem:s11+$0xFFFFFFC0]  }
0x242: {  	s8 =	sadd.s32 $0x200, s8;
	v12 =	vld [tilespmem:s11+$0xFFFFFFD0]  }
0x243: {  	v13 =	vld [tilespmem:s11+$0xFFFFFFE0];
	[tilespmem:s8+$0x70] =	vst v6  }
0x244: {  	v6 =	vld [tilespmem:s11+$0xFFFFFFF0]  }
0x245: {  	v14 =	vld [tilespmem:s11+$0xFFFFFF10]  }
0x246: {  	v0 =	vld.idx.msk [tilespmem:v0+s7+$0x0], $0xffff  }
0x247: {  	v1 =	vld.idx.msk [tilespmem:v1+s7+$0x0], $0xffff  }
0x248: {  	v2 =	vld.idx.msk [tilespmem:v2+s7+$0x0], $0xffff  }
0x249: {  	v3 =	vld.idx.msk [tilespmem:v3+s7+$0x0], $0xffff  }
0x24a: {  	v4 =	vld.idx.msk [tilespmem:v4+s7+$0x0], $0xffff  }
0x24b: {  	v5 =	vld.idx.msk [tilespmem:v5+s7+$0x0], $0xffff  }
0x24c: {  	[tilespmem:s8+$0xFFFFFF10] =	vst v0;
	v7 =	vld.idx.msk [tilespmem:v7+s7+$0x0], $0xffff  }
0x24d: {  	v14 =	vld.idx.msk [tilespmem:v14+s7+$0x0], $0xffff;
	[tilespmem:s8+$0xFFFFFF20] =	vst v1  }
0x24e: {  	[tilespmem:s8+$0xFFFFFF30] =	vst v2;
	v8 =	vld.idx.msk [tilespmem:v8+s7+$0x0], $0xffff  }
0x24f: {  	[tilespmem:s8+$0xFFFFFF40] =	vst v3;
	v0 =	vld.idx.msk [tilespmem:v9+s7+$0x0], $0xffff  }
.Ltmp12:
0x250: {  	[tilespmem:s8+$0xFFFFFF50] =	vst v4;
	v1 =	vld.idx.msk [tilespmem:v10+s7+$0x0], $0xffff;
	(pc) =	sbr.rel @p0 .LBB2_26-.Ltmp12, $4  }
0x251: {  	[tilespmem:s8+$0xFFFFFF60] =	vst v5;
	v2 =	vld.idx.msk [tilespmem:v11+s7+$0x0], $0xffff  }
0x252: {  	[tilespmem:s8+$0xFFFFFF70] =	vst v7;
	v3 =	vld.idx.msk [tilespmem:v12+s7+$0x0], $0xffff  }
0x253: {  	[tilespmem:s8+$0xFFFFFF00] =	vst v14;
	v4 =	vld.idx.msk [tilespmem:v13+s7+$0x0], $0xffff  }
0x254: {  	s11 =	sadd.s32 $0x100, s11;
	[tilespmem:s8+$0x0] =	vst v8;
	v5 =	vld.idx.msk [tilespmem:v6+s7+$0x0], $0xffff  }
0x255: {  	[tilespmem:s8+$0x10] =	vst v0  }
0x256: {  	[tilespmem:s8+$0x20] =	vst v1  }
0x257: {  	[tilespmem:s8+$0x30] =	vst v2  }
0x258: {  	[tilespmem:s8+$0x40] =	vst v3  }
0x259: {  	[tilespmem:s8+$0x50] =	vst v4  }
0x25a: {  	[tilespmem:s8+$0x60] =	vst v5  }
0x25b: {  	s10 =	simm.s32 $0x1C700;
	s16 =	rddreg [dreg:$0xc]  }
0x25c: {  	s11 =	simm.s32 $0x1C800;
	s8 =	simm.s32 $0x80;
	s12 =	sadd.s32 $0x0, s16  }
.LBB2_28:
0x25d: {  	[hbm4b:s12+s3] =	stream.linear.scatter [tilespmem:s10], [sflag:$0x1], $0x80, $0x38;
	[tilespmem:$0x1E700] =	vst v63  }
0x25e: {  	s12 =	smov.u32 s8;
	s10 =	smov.u32 s11;
	p0 =	sne.s32 s8, $0xF80  }
.Ltmp13:
0x25f: {  	s8 =	sadd.s32 $0x80, s8;
	(pc) =	sbr.rel @p0 .LBB2_28-.Ltmp13, $2  }
0x260: {  	_ =	sdelay $0x2  }
0x261: {  	s11 =	sadd.s32 $0x100, s11;
	s12 =	sadd.s32 s12, s16  }
0x262: {  	[hbm4b:s12+s3] =	stream.linear.scatter [tilespmem:s10], [sflag:$0x1], $0x80, $0x38;
	[tilespmem:$0x1E700] =	vst v63  }
0x263: {  	s8 =	simm.s32 $0x2  }
0x264: {  	_ =	swait.ge [sflag:s8], $0x1000  }
0x265: {  	[sflag:s8] =	ssyncset.done $0x0  }
0x266: {  	s20 =	simm.s32 $0x30F0;
	[sflag:s8] =	ssyncadd.s32 $0xFFFFF000  }
0x267: {  	v0 =	vld [tilespmem:s20+$0x0]  }
0x268: {  	v1 =	vld [tilespmem:s20+$0xFFFFFF20]  }
0x269: {  	v2 =	vld [tilespmem:s20+$0xFFFFFF30]  }
0x26a: {  	v3 =	vld [tilespmem:s20+$0xFFFFFF40]  }
0x26b: {  	v4 =	vld [tilespmem:s20+$0xFFFFFF50]  }
0x26c: {  	v5 =	vld [tilespmem:s20+$0xFFFFFF60]  }
0x26d: {  	v6 =	vld [tilespmem:s20+$0xFFFFFF70]  }
0x26e: {  	v7 =	vld [tilespmem:s20+$0xFFFFFF80]  }
0x26f: {  	v8 =	vld [tilespmem:s20+$0xFFFFFF90]  }
0x270: {  	v9 =	vld [tilespmem:s20+$0xFFFFFFA0]  }
0x271: {  	v10 =	vld [tilespmem:s20+$0xFFFFFFB0]  }
0x272: {  	v11 =	vld [tilespmem:s20+$0xFFFFFFC0]  }
0x273: {  	v12 =	vld [tilespmem:s20+$0xFFFFFFD0]  }
0x274: {  	v13 =	vld [tilespmem:s20+$0xFFFFFFE0]  }
0x275: {  	v14 =	vld [tilespmem:s20+$0xFFFFFFF0]  }
0x276: {  	v15 =	vld [tilespmem:s20+$0xFFFFFF10]  }
0x277: {  	v0 =	vld.idx.msk [tilespmem:v0+s7+$0x0], $0xffff  }
0x278: {  	v1 =	vld.idx.msk [tilespmem:v1+s7+$0x0], $0xffff  }
0x279: {  	v2 =	vld.idx.msk [tilespmem:v2+s7+$0x0], $0xffff  }
0x27a: {  	v3 =	vld.idx.msk [tilespmem:v3+s7+$0x0], $0xffff  }
0x27b: {  	v4 =	vld.idx.msk [tilespmem:v4+s7+$0x0], $0xffff  }
0x27c: {  	s8 =	simm.s32 $0x1C880;
	v5 =	vld.idx.msk [tilespmem:v5+s7+$0x0], $0xffff  }
0x27d: {  	v6 =	vld.idx.msk [tilespmem:v6+s7+$0x0], $0xffff;
	[tilespmem:s8+$0x70] =	vst v0  }
0x27e: {  	v7 =	vld.idx.msk [tilespmem:v7+s7+$0x0], $0xffff;
	[tilespmem:s8+$0xFFFFFF10] =	vst v1  }
0x27f: {  	v15 =	vld.idx.msk [tilespmem:v15+s7+$0x0], $0xffff;
	[tilespmem:s8+$0xFFFFFF20] =	vst v2  }
0x280: {  	v8 =	vld.idx.msk [tilespmem:v8+s7+$0x0], $0xffff;
	[tilespmem:s8+$0xFFFFFF30] =	vst v3  }
0x281: {  	[tilespmem:s8+$0xFFFFFF40] =	vst v4;
	v0 =	vld.idx.msk [tilespmem:v9+s7+$0x0], $0xffff  }
0x282: {  	[tilespmem:s8+$0xFFFFFF50] =	vst v5;
	v1 =	vld.idx.msk [tilespmem:v10+s7+$0x0], $0xffff  }
0x283: {  	[tilespmem:s8+$0xFFFFFF60] =	vst v6;
	v2 =	vld.idx.msk [tilespmem:v11+s7+$0x0], $0xffff  }
0x284: {  	[tilespmem:s8+$0xFFFFFF70] =	vst v7;
	v3 =	vld.idx.msk [tilespmem:v12+s7+$0x0], $0xffff  }
0x285: {  	[tilespmem:s8+$0xFFFFFF00] =	vst v15;
	v4 =	vld.idx.msk [tilespmem:v13+s7+$0x0], $0xffff  }
0x286: {  	s10 =	simm.s32 $0x0;
	s11 =	simm.s32 $0x31F0;
	[tilespmem:s8+$0x0] =	vst v8;
	v5 =	vld.idx.msk [tilespmem:v14+s7+$0x0], $0xffff  }
.LBB2_30:
0x287: {  	v6 =	vld [tilespmem:s11+$0x0];
	s10 =	sadd.s32 $0x10, s10;
	[tilespmem:s8+$0x10] =	vst v0  }
0x288: {  	v0 =	vld [tilespmem:s11+$0xFFFFFF20];
	p0 =	slt.u32 s10, $0xF0;
	[tilespmem:s8+$0x20] =	vst v1  }
0x289: {  	v1 =	vld [tilespmem:s11+$0xFFFFFF30];
	[tilespmem:s8+$0x30] =	vst v2  }
0x28a: {  	v2 =	vld [tilespmem:s11+$0xFFFFFF40];
	[tilespmem:s8+$0x40] =	vst v3  }
0x28b: {  	v3 =	vld [tilespmem:s11+$0xFFFFFF50];
	[tilespmem:s8+$0x50] =	vst v4  }
0x28c: {  	v4 =	vld [tilespmem:s11+$0xFFFFFF60];
	[tilespmem:s8+$0x60] =	vst v5  }
0x28d: {  	v5 =	vld [tilespmem:s11+$0xFFFFFF70]  }
0x28e: {  	v7 =	vld [tilespmem:s11+$0xFFFFFF80]  }
0x28f: {  	v6 =	vld.idx.msk [tilespmem:v6+s7+$0x0], $0xffff  }
0x290: {  	v8 =	vld [tilespmem:s11+$0xFFFFFF90]  }
0x291: {  	v9 =	vld [tilespmem:s11+$0xFFFFFFA0]  }
0x292: {  	v10 =	vld [tilespmem:s11+$0xFFFFFFB0]  }
0x293: {  	v11 =	vld [tilespmem:s11+$0xFFFFFFC0]  }
0x294: {  	s8 =	sadd.s32 $0x200, s8;
	v12 =	vld [tilespmem:s11+$0xFFFFFFD0]  }
0x295: {  	v13 =	vld [tilespmem:s11+$0xFFFFFFE0];
	[tilespmem:s8+$0x70] =	vst v6  }
0x296: {  	v6 =	vld [tilespmem:s11+$0xFFFFFFF0]  }
0x297: {  	v14 =	vld [tilespmem:s11+$0xFFFFFF10]  }
0x298: {  	v0 =	vld.idx.msk [tilespmem:v0+s7+$0x0], $0xffff  }
0x299: {  	v1 =	vld.idx.msk [tilespmem:v1+s7+$0x0], $0xffff  }
0x29a: {  	v2 =	vld.idx.msk [tilespmem:v2+s7+$0x0], $0xffff  }
0x29b: {  	v3 =	vld.idx.msk [tilespmem:v3+s7+$0x0], $0xffff  }
0x29c: {  	v4 =	vld.idx.msk [tilespmem:v4+s7+$0x0], $0xffff  }
0x29d: {  	v5 =	vld.idx.msk [tilespmem:v5+s7+$0x0], $0xffff  }
0x29e: {  	[tilespmem:s8+$0xFFFFFF10] =	vst v0;
	v7 =	vld.idx.msk [tilespmem:v7+s7+$0x0], $0xffff  }
0x29f: {  	v14 =	vld.idx.msk [tilespmem:v14+s7+$0x0], $0xffff;
	[tilespmem:s8+$0xFFFFFF20] =	vst v1  }
0x2a0: {  	[tilespmem:s8+$0xFFFFFF30] =	vst v2;
	v8 =	vld.idx.msk [tilespmem:v8+s7+$0x0], $0xffff  }
0x2a1: {  	[tilespmem:s8+$0xFFFFFF40] =	vst v3;
	v0 =	vld.idx.msk [tilespmem:v9+s7+$0x0], $0xffff  }
.Ltmp14:
0x2a2: {  	[tilespmem:s8+$0xFFFFFF50] =	vst v4;
	v1 =	vld.idx.msk [tilespmem:v10+s7+$0x0], $0xffff;
	(pc) =	sbr.rel @p0 .LBB2_30-.Ltmp14, $4  }
0x2a3: {  	[tilespmem:s8+$0xFFFFFF60] =	vst v5;
	v2 =	vld.idx.msk [tilespmem:v11+s7+$0x0], $0xffff  }
0x2a4: {  	[tilespmem:s8+$0xFFFFFF70] =	vst v7;
	v3 =	vld.idx.msk [tilespmem:v12+s7+$0x0], $0xffff  }
0x2a5: {  	[tilespmem:s8+$0xFFFFFF00] =	vst v14;
	v4 =	vld.idx.msk [tilespmem:v13+s7+$0x0], $0xffff  }
0x2a6: {  	s11 =	sadd.s32 $0x100, s11;
	[tilespmem:s8+$0x0] =	vst v8;
	v5 =	vld.idx.msk [tilespmem:v6+s7+$0x0], $0xffff  }
0x2a7: {  	[tilespmem:s8+$0x10] =	vst v0  }
0x2a8: {  	[tilespmem:s8+$0x20] =	vst v1  }
0x2a9: {  	[tilespmem:s8+$0x30] =	vst v2  }
0x2aa: {  	[tilespmem:s8+$0x40] =	vst v3  }
0x2ab: {  	[tilespmem:s8+$0x50] =	vst v4  }
0x2ac: {  	[tilespmem:s8+$0x60] =	vst v5  }
0x2ad: {  	s10 =	simm.s32 $0x1C780;
	s17 =	rddreg [dreg:$0xd]  }
0x2ae: {  	s11 =	simm.s32 $0x1C880;
	s8 =	simm.s32 $0x80;
	s12 =	sadd.s32 $0x0, s17  }
.LBB2_32:
0x2af: {  	[hbm4b:s12+s3] =	stream.linear.scatter [tilespmem:s10], [sflag:$0x2], $0x80, $0x38;
	[tilespmem:$0x1E700] =	vst v63  }
0x2b0: {  	s12 =	smov.u32 s8;
	s10 =	smov.u32 s11;
	p0 =	sne.s32 s8, $0xF80  }
.Ltmp15:
0x2b1: {  	s8 =	sadd.s32 $0x80, s8;
	(pc) =	sbr.rel @p0 .LBB2_32-.Ltmp15, $2  }
0x2b2: {  	_ =	sdelay $0x2  }
0x2b3: {  	s11 =	sadd.s32 $0x100, s11;
	s12 =	sadd.s32 s12, s17  }
0x2b4: {  	[hbm4b:s12+s3] =	stream.linear.scatter [tilespmem:s10], [sflag:$0x2], $0x80, $0x38;
	[tilespmem:$0x1E700] =	vst v63  }
0x2b5: {  	s8 =	simm.s32 $0x80  }
0x2b6: {  	s17 =	rddreg [dreg:$0xe];
	s11 =	simm.s32 $0x400;
	s18 =	simm.s32 $0x4  }
0x2b7: {  	[tilespmem:s7], [sflag:$0x4] =	stream.strided.gather [hbm4b:s17+s8], $0x18700, s11, s8, $0x38;
	[tilespmem:$0x1E700] =	vst v63  }
0x2b8: {  	_ =	swait.ge [sflag:s18], $0x18700  }
0x2b9: {  	[sflag:s18] =	ssyncset.done $0x0  }
0x2ba: {  	s20 =	simm.s32 $0x1;
	[sflag:s18] =	ssyncadd.s32 $0xFFFE7900  }
0x2bb: {  	_ =	swait.ge [sflag:s20], $0x1000  }
0x2bc: {  	[sflag:s20] =	ssyncset.done $0x0  }
0x2bd: {  	[sflag:s20] =	ssyncadd.s32 $0xFFFFF000  }
0x2be: {  	v0 =	vld [tilespmem:s8+$0x70]  }
0x2bf: {  	v1 =	vld [tilespmem:s8+$0xFFFFFF90]  }
0x2c0: {  	v2 =	vld [tilespmem:s8+$0xFFFFFFA0]  }
0x2c1: {  	v3 =	vld [tilespmem:s8+$0xFFFFFFB0]  }
0x2c2: {  	v4 =	vld [tilespmem:s8+$0xFFFFFFC0]  }
0x2c3: {  	v5 =	vld [tilespmem:s8+$0xFFFFFFD0]  }
0x2c4: {  	v6 =	vld [tilespmem:s8+$0xFFFFFFE0]  }
0x2c5: {  	v7 =	vld [tilespmem:s8+$0xFFFFFFF0]  }
0x2c6: {  	v8 =	vld [tilespmem:s8+$0x0]  }
0x2c7: {  	v9 =	vld [tilespmem:s8+$0x10]  }
0x2c8: {  	v10 =	vld [tilespmem:s8+$0x20]  }
0x2c9: {  	v11 =	vld [tilespmem:s8+$0x30]  }
0x2ca: {  	v12 =	vld [tilespmem:s8+$0x40]  }
0x2cb: {  	v13 =	vld [tilespmem:s8+$0x50]  }
0x2cc: {  	v14 =	vld [tilespmem:s8+$0x60]  }
0x2cd: {  	v15 =	vld [tilespmem:s8+$0xFFFFFF80]  }
0x2ce: {  	v0 =	vld.idx.msk [tilespmem:v0+s7+$0x0], $0xffff  }
0x2cf: {  	v1 =	vld.idx.msk [tilespmem:v1+s7+$0x0], $0xffff  }
0x2d0: {  	v2 =	vld.idx.msk [tilespmem:v2+s7+$0x0], $0xffff  }
0x2d1: {  	v3 =	vld.idx.msk [tilespmem:v3+s7+$0x0], $0xffff  }
0x2d2: {  	v4 =	vld.idx.msk [tilespmem:v4+s7+$0x0], $0xffff  }
0x2d3: {  	s8 =	simm.s32 $0x1C800;
	v5 =	vld.idx.msk [tilespmem:v5+s7+$0x0], $0xffff  }
0x2d4: {  	v6 =	vld.idx.msk [tilespmem:v6+s7+$0x0], $0xffff;
	[tilespmem:s8+$0x70] =	vst v0  }
0x2d5: {  	v7 =	vld.idx.msk [tilespmem:v7+s7+$0x0], $0xffff;
	[tilespmem:s8+$0xFFFFFF10] =	vst v1  }
0x2d6: {  	v15 =	vld.idx.msk [tilespmem:v15+s7+$0x0], $0xffff;
	[tilespmem:s8+$0xFFFFFF20] =	vst v2  }
0x2d7: {  	v8 =	vld.idx.msk [tilespmem:v8+s7+$0x0], $0xffff;
	[tilespmem:s8+$0xFFFFFF30] =	vst v3  }
0x2d8: {  	[tilespmem:s8+$0xFFFFFF40] =	vst v4;
	v0 =	vld.idx.msk [tilespmem:v9+s7+$0x0], $0xffff  }
0x2d9: {  	[tilespmem:s8+$0xFFFFFF50] =	vst v5;
	v1 =	vld.idx.msk [tilespmem:v10+s7+$0x0], $0xffff  }
0x2da: {  	[tilespmem:s8+$0xFFFFFF60] =	vst v6;
	v2 =	vld.idx.msk [tilespmem:v11+s7+$0x0], $0xffff  }
0x2db: {  	[tilespmem:s8+$0xFFFFFF70] =	vst v7;
	v3 =	vld.idx.msk [tilespmem:v12+s7+$0x0], $0xffff  }
0x2dc: {  	[tilespmem:s8+$0xFFFFFF00] =	vst v15;
	v4 =	vld.idx.msk [tilespmem:v13+s7+$0x0], $0xffff  }
0x2dd: {  	s10 =	simm.s32 $0x0;
	s11 =	simm.s32 $0x180;
	[tilespmem:s8+$0x0] =	vst v8;
	v5 =	vld.idx.msk [tilespmem:v14+s7+$0x0], $0xffff  }
.LBB2_34:
0x2de: {  	v6 =	vld [tilespmem:s11+$0x70];
	s10 =	sadd.s32 $0x10, s10;
	[tilespmem:s8+$0x10] =	vst v0  }
0x2df: {  	v0 =	vld [tilespmem:s11+$0xFFFFFF90];
	p0 =	slt.u32 s10, $0xF0;
	[tilespmem:s8+$0x20] =	vst v1  }
0x2e0: {  	v1 =	vld [tilespmem:s11+$0xFFFFFFA0];
	[tilespmem:s8+$0x30] =	vst v2  }
0x2e1: {  	v2 =	vld [tilespmem:s11+$0xFFFFFFB0];
	[tilespmem:s8+$0x40] =	vst v3  }
0x2e2: {  	v3 =	vld [tilespmem:s11+$0xFFFFFFC0];
	[tilespmem:s8+$0x50] =	vst v4  }
0x2e3: {  	v4 =	vld [tilespmem:s11+$0xFFFFFFD0];
	[tilespmem:s8+$0x60] =	vst v5  }
0x2e4: {  	v5 =	vld [tilespmem:s11+$0xFFFFFFE0]  }
0x2e5: {  	v7 =	vld [tilespmem:s11+$0xFFFFFFF0]  }
0x2e6: {  	v6 =	vld.idx.msk [tilespmem:v6+s7+$0x0], $0xffff  }
0x2e7: {  	v8 =	vld [tilespmem:s11+$0x0]  }
0x2e8: {  	v9 =	vld [tilespmem:s11+$0x10]  }
0x2e9: {  	v10 =	vld [tilespmem:s11+$0x20]  }
0x2ea: {  	v11 =	vld [tilespmem:s11+$0x30]  }
0x2eb: {  	s8 =	sadd.s32 $0x200, s8;
	v12 =	vld [tilespmem:s11+$0x40]  }
0x2ec: {  	v13 =	vld [tilespmem:s11+$0x50];
	[tilespmem:s8+$0x70] =	vst v6  }
0x2ed: {  	v6 =	vld [tilespmem:s11+$0x60]  }
0x2ee: {  	v14 =	vld [tilespmem:s11+$0xFFFFFF80]  }
0x2ef: {  	v0 =	vld.idx.msk [tilespmem:v0+s7+$0x0], $0xffff  }
0x2f0: {  	v1 =	vld.idx.msk [tilespmem:v1+s7+$0x0], $0xffff  }
0x2f1: {  	v2 =	vld.idx.msk [tilespmem:v2+s7+$0x0], $0xffff  }
0x2f2: {  	v3 =	vld.idx.msk [tilespmem:v3+s7+$0x0], $0xffff  }
0x2f3: {  	v4 =	vld.idx.msk [tilespmem:v4+s7+$0x0], $0xffff  }
0x2f4: {  	v5 =	vld.idx.msk [tilespmem:v5+s7+$0x0], $0xffff  }
0x2f5: {  	[tilespmem:s8+$0xFFFFFF10] =	vst v0;
	v7 =	vld.idx.msk [tilespmem:v7+s7+$0x0], $0xffff  }
0x2f6: {  	v14 =	vld.idx.msk [tilespmem:v14+s7+$0x0], $0xffff;
	[tilespmem:s8+$0xFFFFFF20] =	vst v1  }
0x2f7: {  	[tilespmem:s8+$0xFFFFFF30] =	vst v2;
	v8 =	vld.idx.msk [tilespmem:v8+s7+$0x0], $0xffff  }
0x2f8: {  	[tilespmem:s8+$0xFFFFFF40] =	vst v3;
	v0 =	vld.idx.msk [tilespmem:v9+s7+$0x0], $0xffff  }
.Ltmp16:
0x2f9: {  	[tilespmem:s8+$0xFFFFFF50] =	vst v4;
	v1 =	vld.idx.msk [tilespmem:v10+s7+$0x0], $0xffff;
	(pc) =	sbr.rel @p0 .LBB2_34-.Ltmp16, $4  }
0x2fa: {  	[tilespmem:s8+$0xFFFFFF60] =	vst v5;
	v2 =	vld.idx.msk [tilespmem:v11+s7+$0x0], $0xffff  }
0x2fb: {  	[tilespmem:s8+$0xFFFFFF70] =	vst v7;
	v3 =	vld.idx.msk [tilespmem:v12+s7+$0x0], $0xffff  }
0x2fc: {  	[tilespmem:s8+$0xFFFFFF00] =	vst v14;
	v4 =	vld.idx.msk [tilespmem:v13+s7+$0x0], $0xffff  }
0x2fd: {  	s11 =	sadd.s32 $0x100, s11;
	[tilespmem:s8+$0x0] =	vst v8;
	v5 =	vld.idx.msk [tilespmem:v6+s7+$0x0], $0xffff  }
0x2fe: {  	[tilespmem:s8+$0x10] =	vst v0  }
0x2ff: {  	[tilespmem:s8+$0x20] =	vst v1  }
0x300: {  	[tilespmem:s8+$0x30] =	vst v2  }
0x301: {  	[tilespmem:s8+$0x40] =	vst v3  }
0x302: {  	[tilespmem:s8+$0x50] =	vst v4  }
0x303: {  	[tilespmem:s8+$0x60] =	vst v5  }
0x304: {  	s10 =	simm.s32 $0x1C700;
	s17 =	rddreg [dreg:$0xf]  }
0x305: {  	s11 =	simm.s32 $0x1C800;
	s8 =	simm.s32 $0x80;
	s12 =	sadd.s32 $0x0, s17  }
.LBB2_36:
0x306: {  	[hbm4b:s12+s3] =	stream.linear.scatter [tilespmem:s10], [sflag:$0x1], $0x80, $0x38;
	[tilespmem:$0x1E700] =	vst v63  }
0x307: {  	s12 =	smov.u32 s8;
	s10 =	smov.u32 s11;
	p0 =	sne.s32 s8, $0xF80  }
.Ltmp17:
0x308: {  	s8 =	sadd.s32 $0x80, s8;
	(pc) =	sbr.rel @p0 .LBB2_36-.Ltmp17, $2  }
0x309: {  	_ =	sdelay $0x2  }
0x30a: {  	s11 =	sadd.s32 $0x100, s11;
	s12 =	sadd.s32 s12, s17  }
0x30b: {  	[hbm4b:s12+s3] =	stream.linear.scatter [tilespmem:s10], [sflag:$0x1], $0x80, $0x38;
	[tilespmem:$0x1E700] =	vst v63  }
0x30c: {  	s8 =	simm.s32 $0x2  }
0x30d: {  	_ =	swait.ge [sflag:s8], $0x1000  }
0x30e: {  	[sflag:s8] =	ssyncset.done $0x0  }
0x30f: {  	s20 =	simm.s32 $0x10F0;
	[sflag:s8] =	ssyncadd.s32 $0xFFFFF000  }
0x310: {  	v0 =	vld [tilespmem:s20+$0x0]  }
0x311: {  	v1 =	vld [tilespmem:s20+$0xFFFFFF20]  }
0x312: {  	v2 =	vld [tilespmem:s20+$0xFFFFFF30]  }
0x313: {  	v3 =	vld [tilespmem:s20+$0xFFFFFF40]  }
0x314: {  	v4 =	vld [tilespmem:s20+$0xFFFFFF50]  }
0x315: {  	v5 =	vld [tilespmem:s20+$0xFFFFFF60]  }
0x316: {  	v6 =	vld [tilespmem:s20+$0xFFFFFF70]  }
0x317: {  	v7 =	vld [tilespmem:s20+$0xFFFFFF80]  }
0x318: {  	v8 =	vld [tilespmem:s20+$0xFFFFFF90]  }
0x319: {  	v9 =	vld [tilespmem:s20+$0xFFFFFFA0]  }
0x31a: {  	v10 =	vld [tilespmem:s20+$0xFFFFFFB0]  }
0x31b: {  	v11 =	vld [tilespmem:s20+$0xFFFFFFC0]  }
0x31c: {  	v12 =	vld [tilespmem:s20+$0xFFFFFFD0]  }
0x31d: {  	v13 =	vld [tilespmem:s20+$0xFFFFFFE0]  }
0x31e: {  	v14 =	vld [tilespmem:s20+$0xFFFFFFF0]  }
0x31f: {  	v15 =	vld [tilespmem:s20+$0xFFFFFF10]  }
0x320: {  	v0 =	vld.idx.msk [tilespmem:v0+s7+$0x0], $0xffff  }
0x321: {  	v1 =	vld.idx.msk [tilespmem:v1+s7+$0x0], $0xffff  }
0x322: {  	v2 =	vld.idx.msk [tilespmem:v2+s7+$0x0], $0xffff  }
0x323: {  	v3 =	vld.idx.msk [tilespmem:v3+s7+$0x0], $0xffff  }
0x324: {  	v4 =	vld.idx.msk [tilespmem:v4+s7+$0x0], $0xffff  }
0x325: {  	s8 =	simm.s32 $0x1C880;
	v5 =	vld.idx.msk [tilespmem:v5+s7+$0x0], $0xffff  }
0x326: {  	v6 =	vld.idx.msk [tilespmem:v6+s7+$0x0], $0xffff;
	[tilespmem:s8+$0x70] =	vst v0  }
0x327: {  	v7 =	vld.idx.msk [tilespmem:v7+s7+$0x0], $0xffff;
	[tilespmem:s8+$0xFFFFFF10] =	vst v1  }
0x328: {  	v15 =	vld.idx.msk [tilespmem:v15+s7+$0x0], $0xffff;
	[tilespmem:s8+$0xFFFFFF20] =	vst v2  }
0x329: {  	v8 =	vld.idx.msk [tilespmem:v8+s7+$0x0], $0xffff;
	[tilespmem:s8+$0xFFFFFF30] =	vst v3  }
0x32a: {  	[tilespmem:s8+$0xFFFFFF40] =	vst v4;
	v0 =	vld.idx.msk [tilespmem:v9+s7+$0x0], $0xffff  }
0x32b: {  	[tilespmem:s8+$0xFFFFFF50] =	vst v5;
	v1 =	vld.idx.msk [tilespmem:v10+s7+$0x0], $0xffff  }
0x32c: {  	[tilespmem:s8+$0xFFFFFF60] =	vst v6;
	v2 =	vld.idx.msk [tilespmem:v11+s7+$0x0], $0xffff  }
0x32d: {  	[tilespmem:s8+$0xFFFFFF70] =	vst v7;
	v3 =	vld.idx.msk [tilespmem:v12+s7+$0x0], $0xffff  }
0x32e: {  	[tilespmem:s8+$0xFFFFFF00] =	vst v15;
	v4 =	vld.idx.msk [tilespmem:v13+s7+$0x0], $0xffff  }
0x32f: {  	s10 =	simm.s32 $0x0;
	s11 =	simm.s32 $0x11F0;
	[tilespmem:s8+$0x0] =	vst v8;
	v5 =	vld.idx.msk [tilespmem:v14+s7+$0x0], $0xffff  }
.LBB2_38:
0x330: {  	v6 =	vld [tilespmem:s11+$0x0];
	s10 =	sadd.s32 $0x10, s10;
	[tilespmem:s8+$0x10] =	vst v0  }
0x331: {  	v0 =	vld [tilespmem:s11+$0xFFFFFF20];
	p0 =	slt.u32 s10, $0xF0;
	[tilespmem:s8+$0x20] =	vst v1  }
0x332: {  	v1 =	vld [tilespmem:s11+$0xFFFFFF30];
	[tilespmem:s8+$0x30] =	vst v2  }
0x333: {  	v2 =	vld [tilespmem:s11+$0xFFFFFF40];
	[tilespmem:s8+$0x40] =	vst v3  }
0x334: {  	v3 =	vld [tilespmem:s11+$0xFFFFFF50];
	[tilespmem:s8+$0x50] =	vst v4  }
0x335: {  	v4 =	vld [tilespmem:s11+$0xFFFFFF60];
	[tilespmem:s8+$0x60] =	vst v5  }
0x336: {  	v5 =	vld [tilespmem:s11+$0xFFFFFF70]  }
0x337: {  	v7 =	vld [tilespmem:s11+$0xFFFFFF80]  }
0x338: {  	v6 =	vld.idx.msk [tilespmem:v6+s7+$0x0], $0xffff  }
0x339: {  	v8 =	vld [tilespmem:s11+$0xFFFFFF90]  }
0x33a: {  	v9 =	vld [tilespmem:s11+$0xFFFFFFA0]  }
0x33b: {  	v10 =	vld [tilespmem:s11+$0xFFFFFFB0]  }
0x33c: {  	v11 =	vld [tilespmem:s11+$0xFFFFFFC0]  }
0x33d: {  	s8 =	sadd.s32 $0x200, s8;
	v12 =	vld [tilespmem:s11+$0xFFFFFFD0]  }
0x33e: {  	v13 =	vld [tilespmem:s11+$0xFFFFFFE0];
	[tilespmem:s8+$0x70] =	vst v6  }
0x33f: {  	v6 =	vld [tilespmem:s11+$0xFFFFFFF0]  }
0x340: {  	v14 =	vld [tilespmem:s11+$0xFFFFFF10]  }
0x341: {  	v0 =	vld.idx.msk [tilespmem:v0+s7+$0x0], $0xffff  }
0x342: {  	v1 =	vld.idx.msk [tilespmem:v1+s7+$0x0], $0xffff  }
0x343: {  	v2 =	vld.idx.msk [tilespmem:v2+s7+$0x0], $0xffff  }
0x344: {  	v3 =	vld.idx.msk [tilespmem:v3+s7+$0x0], $0xffff  }
0x345: {  	v4 =	vld.idx.msk [tilespmem:v4+s7+$0x0], $0xffff  }
0x346: {  	v5 =	vld.idx.msk [tilespmem:v5+s7+$0x0], $0xffff  }
0x347: {  	[tilespmem:s8+$0xFFFFFF10] =	vst v0;
	v7 =	vld.idx.msk [tilespmem:v7+s7+$0x0], $0xffff  }
0x348: {  	v14 =	vld.idx.msk [tilespmem:v14+s7+$0x0], $0xffff;
	[tilespmem:s8+$0xFFFFFF20] =	vst v1  }
0x349: {  	[tilespmem:s8+$0xFFFFFF30] =	vst v2;
	v8 =	vld.idx.msk [tilespmem:v8+s7+$0x0], $0xffff  }
0x34a: {  	[tilespmem:s8+$0xFFFFFF40] =	vst v3;
	v0 =	vld.idx.msk [tilespmem:v9+s7+$0x0], $0xffff  }
.Ltmp18:
0x34b: {  	[tilespmem:s8+$0xFFFFFF50] =	vst v4;
	v1 =	vld.idx.msk [tilespmem:v10+s7+$0x0], $0xffff;
	(pc) =	sbr.rel @p0 .LBB2_38-.Ltmp18, $4  }
0x34c: {  	[tilespmem:s8+$0xFFFFFF60] =	vst v5;
	v2 =	vld.idx.msk [tilespmem:v11+s7+$0x0], $0xffff  }
0x34d: {  	[tilespmem:s8+$0xFFFFFF70] =	vst v7;
	v3 =	vld.idx.msk [tilespmem:v12+s7+$0x0], $0xffff  }
0x34e: {  	[tilespmem:s8+$0xFFFFFF00] =	vst v14;
	v4 =	vld.idx.msk [tilespmem:v13+s7+$0x0], $0xffff  }
0x34f: {  	s11 =	sadd.s32 $0x100, s11;
	[tilespmem:s8+$0x0] =	vst v8;
	v5 =	vld.idx.msk [tilespmem:v6+s7+$0x0], $0xffff  }
0x350: {  	[tilespmem:s8+$0x10] =	vst v0  }
0x351: {  	[tilespmem:s8+$0x20] =	vst v1  }
0x352: {  	[tilespmem:s8+$0x30] =	vst v2  }
0x353: {  	[tilespmem:s8+$0x40] =	vst v3  }
0x354: {  	[tilespmem:s8+$0x50] =	vst v4  }
0x355: {  	[tilespmem:s8+$0x60] =	vst v5  }
0x356: {  	s10 =	simm.s32 $0x1C780;
	s18 =	rddreg [dreg:$0x10]  }
0x357: {  	s11 =	simm.s32 $0x1C880;
	s8 =	simm.s32 $0x80;
	s12 =	sadd.s32 $0x0, s18  }
.LBB2_40:
0x358: {  	[hbm4b:s12+s3] =	stream.linear.scatter [tilespmem:s10], [sflag:$0x2], $0x80, $0x38;
	[tilespmem:$0x1E700] =	vst v63  }
0x359: {  	s12 =	smov.u32 s8;
	s10 =	smov.u32 s11;
	p0 =	sne.s32 s8, $0xF80  }
.Ltmp19:
0x35a: {  	s8 =	sadd.s32 $0x80, s8;
	(pc) =	sbr.rel @p0 .LBB2_40-.Ltmp19, $2  }
0x35b: {  	_ =	sdelay $0x2  }
0x35c: {  	s11 =	sadd.s32 $0x100, s11;
	s12 =	sadd.s32 s12, s18  }
0x35d: {  	[hbm4b:s12+s3] =	stream.linear.scatter [tilespmem:s10], [sflag:$0x2], $0x80, $0x38;
	[tilespmem:$0x1E700] =	vst v63  }
0x35e: {  	s8 =	simm.s32 $0x1  }
0x35f: {  	_ =	swait.ge [sflag:s8], $0x1000  }
0x360: {  	[sflag:s8] =	ssyncset.done $0x0  }
0x361: {  	s20 =	simm.s32 $0x20F0;
	[sflag:s8] =	ssyncadd.s32 $0xFFFFF000  }
0x362: {  	v0 =	vld [tilespmem:s20+$0x0]  }
0x363: {  	v1 =	vld [tilespmem:s20+$0xFFFFFF20]  }
0x364: {  	v2 =	vld [tilespmem:s20+$0xFFFFFF30]  }
0x365: {  	v3 =	vld [tilespmem:s20+$0xFFFFFF40]  }
0x366: {  	v4 =	vld [tilespmem:s20+$0xFFFFFF50]  }
0x367: {  	v5 =	vld [tilespmem:s20+$0xFFFFFF60]  }
0x368: {  	v6 =	vld [tilespmem:s20+$0xFFFFFF70]  }
0x369: {  	v7 =	vld [tilespmem:s20+$0xFFFFFF80]  }
0x36a: {  	v8 =	vld [tilespmem:s20+$0xFFFFFF90]  }
0x36b: {  	v9 =	vld [tilespmem:s20+$0xFFFFFFA0]  }
0x36c: {  	v10 =	vld [tilespmem:s20+$0xFFFFFFB0]  }
0x36d: {  	v11 =	vld [tilespmem:s20+$0xFFFFFFC0]  }
0x36e: {  	v12 =	vld [tilespmem:s20+$0xFFFFFFD0]  }
0x36f: {  	v13 =	vld [tilespmem:s20+$0xFFFFFFE0]  }
0x370: {  	v14 =	vld [tilespmem:s20+$0xFFFFFFF0]  }
0x371: {  	v15 =	vld [tilespmem:s20+$0xFFFFFF10]  }
0x372: {  	v0 =	vld.idx.msk [tilespmem:v0+s7+$0x0], $0xffff  }
0x373: {  	v1 =	vld.idx.msk [tilespmem:v1+s7+$0x0], $0xffff  }
0x374: {  	v2 =	vld.idx.msk [tilespmem:v2+s7+$0x0], $0xffff  }
0x375: {  	v3 =	vld.idx.msk [tilespmem:v3+s7+$0x0], $0xffff  }
0x376: {  	v4 =	vld.idx.msk [tilespmem:v4+s7+$0x0], $0xffff  }
0x377: {  	s8 =	simm.s32 $0x1C800;
	v5 =	vld.idx.msk [tilespmem:v5+s7+$0x0], $0xffff  }
0x378: {  	v6 =	vld.idx.msk [tilespmem:v6+s7+$0x0], $0xffff;
	[tilespmem:s8+$0x70] =	vst v0  }
0x379: {  	v7 =	vld.idx.msk [tilespmem:v7+s7+$0x0], $0xffff;
	[tilespmem:s8+$0xFFFFFF10] =	vst v1  }
0x37a: {  	v15 =	vld.idx.msk [tilespmem:v15+s7+$0x0], $0xffff;
	[tilespmem:s8+$0xFFFFFF20] =	vst v2  }
0x37b: {  	v8 =	vld.idx.msk [tilespmem:v8+s7+$0x0], $0xffff;
	[tilespmem:s8+$0xFFFFFF30] =	vst v3  }
0x37c: {  	[tilespmem:s8+$0xFFFFFF40] =	vst v4;
	v0 =	vld.idx.msk [tilespmem:v9+s7+$0x0], $0xffff  }
0x37d: {  	[tilespmem:s8+$0xFFFFFF50] =	vst v5;
	v1 =	vld.idx.msk [tilespmem:v10+s7+$0x0], $0xffff  }
0x37e: {  	[tilespmem:s8+$0xFFFFFF60] =	vst v6;
	v2 =	vld.idx.msk [tilespmem:v11+s7+$0x0], $0xffff  }
0x37f: {  	[tilespmem:s8+$0xFFFFFF70] =	vst v7;
	v3 =	vld.idx.msk [tilespmem:v12+s7+$0x0], $0xffff  }
0x380: {  	[tilespmem:s8+$0xFFFFFF00] =	vst v15;
	v4 =	vld.idx.msk [tilespmem:v13+s7+$0x0], $0xffff  }
0x381: {  	s10 =	simm.s32 $0x0;
	s11 =	simm.s32 $0x21F0;
	[tilespmem:s8+$0x0] =	vst v8;
	v5 =	vld.idx.msk [tilespmem:v14+s7+$0x0], $0xffff  }
.LBB2_42:
0x382: {  	v6 =	vld [tilespmem:s11+$0x0];
	s10 =	sadd.s32 $0x10, s10;
	[tilespmem:s8+$0x10] =	vst v0  }
0x383: {  	v0 =	vld [tilespmem:s11+$0xFFFFFF20];
	p0 =	slt.u32 s10, $0xF0;
	[tilespmem:s8+$0x20] =	vst v1  }
0x384: {  	v1 =	vld [tilespmem:s11+$0xFFFFFF30];
	[tilespmem:s8+$0x30] =	vst v2  }
0x385: {  	v2 =	vld [tilespmem:s11+$0xFFFFFF40];
	[tilespmem:s8+$0x40] =	vst v3  }
0x386: {  	v3 =	vld [tilespmem:s11+$0xFFFFFF50];
	[tilespmem:s8+$0x50] =	vst v4  }
0x387: {  	v4 =	vld [tilespmem:s11+$0xFFFFFF60];
	[tilespmem:s8+$0x60] =	vst v5  }
0x388: {  	v5 =	vld [tilespmem:s11+$0xFFFFFF70]  }
0x389: {  	v7 =	vld [tilespmem:s11+$0xFFFFFF80]  }
0x38a: {  	v6 =	vld.idx.msk [tilespmem:v6+s7+$0x0], $0xffff  }
0x38b: {  	v8 =	vld [tilespmem:s11+$0xFFFFFF90]  }
0x38c: {  	v9 =	vld [tilespmem:s11+$0xFFFFFFA0]  }
0x38d: {  	v10 =	vld [tilespmem:s11+$0xFFFFFFB0]  }
0x38e: {  	v11 =	vld [tilespmem:s11+$0xFFFFFFC0]  }
0x38f: {  	s8 =	sadd.s32 $0x200, s8;
	v12 =	vld [tilespmem:s11+$0xFFFFFFD0]  }
0x390: {  	v13 =	vld [tilespmem:s11+$0xFFFFFFE0];
	[tilespmem:s8+$0x70] =	vst v6  }
0x391: {  	v6 =	vld [tilespmem:s11+$0xFFFFFFF0]  }
0x392: {  	v14 =	vld [tilespmem:s11+$0xFFFFFF10]  }
0x393: {  	v0 =	vld.idx.msk [tilespmem:v0+s7+$0x0], $0xffff  }
0x394: {  	v1 =	vld.idx.msk [tilespmem:v1+s7+$0x0], $0xffff  }
0x395: {  	v2 =	vld.idx.msk [tilespmem:v2+s7+$0x0], $0xffff  }
0x396: {  	v3 =	vld.idx.msk [tilespmem:v3+s7+$0x0], $0xffff  }
0x397: {  	v4 =	vld.idx.msk [tilespmem:v4+s7+$0x0], $0xffff  }
0x398: {  	v5 =	vld.idx.msk [tilespmem:v5+s7+$0x0], $0xffff  }
0x399: {  	[tilespmem:s8+$0xFFFFFF10] =	vst v0;
	v7 =	vld.idx.msk [tilespmem:v7+s7+$0x0], $0xffff  }
0x39a: {  	v14 =	vld.idx.msk [tilespmem:v14+s7+$0x0], $0xffff;
	[tilespmem:s8+$0xFFFFFF20] =	vst v1  }
0x39b: {  	[tilespmem:s8+$0xFFFFFF30] =	vst v2;
	v8 =	vld.idx.msk [tilespmem:v8+s7+$0x0], $0xffff  }
0x39c: {  	[tilespmem:s8+$0xFFFFFF40] =	vst v3;
	v0 =	vld.idx.msk [tilespmem:v9+s7+$0x0], $0xffff  }
.Ltmp20:
0x39d: {  	[tilespmem:s8+$0xFFFFFF50] =	vst v4;
	v1 =	vld.idx.msk [tilespmem:v10+s7+$0x0], $0xffff;
	(pc) =	sbr.rel @p0 .LBB2_42-.Ltmp20, $4  }
0x39e: {  	[tilespmem:s8+$0xFFFFFF60] =	vst v5;
	v2 =	vld.idx.msk [tilespmem:v11+s7+$0x0], $0xffff  }
0x39f: {  	[tilespmem:s8+$0xFFFFFF70] =	vst v7;
	v3 =	vld.idx.msk [tilespmem:v12+s7+$0x0], $0xffff  }
0x3a0: {  	[tilespmem:s8+$0xFFFFFF00] =	vst v14;
	v4 =	vld.idx.msk [tilespmem:v13+s7+$0x0], $0xffff  }
0x3a1: {  	s11 =	sadd.s32 $0x100, s11;
	[tilespmem:s8+$0x0] =	vst v8;
	v5 =	vld.idx.msk [tilespmem:v6+s7+$0x0], $0xffff  }
0x3a2: {  	[tilespmem:s8+$0x10] =	vst v0  }
0x3a3: {  	[tilespmem:s8+$0x20] =	vst v1  }
0x3a4: {  	[tilespmem:s8+$0x30] =	vst v2  }
0x3a5: {  	[tilespmem:s8+$0x40] =	vst v3  }
0x3a6: {  	[tilespmem:s8+$0x50] =	vst v4  }
0x3a7: {  	[tilespmem:s8+$0x60] =	vst v5  }
0x3a8: {  	s10 =	simm.s32 $0x1C700;
	s18 =	rddreg [dreg:$0x11]  }
0x3a9: {  	s11 =	simm.s32 $0x1C800;
	s8 =	simm.s32 $0x80;
	s12 =	sadd.s32 $0x0, s18  }
.LBB2_44:
0x3aa: {  	[hbm4b:s12+s3] =	stream.linear.scatter [tilespmem:s10], [sflag:$0x1], $0x80, $0x38;
	[tilespmem:$0x1E700] =	vst v63  }
0x3ab: {  	s12 =	smov.u32 s8;
	s10 =	smov.u32 s11;
	p0 =	sne.s32 s8, $0xF80  }
.Ltmp21:
0x3ac: {  	s8 =	sadd.s32 $0x80, s8;
	(pc) =	sbr.rel @p0 .LBB2_44-.Ltmp21, $2  }
0x3ad: {  	_ =	sdelay $0x2  }
0x3ae: {  	s11 =	sadd.s32 $0x100, s11;
	s12 =	sadd.s32 s12, s18  }
0x3af: {  	[hbm4b:s12+s3] =	stream.linear.scatter [tilespmem:s10], [sflag:$0x1], $0x80, $0x38;
	[tilespmem:$0x1E700] =	vst v63  }
0x3b0: {  	s8 =	simm.s32 $0x2  }
0x3b1: {  	_ =	swait.ge [sflag:s8], $0x1000  }
0x3b2: {  	[sflag:s8] =	ssyncset.done $0x0  }
0x3b3: {  	s20 =	simm.s32 $0x30F0;
	[sflag:s8] =	ssyncadd.s32 $0xFFFFF000  }
0x3b4: {  	v0 =	vld [tilespmem:s20+$0x0]  }
0x3b5: {  	v1 =	vld [tilespmem:s20+$0xFFFFFF20]  }
0x3b6: {  	v2 =	vld [tilespmem:s20+$0xFFFFFF30]  }
0x3b7: {  	v3 =	vld [tilespmem:s20+$0xFFFFFF40]  }
0x3b8: {  	v4 =	vld [tilespmem:s20+$0xFFFFFF50]  }
0x3b9: {  	v5 =	vld [tilespmem:s20+$0xFFFFFF60]  }
0x3ba: {  	v6 =	vld [tilespmem:s20+$0xFFFFFF70]  }
0x3bb: {  	v7 =	vld [tilespmem:s20+$0xFFFFFF80]  }
0x3bc: {  	v8 =	vld [tilespmem:s20+$0xFFFFFF90]  }
0x3bd: {  	v9 =	vld [tilespmem:s20+$0xFFFFFFA0]  }
0x3be: {  	v10 =	vld [tilespmem:s20+$0xFFFFFFB0]  }
0x3bf: {  	v11 =	vld [tilespmem:s20+$0xFFFFFFC0]  }
0x3c0: {  	v12 =	vld [tilespmem:s20+$0xFFFFFFD0]  }
0x3c1: {  	v13 =	vld [tilespmem:s20+$0xFFFFFFE0]  }
0x3c2: {  	v14 =	vld [tilespmem:s20+$0xFFFFFFF0]  }
0x3c3: {  	v15 =	vld [tilespmem:s20+$0xFFFFFF10]  }
0x3c4: {  	v0 =	vld.idx.msk [tilespmem:v0+s7+$0x0], $0xffff  }
0x3c5: {  	v1 =	vld.idx.msk [tilespmem:v1+s7+$0x0], $0xffff  }
0x3c6: {  	v2 =	vld.idx.msk [tilespmem:v2+s7+$0x0], $0xffff  }
0x3c7: {  	v3 =	vld.idx.msk [tilespmem:v3+s7+$0x0], $0xffff  }
0x3c8: {  	v4 =	vld.idx.msk [tilespmem:v4+s7+$0x0], $0xffff  }
0x3c9: {  	s8 =	simm.s32 $0x1C880;
	v5 =	vld.idx.msk [tilespmem:v5+s7+$0x0], $0xffff  }
0x3ca: {  	v6 =	vld.idx.msk [tilespmem:v6+s7+$0x0], $0xffff;
	[tilespmem:s8+$0x70] =	vst v0  }
0x3cb: {  	v7 =	vld.idx.msk [tilespmem:v7+s7+$0x0], $0xffff;
	[tilespmem:s8+$0xFFFFFF10] =	vst v1  }
0x3cc: {  	v15 =	vld.idx.msk [tilespmem:v15+s7+$0x0], $0xffff;
	[tilespmem:s8+$0xFFFFFF20] =	vst v2  }
0x3cd: {  	v8 =	vld.idx.msk [tilespmem:v8+s7+$0x0], $0xffff;
	[tilespmem:s8+$0xFFFFFF30] =	vst v3  }
0x3ce: {  	[tilespmem:s8+$0xFFFFFF40] =	vst v4;
	v0 =	vld.idx.msk [tilespmem:v9+s7+$0x0], $0xffff  }
0x3cf: {  	[tilespmem:s8+$0xFFFFFF50] =	vst v5;
	v1 =	vld.idx.msk [tilespmem:v10+s7+$0x0], $0xffff  }
0x3d0: {  	[tilespmem:s8+$0xFFFFFF60] =	vst v6;
	v2 =	vld.idx.msk [tilespmem:v11+s7+$0x0], $0xffff  }
0x3d1: {  	[tilespmem:s8+$0xFFFFFF70] =	vst v7;
	v3 =	vld.idx.msk [tilespmem:v12+s7+$0x0], $0xffff  }
0x3d2: {  	[tilespmem:s8+$0xFFFFFF00] =	vst v15;
	v4 =	vld.idx.msk [tilespmem:v13+s7+$0x0], $0xffff  }
0x3d3: {  	s10 =	simm.s32 $0x0;
	s11 =	simm.s32 $0x31F0;
	[tilespmem:s8+$0x0] =	vst v8;
	v5 =	vld.idx.msk [tilespmem:v14+s7+$0x0], $0xffff  }
.LBB2_46:
0x3d4: {  	v6 =	vld [tilespmem:s11+$0x0];
	s10 =	sadd.s32 $0x10, s10;
	[tilespmem:s8+$0x10] =	vst v0  }
0x3d5: {  	v0 =	vld [tilespmem:s11+$0xFFFFFF20];
	p0 =	slt.u32 s10, $0xF0;
	[tilespmem:s8+$0x20] =	vst v1  }
0x3d6: {  	v1 =	vld [tilespmem:s11+$0xFFFFFF30];
	[tilespmem:s8+$0x30] =	vst v2  }
0x3d7: {  	v2 =	vld [tilespmem:s11+$0xFFFFFF40];
	[tilespmem:s8+$0x40] =	vst v3  }
0x3d8: {  	v3 =	vld [tilespmem:s11+$0xFFFFFF50];
	[tilespmem:s8+$0x50] =	vst v4  }
0x3d9: {  	v4 =	vld [tilespmem:s11+$0xFFFFFF60];
	[tilespmem:s8+$0x60] =	vst v5  }
0x3da: {  	v5 =	vld [tilespmem:s11+$0xFFFFFF70]  }
0x3db: {  	v7 =	vld [tilespmem:s11+$0xFFFFFF80]  }
0x3dc: {  	v6 =	vld.idx.msk [tilespmem:v6+s7+$0x0], $0xffff  }
0x3dd: {  	v8 =	vld [tilespmem:s11+$0xFFFFFF90]  }
0x3de: {  	v9 =	vld [tilespmem:s11+$0xFFFFFFA0]  }
0x3df: {  	v10 =	vld [tilespmem:s11+$0xFFFFFFB0]  }
0x3e0: {  	v11 =	vld [tilespmem:s11+$0xFFFFFFC0]  }
0x3e1: {  	s8 =	sadd.s32 $0x200, s8;
	v12 =	vld [tilespmem:s11+$0xFFFFFFD0]  }
0x3e2: {  	v13 =	vld [tilespmem:s11+$0xFFFFFFE0];
	[tilespmem:s8+$0x70] =	vst v6  }
0x3e3: {  	v6 =	vld [tilespmem:s11+$0xFFFFFFF0]  }
0x3e4: {  	v14 =	vld [tilespmem:s11+$0xFFFFFF10]  }
0x3e5: {  	v0 =	vld.idx.msk [tilespmem:v0+s7+$0x0], $0xffff  }
0x3e6: {  	v1 =	vld.idx.msk [tilespmem:v1+s7+$0x0], $0xffff  }
0x3e7: {  	v2 =	vld.idx.msk [tilespmem:v2+s7+$0x0], $0xffff  }
0x3e8: {  	v3 =	vld.idx.msk [tilespmem:v3+s7+$0x0], $0xffff  }
0x3e9: {  	v4 =	vld.idx.msk [tilespmem:v4+s7+$0x0], $0xffff  }
0x3ea: {  	v5 =	vld.idx.msk [tilespmem:v5+s7+$0x0], $0xffff  }
0x3eb: {  	[tilespmem:s8+$0xFFFFFF10] =	vst v0;
	v7 =	vld.idx.msk [tilespmem:v7+s7+$0x0], $0xffff  }
0x3ec: {  	v14 =	vld.idx.msk [tilespmem:v14+s7+$0x0], $0xffff;
	[tilespmem:s8+$0xFFFFFF20] =	vst v1  }
0x3ed: {  	[tilespmem:s8+$0xFFFFFF30] =	vst v2;
	v8 =	vld.idx.msk [tilespmem:v8+s7+$0x0], $0xffff  }
0x3ee: {  	[tilespmem:s8+$0xFFFFFF40] =	vst v3;
	v0 =	vld.idx.msk [tilespmem:v9+s7+$0x0], $0xffff  }
.Ltmp22:
0x3ef: {  	[tilespmem:s8+$0xFFFFFF50] =	vst v4;
	v1 =	vld.idx.msk [tilespmem:v10+s7+$0x0], $0xffff;
	(pc) =	sbr.rel @p0 .LBB2_46-.Ltmp22, $4  }
0x3f0: {  	[tilespmem:s8+$0xFFFFFF60] =	vst v5;
	v2 =	vld.idx.msk [tilespmem:v11+s7+$0x0], $0xffff  }
0x3f1: {  	[tilespmem:s8+$0xFFFFFF70] =	vst v7;
	v3 =	vld.idx.msk [tilespmem:v12+s7+$0x0], $0xffff  }
0x3f2: {  	[tilespmem:s8+$0xFFFFFF00] =	vst v14;
	v4 =	vld.idx.msk [tilespmem:v13+s7+$0x0], $0xffff  }
0x3f3: {  	s11 =	sadd.s32 $0x100, s11;
	[tilespmem:s8+$0x0] =	vst v8;
	v5 =	vld.idx.msk [tilespmem:v6+s7+$0x0], $0xffff  }
0x3f4: {  	[tilespmem:s8+$0x10] =	vst v0  }
0x3f5: {  	[tilespmem:s8+$0x20] =	vst v1  }
0x3f6: {  	[tilespmem:s8+$0x30] =	vst v2  }
0x3f7: {  	[tilespmem:s8+$0x40] =	vst v3  }
0x3f8: {  	[tilespmem:s8+$0x50] =	vst v4  }
0x3f9: {  	[tilespmem:s8+$0x60] =	vst v5  }
0x3fa: {  	s10 =	simm.s32 $0x1C780;
	s20 =	rddreg [dreg:$0x12]  }
0x3fb: {  	s11 =	simm.s32 $0x1C880;
	s8 =	simm.s32 $0x80;
	s12 =	sadd.s32 $0x0, s20  }
.LBB2_48:
0x3fc: {  	[hbm4b:s12+s3] =	stream.linear.scatter [tilespmem:s10], [sflag:$0x2], $0x80, $0x38;
	[tilespmem:$0x1E700] =	vst v63  }
0x3fd: {  	s12 =	smov.u32 s8;
	s10 =	smov.u32 s11;
	p0 =	sne.s32 s8, $0xF80  }
.Ltmp23:
0x3fe: {  	s8 =	sadd.s32 $0x80, s8;
	(pc) =	sbr.rel @p0 .LBB2_48-.Ltmp23, $2  }
0x3ff: {  	_ =	sdelay $0x2  }
0x400: {  	s11 =	sadd.s32 $0x100, s11;
	s12 =	sadd.s32 s12, s20  }
0x401: {  	[hbm4b:s12+s3] =	stream.linear.scatter [tilespmem:s10], [sflag:$0x2], $0x80, $0x38;
	[tilespmem:$0x1E700] =	vst v63  }
0x402: {  	s8 =	simm.s32 $0x80  }
0x403: {  	s17 =	rddreg [dreg:$0x13];
	s11 =	simm.s32 $0x400;
	s18 =	simm.s32 $0x4  }
0x404: {  	[tilespmem:s7], [sflag:$0x4] =	stream.strided.gather [hbm4b:s17+s8], $0x18700, s11, s8, $0x38;
	[tilespmem:$0x1E700] =	vst v63  }
0x405: {  	_ =	swait.ge [sflag:s18], $0x18700  }
0x406: {  	[sflag:s18] =	ssyncset.done $0x0  }
0x407: {  	s20 =	simm.s32 $0x1;
	[sflag:s18] =	ssyncadd.s32 $0xFFFE7900  }
0x408: {  	_ =	swait.ge [sflag:s20], $0x1000  }
0x409: {  	[sflag:s20] =	ssyncset.done $0x0  }
0x40a: {  	[sflag:s20] =	ssyncadd.s32 $0xFFFFF000  }
0x40b: {  	v0 =	vld [tilespmem:s8+$0x70]  }
0x40c: {  	v1 =	vld [tilespmem:s8+$0xFFFFFF90]  }
0x40d: {  	v2 =	vld [tilespmem:s8+$0xFFFFFFA0]  }
0x40e: {  	v3 =	vld [tilespmem:s8+$0xFFFFFFB0]  }
0x40f: {  	v4 =	vld [tilespmem:s8+$0xFFFFFFC0]  }
0x410: {  	v5 =	vld [tilespmem:s8+$0xFFFFFFD0]  }
0x411: {  	v6 =	vld [tilespmem:s8+$0xFFFFFFE0]  }
0x412: {  	v7 =	vld [tilespmem:s8+$0xFFFFFFF0]  }
0x413: {  	v8 =	vld [tilespmem:s8+$0x0]  }
0x414: {  	v9 =	vld [tilespmem:s8+$0x10]  }
0x415: {  	v10 =	vld [tilespmem:s8+$0x20]  }
0x416: {  	v11 =	vld [tilespmem:s8+$0x30]  }
0x417: {  	v12 =	vld [tilespmem:s8+$0x40]  }
0x418: {  	v13 =	vld [tilespmem:s8+$0x50]  }
0x419: {  	v14 =	vld [tilespmem:s8+$0x60]  }
0x41a: {  	v15 =	vld [tilespmem:s8+$0xFFFFFF80]  }
0x41b: {  	v0 =	vld.idx.msk [tilespmem:v0+s7+$0x0], $0xffff  }
0x41c: {  	v1 =	vld.idx.msk [tilespmem:v1+s7+$0x0], $0xffff  }
0x41d: {  	v2 =	vld.idx.msk [tilespmem:v2+s7+$0x0], $0xffff  }
0x41e: {  	v3 =	vld.idx.msk [tilespmem:v3+s7+$0x0], $0xffff  }
0x41f: {  	v4 =	vld.idx.msk [tilespmem:v4+s7+$0x0], $0xffff  }
0x420: {  	s8 =	simm.s32 $0x1C800;
	v5 =	vld.idx.msk [tilespmem:v5+s7+$0x0], $0xffff  }
0x421: {  	v6 =	vld.idx.msk [tilespmem:v6+s7+$0x0], $0xffff;
	[tilespmem:s8+$0x70] =	vst v0  }
0x422: {  	v7 =	vld.idx.msk [tilespmem:v7+s7+$0x0], $0xffff;
	[tilespmem:s8+$0xFFFFFF10] =	vst v1  }
0x423: {  	v15 =	vld.idx.msk [tilespmem:v15+s7+$0x0], $0xffff;
	[tilespmem:s8+$0xFFFFFF20] =	vst v2  }
0x424: {  	v8 =	vld.idx.msk [tilespmem:v8+s7+$0x0], $0xffff;
	[tilespmem:s8+$0xFFFFFF30] =	vst v3  }
0x425: {  	[tilespmem:s8+$0xFFFFFF40] =	vst v4;
	v0 =	vld.idx.msk [tilespmem:v9+s7+$0x0], $0xffff  }
0x426: {  	[tilespmem:s8+$0xFFFFFF50] =	vst v5;
	v1 =	vld.idx.msk [tilespmem:v10+s7+$0x0], $0xffff  }
0x427: {  	[tilespmem:s8+$0xFFFFFF60] =	vst v6;
	v2 =	vld.idx.msk [tilespmem:v11+s7+$0x0], $0xffff  }
0x428: {  	[tilespmem:s8+$0xFFFFFF70] =	vst v7;
	v3 =	vld.idx.msk [tilespmem:v12+s7+$0x0], $0xffff  }
0x429: {  	[tilespmem:s8+$0xFFFFFF00] =	vst v15;
	v4 =	vld.idx.msk [tilespmem:v13+s7+$0x0], $0xffff  }
0x42a: {  	s10 =	simm.s32 $0x0;
	s11 =	simm.s32 $0x180;
	[tilespmem:s8+$0x0] =	vst v8;
	v5 =	vld.idx.msk [tilespmem:v14+s7+$0x0], $0xffff  }
.LBB2_50:
0x42b: {  	v6 =	vld [tilespmem:s11+$0x70];
	s10 =	sadd.s32 $0x10, s10;
	[tilespmem:s8+$0x10] =	vst v0  }
0x42c: {  	v0 =	vld [tilespmem:s11+$0xFFFFFF90];
	p0 =	slt.u32 s10, $0xF0;
	[tilespmem:s8+$0x20] =	vst v1  }
0x42d: {  	v1 =	vld [tilespmem:s11+$0xFFFFFFA0];
	[tilespmem:s8+$0x30] =	vst v2  }
0x42e: {  	v2 =	vld [tilespmem:s11+$0xFFFFFFB0];
	[tilespmem:s8+$0x40] =	vst v3  }
0x42f: {  	v3 =	vld [tilespmem:s11+$0xFFFFFFC0];
	[tilespmem:s8+$0x50] =	vst v4  }
0x430: {  	v4 =	vld [tilespmem:s11+$0xFFFFFFD0];
	[tilespmem:s8+$0x60] =	vst v5  }
0x431: {  	v5 =	vld [tilespmem:s11+$0xFFFFFFE0]  }
0x432: {  	v7 =	vld [tilespmem:s11+$0xFFFFFFF0]  }
0x433: {  	v6 =	vld.idx.msk [tilespmem:v6+s7+$0x0], $0xffff  }
0x434: {  	v8 =	vld [tilespmem:s11+$0x0]  }
0x435: {  	v9 =	vld [tilespmem:s11+$0x10]  }
0x436: {  	v10 =	vld [tilespmem:s11+$0x20]  }
0x437: {  	v11 =	vld [tilespmem:s11+$0x30]  }
0x438: {  	s8 =	sadd.s32 $0x200, s8;
	v12 =	vld [tilespmem:s11+$0x40]  }
0x439: {  	v13 =	vld [tilespmem:s11+$0x50];
	[tilespmem:s8+$0x70] =	vst v6  }
0x43a: {  	v6 =	vld [tilespmem:s11+$0x60]  }
0x43b: {  	v14 =	vld [tilespmem:s11+$0xFFFFFF80]  }
0x43c: {  	v0 =	vld.idx.msk [tilespmem:v0+s7+$0x0], $0xffff  }
0x43d: {  	v1 =	vld.idx.msk [tilespmem:v1+s7+$0x0], $0xffff  }
0x43e: {  	v2 =	vld.idx.msk [tilespmem:v2+s7+$0x0], $0xffff  }
0x43f: {  	v3 =	vld.idx.msk [tilespmem:v3+s7+$0x0], $0xffff  }
0x440: {  	v4 =	vld.idx.msk [tilespmem:v4+s7+$0x0], $0xffff  }
0x441: {  	v5 =	vld.idx.msk [tilespmem:v5+s7+$0x0], $0xffff  }
0x442: {  	[tilespmem:s8+$0xFFFFFF10] =	vst v0;
	v7 =	vld.idx.msk [tilespmem:v7+s7+$0x0], $0xffff  }
0x443: {  	v14 =	vld.idx.msk [tilespmem:v14+s7+$0x0], $0xffff;
	[tilespmem:s8+$0xFFFFFF20] =	vst v1  }
0x444: {  	[tilespmem:s8+$0xFFFFFF30] =	vst v2;
	v8 =	vld.idx.msk [tilespmem:v8+s7+$0x0], $0xffff  }
0x445: {  	[tilespmem:s8+$0xFFFFFF40] =	vst v3;
	v0 =	vld.idx.msk [tilespmem:v9+s7+$0x0], $0xffff  }
.Ltmp24:
0x446: {  	[tilespmem:s8+$0xFFFFFF50] =	vst v4;
	v1 =	vld.idx.msk [tilespmem:v10+s7+$0x0], $0xffff;
	(pc) =	sbr.rel @p0 .LBB2_50-.Ltmp24, $4  }
0x447: {  	[tilespmem:s8+$0xFFFFFF60] =	vst v5;
	v2 =	vld.idx.msk [tilespmem:v11+s7+$0x0], $0xffff  }
0x448: {  	[tilespmem:s8+$0xFFFFFF70] =	vst v7;
	v3 =	vld.idx.msk [tilespmem:v12+s7+$0x0], $0xffff  }
0x449: {  	[tilespmem:s8+$0xFFFFFF00] =	vst v14;
	v4 =	vld.idx.msk [tilespmem:v13+s7+$0x0], $0xffff  }
0x44a: {  	s11 =	sadd.s32 $0x100, s11;
	[tilespmem:s8+$0x0] =	vst v8;
	v5 =	vld.idx.msk [tilespmem:v6+s7+$0x0], $0xffff  }
0x44b: {  	[tilespmem:s8+$0x10] =	vst v0  }
0x44c: {  	[tilespmem:s8+$0x20] =	vst v1  }
0x44d: {  	[tilespmem:s8+$0x30] =	vst v2  }
0x44e: {  	[tilespmem:s8+$0x40] =	vst v3  }
0x44f: {  	[tilespmem:s8+$0x50] =	vst v4  }
0x450: {  	[tilespmem:s8+$0x60] =	vst v5  }
0x451: {  	s10 =	simm.s32 $0x1C700;
	s20 =	rddreg [dreg:$0x14]  }
0x452: {  	s11 =	simm.s32 $0x1C800;
	s8 =	simm.s32 $0x80;
	s12 =	sadd.s32 $0x0, s20  }
.LBB2_52:
0x453: {  	[hbm4b:s12+s3] =	stream.linear.scatter [tilespmem:s10], [sflag:$0x1], $0x80, $0x38;
	[tilespmem:$0x1E700] =	vst v63  }
0x454: {  	s12 =	smov.u32 s8;
	s10 =	smov.u32 s11;
	p0 =	sne.s32 s8, $0xF80  }
.Ltmp25:
0x455: {  	s8 =	sadd.s32 $0x80, s8;
	(pc) =	sbr.rel @p0 .LBB2_52-.Ltmp25, $2  }
0x456: {  	_ =	sdelay $0x2  }
0x457: {  	s11 =	sadd.s32 $0x100, s11;
	s12 =	sadd.s32 s12, s20  }
0x458: {  	[hbm4b:s12+s3] =	stream.linear.scatter [tilespmem:s10], [sflag:$0x1], $0x80, $0x38;
	[tilespmem:$0x1E700] =	vst v63  }
0x459: {  	s8 =	simm.s32 $0x2  }
0x45a: {  	_ =	swait.ge [sflag:s8], $0x1000  }
0x45b: {  	[sflag:s8] =	ssyncset.done $0x0  }
0x45c: {  	s20 =	simm.s32 $0x10F0;
	[sflag:s8] =	ssyncadd.s32 $0xFFFFF000  }
0x45d: {  	v0 =	vld [tilespmem:s20+$0x0]  }
0x45e: {  	v1 =	vld [tilespmem:s20+$0xFFFFFF20]  }
0x45f: {  	v2 =	vld [tilespmem:s20+$0xFFFFFF30]  }
0x460: {  	v3 =	vld [tilespmem:s20+$0xFFFFFF40]  }
0x461: {  	v4 =	vld [tilespmem:s20+$0xFFFFFF50]  }
0x462: {  	v5 =	vld [tilespmem:s20+$0xFFFFFF60]  }
0x463: {  	v6 =	vld [tilespmem:s20+$0xFFFFFF70]  }
0x464: {  	v7 =	vld [tilespmem:s20+$0xFFFFFF80]  }
0x465: {  	v8 =	vld [tilespmem:s20+$0xFFFFFF90]  }
0x466: {  	v9 =	vld [tilespmem:s20+$0xFFFFFFA0]  }
0x467: {  	v10 =	vld [tilespmem:s20+$0xFFFFFFB0]  }
0x468: {  	v11 =	vld [tilespmem:s20+$0xFFFFFFC0]  }
0x469: {  	v12 =	vld [tilespmem:s20+$0xFFFFFFD0]  }
0x46a: {  	v13 =	vld [tilespmem:s20+$0xFFFFFFE0]  }
0x46b: {  	v14 =	vld [tilespmem:s20+$0xFFFFFFF0]  }
0x46c: {  	v15 =	vld [tilespmem:s20+$0xFFFFFF10]  }
0x46d: {  	v0 =	vld.idx.msk [tilespmem:v0+s7+$0x0], $0xffff  }
0x46e: {  	v1 =	vld.idx.msk [tilespmem:v1+s7+$0x0], $0xffff  }
0x46f: {  	v2 =	vld.idx.msk [tilespmem:v2+s7+$0x0], $0xffff  }
0x470: {  	v3 =	vld.idx.msk [tilespmem:v3+s7+$0x0], $0xffff  }
0x471: {  	v4 =	vld.idx.msk [tilespmem:v4+s7+$0x0], $0xffff  }
0x472: {  	s8 =	simm.s32 $0x1C880;
	v5 =	vld.idx.msk [tilespmem:v5+s7+$0x0], $0xffff  }
0x473: {  	v6 =	vld.idx.msk [tilespmem:v6+s7+$0x0], $0xffff;
	[tilespmem:s8+$0x70] =	vst v0  }
0x474: {  	v7 =	vld.idx.msk [tilespmem:v7+s7+$0x0], $0xffff;
	[tilespmem:s8+$0xFFFFFF10] =	vst v1  }
0x475: {  	v15 =	vld.idx.msk [tilespmem:v15+s7+$0x0], $0xffff;
	[tilespmem:s8+$0xFFFFFF20] =	vst v2  }
0x476: {  	v8 =	vld.idx.msk [tilespmem:v8+s7+$0x0], $0xffff;
	[tilespmem:s8+$0xFFFFFF30] =	vst v3  }
0x477: {  	[tilespmem:s8+$0xFFFFFF40] =	vst v4;
	v0 =	vld.idx.msk [tilespmem:v9+s7+$0x0], $0xffff  }
0x478: {  	[tilespmem:s8+$0xFFFFFF50] =	vst v5;
	v1 =	vld.idx.msk [tilespmem:v10+s7+$0x0], $0xffff  }
0x479: {  	[tilespmem:s8+$0xFFFFFF60] =	vst v6;
	v2 =	vld.idx.msk [tilespmem:v11+s7+$0x0], $0xffff  }
0x47a: {  	[tilespmem:s8+$0xFFFFFF70] =	vst v7;
	v3 =	vld.idx.msk [tilespmem:v12+s7+$0x0], $0xffff  }
0x47b: {  	[tilespmem:s8+$0xFFFFFF00] =	vst v15;
	v4 =	vld.idx.msk [tilespmem:v13+s7+$0x0], $0xffff  }
0x47c: {  	s10 =	simm.s32 $0x0;
	s11 =	simm.s32 $0x11F0;
	[tilespmem:s8+$0x0] =	vst v8;
	v5 =	vld.idx.msk [tilespmem:v14+s7+$0x0], $0xffff  }
.LBB2_54:
0x47d: {  	v6 =	vld [tilespmem:s11+$0x0];
	s10 =	sadd.s32 $0x10, s10;
	[tilespmem:s8+$0x10] =	vst v0  }
0x47e: {  	v0 =	vld [tilespmem:s11+$0xFFFFFF20];
	p0 =	slt.u32 s10, $0xF0;
	[tilespmem:s8+$0x20] =	vst v1  }
0x47f: {  	v1 =	vld [tilespmem:s11+$0xFFFFFF30];
	[tilespmem:s8+$0x30] =	vst v2  }
0x480: {  	v2 =	vld [tilespmem:s11+$0xFFFFFF40];
	[tilespmem:s8+$0x40] =	vst v3  }
0x481: {  	v3 =	vld [tilespmem:s11+$0xFFFFFF50];
	[tilespmem:s8+$0x50] =	vst v4  }
0x482: {  	v4 =	vld [tilespmem:s11+$0xFFFFFF60];
	[tilespmem:s8+$0x60] =	vst v5  }
0x483: {  	v5 =	vld [tilespmem:s11+$0xFFFFFF70]  }
0x484: {  	v7 =	vld [tilespmem:s11+$0xFFFFFF80]  }
0x485: {  	v6 =	vld.idx.msk [tilespmem:v6+s7+$0x0], $0xffff  }
0x486: {  	v8 =	vld [tilespmem:s11+$0xFFFFFF90]  }
0x487: {  	v9 =	vld [tilespmem:s11+$0xFFFFFFA0]  }
0x488: {  	v10 =	vld [tilespmem:s11+$0xFFFFFFB0]  }
0x489: {  	v11 =	vld [tilespmem:s11+$0xFFFFFFC0]  }
0x48a: {  	s8 =	sadd.s32 $0x200, s8;
	v12 =	vld [tilespmem:s11+$0xFFFFFFD0]  }
0x48b: {  	v13 =	vld [tilespmem:s11+$0xFFFFFFE0];
	[tilespmem:s8+$0x70] =	vst v6  }
0x48c: {  	v6 =	vld [tilespmem:s11+$0xFFFFFFF0]  }
0x48d: {  	v14 =	vld [tilespmem:s11+$0xFFFFFF10]  }
0x48e: {  	v0 =	vld.idx.msk [tilespmem:v0+s7+$0x0], $0xffff  }
0x48f: {  	v1 =	vld.idx.msk [tilespmem:v1+s7+$0x0], $0xffff  }
0x490: {  	v2 =	vld.idx.msk [tilespmem:v2+s7+$0x0], $0xffff  }
0x491: {  	v3 =	vld.idx.msk [tilespmem:v3+s7+$0x0], $0xffff  }
0x492: {  	v4 =	vld.idx.msk [tilespmem:v4+s7+$0x0], $0xffff  }
0x493: {  	v5 =	vld.idx.msk [tilespmem:v5+s7+$0x0], $0xffff  }
0x494: {  	[tilespmem:s8+$0xFFFFFF10] =	vst v0;
	v7 =	vld.idx.msk [tilespmem:v7+s7+$0x0], $0xffff  }
0x495: {  	v14 =	vld.idx.msk [tilespmem:v14+s7+$0x0], $0xffff;
	[tilespmem:s8+$0xFFFFFF20] =	vst v1  }
0x496: {  	[tilespmem:s8+$0xFFFFFF30] =	vst v2;
	v8 =	vld.idx.msk [tilespmem:v8+s7+$0x0], $0xffff  }
0x497: {  	[tilespmem:s8+$0xFFFFFF40] =	vst v3;
	v0 =	vld.idx.msk [tilespmem:v9+s7+$0x0], $0xffff  }
.Ltmp26:
0x498: {  	[tilespmem:s8+$0xFFFFFF50] =	vst v4;
	v1 =	vld.idx.msk [tilespmem:v10+s7+$0x0], $0xffff;
	(pc) =	sbr.rel @p0 .LBB2_54-.Ltmp26, $4  }
0x499: {  	[tilespmem:s8+$0xFFFFFF60] =	vst v5;
	v2 =	vld.idx.msk [tilespmem:v11+s7+$0x0], $0xffff  }
0x49a: {  	[tilespmem:s8+$0xFFFFFF70] =	vst v7;
	v3 =	vld.idx.msk [tilespmem:v12+s7+$0x0], $0xffff  }
0x49b: {  	[tilespmem:s8+$0xFFFFFF00] =	vst v14;
	v4 =	vld.idx.msk [tilespmem:v13+s7+$0x0], $0xffff  }
0x49c: {  	s11 =	sadd.s32 $0x100, s11;
	[tilespmem:s8+$0x0] =	vst v8;
	v5 =	vld.idx.msk [tilespmem:v6+s7+$0x0], $0xffff  }
0x49d: {  	[tilespmem:s8+$0x10] =	vst v0  }
0x49e: {  	[tilespmem:s8+$0x20] =	vst v1  }
0x49f: {  	[tilespmem:s8+$0x30] =	vst v2  }
0x4a0: {  	[tilespmem:s8+$0x40] =	vst v3  }
0x4a1: {  	s10 =	simm.s32 $0x1C780;
	[tilespmem:s8+$0x50] =	vst v4  }
0x4a2: {  	s12 =	sadd.s32 $0x0, s21;
	s11 =	simm.s32 $0x1C880;
	[tilespmem:s8+$0x60] =	vst v5;
	s8 =	simm.s32 $0x80  }
.LBB2_56:
0x4a3: {  	[hbm4b:s12+s3] =	stream.linear.scatter [tilespmem:s10], [sflag:$0x2], $0x80, $0x38;
	[tilespmem:$0x1E700] =	vst v63  }
0x4a4: {  	s12 =	smov.u32 s8;
	s10 =	smov.u32 s11;
	p0 =	sne.s32 s8, $0xF80  }
.Ltmp27:
0x4a5: {  	s8 =	sadd.s32 $0x80, s8;
	(pc) =	sbr.rel @p0 .LBB2_56-.Ltmp27, $2  }
0x4a6: {  	_ =	sdelay $0x2  }
0x4a7: {  	s11 =	sadd.s32 $0x100, s11;
	s12 =	sadd.s32 s12, s21  }
0x4a8: {  	[hbm4b:s12+s3] =	stream.linear.scatter [tilespmem:s10], [sflag:$0x2], $0x80, $0x38;
	[tilespmem:$0x1E700] =	vst v63  }
0x4a9: {  	s8 =	simm.s32 $0x1  }
0x4aa: {  	_ =	swait.ge [sflag:s8], $0x1000  }
0x4ab: {  	[sflag:s8] =	ssyncset.done $0x0  }
0x4ac: {  	s20 =	simm.s32 $0x20F0;
	[sflag:s8] =	ssyncadd.s32 $0xFFFFF000  }
0x4ad: {  	v0 =	vld [tilespmem:s20+$0x0]  }
0x4ae: {  	v1 =	vld [tilespmem:s20+$0xFFFFFF20]  }
0x4af: {  	v2 =	vld [tilespmem:s20+$0xFFFFFF30]  }
0x4b0: {  	v3 =	vld [tilespmem:s20+$0xFFFFFF40]  }
0x4b1: {  	v4 =	vld [tilespmem:s20+$0xFFFFFF50]  }
0x4b2: {  	v5 =	vld [tilespmem:s20+$0xFFFFFF60]  }
0x4b3: {  	v6 =	vld [tilespmem:s20+$0xFFFFFF70]  }
0x4b4: {  	v7 =	vld [tilespmem:s20+$0xFFFFFF80]  }
0x4b5: {  	v8 =	vld [tilespmem:s20+$0xFFFFFF90]  }
0x4b6: {  	v9 =	vld [tilespmem:s20+$0xFFFFFFA0]  }
0x4b7: {  	v10 =	vld [tilespmem:s20+$0xFFFFFFB0]  }
0x4b8: {  	v11 =	vld [tilespmem:s20+$0xFFFFFFC0]  }
0x4b9: {  	v12 =	vld [tilespmem:s20+$0xFFFFFFD0]  }
0x4ba: {  	v13 =	vld [tilespmem:s20+$0xFFFFFFE0]  }
0x4bb: {  	v14 =	vld [tilespmem:s20+$0xFFFFFFF0]  }
0x4bc: {  	v15 =	vld [tilespmem:s20+$0xFFFFFF10]  }
0x4bd: {  	v0 =	vld.idx.msk [tilespmem:v0+s7+$0x0], $0xffff  }
0x4be: {  	v1 =	vld.idx.msk [tilespmem:v1+s7+$0x0], $0xffff  }
0x4bf: {  	v2 =	vld.idx.msk [tilespmem:v2+s7+$0x0], $0xffff  }
0x4c0: {  	v3 =	vld.idx.msk [tilespmem:v3+s7+$0x0], $0xffff  }
0x4c1: {  	v4 =	vld.idx.msk [tilespmem:v4+s7+$0x0], $0xffff  }
0x4c2: {  	s8 =	simm.s32 $0x1C800;
	v5 =	vld.idx.msk [tilespmem:v5+s7+$0x0], $0xffff  }
0x4c3: {  	v6 =	vld.idx.msk [tilespmem:v6+s7+$0x0], $0xffff;
	[tilespmem:s8+$0x70] =	vst v0  }
0x4c4: {  	v7 =	vld.idx.msk [tilespmem:v7+s7+$0x0], $0xffff;
	[tilespmem:s8+$0xFFFFFF10] =	vst v1  }
0x4c5: {  	v15 =	vld.idx.msk [tilespmem:v15+s7+$0x0], $0xffff;
	[tilespmem:s8+$0xFFFFFF20] =	vst v2  }
0x4c6: {  	v8 =	vld.idx.msk [tilespmem:v8+s7+$0x0], $0xffff;
	[tilespmem:s8+$0xFFFFFF30] =	vst v3  }
0x4c7: {  	[tilespmem:s8+$0xFFFFFF40] =	vst v4;
	v0 =	vld.idx.msk [tilespmem:v9+s7+$0x0], $0xffff  }
0x4c8: {  	[tilespmem:s8+$0xFFFFFF50] =	vst v5;
	v1 =	vld.idx.msk [tilespmem:v10+s7+$0x0], $0xffff  }
0x4c9: {  	[tilespmem:s8+$0xFFFFFF60] =	vst v6;
	v2 =	vld.idx.msk [tilespmem:v11+s7+$0x0], $0xffff  }
0x4ca: {  	[tilespmem:s8+$0xFFFFFF70] =	vst v7;
	v3 =	vld.idx.msk [tilespmem:v12+s7+$0x0], $0xffff  }
0x4cb: {  	[tilespmem:s8+$0xFFFFFF00] =	vst v15;
	v4 =	vld.idx.msk [tilespmem:v13+s7+$0x0], $0xffff  }
0x4cc: {  	s10 =	simm.s32 $0x0;
	s11 =	simm.s32 $0x21F0;
	[tilespmem:s8+$0x0] =	vst v8;
	v5 =	vld.idx.msk [tilespmem:v14+s7+$0x0], $0xffff  }
.LBB2_58:
0x4cd: {  	v6 =	vld [tilespmem:s11+$0x0];
	s10 =	sadd.s32 $0x10, s10;
	[tilespmem:s8+$0x10] =	vst v0  }
0x4ce: {  	v0 =	vld [tilespmem:s11+$0xFFFFFF20];
	p0 =	slt.u32 s10, $0xF0;
	[tilespmem:s8+$0x20] =	vst v1  }
0x4cf: {  	v1 =	vld [tilespmem:s11+$0xFFFFFF30];
	[tilespmem:s8+$0x30] =	vst v2  }
0x4d0: {  	v2 =	vld [tilespmem:s11+$0xFFFFFF40];
	[tilespmem:s8+$0x40] =	vst v3  }
0x4d1: {  	v3 =	vld [tilespmem:s11+$0xFFFFFF50];
	[tilespmem:s8+$0x50] =	vst v4  }
0x4d2: {  	v4 =	vld [tilespmem:s11+$0xFFFFFF60];
	[tilespmem:s8+$0x60] =	vst v5  }
0x4d3: {  	v5 =	vld [tilespmem:s11+$0xFFFFFF70]  }
0x4d4: {  	v7 =	vld [tilespmem:s11+$0xFFFFFF80]  }
0x4d5: {  	v6 =	vld.idx.msk [tilespmem:v6+s7+$0x0], $0xffff  }
0x4d6: {  	v8 =	vld [tilespmem:s11+$0xFFFFFF90]  }
0x4d7: {  	v9 =	vld [tilespmem:s11+$0xFFFFFFA0]  }
0x4d8: {  	v10 =	vld [tilespmem:s11+$0xFFFFFFB0]  }
0x4d9: {  	v11 =	vld [tilespmem:s11+$0xFFFFFFC0]  }
0x4da: {  	s8 =	sadd.s32 $0x200, s8;
	v12 =	vld [tilespmem:s11+$0xFFFFFFD0]  }
0x4db: {  	v13 =	vld [tilespmem:s11+$0xFFFFFFE0];
	[tilespmem:s8+$0x70] =	vst v6  }
0x4dc: {  	v6 =	vld [tilespmem:s11+$0xFFFFFFF0]  }
0x4dd: {  	v14 =	vld [tilespmem:s11+$0xFFFFFF10]  }
0x4de: {  	v0 =	vld.idx.msk [tilespmem:v0+s7+$0x0], $0xffff  }
0x4df: {  	v1 =	vld.idx.msk [tilespmem:v1+s7+$0x0], $0xffff  }
0x4e0: {  	v2 =	vld.idx.msk [tilespmem:v2+s7+$0x0], $0xffff  }
0x4e1: {  	v3 =	vld.idx.msk [tilespmem:v3+s7+$0x0], $0xffff  }
0x4e2: {  	v4 =	vld.idx.msk [tilespmem:v4+s7+$0x0], $0xffff  }
0x4e3: {  	v5 =	vld.idx.msk [tilespmem:v5+s7+$0x0], $0xffff  }
0x4e4: {  	[tilespmem:s8+$0xFFFFFF10] =	vst v0;
	v7 =	vld.idx.msk [tilespmem:v7+s7+$0x0], $0xffff  }
0x4e5: {  	v14 =	vld.idx.msk [tilespmem:v14+s7+$0x0], $0xffff;
	[tilespmem:s8+$0xFFFFFF20] =	vst v1  }
0x4e6: {  	[tilespmem:s8+$0xFFFFFF30] =	vst v2;
	v8 =	vld.idx.msk [tilespmem:v8+s7+$0x0], $0xffff  }
0x4e7: {  	[tilespmem:s8+$0xFFFFFF40] =	vst v3;
	v0 =	vld.idx.msk [tilespmem:v9+s7+$0x0], $0xffff  }
.Ltmp28:
0x4e8: {  	[tilespmem:s8+$0xFFFFFF50] =	vst v4;
	v1 =	vld.idx.msk [tilespmem:v10+s7+$0x0], $0xffff;
	(pc) =	sbr.rel @p0 .LBB2_58-.Ltmp28, $4  }
0x4e9: {  	[tilespmem:s8+$0xFFFFFF60] =	vst v5;
	v2 =	vld.idx.msk [tilespmem:v11+s7+$0x0], $0xffff  }
0x4ea: {  	[tilespmem:s8+$0xFFFFFF70] =	vst v7;
	v3 =	vld.idx.msk [tilespmem:v12+s7+$0x0], $0xffff  }
0x4eb: {  	[tilespmem:s8+$0xFFFFFF00] =	vst v14;
	v4 =	vld.idx.msk [tilespmem:v13+s7+$0x0], $0xffff  }
0x4ec: {  	s11 =	sadd.s32 $0x100, s11;
	[tilespmem:s8+$0x0] =	vst v8;
	v5 =	vld.idx.msk [tilespmem:v6+s7+$0x0], $0xffff  }
0x4ed: {  	[tilespmem:s8+$0x10] =	vst v0  }
0x4ee: {  	[tilespmem:s8+$0x20] =	vst v1  }
0x4ef: {  	[tilespmem:s8+$0x30] =	vst v2  }
0x4f0: {  	[tilespmem:s8+$0x40] =	vst v3  }
0x4f1: {  	s10 =	simm.s32 $0x1C700;
	[tilespmem:s8+$0x50] =	vst v4  }
0x4f2: {  	s12 =	sadd.s32 $0x0, s22;
	s11 =	simm.s32 $0x1C800;
	[tilespmem:s8+$0x60] =	vst v5;
	s8 =	simm.s32 $0x80  }
.LBB2_60:
0x4f3: {  	[hbm4b:s12+s3] =	stream.linear.scatter [tilespmem:s10], [sflag:$0x1], $0x80, $0x38;
	[tilespmem:$0x1E700] =	vst v63  }
0x4f4: {  	s12 =	smov.u32 s8;
	s10 =	smov.u32 s11;
	p0 =	sne.s32 s8, $0xF80  }
.Ltmp29:
0x4f5: {  	s8 =	sadd.s32 $0x80, s8;
	(pc) =	sbr.rel @p0 .LBB2_60-.Ltmp29, $2  }
0x4f6: {  	_ =	sdelay $0x2  }
0x4f7: {  	s11 =	sadd.s32 $0x100, s11;
	s12 =	sadd.s32 s12, s22  }
0x4f8: {  	[hbm4b:s12+s3] =	stream.linear.scatter [tilespmem:s10], [sflag:$0x1], $0x80, $0x38;
	[tilespmem:$0x1E700] =	vst v63  }
0x4f9: {  	s8 =	simm.s32 $0x2  }
0x4fa: {  	_ =	swait.ge [sflag:s8], $0x1000  }
0x4fb: {  	[sflag:s8] =	ssyncset.done $0x0  }
0x4fc: {  	s20 =	simm.s32 $0x30F0;
	[sflag:s8] =	ssyncadd.s32 $0xFFFFF000  }
0x4fd: {  	v0 =	vld [tilespmem:s20+$0x0]  }
0x4fe: {  	v1 =	vld [tilespmem:s20+$0xFFFFFF20]  }
0x4ff: {  	v2 =	vld [tilespmem:s20+$0xFFFFFF30]  }
0x500: {  	v3 =	vld [tilespmem:s20+$0xFFFFFF40]  }
0x501: {  	v4 =	vld [tilespmem:s20+$0xFFFFFF50]  }
0x502: {  	v5 =	vld [tilespmem:s20+$0xFFFFFF60]  }
0x503: {  	v6 =	vld [tilespmem:s20+$0xFFFFFF70]  }
0x504: {  	v7 =	vld [tilespmem:s20+$0xFFFFFF80]  }
0x505: {  	v8 =	vld [tilespmem:s20+$0xFFFFFF90]  }
0x506: {  	v9 =	vld [tilespmem:s20+$0xFFFFFFA0]  }
0x507: {  	v10 =	vld [tilespmem:s20+$0xFFFFFFB0]  }
0x508: {  	v11 =	vld [tilespmem:s20+$0xFFFFFFC0]  }
0x509: {  	v12 =	vld [tilespmem:s20+$0xFFFFFFD0]  }
0x50a: {  	v13 =	vld [tilespmem:s20+$0xFFFFFFE0]  }
0x50b: {  	v14 =	vld [tilespmem:s20+$0xFFFFFFF0]  }
0x50c: {  	v15 =	vld [tilespmem:s20+$0xFFFFFF10]  }
0x50d: {  	v0 =	vld.idx.msk [tilespmem:v0+s7+$0x0], $0xffff  }
0x50e: {  	v1 =	vld.idx.msk [tilespmem:v1+s7+$0x0], $0xffff  }
0x50f: {  	v2 =	vld.idx.msk [tilespmem:v2+s7+$0x0], $0xffff  }
0x510: {  	v3 =	vld.idx.msk [tilespmem:v3+s7+$0x0], $0xffff  }
0x511: {  	v4 =	vld.idx.msk [tilespmem:v4+s7+$0x0], $0xffff  }
0x512: {  	s8 =	simm.s32 $0x1C880;
	v5 =	vld.idx.msk [tilespmem:v5+s7+$0x0], $0xffff  }
0x513: {  	v6 =	vld.idx.msk [tilespmem:v6+s7+$0x0], $0xffff;
	[tilespmem:s8+$0x70] =	vst v0  }
0x514: {  	v7 =	vld.idx.msk [tilespmem:v7+s7+$0x0], $0xffff;
	[tilespmem:s8+$0xFFFFFF10] =	vst v1  }
0x515: {  	v15 =	vld.idx.msk [tilespmem:v15+s7+$0x0], $0xffff;
	[tilespmem:s8+$0xFFFFFF20] =	vst v2  }
0x516: {  	v8 =	vld.idx.msk [tilespmem:v8+s7+$0x0], $0xffff;
	[tilespmem:s8+$0xFFFFFF30] =	vst v3  }
0x517: {  	[tilespmem:s8+$0xFFFFFF40] =	vst v4;
	v0 =	vld.idx.msk [tilespmem:v9+s7+$0x0], $0xffff  }
0x518: {  	[tilespmem:s8+$0xFFFFFF50] =	vst v5;
	v1 =	vld.idx.msk [tilespmem:v10+s7+$0x0], $0xffff  }
0x519: {  	[tilespmem:s8+$0xFFFFFF60] =	vst v6;
	v2 =	vld.idx.msk [tilespmem:v11+s7+$0x0], $0xffff  }
0x51a: {  	[tilespmem:s8+$0xFFFFFF70] =	vst v7;
	v3 =	vld.idx.msk [tilespmem:v12+s7+$0x0], $0xffff  }
0x51b: {  	[tilespmem:s8+$0xFFFFFF00] =	vst v15;
	v4 =	vld.idx.msk [tilespmem:v13+s7+$0x0], $0xffff  }
0x51c: {  	s10 =	simm.s32 $0x0;
	s11 =	simm.s32 $0x31F0;
	[tilespmem:s8+$0x0] =	vst v8;
	v5 =	vld.idx.msk [tilespmem:v14+s7+$0x0], $0xffff  }
.LBB2_62:
0x51d: {  	v6 =	vld [tilespmem:s11+$0x0];
	s10 =	sadd.s32 $0x10, s10;
	[tilespmem:s8+$0x10] =	vst v0  }
0x51e: {  	v0 =	vld [tilespmem:s11+$0xFFFFFF20];
	p0 =	slt.u32 s10, $0xF0;
	[tilespmem:s8+$0x20] =	vst v1  }
0x51f: {  	v1 =	vld [tilespmem:s11+$0xFFFFFF30];
	[tilespmem:s8+$0x30] =	vst v2  }
0x520: {  	v2 =	vld [tilespmem:s11+$0xFFFFFF40];
	[tilespmem:s8+$0x40] =	vst v3  }
0x521: {  	v3 =	vld [tilespmem:s11+$0xFFFFFF50];
	[tilespmem:s8+$0x50] =	vst v4  }
0x522: {  	v4 =	vld [tilespmem:s11+$0xFFFFFF60];
	[tilespmem:s8+$0x60] =	vst v5  }
0x523: {  	v5 =	vld [tilespmem:s11+$0xFFFFFF70]  }
0x524: {  	v7 =	vld [tilespmem:s11+$0xFFFFFF80]  }
0x525: {  	v6 =	vld.idx.msk [tilespmem:v6+s7+$0x0], $0xffff  }
0x526: {  	v8 =	vld [tilespmem:s11+$0xFFFFFF90]  }
0x527: {  	v9 =	vld [tilespmem:s11+$0xFFFFFFA0]  }
0x528: {  	v10 =	vld [tilespmem:s11+$0xFFFFFFB0]  }
0x529: {  	v11 =	vld [tilespmem:s11+$0xFFFFFFC0]  }
0x52a: {  	s8 =	sadd.s32 $0x200, s8;
	v12 =	vld [tilespmem:s11+$0xFFFFFFD0]  }
0x52b: {  	v13 =	vld [tilespmem:s11+$0xFFFFFFE0];
	[tilespmem:s8+$0x70] =	vst v6  }
0x52c: {  	v6 =	vld [tilespmem:s11+$0xFFFFFFF0]  }
0x52d: {  	v14 =	vld [tilespmem:s11+$0xFFFFFF10]  }
0x52e: {  	v0 =	vld.idx.msk [tilespmem:v0+s7+$0x0], $0xffff  }
0x52f: {  	v1 =	vld.idx.msk [tilespmem:v1+s7+$0x0], $0xffff  }
0x530: {  	v2 =	vld.idx.msk [tilespmem:v2+s7+$0x0], $0xffff  }
0x531: {  	v3 =	vld.idx.msk [tilespmem:v3+s7+$0x0], $0xffff  }
0x532: {  	v4 =	vld.idx.msk [tilespmem:v4+s7+$0x0], $0xffff  }
0x533: {  	v5 =	vld.idx.msk [tilespmem:v5+s7+$0x0], $0xffff  }
0x534: {  	[tilespmem:s8+$0xFFFFFF10] =	vst v0;
	v7 =	vld.idx.msk [tilespmem:v7+s7+$0x0], $0xffff  }
0x535: {  	v14 =	vld.idx.msk [tilespmem:v14+s7+$0x0], $0xffff;
	[tilespmem:s8+$0xFFFFFF20] =	vst v1  }
0x536: {  	[tilespmem:s8+$0xFFFFFF30] =	vst v2;
	v8 =	vld.idx.msk [tilespmem:v8+s7+$0x0], $0xffff  }
0x537: {  	[tilespmem:s8+$0xFFFFFF40] =	vst v3;
	v0 =	vld.idx.msk [tilespmem:v9+s7+$0x0], $0xffff  }
.Ltmp30:
0x538: {  	[tilespmem:s8+$0xFFFFFF50] =	vst v4;
	v1 =	vld.idx.msk [tilespmem:v10+s7+$0x0], $0xffff;
	(pc) =	sbr.rel @p0 .LBB2_62-.Ltmp30, $4  }
0x539: {  	[tilespmem:s8+$0xFFFFFF60] =	vst v5;
	v2 =	vld.idx.msk [tilespmem:v11+s7+$0x0], $0xffff  }
0x53a: {  	[tilespmem:s8+$0xFFFFFF70] =	vst v7;
	v3 =	vld.idx.msk [tilespmem:v12+s7+$0x0], $0xffff  }
0x53b: {  	[tilespmem:s8+$0xFFFFFF00] =	vst v14;
	v4 =	vld.idx.msk [tilespmem:v13+s7+$0x0], $0xffff  }
0x53c: {  	s11 =	sadd.s32 $0x100, s11;
	[tilespmem:s8+$0x0] =	vst v8;
	v5 =	vld.idx.msk [tilespmem:v6+s7+$0x0], $0xffff  }
0x53d: {  	[tilespmem:s8+$0x10] =	vst v0  }
0x53e: {  	[tilespmem:s8+$0x20] =	vst v1  }
0x53f: {  	[tilespmem:s8+$0x30] =	vst v2  }
0x540: {  	[tilespmem:s8+$0x40] =	vst v3  }
0x541: {  	s10 =	simm.s32 $0x1C780;
	[tilespmem:s8+$0x50] =	vst v4  }
0x542: {  	s12 =	sadd.s32 $0x0, s23;
	s11 =	simm.s32 $0x1C880;
	[tilespmem:s8+$0x60] =	vst v5;
	s8 =	simm.s32 $0x80  }
.LBB2_64:
0x543: {  	[hbm4b:s12+s3] =	stream.linear.scatter [tilespmem:s10], [sflag:$0x2], $0x80, $0x38;
	[tilespmem:$0x1E700] =	vst v63  }
0x544: {  	s12 =	smov.u32 s8;
	s10 =	smov.u32 s11;
	p0 =	sne.s32 s8, $0xF80  }
.Ltmp31:
0x545: {  	s8 =	sadd.s32 $0x80, s8;
	(pc) =	sbr.rel @p0 .LBB2_64-.Ltmp31, $2  }
0x546: {  	_ =	sdelay $0x2  }
0x547: {  	s11 =	sadd.s32 $0x100, s11;
	s12 =	sadd.s32 s12, s23  }
0x548: {  	[hbm4b:s12+s3] =	stream.linear.scatter [tilespmem:s10], [sflag:$0x2], $0x80, $0x38;
	[tilespmem:$0x1E700] =	vst v63  }
0x549: {  	s8 =	simm.s32 $0x80  }
0x54a: {  	s17 =	rddreg [dreg:$0x15];
	s11 =	simm.s32 $0x400;
	s18 =	simm.s32 $0x4  }
0x54b: {  	[tilespmem:s7], [sflag:$0x4] =	stream.strided.gather [hbm4b:s17+s8], $0x18700, s11, s8, $0x38;
	[tilespmem:$0x1E700] =	vst v63  }
0x54c: {  	_ =	swait.ge [sflag:s18], $0x18700  }
0x54d: {  	[sflag:s18] =	ssyncset.done $0x0  }
0x54e: {  	s20 =	simm.s32 $0x1;
	[sflag:s18] =	ssyncadd.s32 $0xFFFE7900  }
0x54f: {  	_ =	swait.ge [sflag:s20], $0x1000  }
0x550: {  	[sflag:s20] =	ssyncset.done $0x0  }
0x551: {  	[sflag:s20] =	ssyncadd.s32 $0xFFFFF000  }
0x552: {  	v0 =	vld [tilespmem:s8+$0x70]  }
0x553: {  	v1 =	vld [tilespmem:s8+$0xFFFFFF90]  }
0x554: {  	v2 =	vld [tilespmem:s8+$0xFFFFFFA0]  }
0x555: {  	v3 =	vld [tilespmem:s8+$0xFFFFFFB0]  }
0x556: {  	v4 =	vld [tilespmem:s8+$0xFFFFFFC0]  }
0x557: {  	v5 =	vld [tilespmem:s8+$0xFFFFFFD0]  }
0x558: {  	v6 =	vld [tilespmem:s8+$0xFFFFFFE0]  }
0x559: {  	v7 =	vld [tilespmem:s8+$0xFFFFFFF0]  }
0x55a: {  	v8 =	vld [tilespmem:s8+$0x0]  }
0x55b: {  	v9 =	vld [tilespmem:s8+$0x10]  }
0x55c: {  	v10 =	vld [tilespmem:s8+$0x20]  }
0x55d: {  	v11 =	vld [tilespmem:s8+$0x30]  }
0x55e: {  	v12 =	vld [tilespmem:s8+$0x40]  }
0x55f: {  	v13 =	vld [tilespmem:s8+$0x50]  }
0x560: {  	v14 =	vld [tilespmem:s8+$0x60]  }
0x561: {  	v15 =	vld [tilespmem:s8+$0xFFFFFF80]  }
0x562: {  	v0 =	vld.idx.msk [tilespmem:v0+s7+$0x0], $0xffff  }
0x563: {  	v1 =	vld.idx.msk [tilespmem:v1+s7+$0x0], $0xffff  }
0x564: {  	v2 =	vld.idx.msk [tilespmem:v2+s7+$0x0], $0xffff  }
0x565: {  	v3 =	vld.idx.msk [tilespmem:v3+s7+$0x0], $0xffff  }
0x566: {  	v4 =	vld.idx.msk [tilespmem:v4+s7+$0x0], $0xffff  }
0x567: {  	s8 =	simm.s32 $0x1C800;
	v5 =	vld.idx.msk [tilespmem:v5+s7+$0x0], $0xffff  }
0x568: {  	v6 =	vld.idx.msk [tilespmem:v6+s7+$0x0], $0xffff;
	[tilespmem:s8+$0x70] =	vst v0  }
0x569: {  	v7 =	vld.idx.msk [tilespmem:v7+s7+$0x0], $0xffff;
	[tilespmem:s8+$0xFFFFFF10] =	vst v1  }
0x56a: {  	v15 =	vld.idx.msk [tilespmem:v15+s7+$0x0], $0xffff;
	[tilespmem:s8+$0xFFFFFF20] =	vst v2  }
0x56b: {  	v8 =	vld.idx.msk [tilespmem:v8+s7+$0x0], $0xffff;
	[tilespmem:s8+$0xFFFFFF30] =	vst v3  }
0x56c: {  	[tilespmem:s8+$0xFFFFFF40] =	vst v4;
	v0 =	vld.idx.msk [tilespmem:v9+s7+$0x0], $0xffff  }
0x56d: {  	[tilespmem:s8+$0xFFFFFF50] =	vst v5;
	v1 =	vld.idx.msk [tilespmem:v10+s7+$0x0], $0xffff  }
0x56e: {  	[tilespmem:s8+$0xFFFFFF60] =	vst v6;
	v2 =	vld.idx.msk [tilespmem:v11+s7+$0x0], $0xffff  }
0x56f: {  	[tilespmem:s8+$0xFFFFFF70] =	vst v7;
	v3 =	vld.idx.msk [tilespmem:v12+s7+$0x0], $0xffff  }
0x570: {  	[tilespmem:s8+$0xFFFFFF00] =	vst v15;
	v4 =	vld.idx.msk [tilespmem:v13+s7+$0x0], $0xffff  }
0x571: {  	s10 =	simm.s32 $0x0;
	s11 =	simm.s32 $0x180;
	[tilespmem:s8+$0x0] =	vst v8;
	v5 =	vld.idx.msk [tilespmem:v14+s7+$0x0], $0xffff  }
.LBB2_66:
0x572: {  	v6 =	vld [tilespmem:s11+$0x70];
	s10 =	sadd.s32 $0x10, s10;
	[tilespmem:s8+$0x10] =	vst v0  }
0x573: {  	v0 =	vld [tilespmem:s11+$0xFFFFFF90];
	p0 =	slt.u32 s10, $0xF0;
	[tilespmem:s8+$0x20] =	vst v1  }
0x574: {  	v1 =	vld [tilespmem:s11+$0xFFFFFFA0];
	[tilespmem:s8+$0x30] =	vst v2  }
0x575: {  	v2 =	vld [tilespmem:s11+$0xFFFFFFB0];
	[tilespmem:s8+$0x40] =	vst v3  }
0x576: {  	v3 =	vld [tilespmem:s11+$0xFFFFFFC0];
	[tilespmem:s8+$0x50] =	vst v4  }
0x577: {  	v4 =	vld [tilespmem:s11+$0xFFFFFFD0];
	[tilespmem:s8+$0x60] =	vst v5  }
0x578: {  	v5 =	vld [tilespmem:s11+$0xFFFFFFE0]  }
0x579: {  	v7 =	vld [tilespmem:s11+$0xFFFFFFF0]  }
0x57a: {  	v6 =	vld.idx.msk [tilespmem:v6+s7+$0x0], $0xffff  }
0x57b: {  	v8 =	vld [tilespmem:s11+$0x0]  }
0x57c: {  	v9 =	vld [tilespmem:s11+$0x10]  }
0x57d: {  	v10 =	vld [tilespmem:s11+$0x20]  }
0x57e: {  	v11 =	vld [tilespmem:s11+$0x30]  }
0x57f: {  	s8 =	sadd.s32 $0x200, s8;
	v12 =	vld [tilespmem:s11+$0x40]  }
0x580: {  	v13 =	vld [tilespmem:s11+$0x50];
	[tilespmem:s8+$0x70] =	vst v6  }
0x581: {  	v6 =	vld [tilespmem:s11+$0x60]  }
0x582: {  	v14 =	vld [tilespmem:s11+$0xFFFFFF80]  }
0x583: {  	v0 =	vld.idx.msk [tilespmem:v0+s7+$0x0], $0xffff  }
0x584: {  	v1 =	vld.idx.msk [tilespmem:v1+s7+$0x0], $0xffff  }
0x585: {  	v2 =	vld.idx.msk [tilespmem:v2+s7+$0x0], $0xffff  }
0x586: {  	v3 =	vld.idx.msk [tilespmem:v3+s7+$0x0], $0xffff  }
0x587: {  	v4 =	vld.idx.msk [tilespmem:v4+s7+$0x0], $0xffff  }
0x588: {  	v5 =	vld.idx.msk [tilespmem:v5+s7+$0x0], $0xffff  }
0x589: {  	[tilespmem:s8+$0xFFFFFF10] =	vst v0;
	v7 =	vld.idx.msk [tilespmem:v7+s7+$0x0], $0xffff  }
0x58a: {  	v14 =	vld.idx.msk [tilespmem:v14+s7+$0x0], $0xffff;
	[tilespmem:s8+$0xFFFFFF20] =	vst v1  }
0x58b: {  	[tilespmem:s8+$0xFFFFFF30] =	vst v2;
	v8 =	vld.idx.msk [tilespmem:v8+s7+$0x0], $0xffff  }
0x58c: {  	[tilespmem:s8+$0xFFFFFF40] =	vst v3;
	v0 =	vld.idx.msk [tilespmem:v9+s7+$0x0], $0xffff  }
.Ltmp32:
0x58d: {  	[tilespmem:s8+$0xFFFFFF50] =	vst v4;
	v1 =	vld.idx.msk [tilespmem:v10+s7+$0x0], $0xffff;
	(pc) =	sbr.rel @p0 .LBB2_66-.Ltmp32, $4  }
0x58e: {  	[tilespmem:s8+$0xFFFFFF60] =	vst v5;
	v2 =	vld.idx.msk [tilespmem:v11+s7+$0x0], $0xffff  }
0x58f: {  	[tilespmem:s8+$0xFFFFFF70] =	vst v7;
	v3 =	vld.idx.msk [tilespmem:v12+s7+$0x0], $0xffff  }
0x590: {  	[tilespmem:s8+$0xFFFFFF00] =	vst v14;
	v4 =	vld.idx.msk [tilespmem:v13+s7+$0x0], $0xffff  }
0x591: {  	s11 =	sadd.s32 $0x100, s11;
	[tilespmem:s8+$0x0] =	vst v8;
	v5 =	vld.idx.msk [tilespmem:v6+s7+$0x0], $0xffff  }
0x592: {  	[tilespmem:s8+$0x10] =	vst v0  }
0x593: {  	[tilespmem:s8+$0x20] =	vst v1  }
0x594: {  	[tilespmem:s8+$0x30] =	vst v2  }
0x595: {  	[tilespmem:s8+$0x40] =	vst v3  }
0x596: {  	s10 =	simm.s32 $0x1C700;
	[tilespmem:s8+$0x50] =	vst v4  }
0x597: {  	s12 =	sadd.s32 $0x0, s26;
	s11 =	simm.s32 $0x1C800;
	[tilespmem:s8+$0x60] =	vst v5;
	s8 =	simm.s32 $0x80  }
.LBB2_68:
0x598: {  	[hbm4b:s12+s3] =	stream.linear.scatter [tilespmem:s10], [sflag:$0x1], $0x80, $0x38;
	[tilespmem:$0x1E700] =	vst v63  }
0x599: {  	s12 =	smov.u32 s8;
	s10 =	smov.u32 s11;
	p0 =	sne.s32 s8, $0xF80  }
.Ltmp33:
0x59a: {  	s8 =	sadd.s32 $0x80, s8;
	(pc) =	sbr.rel @p0 .LBB2_68-.Ltmp33, $2  }
0x59b: {  	_ =	sdelay $0x2  }
0x59c: {  	s11 =	sadd.s32 $0x100, s11;
	s12 =	sadd.s32 s12, s26  }
0x59d: {  	[hbm4b:s12+s3] =	stream.linear.scatter [tilespmem:s10], [sflag:$0x1], $0x80, $0x38;
	[tilespmem:$0x1E700] =	vst v63  }
0x59e: {  	s8 =	simm.s32 $0x2  }
0x59f: {  	_ =	swait.ge [sflag:s8], $0x1000  }
0x5a0: {  	[sflag:s8] =	ssyncset.done $0x0  }
0x5a1: {  	s20 =	simm.s32 $0x10F0;
	[sflag:s8] =	ssyncadd.s32 $0xFFFFF000  }
0x5a2: {  	v0 =	vld [tilespmem:s20+$0x0]  }
0x5a3: {  	v1 =	vld [tilespmem:s20+$0xFFFFFF20]  }
0x5a4: {  	v2 =	vld [tilespmem:s20+$0xFFFFFF30]  }
0x5a5: {  	v3 =	vld [tilespmem:s20+$0xFFFFFF40]  }
0x5a6: {  	v4 =	vld [tilespmem:s20+$0xFFFFFF50]  }
0x5a7: {  	v5 =	vld [tilespmem:s20+$0xFFFFFF60]  }
0x5a8: {  	v6 =	vld [tilespmem:s20+$0xFFFFFF70]  }
0x5a9: {  	v7 =	vld [tilespmem:s20+$0xFFFFFF80]  }
0x5aa: {  	v8 =	vld [tilespmem:s20+$0xFFFFFF90]  }
0x5ab: {  	v9 =	vld [tilespmem:s20+$0xFFFFFFA0]  }
0x5ac: {  	v10 =	vld [tilespmem:s20+$0xFFFFFFB0]  }
0x5ad: {  	v11 =	vld [tilespmem:s20+$0xFFFFFFC0]  }
0x5ae: {  	v12 =	vld [tilespmem:s20+$0xFFFFFFD0]  }
0x5af: {  	v13 =	vld [tilespmem:s20+$0xFFFFFFE0]  }
0x5b0: {  	v14 =	vld [tilespmem:s20+$0xFFFFFFF0]  }
0x5b1: {  	v15 =	vld [tilespmem:s20+$0xFFFFFF10]  }
0x5b2: {  	v0 =	vld.idx.msk [tilespmem:v0+s7+$0x0], $0xffff  }
0x5b3: {  	v1 =	vld.idx.msk [tilespmem:v1+s7+$0x0], $0xffff  }
0x5b4: {  	v2 =	vld.idx.msk [tilespmem:v2+s7+$0x0], $0xffff  }
0x5b5: {  	v3 =	vld.idx.msk [tilespmem:v3+s7+$0x0], $0xffff  }
0x5b6: {  	v4 =	vld.idx.msk [tilespmem:v4+s7+$0x0], $0xffff  }
0x5b7: {  	s8 =	simm.s32 $0x1C880;
	v5 =	vld.idx.msk [tilespmem:v5+s7+$0x0], $0xffff  }
0x5b8: {  	v6 =	vld.idx.msk [tilespmem:v6+s7+$0x0], $0xffff;
	[tilespmem:s8+$0x70] =	vst v0  }
0x5b9: {  	v7 =	vld.idx.msk [tilespmem:v7+s7+$0x0], $0xffff;
	[tilespmem:s8+$0xFFFFFF10] =	vst v1  }
0x5ba: {  	v15 =	vld.idx.msk [tilespmem:v15+s7+$0x0], $0xffff;
	[tilespmem:s8+$0xFFFFFF20] =	vst v2  }
0x5bb: {  	v8 =	vld.idx.msk [tilespmem:v8+s7+$0x0], $0xffff;
	[tilespmem:s8+$0xFFFFFF30] =	vst v3  }
0x5bc: {  	[tilespmem:s8+$0xFFFFFF40] =	vst v4;
	v0 =	vld.idx.msk [tilespmem:v9+s7+$0x0], $0xffff  }
0x5bd: {  	[tilespmem:s8+$0xFFFFFF50] =	vst v5;
	v1 =	vld.idx.msk [tilespmem:v10+s7+$0x0], $0xffff  }
0x5be: {  	[tilespmem:s8+$0xFFFFFF60] =	vst v6;
	v2 =	vld.idx.msk [tilespmem:v11+s7+$0x0], $0xffff  }
0x5bf: {  	[tilespmem:s8+$0xFFFFFF70] =	vst v7;
	v3 =	vld.idx.msk [tilespmem:v12+s7+$0x0], $0xffff  }
0x5c0: {  	[tilespmem:s8+$0xFFFFFF00] =	vst v15;
	v4 =	vld.idx.msk [tilespmem:v13+s7+$0x0], $0xffff  }
0x5c1: {  	s10 =	simm.s32 $0x0;
	s11 =	simm.s32 $0x11F0;
	[tilespmem:s8+$0x0] =	vst v8;
	v5 =	vld.idx.msk [tilespmem:v14+s7+$0x0], $0xffff  }
.LBB2_70:
0x5c2: {  	v6 =	vld [tilespmem:s11+$0x0];
	s10 =	sadd.s32 $0x10, s10;
	[tilespmem:s8+$0x10] =	vst v0  }
0x5c3: {  	v0 =	vld [tilespmem:s11+$0xFFFFFF20];
	p0 =	slt.u32 s10, $0xF0;
	[tilespmem:s8+$0x20] =	vst v1  }
0x5c4: {  	v1 =	vld [tilespmem:s11+$0xFFFFFF30];
	[tilespmem:s8+$0x30] =	vst v2  }
0x5c5: {  	v2 =	vld [tilespmem:s11+$0xFFFFFF40];
	[tilespmem:s8+$0x40] =	vst v3  }
0x5c6: {  	v3 =	vld [tilespmem:s11+$0xFFFFFF50];
	[tilespmem:s8+$0x50] =	vst v4  }
0x5c7: {  	v4 =	vld [tilespmem:s11+$0xFFFFFF60];
	[tilespmem:s8+$0x60] =	vst v5  }
0x5c8: {  	v5 =	vld [tilespmem:s11+$0xFFFFFF70]  }
0x5c9: {  	v7 =	vld [tilespmem:s11+$0xFFFFFF80]  }
0x5ca: {  	v6 =	vld.idx.msk [tilespmem:v6+s7+$0x0], $0xffff  }
0x5cb: {  	v8 =	vld [tilespmem:s11+$0xFFFFFF90]  }
0x5cc: {  	v9 =	vld [tilespmem:s11+$0xFFFFFFA0]  }
0x5cd: {  	v10 =	vld [tilespmem:s11+$0xFFFFFFB0]  }
0x5ce: {  	v11 =	vld [tilespmem:s11+$0xFFFFFFC0]  }
0x5cf: {  	s8 =	sadd.s32 $0x200, s8;
	v12 =	vld [tilespmem:s11+$0xFFFFFFD0]  }
0x5d0: {  	v13 =	vld [tilespmem:s11+$0xFFFFFFE0];
	[tilespmem:s8+$0x70] =	vst v6  }
0x5d1: {  	v6 =	vld [tilespmem:s11+$0xFFFFFFF0]  }
0x5d2: {  	v14 =	vld [tilespmem:s11+$0xFFFFFF10]  }
0x5d3: {  	v0 =	vld.idx.msk [tilespmem:v0+s7+$0x0], $0xffff  }
0x5d4: {  	v1 =	vld.idx.msk [tilespmem:v1+s7+$0x0], $0xffff  }
0x5d5: {  	v2 =	vld.idx.msk [tilespmem:v2+s7+$0x0], $0xffff  }
0x5d6: {  	v3 =	vld.idx.msk [tilespmem:v3+s7+$0x0], $0xffff  }
0x5d7: {  	v4 =	vld.idx.msk [tilespmem:v4+s7+$0x0], $0xffff  }
0x5d8: {  	v5 =	vld.idx.msk [tilespmem:v5+s7+$0x0], $0xffff  }
0x5d9: {  	[tilespmem:s8+$0xFFFFFF10] =	vst v0;
	v7 =	vld.idx.msk [tilespmem:v7+s7+$0x0], $0xffff  }
0x5da: {  	v14 =	vld.idx.msk [tilespmem:v14+s7+$0x0], $0xffff;
	[tilespmem:s8+$0xFFFFFF20] =	vst v1  }
0x5db: {  	[tilespmem:s8+$0xFFFFFF30] =	vst v2;
	v8 =	vld.idx.msk [tilespmem:v8+s7+$0x0], $0xffff  }
0x5dc: {  	[tilespmem:s8+$0xFFFFFF40] =	vst v3;
	v0 =	vld.idx.msk [tilespmem:v9+s7+$0x0], $0xffff  }
.Ltmp34:
0x5dd: {  	[tilespmem:s8+$0xFFFFFF50] =	vst v4;
	v1 =	vld.idx.msk [tilespmem:v10+s7+$0x0], $0xffff;
	(pc) =	sbr.rel @p0 .LBB2_70-.Ltmp34, $4  }
0x5de: {  	[tilespmem:s8+$0xFFFFFF60] =	vst v5;
	v2 =	vld.idx.msk [tilespmem:v11+s7+$0x0], $0xffff  }
0x5df: {  	[tilespmem:s8+$0xFFFFFF70] =	vst v7;
	v3 =	vld.idx.msk [tilespmem:v12+s7+$0x0], $0xffff  }
0x5e0: {  	[tilespmem:s8+$0xFFFFFF00] =	vst v14;
	v4 =	vld.idx.msk [tilespmem:v13+s7+$0x0], $0xffff  }
0x5e1: {  	s11 =	sadd.s32 $0x100, s11;
	[tilespmem:s8+$0x0] =	vst v8;
	v5 =	vld.idx.msk [tilespmem:v6+s7+$0x0], $0xffff  }
0x5e2: {  	[tilespmem:s8+$0x10] =	vst v0  }
0x5e3: {  	[tilespmem:s8+$0x20] =	vst v1  }
0x5e4: {  	[tilespmem:s8+$0x30] =	vst v2  }
0x5e5: {  	[tilespmem:s8+$0x40] =	vst v3  }
0x5e6: {  	s10 =	simm.s32 $0x1C780;
	[tilespmem:s8+$0x50] =	vst v4  }
0x5e7: {  	s12 =	sadd.s32 $0x0, s28;
	s11 =	simm.s32 $0x1C880;
	[tilespmem:s8+$0x60] =	vst v5;
	s8 =	simm.s32 $0x80  }
.LBB2_72:
0x5e8: {  	[hbm4b:s12+s3] =	stream.linear.scatter [tilespmem:s10], [sflag:$0x2], $0x80, $0x38;
	[tilespmem:$0x1E700] =	vst v63  }
0x5e9: {  	s12 =	smov.u32 s8;
	s10 =	smov.u32 s11;
	p0 =	sne.s32 s8, $0xF80  }
.Ltmp35:
0x5ea: {  	s8 =	sadd.s32 $0x80, s8;
	(pc) =	sbr.rel @p0 .LBB2_72-.Ltmp35, $2  }
0x5eb: {  	_ =	sdelay $0x2  }
0x5ec: {  	s11 =	sadd.s32 $0x100, s11;
	s12 =	sadd.s32 s12, s28  }
0x5ed: {  	[hbm4b:s12+s3] =	stream.linear.scatter [tilespmem:s10], [sflag:$0x2], $0x80, $0x38;
	[tilespmem:$0x1E700] =	vst v63  }
0x5ee: {  	s8 =	simm.s32 $0x1  }
0x5ef: {  	_ =	swait.ge [sflag:s8], $0x1000  }
0x5f0: {  	[sflag:s8] =	ssyncset.done $0x0  }
0x5f1: {  	s20 =	simm.s32 $0x20F0;
	[sflag:s8] =	ssyncadd.s32 $0xFFFFF000  }
0x5f2: {  	v0 =	vld [tilespmem:s20+$0x0]  }
0x5f3: {  	v1 =	vld [tilespmem:s20+$0xFFFFFF20]  }
0x5f4: {  	v2 =	vld [tilespmem:s20+$0xFFFFFF30]  }
0x5f5: {  	v3 =	vld [tilespmem:s20+$0xFFFFFF40]  }
0x5f6: {  	v4 =	vld [tilespmem:s20+$0xFFFFFF50]  }
0x5f7: {  	v5 =	vld [tilespmem:s20+$0xFFFFFF60]  }
0x5f8: {  	v6 =	vld [tilespmem:s20+$0xFFFFFF70]  }
0x5f9: {  	v7 =	vld [tilespmem:s20+$0xFFFFFF80]  }
0x5fa: {  	v8 =	vld [tilespmem:s20+$0xFFFFFF90]  }
0x5fb: {  	v9 =	vld [tilespmem:s20+$0xFFFFFFA0]  }
0x5fc: {  	v10 =	vld [tilespmem:s20+$0xFFFFFFB0]  }
0x5fd: {  	v11 =	vld [tilespmem:s20+$0xFFFFFFC0]  }
0x5fe: {  	v12 =	vld [tilespmem:s20+$0xFFFFFFD0]  }
0x5ff: {  	v13 =	vld [tilespmem:s20+$0xFFFFFFE0]  }
0x600: {  	v14 =	vld [tilespmem:s20+$0xFFFFFFF0]  }
0x601: {  	v15 =	vld [tilespmem:s20+$0xFFFFFF10]  }
0x602: {  	v0 =	vld.idx.msk [tilespmem:v0+s7+$0x0], $0xffff  }
0x603: {  	v1 =	vld.idx.msk [tilespmem:v1+s7+$0x0], $0xffff  }
0x604: {  	v2 =	vld.idx.msk [tilespmem:v2+s7+$0x0], $0xffff  }
0x605: {  	v3 =	vld.idx.msk [tilespmem:v3+s7+$0x0], $0xffff  }
0x606: {  	v4 =	vld.idx.msk [tilespmem:v4+s7+$0x0], $0xffff  }
0x607: {  	s8 =	simm.s32 $0x1C800;
	v5 =	vld.idx.msk [tilespmem:v5+s7+$0x0], $0xffff  }
0x608: {  	v6 =	vld.idx.msk [tilespmem:v6+s7+$0x0], $0xffff;
	[tilespmem:s8+$0x70] =	vst v0  }
0x609: {  	v7 =	vld.idx.msk [tilespmem:v7+s7+$0x0], $0xffff;
	[tilespmem:s8+$0xFFFFFF10] =	vst v1  }
0x60a: {  	v15 =	vld.idx.msk [tilespmem:v15+s7+$0x0], $0xffff;
	[tilespmem:s8+$0xFFFFFF20] =	vst v2  }
0x60b: {  	v8 =	vld.idx.msk [tilespmem:v8+s7+$0x0], $0xffff;
	[tilespmem:s8+$0xFFFFFF30] =	vst v3  }
0x60c: {  	[tilespmem:s8+$0xFFFFFF40] =	vst v4;
	v0 =	vld.idx.msk [tilespmem:v9+s7+$0x0], $0xffff  }
0x60d: {  	[tilespmem:s8+$0xFFFFFF50] =	vst v5;
	v1 =	vld.idx.msk [tilespmem:v10+s7+$0x0], $0xffff  }
0x60e: {  	[tilespmem:s8+$0xFFFFFF60] =	vst v6;
	v2 =	vld.idx.msk [tilespmem:v11+s7+$0x0], $0xffff  }
0x60f: {  	[tilespmem:s8+$0xFFFFFF70] =	vst v7;
	v3 =	vld.idx.msk [tilespmem:v12+s7+$0x0], $0xffff  }
0x610: {  	[tilespmem:s8+$0xFFFFFF00] =	vst v15;
	v4 =	vld.idx.msk [tilespmem:v13+s7+$0x0], $0xffff  }
0x611: {  	s10 =	simm.s32 $0x0;
	s11 =	simm.s32 $0x21F0;
	[tilespmem:s8+$0x0] =	vst v8;
	v5 =	vld.idx.msk [tilespmem:v14+s7+$0x0], $0xffff  }
.LBB2_74:
0x612: {  	v6 =	vld [tilespmem:s11+$0x0];
	s10 =	sadd.s32 $0x10, s10;
	[tilespmem:s8+$0x10] =	vst v0  }
0x613: {  	v0 =	vld [tilespmem:s11+$0xFFFFFF20];
	p0 =	slt.u32 s10, $0xF0;
	[tilespmem:s8+$0x20] =	vst v1  }
0x614: {  	v1 =	vld [tilespmem:s11+$0xFFFFFF30];
	[tilespmem:s8+$0x30] =	vst v2  }
0x615: {  	v2 =	vld [tilespmem:s11+$0xFFFFFF40];
	[tilespmem:s8+$0x40] =	vst v3  }
0x616: {  	v3 =	vld [tilespmem:s11+$0xFFFFFF50];
	[tilespmem:s8+$0x50] =	vst v4  }
0x617: {  	v4 =	vld [tilespmem:s11+$0xFFFFFF60];
	[tilespmem:s8+$0x60] =	vst v5  }
0x618: {  	v5 =	vld [tilespmem:s11+$0xFFFFFF70]  }
0x619: {  	v7 =	vld [tilespmem:s11+$0xFFFFFF80]  }
0x61a: {  	v6 =	vld.idx.msk [tilespmem:v6+s7+$0x0], $0xffff  }
0x61b: {  	v8 =	vld [tilespmem:s11+$0xFFFFFF90]  }
0x61c: {  	v9 =	vld [tilespmem:s11+$0xFFFFFFA0]  }
0x61d: {  	v10 =	vld [tilespmem:s11+$0xFFFFFFB0]  }
0x61e: {  	v11 =	vld [tilespmem:s11+$0xFFFFFFC0]  }
0x61f: {  	s8 =	sadd.s32 $0x200, s8;
	v12 =	vld [tilespmem:s11+$0xFFFFFFD0]  }
0x620: {  	v13 =	vld [tilespmem:s11+$0xFFFFFFE0];
	[tilespmem:s8+$0x70] =	vst v6  }
0x621: {  	v6 =	vld [tilespmem:s11+$0xFFFFFFF0]  }
0x622: {  	v14 =	vld [tilespmem:s11+$0xFFFFFF10]  }
0x623: {  	v0 =	vld.idx.msk [tilespmem:v0+s7+$0x0], $0xffff  }
0x624: {  	v1 =	vld.idx.msk [tilespmem:v1+s7+$0x0], $0xffff  }
0x625: {  	v2 =	vld.idx.msk [tilespmem:v2+s7+$0x0], $0xffff  }
0x626: {  	v3 =	vld.idx.msk [tilespmem:v3+s7+$0x0], $0xffff  }
0x627: {  	v4 =	vld.idx.msk [tilespmem:v4+s7+$0x0], $0xffff  }
0x628: {  	v5 =	vld.idx.msk [tilespmem:v5+s7+$0x0], $0xffff  }
0x629: {  	[tilespmem:s8+$0xFFFFFF10] =	vst v0;
	v7 =	vld.idx.msk [tilespmem:v7+s7+$0x0], $0xffff  }
0x62a: {  	v14 =	vld.idx.msk [tilespmem:v14+s7+$0x0], $0xffff;
	[tilespmem:s8+$0xFFFFFF20] =	vst v1  }
0x62b: {  	[tilespmem:s8+$0xFFFFFF30] =	vst v2;
	v8 =	vld.idx.msk [tilespmem:v8+s7+$0x0], $0xffff  }
0x62c: {  	[tilespmem:s8+$0xFFFFFF40] =	vst v3;
	v0 =	vld.idx.msk [tilespmem:v9+s7+$0x0], $0xffff  }
.Ltmp36:
0x62d: {  	[tilespmem:s8+$0xFFFFFF50] =	vst v4;
	v1 =	vld.idx.msk [tilespmem:v10+s7+$0x0], $0xffff;
	(pc) =	sbr.rel @p0 .LBB2_74-.Ltmp36, $4  }
0x62e: {  	[tilespmem:s8+$0xFFFFFF60] =	vst v5;
	v2 =	vld.idx.msk [tilespmem:v11+s7+$0x0], $0xffff  }
0x62f: {  	[tilespmem:s8+$0xFFFFFF70] =	vst v7;
	v3 =	vld.idx.msk [tilespmem:v12+s7+$0x0], $0xffff  }
0x630: {  	[tilespmem:s8+$0xFFFFFF00] =	vst v14;
	v4 =	vld.idx.msk [tilespmem:v13+s7+$0x0], $0xffff  }
0x631: {  	s11 =	sadd.s32 $0x100, s11;
	[tilespmem:s8+$0x0] =	vst v8;
	v5 =	vld.idx.msk [tilespmem:v6+s7+$0x0], $0xffff  }
0x632: {  	[tilespmem:s8+$0x10] =	vst v0  }
0x633: {  	[tilespmem:s8+$0x20] =	vst v1  }
0x634: {  	[tilespmem:s8+$0x30] =	vst v2  }
0x635: {  	[tilespmem:s8+$0x40] =	vst v3  }
0x636: {  	s10 =	simm.s32 $0x1C700;
	[tilespmem:s8+$0x50] =	vst v4  }
0x637: {  	s12 =	sadd.s32 $0x0, s29;
	s11 =	simm.s32 $0x1C800;
	[tilespmem:s8+$0x60] =	vst v5;
	s8 =	simm.s32 $0x80  }
.LBB2_76:
0x638: {  	[hbm4b:s12+s3] =	stream.linear.scatter [tilespmem:s10], [sflag:$0x1], $0x80, $0x38;
	[tilespmem:$0x1E700] =	vst v63  }
0x639: {  	s12 =	smov.u32 s8;
	s10 =	smov.u32 s11;
	p0 =	sne.s32 s8, $0xF80  }
.Ltmp37:
0x63a: {  	s8 =	sadd.s32 $0x80, s8;
	(pc) =	sbr.rel @p0 .LBB2_76-.Ltmp37, $2  }
0x63b: {  	_ =	sdelay $0x2  }
0x63c: {  	s11 =	sadd.s32 $0x100, s11;
	s12 =	sadd.s32 s12, s29  }
0x63d: {  	[hbm4b:s12+s3] =	stream.linear.scatter [tilespmem:s10], [sflag:$0x1], $0x80, $0x38;
	[tilespmem:$0x1E700] =	vst v63  }
0x63e: {  	s8 =	simm.s32 $0x2  }
0x63f: {  	_ =	swait.ge [sflag:s8], $0x1000  }
0x640: {  	[sflag:s8] =	ssyncset.done $0x0  }
0x641: {  	s20 =	simm.s32 $0x30F0;
	[sflag:s8] =	ssyncadd.s32 $0xFFFFF000  }
0x642: {  	v0 =	vld [tilespmem:s20+$0x0]  }
0x643: {  	v1 =	vld [tilespmem:s20+$0xFFFFFF20]  }
0x644: {  	v2 =	vld [tilespmem:s20+$0xFFFFFF30]  }
0x645: {  	v3 =	vld [tilespmem:s20+$0xFFFFFF40]  }
0x646: {  	v4 =	vld [tilespmem:s20+$0xFFFFFF50]  }
0x647: {  	v5 =	vld [tilespmem:s20+$0xFFFFFF60]  }
0x648: {  	v6 =	vld [tilespmem:s20+$0xFFFFFF70]  }
0x649: {  	v7 =	vld [tilespmem:s20+$0xFFFFFF80]  }
0x64a: {  	v8 =	vld [tilespmem:s20+$0xFFFFFF90]  }
0x64b: {  	v9 =	vld [tilespmem:s20+$0xFFFFFFA0]  }
0x64c: {  	v10 =	vld [tilespmem:s20+$0xFFFFFFB0]  }
0x64d: {  	v11 =	vld [tilespmem:s20+$0xFFFFFFC0]  }
0x64e: {  	v12 =	vld [tilespmem:s20+$0xFFFFFFD0]  }
0x64f: {  	v13 =	vld [tilespmem:s20+$0xFFFFFFE0]  }
0x650: {  	v14 =	vld [tilespmem:s20+$0xFFFFFFF0]  }
0x651: {  	v15 =	vld [tilespmem:s20+$0xFFFFFF10]  }
0x652: {  	v0 =	vld.idx.msk [tilespmem:v0+s7+$0x0], $0xffff  }
0x653: {  	v1 =	vld.idx.msk [tilespmem:v1+s7+$0x0], $0xffff  }
0x654: {  	v2 =	vld.idx.msk [tilespmem:v2+s7+$0x0], $0xffff  }
0x655: {  	v3 =	vld.idx.msk [tilespmem:v3+s7+$0x0], $0xffff  }
0x656: {  	v4 =	vld.idx.msk [tilespmem:v4+s7+$0x0], $0xffff  }
0x657: {  	s8 =	simm.s32 $0x1C880;
	v5 =	vld.idx.msk [tilespmem:v5+s7+$0x0], $0xffff  }
0x658: {  	v6 =	vld.idx.msk [tilespmem:v6+s7+$0x0], $0xffff;
	[tilespmem:s8+$0x70] =	vst v0  }
0x659: {  	v7 =	vld.idx.msk [tilespmem:v7+s7+$0x0], $0xffff;
	[tilespmem:s8+$0xFFFFFF10] =	vst v1  }
0x65a: {  	v15 =	vld.idx.msk [tilespmem:v15+s7+$0x0], $0xffff;
	[tilespmem:s8+$0xFFFFFF20] =	vst v2  }
0x65b: {  	v8 =	vld.idx.msk [tilespmem:v8+s7+$0x0], $0xffff;
	[tilespmem:s8+$0xFFFFFF30] =	vst v3  }
0x65c: {  	[tilespmem:s8+$0xFFFFFF40] =	vst v4;
	v0 =	vld.idx.msk [tilespmem:v9+s7+$0x0], $0xffff  }
0x65d: {  	[tilespmem:s8+$0xFFFFFF50] =	vst v5;
	v1 =	vld.idx.msk [tilespmem:v10+s7+$0x0], $0xffff  }
0x65e: {  	[tilespmem:s8+$0xFFFFFF60] =	vst v6;
	v2 =	vld.idx.msk [tilespmem:v11+s7+$0x0], $0xffff  }
0x65f: {  	[tilespmem:s8+$0xFFFFFF70] =	vst v7;
	v3 =	vld.idx.msk [tilespmem:v12+s7+$0x0], $0xffff  }
0x660: {  	[tilespmem:s8+$0xFFFFFF00] =	vst v15;
	v4 =	vld.idx.msk [tilespmem:v13+s7+$0x0], $0xffff  }
0x661: {  	s10 =	simm.s32 $0x0;
	s11 =	simm.s32 $0x31F0;
	[tilespmem:s8+$0x0] =	vst v8;
	v5 =	vld.idx.msk [tilespmem:v14+s7+$0x0], $0xffff  }
.LBB2_78:
0x662: {  	v6 =	vld [tilespmem:s11+$0x0];
	s10 =	sadd.s32 $0x10, s10;
	[tilespmem:s8+$0x10] =	vst v0  }
0x663: {  	v0 =	vld [tilespmem:s11+$0xFFFFFF20];
	p0 =	slt.u32 s10, $0xF0;
	[tilespmem:s8+$0x20] =	vst v1  }
0x664: {  	v1 =	vld [tilespmem:s11+$0xFFFFFF30];
	[tilespmem:s8+$0x30] =	vst v2  }
0x665: {  	v2 =	vld [tilespmem:s11+$0xFFFFFF40];
	[tilespmem:s8+$0x40] =	vst v3  }
0x666: {  	v3 =	vld [tilespmem:s11+$0xFFFFFF50];
	[tilespmem:s8+$0x50] =	vst v4  }
0x667: {  	v4 =	vld [tilespmem:s11+$0xFFFFFF60];
	[tilespmem:s8+$0x60] =	vst v5  }
0x668: {  	v5 =	vld [tilespmem:s11+$0xFFFFFF70]  }
0x669: {  	v7 =	vld [tilespmem:s11+$0xFFFFFF80]  }
0x66a: {  	v6 =	vld.idx.msk [tilespmem:v6+s7+$0x0], $0xffff  }
0x66b: {  	v8 =	vld [tilespmem:s11+$0xFFFFFF90]  }
0x66c: {  	v9 =	vld [tilespmem:s11+$0xFFFFFFA0]  }
0x66d: {  	v10 =	vld [tilespmem:s11+$0xFFFFFFB0]  }
0x66e: {  	v11 =	vld [tilespmem:s11+$0xFFFFFFC0]  }
0x66f: {  	s8 =	sadd.s32 $0x200, s8;
	v12 =	vld [tilespmem:s11+$0xFFFFFFD0]  }
0x670: {  	v13 =	vld [tilespmem:s11+$0xFFFFFFE0];
	[tilespmem:s8+$0x70] =	vst v6  }
0x671: {  	v6 =	vld [tilespmem:s11+$0xFFFFFFF0]  }
0x672: {  	v14 =	vld [tilespmem:s11+$0xFFFFFF10]  }
0x673: {  	v0 =	vld.idx.msk [tilespmem:v0+s7+$0x0], $0xffff  }
0x674: {  	v1 =	vld.idx.msk [tilespmem:v1+s7+$0x0], $0xffff  }
0x675: {  	v2 =	vld.idx.msk [tilespmem:v2+s7+$0x0], $0xffff  }
0x676: {  	v3 =	vld.idx.msk [tilespmem:v3+s7+$0x0], $0xffff  }
0x677: {  	v4 =	vld.idx.msk [tilespmem:v4+s7+$0x0], $0xffff  }
0x678: {  	v5 =	vld.idx.msk [tilespmem:v5+s7+$0x0], $0xffff  }
0x679: {  	[tilespmem:s8+$0xFFFFFF10] =	vst v0;
	v7 =	vld.idx.msk [tilespmem:v7+s7+$0x0], $0xffff  }
0x67a: {  	v14 =	vld.idx.msk [tilespmem:v14+s7+$0x0], $0xffff;
	[tilespmem:s8+$0xFFFFFF20] =	vst v1  }
0x67b: {  	[tilespmem:s8+$0xFFFFFF30] =	vst v2;
	v8 =	vld.idx.msk [tilespmem:v8+s7+$0x0], $0xffff  }
0x67c: {  	[tilespmem:s8+$0xFFFFFF40] =	vst v3;
	v0 =	vld.idx.msk [tilespmem:v9+s7+$0x0], $0xffff  }
.Ltmp38:
0x67d: {  	[tilespmem:s8+$0xFFFFFF50] =	vst v4;
	v1 =	vld.idx.msk [tilespmem:v10+s7+$0x0], $0xffff;
	(pc) =	sbr.rel @p0 .LBB2_78-.Ltmp38, $4  }
0x67e: {  	[tilespmem:s8+$0xFFFFFF60] =	vst v5;
	v2 =	vld.idx.msk [tilespmem:v11+s7+$0x0], $0xffff  }
0x67f: {  	[tilespmem:s8+$0xFFFFFF70] =	vst v7;
	v3 =	vld.idx.msk [tilespmem:v12+s7+$0x0], $0xffff  }
0x680: {  	[tilespmem:s8+$0xFFFFFF00] =	vst v14;
	v4 =	vld.idx.msk [tilespmem:v13+s7+$0x0], $0xffff  }
0x681: {  	s11 =	sadd.s32 $0x100, s11;
	[tilespmem:s8+$0x0] =	vst v8;
	v5 =	vld.idx.msk [tilespmem:v6+s7+$0x0], $0xffff  }
0x682: {  	[tilespmem:s8+$0x10] =	vst v0  }
0x683: {  	[tilespmem:s8+$0x20] =	vst v1  }
0x684: {  	[tilespmem:s8+$0x30] =	vst v2  }
0x685: {  	[tilespmem:s8+$0x40] =	vst v3  }
0x686: {  	s10 =	simm.s32 $0x1C780;
	[tilespmem:s8+$0x50] =	vst v4  }
0x687: {  	s12 =	sadd.s32 $0x0, s30;
	s11 =	simm.s32 $0x1C880;
	[tilespmem:s8+$0x60] =	vst v5;
	s8 =	simm.s32 $0x80  }
.LBB2_80:
0x688: {  	[hbm4b:s12+s3] =	stream.linear.scatter [tilespmem:s10], [sflag:$0x2], $0x80, $0x38;
	[tilespmem:$0x1E700] =	vst v63  }
0x689: {  	s12 =	smov.u32 s8;
	s10 =	smov.u32 s11;
	p0 =	sne.s32 s8, $0xF80  }
.Ltmp39:
0x68a: {  	s8 =	sadd.s32 $0x80, s8;
	(pc) =	sbr.rel @p0 .LBB2_80-.Ltmp39, $2  }
0x68b: {  	_ =	sdelay $0x2  }
0x68c: {  	s11 =	sadd.s32 $0x100, s11;
	s12 =	sadd.s32 s12, s30  }
0x68d: {  	[hbm4b:s12+s3] =	stream.linear.scatter [tilespmem:s10], [sflag:$0x2], $0x80, $0x38;
	[tilespmem:$0x1E700] =	vst v63  }
0x68e: {  	s8 =	simm.s32 $0x80  }
0x68f: {  	s17 =	rddreg [dreg:$0x17];
	s11 =	simm.s32 $0x400;
	s18 =	simm.s32 $0x4  }
0x690: {  	[tilespmem:s7], [sflag:$0x4] =	stream.strided.gather [hbm4b:s17+s8], $0x18700, s11, s8, $0x38;
	[tilespmem:$0x1E700] =	vst v63  }
0x691: {  	_ =	swait.ge [sflag:s18], $0x18700  }
0x692: {  	[sflag:s18] =	ssyncset.done $0x0  }
0x693: {  	s20 =	simm.s32 $0x1;
	[sflag:s18] =	ssyncadd.s32 $0xFFFE7900  }
0x694: {  	_ =	swait.ge [sflag:s20], $0x1000  }
0x695: {  	[sflag:s20] =	ssyncset.done $0x0  }
0x696: {  	[sflag:s20] =	ssyncadd.s32 $0xFFFFF000  }
0x697: {  	v0 =	vld [tilespmem:s8+$0x70]  }
0x698: {  	v1 =	vld [tilespmem:s8+$0xFFFFFF90]  }
0x699: {  	v2 =	vld [tilespmem:s8+$0xFFFFFFA0]  }
0x69a: {  	v3 =	vld [tilespmem:s8+$0xFFFFFFB0]  }
0x69b: {  	v4 =	vld [tilespmem:s8+$0xFFFFFFC0]  }
0x69c: {  	v5 =	vld [tilespmem:s8+$0xFFFFFFD0]  }
0x69d: {  	v6 =	vld [tilespmem:s8+$0xFFFFFFE0]  }
0x69e: {  	v7 =	vld [tilespmem:s8+$0xFFFFFFF0]  }
0x69f: {  	v8 =	vld [tilespmem:s8+$0x0]  }
0x6a0: {  	v9 =	vld [tilespmem:s8+$0x10]  }
0x6a1: {  	v10 =	vld [tilespmem:s8+$0x20]  }
0x6a2: {  	v11 =	vld [tilespmem:s8+$0x30]  }
0x6a3: {  	v12 =	vld [tilespmem:s8+$0x40]  }
0x6a4: {  	v13 =	vld [tilespmem:s8+$0x50]  }
0x6a5: {  	v14 =	vld [tilespmem:s8+$0x60]  }
0x6a6: {  	v15 =	vld [tilespmem:s8+$0xFFFFFF80]  }
0x6a7: {  	v0 =	vld.idx.msk [tilespmem:v0+s7+$0x0], $0xffff  }
0x6a8: {  	v1 =	vld.idx.msk [tilespmem:v1+s7+$0x0], $0xffff  }
0x6a9: {  	v2 =	vld.idx.msk [tilespmem:v2+s7+$0x0], $0xffff  }
0x6aa: {  	v3 =	vld.idx.msk [tilespmem:v3+s7+$0x0], $0xffff  }
0x6ab: {  	v4 =	vld.idx.msk [tilespmem:v4+s7+$0x0], $0xffff  }
0x6ac: {  	s8 =	simm.s32 $0x1C800;
	v5 =	vld.idx.msk [tilespmem:v5+s7+$0x0], $0xffff  }
0x6ad: {  	v6 =	vld.idx.msk [tilespmem:v6+s7+$0x0], $0xffff;
	[tilespmem:s8+$0x70] =	vst v0  }
0x6ae: {  	v7 =	vld.idx.msk [tilespmem:v7+s7+$0x0], $0xffff;
	[tilespmem:s8+$0xFFFFFF10] =	vst v1  }
0x6af: {  	v15 =	vld.idx.msk [tilespmem:v15+s7+$0x0], $0xffff;
	[tilespmem:s8+$0xFFFFFF20] =	vst v2  }
0x6b0: {  	v8 =	vld.idx.msk [tilespmem:v8+s7+$0x0], $0xffff;
	[tilespmem:s8+$0xFFFFFF30] =	vst v3  }
0x6b1: {  	[tilespmem:s8+$0xFFFFFF40] =	vst v4;
	v0 =	vld.idx.msk [tilespmem:v9+s7+$0x0], $0xffff  }
0x6b2: {  	[tilespmem:s8+$0xFFFFFF50] =	vst v5;
	v1 =	vld.idx.msk [tilespmem:v10+s7+$0x0], $0xffff  }
0x6b3: {  	[tilespmem:s8+$0xFFFFFF60] =	vst v6;
	v2 =	vld.idx.msk [tilespmem:v11+s7+$0x0], $0xffff  }
0x6b4: {  	[tilespmem:s8+$0xFFFFFF70] =	vst v7;
	v3 =	vld.idx.msk [tilespmem:v12+s7+$0x0], $0xffff  }
0x6b5: {  	[tilespmem:s8+$0xFFFFFF00] =	vst v15;
	v4 =	vld.idx.msk [tilespmem:v13+s7+$0x0], $0xffff  }
0x6b6: {  	s10 =	simm.s32 $0x0;
	s11 =	simm.s32 $0x180;
	[tilespmem:s8+$0x0] =	vst v8;
	v5 =	vld.idx.msk [tilespmem:v14+s7+$0x0], $0xffff  }
.LBB2_82:
0x6b7: {  	v6 =	vld [tilespmem:s11+$0x70];
	s10 =	sadd.s32 $0x10, s10;
	[tilespmem:s8+$0x10] =	vst v0  }
0x6b8: {  	v0 =	vld [tilespmem:s11+$0xFFFFFF90];
	p0 =	slt.u32 s10, $0xF0;
	[tilespmem:s8+$0x20] =	vst v1  }
0x6b9: {  	v1 =	vld [tilespmem:s11+$0xFFFFFFA0];
	[tilespmem:s8+$0x30] =	vst v2  }
0x6ba: {  	v2 =	vld [tilespmem:s11+$0xFFFFFFB0];
	[tilespmem:s8+$0x40] =	vst v3  }
0x6bb: {  	v3 =	vld [tilespmem:s11+$0xFFFFFFC0];
	[tilespmem:s8+$0x50] =	vst v4  }
0x6bc: {  	v4 =	vld [tilespmem:s11+$0xFFFFFFD0];
	[tilespmem:s8+$0x60] =	vst v5  }
0x6bd: {  	v5 =	vld [tilespmem:s11+$0xFFFFFFE0]  }
0x6be: {  	v7 =	vld [tilespmem:s11+$0xFFFFFFF0]  }
0x6bf: {  	v6 =	vld.idx.msk [tilespmem:v6+s7+$0x0], $0xffff  }
0x6c0: {  	v8 =	vld [tilespmem:s11+$0x0]  }
0x6c1: {  	v9 =	vld [tilespmem:s11+$0x10]  }
0x6c2: {  	v10 =	vld [tilespmem:s11+$0x20]  }
0x6c3: {  	v11 =	vld [tilespmem:s11+$0x30]  }
0x6c4: {  	s8 =	sadd.s32 $0x200, s8;
	v12 =	vld [tilespmem:s11+$0x40]  }
0x6c5: {  	v13 =	vld [tilespmem:s11+$0x50];
	[tilespmem:s8+$0x70] =	vst v6  }
0x6c6: {  	v6 =	vld [tilespmem:s11+$0x60]  }
0x6c7: {  	v14 =	vld [tilespmem:s11+$0xFFFFFF80]  }
0x6c8: {  	v0 =	vld.idx.msk [tilespmem:v0+s7+$0x0], $0xffff  }
0x6c9: {  	v1 =	vld.idx.msk [tilespmem:v1+s7+$0x0], $0xffff  }
0x6ca: {  	v2 =	vld.idx.msk [tilespmem:v2+s7+$0x0], $0xffff  }
0x6cb: {  	v3 =	vld.idx.msk [tilespmem:v3+s7+$0x0], $0xffff  }
0x6cc: {  	v4 =	vld.idx.msk [tilespmem:v4+s7+$0x0], $0xffff  }
0x6cd: {  	v5 =	vld.idx.msk [tilespmem:v5+s7+$0x0], $0xffff  }
0x6ce: {  	[tilespmem:s8+$0xFFFFFF10] =	vst v0;
	v7 =	vld.idx.msk [tilespmem:v7+s7+$0x0], $0xffff  }
0x6cf: {  	v14 =	vld.idx.msk [tilespmem:v14+s7+$0x0], $0xffff;
	[tilespmem:s8+$0xFFFFFF20] =	vst v1  }
0x6d0: {  	[tilespmem:s8+$0xFFFFFF30] =	vst v2;
	v8 =	vld.idx.msk [tilespmem:v8+s7+$0x0], $0xffff  }
0x6d1: {  	[tilespmem:s8+$0xFFFFFF40] =	vst v3;
	v0 =	vld.idx.msk [tilespmem:v9+s7+$0x0], $0xffff  }
.Ltmp40:
0x6d2: {  	[tilespmem:s8+$0xFFFFFF50] =	vst v4;
	v1 =	vld.idx.msk [tilespmem:v10+s7+$0x0], $0xffff;
	(pc) =	sbr.rel @p0 .LBB2_82-.Ltmp40, $4  }
0x6d3: {  	[tilespmem:s8+$0xFFFFFF60] =	vst v5;
	v2 =	vld.idx.msk [tilespmem:v11+s7+$0x0], $0xffff  }
0x6d4: {  	[tilespmem:s8+$0xFFFFFF70] =	vst v7;
	v3 =	vld.idx.msk [tilespmem:v12+s7+$0x0], $0xffff  }
0x6d5: {  	[tilespmem:s8+$0xFFFFFF00] =	vst v14;
	v4 =	vld.idx.msk [tilespmem:v13+s7+$0x0], $0xffff  }
0x6d6: {  	s11 =	sadd.s32 $0x100, s11;
	[tilespmem:s8+$0x0] =	vst v8;
	v5 =	vld.idx.msk [tilespmem:v6+s7+$0x0], $0xffff  }
0x6d7: {  	[tilespmem:s8+$0x10] =	vst v0  }
0x6d8: {  	[tilespmem:s8+$0x20] =	vst v1  }
0x6d9: {  	[tilespmem:s8+$0x30] =	vst v2  }
0x6da: {  	[tilespmem:s8+$0x40] =	vst v3  }
0x6db: {  	s10 =	simm.s32 $0x1C700;
	[tilespmem:s8+$0x50] =	vst v4  }
0x6dc: {  	s12 =	sadd.s32 $0x0, s1;
	s11 =	simm.s32 $0x1C800;
	[tilespmem:s8+$0x60] =	vst v5;
	s8 =	simm.s32 $0x80  }
.LBB2_84:
0x6dd: {  	[hbm4b:s12+s3] =	stream.linear.scatter [tilespmem:s10], [sflag:$0x1], $0x80, $0x38;
	[tilespmem:$0x1E700] =	vst v63  }
0x6de: {  	s12 =	smov.u32 s8;
	s10 =	smov.u32 s11;
	p0 =	sne.s32 s8, $0xF80  }
.Ltmp41:
0x6df: {  	s8 =	sadd.s32 $0x80, s8;
	(pc) =	sbr.rel @p0 .LBB2_84-.Ltmp41, $2  }
0x6e0: {  	_ =	sdelay $0x2  }
0x6e1: {  	s11 =	sadd.s32 $0x100, s11;
	s12 =	sadd.s32 s12, s1  }
0x6e2: {  	[hbm4b:s12+s3] =	stream.linear.scatter [tilespmem:s10], [sflag:$0x1], $0x80, $0x38;
	[tilespmem:$0x1E700] =	vst v63  }
0x6e3: {  	s8 =	simm.s32 $0x2  }
0x6e4: {  	_ =	swait.ge [sflag:s8], $0x1000  }
0x6e5: {  	[sflag:s8] =	ssyncset.done $0x0  }
0x6e6: {  	s20 =	simm.s32 $0x10F0;
	[sflag:s8] =	ssyncadd.s32 $0xFFFFF000  }
0x6e7: {  	v0 =	vld [tilespmem:s20+$0x0]  }
0x6e8: {  	v1 =	vld [tilespmem:s20+$0xFFFFFF20]  }
0x6e9: {  	v2 =	vld [tilespmem:s20+$0xFFFFFF30]  }
0x6ea: {  	v3 =	vld [tilespmem:s20+$0xFFFFFF40]  }
0x6eb: {  	v4 =	vld [tilespmem:s20+$0xFFFFFF50]  }
0x6ec: {  	v5 =	vld [tilespmem:s20+$0xFFFFFF60]  }
0x6ed: {  	v6 =	vld [tilespmem:s20+$0xFFFFFF70]  }
0x6ee: {  	v7 =	vld [tilespmem:s20+$0xFFFFFF80]  }
0x6ef: {  	v8 =	vld [tilespmem:s20+$0xFFFFFF90]  }
0x6f0: {  	v9 =	vld [tilespmem:s20+$0xFFFFFFA0]  }
0x6f1: {  	v10 =	vld [tilespmem:s20+$0xFFFFFFB0]  }
0x6f2: {  	v11 =	vld [tilespmem:s20+$0xFFFFFFC0]  }
0x6f3: {  	v12 =	vld [tilespmem:s20+$0xFFFFFFD0]  }
0x6f4: {  	v13 =	vld [tilespmem:s20+$0xFFFFFFE0]  }
0x6f5: {  	v14 =	vld [tilespmem:s20+$0xFFFFFFF0]  }
0x6f6: {  	v15 =	vld [tilespmem:s20+$0xFFFFFF10]  }
0x6f7: {  	v0 =	vld.idx.msk [tilespmem:v0+s7+$0x0], $0xffff  }
0x6f8: {  	v1 =	vld.idx.msk [tilespmem:v1+s7+$0x0], $0xffff  }
0x6f9: {  	v2 =	vld.idx.msk [tilespmem:v2+s7+$0x0], $0xffff  }
0x6fa: {  	v3 =	vld.idx.msk [tilespmem:v3+s7+$0x0], $0xffff  }
0x6fb: {  	v4 =	vld.idx.msk [tilespmem:v4+s7+$0x0], $0xffff  }
0x6fc: {  	s8 =	simm.s32 $0x1C880;
	v5 =	vld.idx.msk [tilespmem:v5+s7+$0x0], $0xffff  }
0x6fd: {  	v6 =	vld.idx.msk [tilespmem:v6+s7+$0x0], $0xffff;
	[tilespmem:s8+$0x70] =	vst v0  }
0x6fe: {  	v7 =	vld.idx.msk [tilespmem:v7+s7+$0x0], $0xffff;
	[tilespmem:s8+$0xFFFFFF10] =	vst v1  }
0x6ff: {  	v15 =	vld.idx.msk [tilespmem:v15+s7+$0x0], $0xffff;
	[tilespmem:s8+$0xFFFFFF20] =	vst v2  }
0x700: {  	v8 =	vld.idx.msk [tilespmem:v8+s7+$0x0], $0xffff;
	[tilespmem:s8+$0xFFFFFF30] =	vst v3  }
0x701: {  	[tilespmem:s8+$0xFFFFFF40] =	vst v4;
	v0 =	vld.idx.msk [tilespmem:v9+s7+$0x0], $0xffff  }
0x702: {  	[tilespmem:s8+$0xFFFFFF50] =	vst v5;
	v1 =	vld.idx.msk [tilespmem:v10+s7+$0x0], $0xffff  }
0x703: {  	[tilespmem:s8+$0xFFFFFF60] =	vst v6;
	v2 =	vld.idx.msk [tilespmem:v11+s7+$0x0], $0xffff  }
0x704: {  	[tilespmem:s8+$0xFFFFFF70] =	vst v7;
	v3 =	vld.idx.msk [tilespmem:v12+s7+$0x0], $0xffff  }
0x705: {  	[tilespmem:s8+$0xFFFFFF00] =	vst v15;
	v4 =	vld.idx.msk [tilespmem:v13+s7+$0x0], $0xffff  }
0x706: {  	s10 =	simm.s32 $0x0;
	s11 =	simm.s32 $0x11F0;
	[tilespmem:s8+$0x0] =	vst v8;
	v5 =	vld.idx.msk [tilespmem:v14+s7+$0x0], $0xffff  }
.LBB2_86:
0x707: {  	v6 =	vld [tilespmem:s11+$0x0];
	s10 =	sadd.s32 $0x10, s10;
	[tilespmem:s8+$0x10] =	vst v0  }
0x708: {  	v0 =	vld [tilespmem:s11+$0xFFFFFF20];
	p0 =	slt.u32 s10, $0xF0;
	[tilespmem:s8+$0x20] =	vst v1  }
0x709: {  	v1 =	vld [tilespmem:s11+$0xFFFFFF30];
	[tilespmem:s8+$0x30] =	vst v2  }
0x70a: {  	v2 =	vld [tilespmem:s11+$0xFFFFFF40];
	[tilespmem:s8+$0x40] =	vst v3  }
0x70b: {  	v3 =	vld [tilespmem:s11+$0xFFFFFF50];
	[tilespmem:s8+$0x50] =	vst v4  }
0x70c: {  	v4 =	vld [tilespmem:s11+$0xFFFFFF60];
	[tilespmem:s8+$0x60] =	vst v5  }
0x70d: {  	v5 =	vld [tilespmem:s11+$0xFFFFFF70]  }
0x70e: {  	v7 =	vld [tilespmem:s11+$0xFFFFFF80]  }
0x70f: {  	v6 =	vld.idx.msk [tilespmem:v6+s7+$0x0], $0xffff  }
0x710: {  	v8 =	vld [tilespmem:s11+$0xFFFFFF90]  }
0x711: {  	v9 =	vld [tilespmem:s11+$0xFFFFFFA0]  }
0x712: {  	v10 =	vld [tilespmem:s11+$0xFFFFFFB0]  }
0x713: {  	v11 =	vld [tilespmem:s11+$0xFFFFFFC0]  }
0x714: {  	s8 =	sadd.s32 $0x200, s8;
	v12 =	vld [tilespmem:s11+$0xFFFFFFD0]  }
0x715: {  	v13 =	vld [tilespmem:s11+$0xFFFFFFE0];
	[tilespmem:s8+$0x70] =	vst v6  }
0x716: {  	v6 =	vld [tilespmem:s11+$0xFFFFFFF0]  }
0x717: {  	v14 =	vld [tilespmem:s11+$0xFFFFFF10]  }
0x718: {  	v0 =	vld.idx.msk [tilespmem:v0+s7+$0x0], $0xffff  }
0x719: {  	v1 =	vld.idx.msk [tilespmem:v1+s7+$0x0], $0xffff  }
0x71a: {  	v2 =	vld.idx.msk [tilespmem:v2+s7+$0x0], $0xffff  }
0x71b: {  	v3 =	vld.idx.msk [tilespmem:v3+s7+$0x0], $0xffff  }
0x71c: {  	v4 =	vld.idx.msk [tilespmem:v4+s7+$0x0], $0xffff  }
0x71d: {  	v5 =	vld.idx.msk [tilespmem:v5+s7+$0x0], $0xffff  }
0x71e: {  	[tilespmem:s8+$0xFFFFFF10] =	vst v0;
	v7 =	vld.idx.msk [tilespmem:v7+s7+$0x0], $0xffff  }
0x71f: {  	v14 =	vld.idx.msk [tilespmem:v14+s7+$0x0], $0xffff;
	[tilespmem:s8+$0xFFFFFF20] =	vst v1  }
0x720: {  	[tilespmem:s8+$0xFFFFFF30] =	vst v2;
	v8 =	vld.idx.msk [tilespmem:v8+s7+$0x0], $0xffff  }
0x721: {  	[tilespmem:s8+$0xFFFFFF40] =	vst v3;
	v0 =	vld.idx.msk [tilespmem:v9+s7+$0x0], $0xffff  }
.Ltmp42:
0x722: {  	[tilespmem:s8+$0xFFFFFF50] =	vst v4;
	v1 =	vld.idx.msk [tilespmem:v10+s7+$0x0], $0xffff;
	(pc) =	sbr.rel @p0 .LBB2_86-.Ltmp42, $4  }
0x723: {  	[tilespmem:s8+$0xFFFFFF60] =	vst v5;
	v2 =	vld.idx.msk [tilespmem:v11+s7+$0x0], $0xffff  }
0x724: {  	[tilespmem:s8+$0xFFFFFF70] =	vst v7;
	v3 =	vld.idx.msk [tilespmem:v12+s7+$0x0], $0xffff  }
0x725: {  	[tilespmem:s8+$0xFFFFFF00] =	vst v14;
	v4 =	vld.idx.msk [tilespmem:v13+s7+$0x0], $0xffff  }
0x726: {  	s11 =	sadd.s32 $0x100, s11;
	[tilespmem:s8+$0x0] =	vst v8;
	v5 =	vld.idx.msk [tilespmem:v6+s7+$0x0], $0xffff  }
0x727: {  	[tilespmem:s8+$0x10] =	vst v0  }
0x728: {  	[tilespmem:s8+$0x20] =	vst v1  }
0x729: {  	[tilespmem:s8+$0x30] =	vst v2  }
0x72a: {  	[tilespmem:s8+$0x40] =	vst v3  }
0x72b: {  	s10 =	simm.s32 $0x1C780;
	[tilespmem:s8+$0x50] =	vst v4  }
0x72c: {  	s12 =	sadd.s32 $0x0, s0;
	s11 =	simm.s32 $0x1C880;
	[tilespmem:s8+$0x60] =	vst v5;
	s8 =	simm.s32 $0x80  }
.LBB2_88:
0x72d: {  	[hbm4b:s12+s3] =	stream.linear.scatter [tilespmem:s10], [sflag:$0x2], $0x80, $0x38;
	[tilespmem:$0x1E700] =	vst v63  }
0x72e: {  	s12 =	smov.u32 s8;
	s10 =	smov.u32 s11;
	p0 =	sne.s32 s8, $0xF80  }
.Ltmp43:
0x72f: {  	s8 =	sadd.s32 $0x80, s8;
	(pc) =	sbr.rel @p0 .LBB2_88-.Ltmp43, $2  }
0x730: {  	_ =	sdelay $0x2  }
0x731: {  	s11 =	sadd.s32 $0x100, s11;
	s12 =	sadd.s32 s12, s0  }
0x732: {  	[hbm4b:s12+s3] =	stream.linear.scatter [tilespmem:s10], [sflag:$0x2], $0x80, $0x38;
	[tilespmem:$0x1E700] =	vst v63  }
0x733: {  	s8 =	simm.s32 $0x1  }
0x734: {  	_ =	swait.ge [sflag:s8], $0x1000  }
0x735: {  	[sflag:s8] =	ssyncset.done $0x0  }
0x736: {  	s20 =	simm.s32 $0x20F0;
	[sflag:s8] =	ssyncadd.s32 $0xFFFFF000  }
0x737: {  	v0 =	vld [tilespmem:s20+$0x0]  }
0x738: {  	v1 =	vld [tilespmem:s20+$0xFFFFFF20]  }
0x739: {  	v2 =	vld [tilespmem:s20+$0xFFFFFF30]  }
0x73a: {  	v3 =	vld [tilespmem:s20+$0xFFFFFF40]  }
0x73b: {  	v4 =	vld [tilespmem:s20+$0xFFFFFF50]  }
0x73c: {  	v5 =	vld [tilespmem:s20+$0xFFFFFF60]  }
0x73d: {  	v6 =	vld [tilespmem:s20+$0xFFFFFF70]  }
0x73e: {  	v7 =	vld [tilespmem:s20+$0xFFFFFF80]  }
0x73f: {  	v8 =	vld [tilespmem:s20+$0xFFFFFF90]  }
0x740: {  	v9 =	vld [tilespmem:s20+$0xFFFFFFA0]  }
0x741: {  	v10 =	vld [tilespmem:s20+$0xFFFFFFB0]  }
0x742: {  	v11 =	vld [tilespmem:s20+$0xFFFFFFC0]  }
0x743: {  	v12 =	vld [tilespmem:s20+$0xFFFFFFD0]  }
0x744: {  	v13 =	vld [tilespmem:s20+$0xFFFFFFE0]  }
0x745: {  	v14 =	vld [tilespmem:s20+$0xFFFFFFF0]  }
0x746: {  	v15 =	vld [tilespmem:s20+$0xFFFFFF10]  }
0x747: {  	v0 =	vld.idx.msk [tilespmem:v0+s7+$0x0], $0xffff  }
0x748: {  	v1 =	vld.idx.msk [tilespmem:v1+s7+$0x0], $0xffff  }
0x749: {  	v2 =	vld.idx.msk [tilespmem:v2+s7+$0x0], $0xffff  }
0x74a: {  	v3 =	vld.idx.msk [tilespmem:v3+s7+$0x0], $0xffff  }
0x74b: {  	v4 =	vld.idx.msk [tilespmem:v4+s7+$0x0], $0xffff  }
0x74c: {  	s8 =	simm.s32 $0x1C800;
	v5 =	vld.idx.msk [tilespmem:v5+s7+$0x0], $0xffff  }
0x74d: {  	v6 =	vld.idx.msk [tilespmem:v6+s7+$0x0], $0xffff;
	[tilespmem:s8+$0x70] =	vst v0  }
0x74e: {  	v7 =	vld.idx.msk [tilespmem:v7+s7+$0x0], $0xffff;
	[tilespmem:s8+$0xFFFFFF10] =	vst v1  }
0x74f: {  	v15 =	vld.idx.msk [tilespmem:v15+s7+$0x0], $0xffff;
	[tilespmem:s8+$0xFFFFFF20] =	vst v2  }
0x750: {  	v8 =	vld.idx.msk [tilespmem:v8+s7+$0x0], $0xffff;
	[tilespmem:s8+$0xFFFFFF30] =	vst v3  }
0x751: {  	[tilespmem:s8+$0xFFFFFF40] =	vst v4;
	v0 =	vld.idx.msk [tilespmem:v9+s7+$0x0], $0xffff  }
0x752: {  	[tilespmem:s8+$0xFFFFFF50] =	vst v5;
	v1 =	vld.idx.msk [tilespmem:v10+s7+$0x0], $0xffff  }
0x753: {  	[tilespmem:s8+$0xFFFFFF60] =	vst v6;
	v2 =	vld.idx.msk [tilespmem:v11+s7+$0x0], $0xffff  }
0x754: {  	[tilespmem:s8+$0xFFFFFF70] =	vst v7;
	v3 =	vld.idx.msk [tilespmem:v12+s7+$0x0], $0xffff  }
0x755: {  	[tilespmem:s8+$0xFFFFFF00] =	vst v15;
	v4 =	vld.idx.msk [tilespmem:v13+s7+$0x0], $0xffff  }
0x756: {  	s10 =	simm.s32 $0x0;
	s11 =	simm.s32 $0x21F0;
	[tilespmem:s8+$0x0] =	vst v8;
	v5 =	vld.idx.msk [tilespmem:v14+s7+$0x0], $0xffff  }
.LBB2_90:
0x757: {  	v6 =	vld [tilespmem:s11+$0x0];
	s10 =	sadd.s32 $0x10, s10;
	[tilespmem:s8+$0x10] =	vst v0  }
0x758: {  	v0 =	vld [tilespmem:s11+$0xFFFFFF20];
	p0 =	slt.u32 s10, $0xF0;
	[tilespmem:s8+$0x20] =	vst v1  }
0x759: {  	v1 =	vld [tilespmem:s11+$0xFFFFFF30];
	[tilespmem:s8+$0x30] =	vst v2  }
0x75a: {  	v2 =	vld [tilespmem:s11+$0xFFFFFF40];
	[tilespmem:s8+$0x40] =	vst v3  }
0x75b: {  	v3 =	vld [tilespmem:s11+$0xFFFFFF50];
	[tilespmem:s8+$0x50] =	vst v4  }
0x75c: {  	v4 =	vld [tilespmem:s11+$0xFFFFFF60];
	[tilespmem:s8+$0x60] =	vst v5  }
0x75d: {  	v5 =	vld [tilespmem:s11+$0xFFFFFF70]  }
0x75e: {  	v7 =	vld [tilespmem:s11+$0xFFFFFF80]  }
0x75f: {  	v6 =	vld.idx.msk [tilespmem:v6+s7+$0x0], $0xffff  }
0x760: {  	v8 =	vld [tilespmem:s11+$0xFFFFFF90]  }
0x761: {  	v9 =	vld [tilespmem:s11+$0xFFFFFFA0]  }
0x762: {  	v10 =	vld [tilespmem:s11+$0xFFFFFFB0]  }
0x763: {  	v11 =	vld [tilespmem:s11+$0xFFFFFFC0]  }
0x764: {  	s8 =	sadd.s32 $0x200, s8;
	v12 =	vld [tilespmem:s11+$0xFFFFFFD0]  }
0x765: {  	v13 =	vld [tilespmem:s11+$0xFFFFFFE0];
	[tilespmem:s8+$0x70] =	vst v6  }
0x766: {  	v6 =	vld [tilespmem:s11+$0xFFFFFFF0]  }
0x767: {  	v14 =	vld [tilespmem:s11+$0xFFFFFF10]  }
0x768: {  	v0 =	vld.idx.msk [tilespmem:v0+s7+$0x0], $0xffff  }
0x769: {  	v1 =	vld.idx.msk [tilespmem:v1+s7+$0x0], $0xffff  }
0x76a: {  	v2 =	vld.idx.msk [tilespmem:v2+s7+$0x0], $0xffff  }
0x76b: {  	v3 =	vld.idx.msk [tilespmem:v3+s7+$0x0], $0xffff  }
0x76c: {  	v4 =	vld.idx.msk [tilespmem:v4+s7+$0x0], $0xffff  }
0x76d: {  	v5 =	vld.idx.msk [tilespmem:v5+s7+$0x0], $0xffff  }
0x76e: {  	[tilespmem:s8+$0xFFFFFF10] =	vst v0;
	v7 =	vld.idx.msk [tilespmem:v7+s7+$0x0], $0xffff  }
0x76f: {  	v14 =	vld.idx.msk [tilespmem:v14+s7+$0x0], $0xffff;
	[tilespmem:s8+$0xFFFFFF20] =	vst v1  }
0x770: {  	[tilespmem:s8+$0xFFFFFF30] =	vst v2;
	v8 =	vld.idx.msk [tilespmem:v8+s7+$0x0], $0xffff  }
0x771: {  	[tilespmem:s8+$0xFFFFFF40] =	vst v3;
	v0 =	vld.idx.msk [tilespmem:v9+s7+$0x0], $0xffff  }
.Ltmp44:
0x772: {  	[tilespmem:s8+$0xFFFFFF50] =	vst v4;
	v1 =	vld.idx.msk [tilespmem:v10+s7+$0x0], $0xffff;
	(pc) =	sbr.rel @p0 .LBB2_90-.Ltmp44, $4  }
0x773: {  	[tilespmem:s8+$0xFFFFFF60] =	vst v5;
	v2 =	vld.idx.msk [tilespmem:v11+s7+$0x0], $0xffff  }
0x774: {  	[tilespmem:s8+$0xFFFFFF70] =	vst v7;
	v3 =	vld.idx.msk [tilespmem:v12+s7+$0x0], $0xffff  }
0x775: {  	[tilespmem:s8+$0xFFFFFF00] =	vst v14;
	v4 =	vld.idx.msk [tilespmem:v13+s7+$0x0], $0xffff  }
0x776: {  	s11 =	sadd.s32 $0x100, s11;
	[tilespmem:s8+$0x0] =	vst v8;
	v5 =	vld.idx.msk [tilespmem:v6+s7+$0x0], $0xffff  }
0x777: {  	[tilespmem:s8+$0x10] =	vst v0  }
0x778: {  	[tilespmem:s8+$0x20] =	vst v1  }
0x779: {  	[tilespmem:s8+$0x30] =	vst v2  }
0x77a: {  	[tilespmem:s8+$0x40] =	vst v3  }
0x77b: {  	s10 =	simm.s32 $0x1C700;
	[tilespmem:s8+$0x50] =	vst v4  }
0x77c: {  	s12 =	sadd.s32 $0x0, s2;
	s11 =	simm.s32 $0x1C800;
	[tilespmem:s8+$0x60] =	vst v5;
	s8 =	simm.s32 $0x80  }
.LBB2_92:
0x77d: {  	[hbm4b:s12+s3] =	stream.linear.scatter [tilespmem:s10], [sflag:$0x1], $0x80, $0x38;
	[tilespmem:$0x1E700] =	vst v63  }
0x77e: {  	s12 =	smov.u32 s8;
	s10 =	smov.u32 s11;
	p0 =	sne.s32 s8, $0xF80  }
.Ltmp45:
0x77f: {  	s8 =	sadd.s32 $0x80, s8;
	(pc) =	sbr.rel @p0 .LBB2_92-.Ltmp45, $2  }
0x780: {  	_ =	sdelay $0x2  }
0x781: {  	s11 =	sadd.s32 $0x100, s11;
	s12 =	sadd.s32 s12, s2  }
0x782: {  	[hbm4b:s12+s3] =	stream.linear.scatter [tilespmem:s10], [sflag:$0x1], $0x80, $0x38;
	[tilespmem:$0x1E700] =	vst v63  }
0x783: {  	s8 =	simm.s32 $0x2  }
0x784: {  	_ =	swait.ge [sflag:s8], $0x1000  }
0x785: {  	[sflag:s8] =	ssyncset.done $0x0  }
0x786: {  	s20 =	simm.s32 $0x30F0;
	[sflag:s8] =	ssyncadd.s32 $0xFFFFF000  }
0x787: {  	v0 =	vld [tilespmem:s20+$0x0]  }
0x788: {  	v1 =	vld [tilespmem:s20+$0xFFFFFF20]  }
0x789: {  	v2 =	vld [tilespmem:s20+$0xFFFFFF30]  }
0x78a: {  	v3 =	vld [tilespmem:s20+$0xFFFFFF40]  }
0x78b: {  	v4 =	vld [tilespmem:s20+$0xFFFFFF50]  }
0x78c: {  	v5 =	vld [tilespmem:s20+$0xFFFFFF60]  }
0x78d: {  	v6 =	vld [tilespmem:s20+$0xFFFFFF70]  }
0x78e: {  	v7 =	vld [tilespmem:s20+$0xFFFFFF80]  }
0x78f: {  	v8 =	vld [tilespmem:s20+$0xFFFFFF90]  }
0x790: {  	v9 =	vld [tilespmem:s20+$0xFFFFFFA0]  }
0x791: {  	v10 =	vld [tilespmem:s20+$0xFFFFFFB0]  }
0x792: {  	v11 =	vld [tilespmem:s20+$0xFFFFFFC0]  }
0x793: {  	v12 =	vld [tilespmem:s20+$0xFFFFFFD0]  }
0x794: {  	v13 =	vld [tilespmem:s20+$0xFFFFFFE0]  }
0x795: {  	v14 =	vld [tilespmem:s20+$0xFFFFFFF0]  }
0x796: {  	v15 =	vld [tilespmem:s20+$0xFFFFFF10]  }
0x797: {  	v0 =	vld.idx.msk [tilespmem:v0+s7+$0x0], $0xffff  }
0x798: {  	v1 =	vld.idx.msk [tilespmem:v1+s7+$0x0], $0xffff  }
0x799: {  	v2 =	vld.idx.msk [tilespmem:v2+s7+$0x0], $0xffff  }
0x79a: {  	v3 =	vld.idx.msk [tilespmem:v3+s7+$0x0], $0xffff  }
0x79b: {  	v4 =	vld.idx.msk [tilespmem:v4+s7+$0x0], $0xffff  }
0x79c: {  	s8 =	simm.s32 $0x1C880;
	v5 =	vld.idx.msk [tilespmem:v5+s7+$0x0], $0xffff  }
0x79d: {  	v6 =	vld.idx.msk [tilespmem:v6+s7+$0x0], $0xffff;
	[tilespmem:s8+$0x70] =	vst v0  }
0x79e: {  	v7 =	vld.idx.msk [tilespmem:v7+s7+$0x0], $0xffff;
	[tilespmem:s8+$0xFFFFFF10] =	vst v1  }
0x79f: {  	v15 =	vld.idx.msk [tilespmem:v15+s7+$0x0], $0xffff;
	[tilespmem:s8+$0xFFFFFF20] =	vst v2  }
0x7a0: {  	v8 =	vld.idx.msk [tilespmem:v8+s7+$0x0], $0xffff;
	[tilespmem:s8+$0xFFFFFF30] =	vst v3  }
0x7a1: {  	[tilespmem:s8+$0xFFFFFF40] =	vst v4;
	v0 =	vld.idx.msk [tilespmem:v9+s7+$0x0], $0xffff  }
0x7a2: {  	[tilespmem:s8+$0xFFFFFF50] =	vst v5;
	v1 =	vld.idx.msk [tilespmem:v10+s7+$0x0], $0xffff  }
0x7a3: {  	[tilespmem:s8+$0xFFFFFF60] =	vst v6;
	v2 =	vld.idx.msk [tilespmem:v11+s7+$0x0], $0xffff  }
0x7a4: {  	[tilespmem:s8+$0xFFFFFF70] =	vst v7;
	v3 =	vld.idx.msk [tilespmem:v12+s7+$0x0], $0xffff  }
0x7a5: {  	[tilespmem:s8+$0xFFFFFF00] =	vst v15;
	v4 =	vld.idx.msk [tilespmem:v13+s7+$0x0], $0xffff  }
0x7a6: {  	s10 =	simm.s32 $0x0;
	s11 =	simm.s32 $0x31F0;
	[tilespmem:s8+$0x0] =	vst v8;
	v5 =	vld.idx.msk [tilespmem:v14+s7+$0x0], $0xffff  }
.LBB2_94:
0x7a7: {  	v6 =	vld [tilespmem:s11+$0x0];
	s10 =	sadd.s32 $0x10, s10;
	[tilespmem:s8+$0x10] =	vst v0  }
0x7a8: {  	v0 =	vld [tilespmem:s11+$0xFFFFFF20];
	p0 =	slt.u32 s10, $0xF0;
	[tilespmem:s8+$0x20] =	vst v1  }
0x7a9: {  	v1 =	vld [tilespmem:s11+$0xFFFFFF30];
	[tilespmem:s8+$0x30] =	vst v2  }
0x7aa: {  	v2 =	vld [tilespmem:s11+$0xFFFFFF40];
	[tilespmem:s8+$0x40] =	vst v3  }
0x7ab: {  	v3 =	vld [tilespmem:s11+$0xFFFFFF50];
	[tilespmem:s8+$0x50] =	vst v4  }
0x7ac: {  	v4 =	vld [tilespmem:s11+$0xFFFFFF60];
	[tilespmem:s8+$0x60] =	vst v5  }
0x7ad: {  	v5 =	vld [tilespmem:s11+$0xFFFFFF70]  }
0x7ae: {  	v7 =	vld [tilespmem:s11+$0xFFFFFF80]  }
0x7af: {  	v6 =	vld.idx.msk [tilespmem:v6+s7+$0x0], $0xffff  }
0x7b0: {  	v8 =	vld [tilespmem:s11+$0xFFFFFF90]  }
0x7b1: {  	v9 =	vld [tilespmem:s11+$0xFFFFFFA0]  }
0x7b2: {  	v10 =	vld [tilespmem:s11+$0xFFFFFFB0]  }
0x7b3: {  	v11 =	vld [tilespmem:s11+$0xFFFFFFC0]  }
0x7b4: {  	s8 =	sadd.s32 $0x200, s8;
	v12 =	vld [tilespmem:s11+$0xFFFFFFD0]  }
0x7b5: {  	v13 =	vld [tilespmem:s11+$0xFFFFFFE0];
	[tilespmem:s8+$0x70] =	vst v6  }
0x7b6: {  	v6 =	vld [tilespmem:s11+$0xFFFFFFF0]  }
0x7b7: {  	v14 =	vld [tilespmem:s11+$0xFFFFFF10]  }
0x7b8: {  	v0 =	vld.idx.msk [tilespmem:v0+s7+$0x0], $0xffff  }
0x7b9: {  	v1 =	vld.idx.msk [tilespmem:v1+s7+$0x0], $0xffff  }
0x7ba: {  	v2 =	vld.idx.msk [tilespmem:v2+s7+$0x0], $0xffff  }
0x7bb: {  	v3 =	vld.idx.msk [tilespmem:v3+s7+$0x0], $0xffff  }
0x7bc: {  	v4 =	vld.idx.msk [tilespmem:v4+s7+$0x0], $0xffff  }
0x7bd: {  	v5 =	vld.idx.msk [tilespmem:v5+s7+$0x0], $0xffff  }
0x7be: {  	[tilespmem:s8+$0xFFFFFF10] =	vst v0;
	v7 =	vld.idx.msk [tilespmem:v7+s7+$0x0], $0xffff  }
0x7bf: {  	v14 =	vld.idx.msk [tilespmem:v14+s7+$0x0], $0xffff;
	[tilespmem:s8+$0xFFFFFF20] =	vst v1  }
0x7c0: {  	[tilespmem:s8+$0xFFFFFF30] =	vst v2;
	v8 =	vld.idx.msk [tilespmem:v8+s7+$0x0], $0xffff  }
0x7c1: {  	[tilespmem:s8+$0xFFFFFF40] =	vst v3;
	v0 =	vld.idx.msk [tilespmem:v9+s7+$0x0], $0xffff  }
.Ltmp46:
0x7c2: {  	[tilespmem:s8+$0xFFFFFF50] =	vst v4;
	v1 =	vld.idx.msk [tilespmem:v10+s7+$0x0], $0xffff;
	(pc) =	sbr.rel @p0 .LBB2_94-.Ltmp46, $4  }
0x7c3: {  	[tilespmem:s8+$0xFFFFFF60] =	vst v5;
	v2 =	vld.idx.msk [tilespmem:v11+s7+$0x0], $0xffff  }
0x7c4: {  	[tilespmem:s8+$0xFFFFFF70] =	vst v7;
	v3 =	vld.idx.msk [tilespmem:v12+s7+$0x0], $0xffff  }
0x7c5: {  	[tilespmem:s8+$0xFFFFFF00] =	vst v14;
	v4 =	vld.idx.msk [tilespmem:v13+s7+$0x0], $0xffff  }
0x7c6: {  	s11 =	sadd.s32 $0x100, s11;
	[tilespmem:s8+$0x0] =	vst v8;
	v5 =	vld.idx.msk [tilespmem:v6+s7+$0x0], $0xffff  }
0x7c7: {  	[tilespmem:s8+$0x10] =	vst v0  }
0x7c8: {  	[tilespmem:s8+$0x20] =	vst v1  }
0x7c9: {  	[tilespmem:s8+$0x30] =	vst v2  }
0x7ca: {  	[tilespmem:s8+$0x40] =	vst v3  }
0x7cb: {  	s10 =	simm.s32 $0x1C780;
	[tilespmem:s8+$0x50] =	vst v4  }
0x7cc: {  	s12 =	sadd.s32 $0x0, s9;
	s11 =	simm.s32 $0x1C880;
	[tilespmem:s8+$0x60] =	vst v5;
	s8 =	simm.s32 $0x80  }
.LBB2_96:
0x7cd: {  	[hbm4b:s12+s3] =	stream.linear.scatter [tilespmem:s10], [sflag:$0x2], $0x80, $0x38;
	[tilespmem:$0x1E700] =	vst v63  }
0x7ce: {  	s12 =	smov.u32 s8;
	s10 =	smov.u32 s11;
	p0 =	sne.s32 s8, $0xF80  }
.Ltmp47:
0x7cf: {  	s8 =	sadd.s32 $0x80, s8;
	(pc) =	sbr.rel @p0 .LBB2_96-.Ltmp47, $2  }
0x7d0: {  	_ =	sdelay $0x2  }
0x7d1: {  	s11 =	sadd.s32 $0x100, s11;
	s12 =	sadd.s32 s12, s9  }
0x7d2: {  	[hbm4b:s12+s3] =	stream.linear.scatter [tilespmem:s10], [sflag:$0x2], $0x80, $0x38;
	[tilespmem:$0x1E700] =	vst v63  }
0x7d3: {  	s8 =	simm.s32 $0x80  }
0x7d4: {  	s17 =	rddreg [dreg:$0x18];
	s11 =	simm.s32 $0x400;
	s18 =	simm.s32 $0x4  }
0x7d5: {  	[tilespmem:s7], [sflag:$0x4] =	stream.strided.gather [hbm4b:s17+s8], $0x18700, s11, s8, $0x38;
	[tilespmem:$0x1E700] =	vst v63  }
0x7d6: {  	_ =	swait.ge [sflag:s18], $0x18700  }
0x7d7: {  	[sflag:s18] =	ssyncset.done $0x0  }
0x7d8: {  	s20 =	simm.s32 $0x1;
	[sflag:s18] =	ssyncadd.s32 $0xFFFE7900  }
0x7d9: {  	_ =	swait.ge [sflag:s20], $0x1000  }
0x7da: {  	[sflag:s20] =	ssyncset.done $0x0  }
0x7db: {  	[sflag:s20] =	ssyncadd.s32 $0xFFFFF000  }
0x7dc: {  	v0 =	vld [tilespmem:s8+$0x70]  }
0x7dd: {  	v1 =	vld [tilespmem:s8+$0xFFFFFF90]  }
0x7de: {  	v2 =	vld [tilespmem:s8+$0xFFFFFFA0]  }
0x7df: {  	v3 =	vld [tilespmem:s8+$0xFFFFFFB0]  }
0x7e0: {  	v4 =	vld [tilespmem:s8+$0xFFFFFFC0]  }
0x7e1: {  	v5 =	vld [tilespmem:s8+$0xFFFFFFD0]  }
0x7e2: {  	v6 =	vld [tilespmem:s8+$0xFFFFFFE0]  }
0x7e3: {  	v7 =	vld [tilespmem:s8+$0xFFFFFFF0]  }
0x7e4: {  	v8 =	vld [tilespmem:s8+$0x0]  }
0x7e5: {  	v9 =	vld [tilespmem:s8+$0x10]  }
0x7e6: {  	v10 =	vld [tilespmem:s8+$0x20]  }
0x7e7: {  	v11 =	vld [tilespmem:s8+$0x30]  }
0x7e8: {  	v12 =	vld [tilespmem:s8+$0x40]  }
0x7e9: {  	v13 =	vld [tilespmem:s8+$0x50]  }
0x7ea: {  	v14 =	vld [tilespmem:s8+$0x60]  }
0x7eb: {  	v15 =	vld [tilespmem:s8+$0xFFFFFF80]  }
0x7ec: {  	v0 =	vld.idx.msk [tilespmem:v0+s7+$0x0], $0xffff  }
0x7ed: {  	v1 =	vld.idx.msk [tilespmem:v1+s7+$0x0], $0xffff  }
0x7ee: {  	v2 =	vld.idx.msk [tilespmem:v2+s7+$0x0], $0xffff  }
0x7ef: {  	v3 =	vld.idx.msk [tilespmem:v3+s7+$0x0], $0xffff  }
0x7f0: {  	v4 =	vld.idx.msk [tilespmem:v4+s7+$0x0], $0xffff  }
0x7f1: {  	s8 =	simm.s32 $0x1C800;
	v5 =	vld.idx.msk [tilespmem:v5+s7+$0x0], $0xffff  }
0x7f2: {  	v6 =	vld.idx.msk [tilespmem:v6+s7+$0x0], $0xffff;
	[tilespmem:s8+$0x70] =	vst v0  }
0x7f3: {  	v7 =	vld.idx.msk [tilespmem:v7+s7+$0x0], $0xffff;
	[tilespmem:s8+$0xFFFFFF10] =	vst v1  }
0x7f4: {  	v15 =	vld.idx.msk [tilespmem:v15+s7+$0x0], $0xffff;
	[tilespmem:s8+$0xFFFFFF20] =	vst v2  }
0x7f5: {  	v8 =	vld.idx.msk [tilespmem:v8+s7+$0x0], $0xffff;
	[tilespmem:s8+$0xFFFFFF30] =	vst v3  }
0x7f6: {  	[tilespmem:s8+$0xFFFFFF40] =	vst v4;
	v0 =	vld.idx.msk [tilespmem:v9+s7+$0x0], $0xffff  }
0x7f7: {  	[tilespmem:s8+$0xFFFFFF50] =	vst v5;
	v1 =	vld.idx.msk [tilespmem:v10+s7+$0x0], $0xffff  }
0x7f8: {  	[tilespmem:s8+$0xFFFFFF60] =	vst v6;
	v2 =	vld.idx.msk [tilespmem:v11+s7+$0x0], $0xffff  }
0x7f9: {  	[tilespmem:s8+$0xFFFFFF70] =	vst v7;
	v3 =	vld.idx.msk [tilespmem:v12+s7+$0x0], $0xffff  }
0x7fa: {  	[tilespmem:s8+$0xFFFFFF00] =	vst v15;
	v4 =	vld.idx.msk [tilespmem:v13+s7+$0x0], $0xffff  }
0x7fb: {  	s10 =	simm.s32 $0x0;
	s11 =	simm.s32 $0x180;
	[tilespmem:s8+$0x0] =	vst v8;
	v5 =	vld.idx.msk [tilespmem:v14+s7+$0x0], $0xffff  }
.LBB2_98:
0x7fc: {  	v6 =	vld [tilespmem:s11+$0x70];
	s10 =	sadd.s32 $0x10, s10;
	[tilespmem:s8+$0x10] =	vst v0  }
0x7fd: {  	v0 =	vld [tilespmem:s11+$0xFFFFFF90];
	p0 =	slt.u32 s10, $0xF0;
	[tilespmem:s8+$0x20] =	vst v1  }
0x7fe: {  	v1 =	vld [tilespmem:s11+$0xFFFFFFA0];
	[tilespmem:s8+$0x30] =	vst v2  }
0x7ff: {  	v2 =	vld [tilespmem:s11+$0xFFFFFFB0];
	[tilespmem:s8+$0x40] =	vst v3  }
0x800: {  	v3 =	vld [tilespmem:s11+$0xFFFFFFC0];
	[tilespmem:s8+$0x50] =	vst v4  }
0x801: {  	v4 =	vld [tilespmem:s11+$0xFFFFFFD0];
	[tilespmem:s8+$0x60] =	vst v5  }
0x802: {  	v5 =	vld [tilespmem:s11+$0xFFFFFFE0]  }
0x803: {  	v7 =	vld [tilespmem:s11+$0xFFFFFFF0]  }
0x804: {  	v6 =	vld.idx.msk [tilespmem:v6+s7+$0x0], $0xffff  }
0x805: {  	v8 =	vld [tilespmem:s11+$0x0]  }
0x806: {  	v9 =	vld [tilespmem:s11+$0x10]  }
0x807: {  	v10 =	vld [tilespmem:s11+$0x20]  }
0x808: {  	v11 =	vld [tilespmem:s11+$0x30]  }
0x809: {  	s8 =	sadd.s32 $0x200, s8;
	v12 =	vld [tilespmem:s11+$0x40]  }
0x80a: {  	v13 =	vld [tilespmem:s11+$0x50];
	[tilespmem:s8+$0x70] =	vst v6  }
0x80b: {  	v6 =	vld [tilespmem:s11+$0x60]  }
0x80c: {  	v14 =	vld [tilespmem:s11+$0xFFFFFF80]  }
0x80d: {  	v0 =	vld.idx.msk [tilespmem:v0+s7+$0x0], $0xffff  }
0x80e: {  	v1 =	vld.idx.msk [tilespmem:v1+s7+$0x0], $0xffff  }
0x80f: {  	v2 =	vld.idx.msk [tilespmem:v2+s7+$0x0], $0xffff  }
0x810: {  	v3 =	vld.idx.msk [tilespmem:v3+s7+$0x0], $0xffff  }
0x811: {  	v4 =	vld.idx.msk [tilespmem:v4+s7+$0x0], $0xffff  }
0x812: {  	v5 =	vld.idx.msk [tilespmem:v5+s7+$0x0], $0xffff  }
0x813: {  	[tilespmem:s8+$0xFFFFFF10] =	vst v0;
	v7 =	vld.idx.msk [tilespmem:v7+s7+$0x0], $0xffff  }
0x814: {  	v14 =	vld.idx.msk [tilespmem:v14+s7+$0x0], $0xffff;
	[tilespmem:s8+$0xFFFFFF20] =	vst v1  }
0x815: {  	[tilespmem:s8+$0xFFFFFF30] =	vst v2;
	v8 =	vld.idx.msk [tilespmem:v8+s7+$0x0], $0xffff  }
0x816: {  	[tilespmem:s8+$0xFFFFFF40] =	vst v3;
	v0 =	vld.idx.msk [tilespmem:v9+s7+$0x0], $0xffff  }
.Ltmp48:
0x817: {  	[tilespmem:s8+$0xFFFFFF50] =	vst v4;
	v1 =	vld.idx.msk [tilespmem:v10+s7+$0x0], $0xffff;
	(pc) =	sbr.rel @p0 .LBB2_98-.Ltmp48, $4  }
0x818: {  	[tilespmem:s8+$0xFFFFFF60] =	vst v5;
	v2 =	vld.idx.msk [tilespmem:v11+s7+$0x0], $0xffff  }
0x819: {  	[tilespmem:s8+$0xFFFFFF70] =	vst v7;
	v3 =	vld.idx.msk [tilespmem:v12+s7+$0x0], $0xffff  }
0x81a: {  	[tilespmem:s8+$0xFFFFFF00] =	vst v14;
	v4 =	vld.idx.msk [tilespmem:v13+s7+$0x0], $0xffff  }
0x81b: {  	s11 =	sadd.s32 $0x100, s11;
	[tilespmem:s8+$0x0] =	vst v8;
	v5 =	vld.idx.msk [tilespmem:v6+s7+$0x0], $0xffff  }
0x81c: {  	[tilespmem:s8+$0x10] =	vst v0  }
0x81d: {  	[tilespmem:s8+$0x20] =	vst v1  }
0x81e: {  	[tilespmem:s8+$0x30] =	vst v2  }
0x81f: {  	[tilespmem:s8+$0x40] =	vst v3  }
0x820: {  	s10 =	simm.s32 $0x1C700;
	[tilespmem:s8+$0x50] =	vst v4  }
0x821: {  	s12 =	sadd.s32 $0x0, s19;
	s11 =	simm.s32 $0x1C800;
	[tilespmem:s8+$0x60] =	vst v5;
	s8 =	simm.s32 $0x80  }
.LBB2_100:
0x822: {  	[hbm4b:s12+s3] =	stream.linear.scatter [tilespmem:s10], [sflag:$0x1], $0x80, $0x38;
	[tilespmem:$0x1E700] =	vst v63  }
0x823: {  	s12 =	smov.u32 s8;
	s10 =	smov.u32 s11;
	p0 =	sne.s32 s8, $0xF80  }
.Ltmp49:
0x824: {  	s8 =	sadd.s32 $0x80, s8;
	(pc) =	sbr.rel @p0 .LBB2_100-.Ltmp49, $2  }
0x825: {  	_ =	sdelay $0x2  }
0x826: {  	s11 =	sadd.s32 $0x100, s11;
	s12 =	sadd.s32 s12, s19  }
0x827: {  	[hbm4b:s12+s3] =	stream.linear.scatter [tilespmem:s10], [sflag:$0x1], $0x80, $0x38;
	[tilespmem:$0x1E700] =	vst v63  }
0x828: {  	s8 =	simm.s32 $0x2  }
0x829: {  	_ =	swait.ge [sflag:s8], $0x1000  }
0x82a: {  	[sflag:s8] =	ssyncset.done $0x0  }
0x82b: {  	s20 =	simm.s32 $0x10F0;
	[sflag:s8] =	ssyncadd.s32 $0xFFFFF000  }
0x82c: {  	v0 =	vld [tilespmem:s20+$0x0]  }
0x82d: {  	v1 =	vld [tilespmem:s20+$0xFFFFFF20]  }
0x82e: {  	v2 =	vld [tilespmem:s20+$0xFFFFFF30]  }
0x82f: {  	v3 =	vld [tilespmem:s20+$0xFFFFFF40]  }
0x830: {  	v4 =	vld [tilespmem:s20+$0xFFFFFF50]  }
0x831: {  	v5 =	vld [tilespmem:s20+$0xFFFFFF60]  }
0x832: {  	v6 =	vld [tilespmem:s20+$0xFFFFFF70]  }
0x833: {  	v7 =	vld [tilespmem:s20+$0xFFFFFF80]  }
0x834: {  	v8 =	vld [tilespmem:s20+$0xFFFFFF90]  }
0x835: {  	v9 =	vld [tilespmem:s20+$0xFFFFFFA0]  }
0x836: {  	v10 =	vld [tilespmem:s20+$0xFFFFFFB0]  }
0x837: {  	v11 =	vld [tilespmem:s20+$0xFFFFFFC0]  }
0x838: {  	v12 =	vld [tilespmem:s20+$0xFFFFFFD0]  }
0x839: {  	v13 =	vld [tilespmem:s20+$0xFFFFFFE0]  }
0x83a: {  	v14 =	vld [tilespmem:s20+$0xFFFFFFF0]  }
0x83b: {  	v15 =	vld [tilespmem:s20+$0xFFFFFF10]  }
0x83c: {  	v0 =	vld.idx.msk [tilespmem:v0+s7+$0x0], $0xffff  }
0x83d: {  	v1 =	vld.idx.msk [tilespmem:v1+s7+$0x0], $0xffff  }
0x83e: {  	v2 =	vld.idx.msk [tilespmem:v2+s7+$0x0], $0xffff  }
0x83f: {  	v3 =	vld.idx.msk [tilespmem:v3+s7+$0x0], $0xffff  }
0x840: {  	v4 =	vld.idx.msk [tilespmem:v4+s7+$0x0], $0xffff  }
0x841: {  	s8 =	simm.s32 $0x1C880;
	v5 =	vld.idx.msk [tilespmem:v5+s7+$0x0], $0xffff  }
0x842: {  	v6 =	vld.idx.msk [tilespmem:v6+s7+$0x0], $0xffff;
	[tilespmem:s8+$0x70] =	vst v0  }
0x843: {  	v7 =	vld.idx.msk [tilespmem:v7+s7+$0x0], $0xffff;
	[tilespmem:s8+$0xFFFFFF10] =	vst v1  }
0x844: {  	v15 =	vld.idx.msk [tilespmem:v15+s7+$0x0], $0xffff;
	[tilespmem:s8+$0xFFFFFF20] =	vst v2  }
0x845: {  	v8 =	vld.idx.msk [tilespmem:v8+s7+$0x0], $0xffff;
	[tilespmem:s8+$0xFFFFFF30] =	vst v3  }
0x846: {  	[tilespmem:s8+$0xFFFFFF40] =	vst v4;
	v0 =	vld.idx.msk [tilespmem:v9+s7+$0x0], $0xffff  }
0x847: {  	[tilespmem:s8+$0xFFFFFF50] =	vst v5;
	v1 =	vld.idx.msk [tilespmem:v10+s7+$0x0], $0xffff  }
0x848: {  	[tilespmem:s8+$0xFFFFFF60] =	vst v6;
	v2 =	vld.idx.msk [tilespmem:v11+s7+$0x0], $0xffff  }
0x849: {  	[tilespmem:s8+$0xFFFFFF70] =	vst v7;
	v3 =	vld.idx.msk [tilespmem:v12+s7+$0x0], $0xffff  }
0x84a: {  	[tilespmem:s8+$0xFFFFFF00] =	vst v15;
	v4 =	vld.idx.msk [tilespmem:v13+s7+$0x0], $0xffff  }
0x84b: {  	s10 =	simm.s32 $0x0;
	s11 =	simm.s32 $0x11F0;
	[tilespmem:s8+$0x0] =	vst v8;
	v5 =	vld.idx.msk [tilespmem:v14+s7+$0x0], $0xffff  }
.LBB2_102:
0x84c: {  	v6 =	vld [tilespmem:s11+$0x0];
	s10 =	sadd.s32 $0x10, s10;
	[tilespmem:s8+$0x10] =	vst v0  }
0x84d: {  	v0 =	vld [tilespmem:s11+$0xFFFFFF20];
	p0 =	slt.u32 s10, $0xF0;
	[tilespmem:s8+$0x20] =	vst v1  }
0x84e: {  	v1 =	vld [tilespmem:s11+$0xFFFFFF30];
	[tilespmem:s8+$0x30] =	vst v2  }
0x84f: {  	v2 =	vld [tilespmem:s11+$0xFFFFFF40];
	[tilespmem:s8+$0x40] =	vst v3  }
0x850: {  	v3 =	vld [tilespmem:s11+$0xFFFFFF50];
	[tilespmem:s8+$0x50] =	vst v4  }
0x851: {  	v4 =	vld [tilespmem:s11+$0xFFFFFF60];
	[tilespmem:s8+$0x60] =	vst v5  }
0x852: {  	v5 =	vld [tilespmem:s11+$0xFFFFFF70]  }
0x853: {  	v7 =	vld [tilespmem:s11+$0xFFFFFF80]  }
0x854: {  	v6 =	vld.idx.msk [tilespmem:v6+s7+$0x0], $0xffff  }
0x855: {  	v8 =	vld [tilespmem:s11+$0xFFFFFF90]  }
0x856: {  	v9 =	vld [tilespmem:s11+$0xFFFFFFA0]  }
0x857: {  	v10 =	vld [tilespmem:s11+$0xFFFFFFB0]  }
0x858: {  	v11 =	vld [tilespmem:s11+$0xFFFFFFC0]  }
0x859: {  	s8 =	sadd.s32 $0x200, s8;
	v12 =	vld [tilespmem:s11+$0xFFFFFFD0]  }
0x85a: {  	v13 =	vld [tilespmem:s11+$0xFFFFFFE0];
	[tilespmem:s8+$0x70] =	vst v6  }
0x85b: {  	v6 =	vld [tilespmem:s11+$0xFFFFFFF0]  }
0x85c: {  	v14 =	vld [tilespmem:s11+$0xFFFFFF10]  }
0x85d: {  	v0 =	vld.idx.msk [tilespmem:v0+s7+$0x0], $0xffff  }
0x85e: {  	v1 =	vld.idx.msk [tilespmem:v1+s7+$0x0], $0xffff  }
0x85f: {  	v2 =	vld.idx.msk [tilespmem:v2+s7+$0x0], $0xffff  }
0x860: {  	v3 =	vld.idx.msk [tilespmem:v3+s7+$0x0], $0xffff  }
0x861: {  	v4 =	vld.idx.msk [tilespmem:v4+s7+$0x0], $0xffff  }
0x862: {  	v5 =	vld.idx.msk [tilespmem:v5+s7+$0x0], $0xffff  }
0x863: {  	[tilespmem:s8+$0xFFFFFF10] =	vst v0;
	v7 =	vld.idx.msk [tilespmem:v7+s7+$0x0], $0xffff  }
0x864: {  	v14 =	vld.idx.msk [tilespmem:v14+s7+$0x0], $0xffff;
	[tilespmem:s8+$0xFFFFFF20] =	vst v1  }
0x865: {  	[tilespmem:s8+$0xFFFFFF30] =	vst v2;
	v8 =	vld.idx.msk [tilespmem:v8+s7+$0x0], $0xffff  }
0x866: {  	[tilespmem:s8+$0xFFFFFF40] =	vst v3;
	v0 =	vld.idx.msk [tilespmem:v9+s7+$0x0], $0xffff  }
.Ltmp50:
0x867: {  	[tilespmem:s8+$0xFFFFFF50] =	vst v4;
	v1 =	vld.idx.msk [tilespmem:v10+s7+$0x0], $0xffff;
	(pc) =	sbr.rel @p0 .LBB2_102-.Ltmp50, $4  }
0x868: {  	[tilespmem:s8+$0xFFFFFF60] =	vst v5;
	v2 =	vld.idx.msk [tilespmem:v11+s7+$0x0], $0xffff  }
0x869: {  	[tilespmem:s8+$0xFFFFFF70] =	vst v7;
	v3 =	vld.idx.msk [tilespmem:v12+s7+$0x0], $0xffff  }
0x86a: {  	[tilespmem:s8+$0xFFFFFF00] =	vst v14;
	v4 =	vld.idx.msk [tilespmem:v13+s7+$0x0], $0xffff  }
0x86b: {  	s11 =	sadd.s32 $0x100, s11;
	[tilespmem:s8+$0x0] =	vst v8;
	v5 =	vld.idx.msk [tilespmem:v6+s7+$0x0], $0xffff  }
0x86c: {  	[tilespmem:s8+$0x10] =	vst v0  }
0x86d: {  	[tilespmem:s8+$0x20] =	vst v1  }
0x86e: {  	[tilespmem:s8+$0x30] =	vst v2  }
0x86f: {  	[tilespmem:s8+$0x40] =	vst v3  }
0x870: {  	s10 =	simm.s32 $0x1C780;
	[tilespmem:s8+$0x50] =	vst v4  }
0x871: {  	s12 =	sadd.s32 $0x0, s24;
	s11 =	simm.s32 $0x1C880;
	[tilespmem:s8+$0x60] =	vst v5;
	s8 =	simm.s32 $0x80  }
.LBB2_104:
0x872: {  	[hbm4b:s12+s3] =	stream.linear.scatter [tilespmem:s10], [sflag:$0x2], $0x80, $0x38;
	[tilespmem:$0x1E700] =	vst v63  }
0x873: {  	s12 =	smov.u32 s8;
	s10 =	smov.u32 s11;
	p0 =	sne.s32 s8, $0xF80  }
.Ltmp51:
0x874: {  	s8 =	sadd.s32 $0x80, s8;
	(pc) =	sbr.rel @p0 .LBB2_104-.Ltmp51, $2  }
0x875: {  	_ =	sdelay $0x2  }
0x876: {  	s11 =	sadd.s32 $0x100, s11;
	s12 =	sadd.s32 s12, s24  }
0x877: {  	[hbm4b:s12+s3] =	stream.linear.scatter [tilespmem:s10], [sflag:$0x2], $0x80, $0x38;
	[tilespmem:$0x1E700] =	vst v63  }
0x878: {  	s8 =	simm.s32 $0x1  }
0x879: {  	_ =	swait.ge [sflag:s8], $0x1000  }
0x87a: {  	[sflag:s8] =	ssyncset.done $0x0  }
0x87b: {  	s20 =	simm.s32 $0x20F0;
	[sflag:s8] =	ssyncadd.s32 $0xFFFFF000  }
0x87c: {  	v0 =	vld [tilespmem:s20+$0x0]  }
0x87d: {  	v1 =	vld [tilespmem:s20+$0xFFFFFF20]  }
0x87e: {  	v2 =	vld [tilespmem:s20+$0xFFFFFF30]  }
0x87f: {  	v3 =	vld [tilespmem:s20+$0xFFFFFF40]  }
0x880: {  	v4 =	vld [tilespmem:s20+$0xFFFFFF50]  }
0x881: {  	v5 =	vld [tilespmem:s20+$0xFFFFFF60]  }
0x882: {  	v6 =	vld [tilespmem:s20+$0xFFFFFF70]  }
0x883: {  	v7 =	vld [tilespmem:s20+$0xFFFFFF80]  }
0x884: {  	v8 =	vld [tilespmem:s20+$0xFFFFFF90]  }
0x885: {  	v9 =	vld [tilespmem:s20+$0xFFFFFFA0]  }
0x886: {  	v10 =	vld [tilespmem:s20+$0xFFFFFFB0]  }
0x887: {  	v11 =	vld [tilespmem:s20+$0xFFFFFFC0]  }
0x888: {  	v12 =	vld [tilespmem:s20+$0xFFFFFFD0]  }
0x889: {  	v13 =	vld [tilespmem:s20+$0xFFFFFFE0]  }
0x88a: {  	v14 =	vld [tilespmem:s20+$0xFFFFFFF0]  }
0x88b: {  	v15 =	vld [tilespmem:s20+$0xFFFFFF10]  }
0x88c: {  	v0 =	vld.idx.msk [tilespmem:v0+s7+$0x0], $0xffff  }
0x88d: {  	v1 =	vld.idx.msk [tilespmem:v1+s7+$0x0], $0xffff  }
0x88e: {  	v2 =	vld.idx.msk [tilespmem:v2+s7+$0x0], $0xffff  }
0x88f: {  	v3 =	vld.idx.msk [tilespmem:v3+s7+$0x0], $0xffff  }
0x890: {  	v4 =	vld.idx.msk [tilespmem:v4+s7+$0x0], $0xffff  }
0x891: {  	s8 =	simm.s32 $0x1C800;
	v5 =	vld.idx.msk [tilespmem:v5+s7+$0x0], $0xffff  }
0x892: {  	v6 =	vld.idx.msk [tilespmem:v6+s7+$0x0], $0xffff;
	[tilespmem:s8+$0x70] =	vst v0  }
0x893: {  	v7 =	vld.idx.msk [tilespmem:v7+s7+$0x0], $0xffff;
	[tilespmem:s8+$0xFFFFFF10] =	vst v1  }
0x894: {  	v15 =	vld.idx.msk [tilespmem:v15+s7+$0x0], $0xffff;
	[tilespmem:s8+$0xFFFFFF20] =	vst v2  }
0x895: {  	v8 =	vld.idx.msk [tilespmem:v8+s7+$0x0], $0xffff;
	[tilespmem:s8+$0xFFFFFF30] =	vst v3  }
0x896: {  	[tilespmem:s8+$0xFFFFFF40] =	vst v4;
	v0 =	vld.idx.msk [tilespmem:v9+s7+$0x0], $0xffff  }
0x897: {  	[tilespmem:s8+$0xFFFFFF50] =	vst v5;
	v1 =	vld.idx.msk [tilespmem:v10+s7+$0x0], $0xffff  }
0x898: {  	[tilespmem:s8+$0xFFFFFF60] =	vst v6;
	v2 =	vld.idx.msk [tilespmem:v11+s7+$0x0], $0xffff  }
0x899: {  	[tilespmem:s8+$0xFFFFFF70] =	vst v7;
	v3 =	vld.idx.msk [tilespmem:v12+s7+$0x0], $0xffff  }
0x89a: {  	[tilespmem:s8+$0xFFFFFF00] =	vst v15;
	v4 =	vld.idx.msk [tilespmem:v13+s7+$0x0], $0xffff  }
0x89b: {  	s10 =	simm.s32 $0x0;
	s11 =	simm.s32 $0x21F0;
	[tilespmem:s8+$0x0] =	vst v8;
	v5 =	vld.idx.msk [tilespmem:v14+s7+$0x0], $0xffff  }
.LBB2_106:
0x89c: {  	v6 =	vld [tilespmem:s11+$0x0];
	s10 =	sadd.s32 $0x10, s10;
	[tilespmem:s8+$0x10] =	vst v0  }
0x89d: {  	v0 =	vld [tilespmem:s11+$0xFFFFFF20];
	p0 =	slt.u32 s10, $0xF0;
	[tilespmem:s8+$0x20] =	vst v1  }
0x89e: {  	v1 =	vld [tilespmem:s11+$0xFFFFFF30];
	[tilespmem:s8+$0x30] =	vst v2  }
0x89f: {  	v2 =	vld [tilespmem:s11+$0xFFFFFF40];
	[tilespmem:s8+$0x40] =	vst v3  }
0x8a0: {  	v3 =	vld [tilespmem:s11+$0xFFFFFF50];
	[tilespmem:s8+$0x50] =	vst v4  }
0x8a1: {  	v4 =	vld [tilespmem:s11+$0xFFFFFF60];
	[tilespmem:s8+$0x60] =	vst v5  }
0x8a2: {  	v5 =	vld [tilespmem:s11+$0xFFFFFF70]  }
0x8a3: {  	v7 =	vld [tilespmem:s11+$0xFFFFFF80]  }
0x8a4: {  	v6 =	vld.idx.msk [tilespmem:v6+s7+$0x0], $0xffff  }
0x8a5: {  	v8 =	vld [tilespmem:s11+$0xFFFFFF90]  }
0x8a6: {  	v9 =	vld [tilespmem:s11+$0xFFFFFFA0]  }
0x8a7: {  	v10 =	vld [tilespmem:s11+$0xFFFFFFB0]  }
0x8a8: {  	v11 =	vld [tilespmem:s11+$0xFFFFFFC0]  }
0x8a9: {  	s8 =	sadd.s32 $0x200, s8;
	v12 =	vld [tilespmem:s11+$0xFFFFFFD0]  }
0x8aa: {  	v13 =	vld [tilespmem:s11+$0xFFFFFFE0];
	[tilespmem:s8+$0x70] =	vst v6  }
0x8ab: {  	v6 =	vld [tilespmem:s11+$0xFFFFFFF0]  }
0x8ac: {  	v14 =	vld [tilespmem:s11+$0xFFFFFF10]  }
0x8ad: {  	v0 =	vld.idx.msk [tilespmem:v0+s7+$0x0], $0xffff  }
0x8ae: {  	v1 =	vld.idx.msk [tilespmem:v1+s7+$0x0], $0xffff  }
0x8af: {  	v2 =	vld.idx.msk [tilespmem:v2+s7+$0x0], $0xffff  }
0x8b0: {  	v3 =	vld.idx.msk [tilespmem:v3+s7+$0x0], $0xffff  }
0x8b1: {  	v4 =	vld.idx.msk [tilespmem:v4+s7+$0x0], $0xffff  }
0x8b2: {  	v5 =	vld.idx.msk [tilespmem:v5+s7+$0x0], $0xffff  }
0x8b3: {  	[tilespmem:s8+$0xFFFFFF10] =	vst v0;
	v7 =	vld.idx.msk [tilespmem:v7+s7+$0x0], $0xffff  }
0x8b4: {  	v14 =	vld.idx.msk [tilespmem:v14+s7+$0x0], $0xffff;
	[tilespmem:s8+$0xFFFFFF20] =	vst v1  }
0x8b5: {  	[tilespmem:s8+$0xFFFFFF30] =	vst v2;
	v8 =	vld.idx.msk [tilespmem:v8+s7+$0x0], $0xffff  }
0x8b6: {  	[tilespmem:s8+$0xFFFFFF40] =	vst v3;
	v0 =	vld.idx.msk [tilespmem:v9+s7+$0x0], $0xffff  }
.Ltmp52:
0x8b7: {  	[tilespmem:s8+$0xFFFFFF50] =	vst v4;
	v1 =	vld.idx.msk [tilespmem:v10+s7+$0x0], $0xffff;
	(pc) =	sbr.rel @p0 .LBB2_106-.Ltmp52, $4  }
0x8b8: {  	[tilespmem:s8+$0xFFFFFF60] =	vst v5;
	v2 =	vld.idx.msk [tilespmem:v11+s7+$0x0], $0xffff  }
0x8b9: {  	[tilespmem:s8+$0xFFFFFF70] =	vst v7;
	v3 =	vld.idx.msk [tilespmem:v12+s7+$0x0], $0xffff  }
0x8ba: {  	[tilespmem:s8+$0xFFFFFF00] =	vst v14;
	v4 =	vld.idx.msk [tilespmem:v13+s7+$0x0], $0xffff  }
0x8bb: {  	s11 =	sadd.s32 $0x100, s11;
	[tilespmem:s8+$0x0] =	vst v8;
	v5 =	vld.idx.msk [tilespmem:v6+s7+$0x0], $0xffff  }
0x8bc: {  	[tilespmem:s8+$0x10] =	vst v0  }
0x8bd: {  	[tilespmem:s8+$0x20] =	vst v1  }
0x8be: {  	[tilespmem:s8+$0x30] =	vst v2  }
0x8bf: {  	[tilespmem:s8+$0x40] =	vst v3  }
0x8c0: {  	s10 =	simm.s32 $0x1C700;
	[tilespmem:s8+$0x50] =	vst v4  }
0x8c1: {  	s12 =	sadd.s32 $0x0, s25;
	s11 =	simm.s32 $0x1C800;
	[tilespmem:s8+$0x60] =	vst v5;
	s8 =	simm.s32 $0x80  }
.LBB2_108:
0x8c2: {  	[hbm4b:s12+s3] =	stream.linear.scatter [tilespmem:s10], [sflag:$0x1], $0x80, $0x38;
	[tilespmem:$0x1E700] =	vst v63  }
0x8c3: {  	s12 =	smov.u32 s8;
	s10 =	smov.u32 s11;
	p0 =	sne.s32 s8, $0xF80  }
.Ltmp53:
0x8c4: {  	s8 =	sadd.s32 $0x80, s8;
	(pc) =	sbr.rel @p0 .LBB2_108-.Ltmp53, $2  }
0x8c5: {  	_ =	sdelay $0x2  }
0x8c6: {  	s11 =	sadd.s32 $0x100, s11;
	s12 =	sadd.s32 s12, s25  }
0x8c7: {  	[hbm4b:s12+s3] =	stream.linear.scatter [tilespmem:s10], [sflag:$0x1], $0x80, $0x38;
	[tilespmem:$0x1E700] =	vst v63  }
0x8c8: {  	s8 =	simm.s32 $0x2  }
0x8c9: {  	_ =	swait.ge [sflag:s8], $0x1000  }
0x8ca: {  	[sflag:s8] =	ssyncset.done $0x0  }
0x8cb: {  	s20 =	simm.s32 $0x30F0;
	[sflag:s8] =	ssyncadd.s32 $0xFFFFF000  }
0x8cc: {  	v0 =	vld [tilespmem:s20+$0x0]  }
0x8cd: {  	v1 =	vld [tilespmem:s20+$0xFFFFFF20]  }
0x8ce: {  	v2 =	vld [tilespmem:s20+$0xFFFFFF30]  }
0x8cf: {  	v3 =	vld [tilespmem:s20+$0xFFFFFF40]  }
0x8d0: {  	v4 =	vld [tilespmem:s20+$0xFFFFFF50]  }
0x8d1: {  	v5 =	vld [tilespmem:s20+$0xFFFFFF60]  }
0x8d2: {  	v6 =	vld [tilespmem:s20+$0xFFFFFF70]  }
0x8d3: {  	v7 =	vld [tilespmem:s20+$0xFFFFFF80]  }
0x8d4: {  	v8 =	vld [tilespmem:s20+$0xFFFFFF90]  }
0x8d5: {  	v9 =	vld [tilespmem:s20+$0xFFFFFFA0]  }
0x8d6: {  	v10 =	vld [tilespmem:s20+$0xFFFFFFB0]  }
0x8d7: {  	v11 =	vld [tilespmem:s20+$0xFFFFFFC0]  }
0x8d8: {  	v12 =	vld [tilespmem:s20+$0xFFFFFFD0]  }
0x8d9: {  	v13 =	vld [tilespmem:s20+$0xFFFFFFE0]  }
0x8da: {  	v14 =	vld [tilespmem:s20+$0xFFFFFFF0]  }
0x8db: {  	v15 =	vld [tilespmem:s20+$0xFFFFFF10]  }
0x8dc: {  	v0 =	vld.idx.msk [tilespmem:v0+s7+$0x0], $0xffff  }
0x8dd: {  	v1 =	vld.idx.msk [tilespmem:v1+s7+$0x0], $0xffff  }
0x8de: {  	v2 =	vld.idx.msk [tilespmem:v2+s7+$0x0], $0xffff  }
0x8df: {  	v3 =	vld.idx.msk [tilespmem:v3+s7+$0x0], $0xffff  }
0x8e0: {  	v4 =	vld.idx.msk [tilespmem:v4+s7+$0x0], $0xffff  }
0x8e1: {  	s8 =	simm.s32 $0x1C880;
	v5 =	vld.idx.msk [tilespmem:v5+s7+$0x0], $0xffff  }
0x8e2: {  	v6 =	vld.idx.msk [tilespmem:v6+s7+$0x0], $0xffff;
	[tilespmem:s8+$0x70] =	vst v0  }
0x8e3: {  	v7 =	vld.idx.msk [tilespmem:v7+s7+$0x0], $0xffff;
	[tilespmem:s8+$0xFFFFFF10] =	vst v1  }
0x8e4: {  	v15 =	vld.idx.msk [tilespmem:v15+s7+$0x0], $0xffff;
	[tilespmem:s8+$0xFFFFFF20] =	vst v2  }
0x8e5: {  	v8 =	vld.idx.msk [tilespmem:v8+s7+$0x0], $0xffff;
	[tilespmem:s8+$0xFFFFFF30] =	vst v3  }
0x8e6: {  	[tilespmem:s8+$0xFFFFFF40] =	vst v4;
	v0 =	vld.idx.msk [tilespmem:v9+s7+$0x0], $0xffff  }
0x8e7: {  	[tilespmem:s8+$0xFFFFFF50] =	vst v5;
	v1 =	vld.idx.msk [tilespmem:v10+s7+$0x0], $0xffff  }
0x8e8: {  	[tilespmem:s8+$0xFFFFFF60] =	vst v6;
	v2 =	vld.idx.msk [tilespmem:v11+s7+$0x0], $0xffff  }
0x8e9: {  	[tilespmem:s8+$0xFFFFFF70] =	vst v7;
	v3 =	vld.idx.msk [tilespmem:v12+s7+$0x0], $0xffff  }
0x8ea: {  	[tilespmem:s8+$0xFFFFFF00] =	vst v15;
	v4 =	vld.idx.msk [tilespmem:v13+s7+$0x0], $0xffff  }
0x8eb: {  	s10 =	simm.s32 $0x0;
	s11 =	simm.s32 $0x31F0;
	[tilespmem:s8+$0x0] =	vst v8;
	v5 =	vld.idx.msk [tilespmem:v14+s7+$0x0], $0xffff  }
.LBB2_110:
0x8ec: {  	v6 =	vld [tilespmem:s11+$0x0];
	s10 =	sadd.s32 $0x10, s10;
	[tilespmem:s8+$0x10] =	vst v0  }
0x8ed: {  	v0 =	vld [tilespmem:s11+$0xFFFFFF20];
	p0 =	slt.u32 s10, $0xF0;
	[tilespmem:s8+$0x20] =	vst v1  }
0x8ee: {  	v1 =	vld [tilespmem:s11+$0xFFFFFF30];
	[tilespmem:s8+$0x30] =	vst v2  }
0x8ef: {  	v2 =	vld [tilespmem:s11+$0xFFFFFF40];
	[tilespmem:s8+$0x40] =	vst v3  }
0x8f0: {  	v3 =	vld [tilespmem:s11+$0xFFFFFF50];
	[tilespmem:s8+$0x50] =	vst v4  }
0x8f1: {  	v4 =	vld [tilespmem:s11+$0xFFFFFF60];
	[tilespmem:s8+$0x60] =	vst v5  }
0x8f2: {  	v5 =	vld [tilespmem:s11+$0xFFFFFF70]  }
0x8f3: {  	v7 =	vld [tilespmem:s11+$0xFFFFFF80]  }
0x8f4: {  	v6 =	vld.idx.msk [tilespmem:v6+s7+$0x0], $0xffff  }
0x8f5: {  	v8 =	vld [tilespmem:s11+$0xFFFFFF90]  }
0x8f6: {  	v9 =	vld [tilespmem:s11+$0xFFFFFFA0]  }
0x8f7: {  	v10 =	vld [tilespmem:s11+$0xFFFFFFB0]  }
0x8f8: {  	v11 =	vld [tilespmem:s11+$0xFFFFFFC0]  }
0x8f9: {  	s8 =	sadd.s32 $0x200, s8;
	v12 =	vld [tilespmem:s11+$0xFFFFFFD0]  }
0x8fa: {  	v13 =	vld [tilespmem:s11+$0xFFFFFFE0];
	[tilespmem:s8+$0x70] =	vst v6  }
0x8fb: {  	v6 =	vld [tilespmem:s11+$0xFFFFFFF0]  }
0x8fc: {  	v14 =	vld [tilespmem:s11+$0xFFFFFF10]  }
0x8fd: {  	v0 =	vld.idx.msk [tilespmem:v0+s7+$0x0], $0xffff  }
0x8fe: {  	v1 =	vld.idx.msk [tilespmem:v1+s7+$0x0], $0xffff  }
0x8ff: {  	v2 =	vld.idx.msk [tilespmem:v2+s7+$0x0], $0xffff  }
0x900: {  	v3 =	vld.idx.msk [tilespmem:v3+s7+$0x0], $0xffff  }
0x901: {  	v4 =	vld.idx.msk [tilespmem:v4+s7+$0x0], $0xffff  }
0x902: {  	v5 =	vld.idx.msk [tilespmem:v5+s7+$0x0], $0xffff  }
0x903: {  	[tilespmem:s8+$0xFFFFFF10] =	vst v0;
	v7 =	vld.idx.msk [tilespmem:v7+s7+$0x0], $0xffff  }
0x904: {  	v14 =	vld.idx.msk [tilespmem:v14+s7+$0x0], $0xffff;
	[tilespmem:s8+$0xFFFFFF20] =	vst v1  }
0x905: {  	[tilespmem:s8+$0xFFFFFF30] =	vst v2;
	v8 =	vld.idx.msk [tilespmem:v8+s7+$0x0], $0xffff  }
0x906: {  	[tilespmem:s8+$0xFFFFFF40] =	vst v3;
	v0 =	vld.idx.msk [tilespmem:v9+s7+$0x0], $0xffff  }
.Ltmp54:
0x907: {  	[tilespmem:s8+$0xFFFFFF50] =	vst v4;
	v1 =	vld.idx.msk [tilespmem:v10+s7+$0x0], $0xffff;
	(pc) =	sbr.rel @p0 .LBB2_110-.Ltmp54, $4  }
0x908: {  	[tilespmem:s8+$0xFFFFFF60] =	vst v5;
	v2 =	vld.idx.msk [tilespmem:v11+s7+$0x0], $0xffff  }
0x909: {  	[tilespmem:s8+$0xFFFFFF70] =	vst v7;
	v3 =	vld.idx.msk [tilespmem:v12+s7+$0x0], $0xffff  }
0x90a: {  	[tilespmem:s8+$0xFFFFFF00] =	vst v14;
	v4 =	vld.idx.msk [tilespmem:v13+s7+$0x0], $0xffff  }
0x90b: {  	s11 =	sadd.s32 $0x100, s11;
	[tilespmem:s8+$0x0] =	vst v8;
	v5 =	vld.idx.msk [tilespmem:v6+s7+$0x0], $0xffff  }
0x90c: {  	[tilespmem:s8+$0x10] =	vst v0  }
0x90d: {  	[tilespmem:s8+$0x20] =	vst v1  }
0x90e: {  	[tilespmem:s8+$0x30] =	vst v2  }
0x90f: {  	[tilespmem:s8+$0x40] =	vst v3  }
0x910: {  	s10 =	simm.s32 $0x1C780;
	[tilespmem:s8+$0x50] =	vst v4  }
0x911: {  	s12 =	sadd.s32 $0x0, s31;
	s11 =	simm.s32 $0x1C880;
	[tilespmem:s8+$0x60] =	vst v5;
	s8 =	simm.s32 $0x80  }
.LBB2_112:
0x912: {  	[hbm4b:s12+s3] =	stream.linear.scatter [tilespmem:s10], [sflag:$0x2], $0x80, $0x38;
	[tilespmem:$0x1E700] =	vst v63  }
0x913: {  	s12 =	smov.u32 s8;
	s10 =	smov.u32 s11;
	p0 =	sne.s32 s8, $0xF80  }
.Ltmp55:
0x914: {  	s8 =	sadd.s32 $0x80, s8;
	(pc) =	sbr.rel @p0 .LBB2_112-.Ltmp55, $2  }
0x915: {  	_ =	sdelay $0x2  }
0x916: {  	s11 =	sadd.s32 $0x100, s11;
	s12 =	sadd.s32 s12, s31  }
0x917: {  	[hbm4b:s12+s3] =	stream.linear.scatter [tilespmem:s10], [sflag:$0x2], $0x80, $0x38;
	[tilespmem:$0x1E700] =	vst v63  }
0x918: {  	s8 =	simm.s32 $0x80  }
0x919: {  	s17 =	rddreg [dreg:$0x19];
	s11 =	simm.s32 $0x400;
	s18 =	simm.s32 $0x4  }
0x91a: {  	[tilespmem:s7], [sflag:$0x4] =	stream.strided.gather [hbm4b:s17+s8], $0x18700, s11, s8, $0x38;
	[tilespmem:$0x1E700] =	vst v63  }
0x91b: {  	_ =	swait.ge [sflag:s18], $0x18700  }
0x91c: {  	[sflag:s18] =	ssyncset.done $0x0  }
0x91d: {  	s20 =	simm.s32 $0x1;
	[sflag:s18] =	ssyncadd.s32 $0xFFFE7900  }
0x91e: {  	_ =	swait.ge [sflag:s20], $0x1000  }
0x91f: {  	[sflag:s20] =	ssyncset.done $0x0  }
0x920: {  	[sflag:s20] =	ssyncadd.s32 $0xFFFFF000  }
0x921: {  	v0 =	vld [tilespmem:s8+$0x70]  }
0x922: {  	v1 =	vld [tilespmem:s8+$0xFFFFFF90]  }
0x923: {  	v2 =	vld [tilespmem:s8+$0xFFFFFFA0]  }
0x924: {  	v3 =	vld [tilespmem:s8+$0xFFFFFFB0]  }
0x925: {  	v4 =	vld [tilespmem:s8+$0xFFFFFFC0]  }
0x926: {  	v5 =	vld [tilespmem:s8+$0xFFFFFFD0]  }
0x927: {  	v6 =	vld [tilespmem:s8+$0xFFFFFFE0]  }
0x928: {  	v7 =	vld [tilespmem:s8+$0xFFFFFFF0]  }
0x929: {  	v8 =	vld [tilespmem:s8+$0x0]  }
0x92a: {  	v9 =	vld [tilespmem:s8+$0x10]  }
0x92b: {  	v10 =	vld [tilespmem:s8+$0x20]  }
0x92c: {  	v11 =	vld [tilespmem:s8+$0x30]  }
0x92d: {  	v12 =	vld [tilespmem:s8+$0x40]  }
0x92e: {  	v13 =	vld [tilespmem:s8+$0x50]  }
0x92f: {  	v14 =	vld [tilespmem:s8+$0x60]  }
0x930: {  	v15 =	vld [tilespmem:s8+$0xFFFFFF80]  }
0x931: {  	v0 =	vld.idx.msk [tilespmem:v0+s7+$0x0], $0xffff  }
0x932: {  	v1 =	vld.idx.msk [tilespmem:v1+s7+$0x0], $0xffff  }
0x933: {  	v2 =	vld.idx.msk [tilespmem:v2+s7+$0x0], $0xffff  }
0x934: {  	v3 =	vld.idx.msk [tilespmem:v3+s7+$0x0], $0xffff  }
0x935: {  	v4 =	vld.idx.msk [tilespmem:v4+s7+$0x0], $0xffff  }
0x936: {  	s8 =	simm.s32 $0x1C800;
	v5 =	vld.idx.msk [tilespmem:v5+s7+$0x0], $0xffff  }
0x937: {  	v6 =	vld.idx.msk [tilespmem:v6+s7+$0x0], $0xffff;
	[tilespmem:s8+$0x70] =	vst v0  }
0x938: {  	v7 =	vld.idx.msk [tilespmem:v7+s7+$0x0], $0xffff;
	[tilespmem:s8+$0xFFFFFF10] =	vst v1  }
0x939: {  	v15 =	vld.idx.msk [tilespmem:v15+s7+$0x0], $0xffff;
	[tilespmem:s8+$0xFFFFFF20] =	vst v2  }
0x93a: {  	v8 =	vld.idx.msk [tilespmem:v8+s7+$0x0], $0xffff;
	[tilespmem:s8+$0xFFFFFF30] =	vst v3  }
0x93b: {  	[tilespmem:s8+$0xFFFFFF40] =	vst v4;
	v0 =	vld.idx.msk [tilespmem:v9+s7+$0x0], $0xffff  }
0x93c: {  	[tilespmem:s8+$0xFFFFFF50] =	vst v5;
	v1 =	vld.idx.msk [tilespmem:v10+s7+$0x0], $0xffff  }
0x93d: {  	[tilespmem:s8+$0xFFFFFF60] =	vst v6;
	v2 =	vld.idx.msk [tilespmem:v11+s7+$0x0], $0xffff  }
0x93e: {  	[tilespmem:s8+$0xFFFFFF70] =	vst v7;
	v3 =	vld.idx.msk [tilespmem:v12+s7+$0x0], $0xffff  }
0x93f: {  	[tilespmem:s8+$0xFFFFFF00] =	vst v15;
	v4 =	vld.idx.msk [tilespmem:v13+s7+$0x0], $0xffff  }
0x940: {  	s10 =	simm.s32 $0x0;
	s11 =	simm.s32 $0x180;
	[tilespmem:s8+$0x0] =	vst v8;
	v5 =	vld.idx.msk [tilespmem:v14+s7+$0x0], $0xffff  }
.LBB2_114:
0x941: {  	v6 =	vld [tilespmem:s11+$0x70];
	s10 =	sadd.s32 $0x10, s10;
	[tilespmem:s8+$0x10] =	vst v0  }
0x942: {  	v0 =	vld [tilespmem:s11+$0xFFFFFF90];
	p0 =	slt.u32 s10, $0xF0;
	[tilespmem:s8+$0x20] =	vst v1  }
0x943: {  	v1 =	vld [tilespmem:s11+$0xFFFFFFA0];
	[tilespmem:s8+$0x30] =	vst v2  }
0x944: {  	v2 =	vld [tilespmem:s11+$0xFFFFFFB0];
	[tilespmem:s8+$0x40] =	vst v3  }
0x945: {  	v3 =	vld [tilespmem:s11+$0xFFFFFFC0];
	[tilespmem:s8+$0x50] =	vst v4  }
0x946: {  	v4 =	vld [tilespmem:s11+$0xFFFFFFD0];
	[tilespmem:s8+$0x60] =	vst v5  }
0x947: {  	v5 =	vld [tilespmem:s11+$0xFFFFFFE0]  }
0x948: {  	v7 =	vld [tilespmem:s11+$0xFFFFFFF0]  }
0x949: {  	v6 =	vld.idx.msk [tilespmem:v6+s7+$0x0], $0xffff  }
0x94a: {  	v8 =	vld [tilespmem:s11+$0x0]  }
0x94b: {  	v9 =	vld [tilespmem:s11+$0x10]  }
0x94c: {  	v10 =	vld [tilespmem:s11+$0x20]  }
0x94d: {  	v11 =	vld [tilespmem:s11+$0x30]  }
0x94e: {  	s8 =	sadd.s32 $0x200, s8;
	v12 =	vld [tilespmem:s11+$0x40]  }
0x94f: {  	v13 =	vld [tilespmem:s11+$0x50];
	[tilespmem:s8+$0x70] =	vst v6  }
0x950: {  	v6 =	vld [tilespmem:s11+$0x60]  }
0x951: {  	v14 =	vld [tilespmem:s11+$0xFFFFFF80]  }
0x952: {  	v0 =	vld.idx.msk [tilespmem:v0+s7+$0x0], $0xffff  }
0x953: {  	v1 =	vld.idx.msk [tilespmem:v1+s7+$0x0], $0xffff  }
0x954: {  	v2 =	vld.idx.msk [tilespmem:v2+s7+$0x0], $0xffff  }
0x955: {  	v3 =	vld.idx.msk [tilespmem:v3+s7+$0x0], $0xffff  }
0x956: {  	v4 =	vld.idx.msk [tilespmem:v4+s7+$0x0], $0xffff  }
0x957: {  	v5 =	vld.idx.msk [tilespmem:v5+s7+$0x0], $0xffff  }
0x958: {  	[tilespmem:s8+$0xFFFFFF10] =	vst v0;
	v7 =	vld.idx.msk [tilespmem:v7+s7+$0x0], $0xffff  }
0x959: {  	v14 =	vld.idx.msk [tilespmem:v14+s7+$0x0], $0xffff;
	[tilespmem:s8+$0xFFFFFF20] =	vst v1  }
0x95a: {  	[tilespmem:s8+$0xFFFFFF30] =	vst v2;
	v8 =	vld.idx.msk [tilespmem:v8+s7+$0x0], $0xffff  }
0x95b: {  	[tilespmem:s8+$0xFFFFFF40] =	vst v3;
	v0 =	vld.idx.msk [tilespmem:v9+s7+$0x0], $0xffff  }
.Ltmp56:
0x95c: {  	[tilespmem:s8+$0xFFFFFF50] =	vst v4;
	v1 =	vld.idx.msk [tilespmem:v10+s7+$0x0], $0xffff;
	(pc) =	sbr.rel @p0 .LBB2_114-.Ltmp56, $4  }
0x95d: {  	[tilespmem:s8+$0xFFFFFF60] =	vst v5;
	v2 =	vld.idx.msk [tilespmem:v11+s7+$0x0], $0xffff  }
0x95e: {  	[tilespmem:s8+$0xFFFFFF70] =	vst v7;
	v3 =	vld.idx.msk [tilespmem:v12+s7+$0x0], $0xffff  }
0x95f: {  	[tilespmem:s8+$0xFFFFFF00] =	vst v14;
	v4 =	vld.idx.msk [tilespmem:v13+s7+$0x0], $0xffff  }
0x960: {  	s11 =	sadd.s32 $0x100, s11;
	[tilespmem:s8+$0x0] =	vst v8;
	v5 =	vld.idx.msk [tilespmem:v6+s7+$0x0], $0xffff  }
0x961: {  	[tilespmem:s8+$0x10] =	vst v0  }
0x962: {  	[tilespmem:s8+$0x20] =	vst v1  }
0x963: {  	[tilespmem:s8+$0x30] =	vst v2  }
0x964: {  	[tilespmem:s8+$0x40] =	vst v3  }
0x965: {  	s10 =	simm.s32 $0x1C700;
	[tilespmem:s8+$0x50] =	vst v4  }
0x966: {  	s12 =	sadd.s32 $0x0, s14;
	s11 =	simm.s32 $0x1C800;
	[tilespmem:s8+$0x60] =	vst v5;
	s8 =	simm.s32 $0x80  }
.LBB2_116:
0x967: {  	[hbm4b:s12+s3] =	stream.linear.scatter [tilespmem:s10], [sflag:$0x1], $0x80, $0x38;
	[tilespmem:$0x1E700] =	vst v63  }
0x968: {  	s12 =	smov.u32 s8;
	s10 =	smov.u32 s11;
	p0 =	sne.s32 s8, $0xF80  }
.Ltmp57:
0x969: {  	s8 =	sadd.s32 $0x80, s8;
	(pc) =	sbr.rel @p0 .LBB2_116-.Ltmp57, $2  }
0x96a: {  	_ =	sdelay $0x2  }
0x96b: {  	s11 =	sadd.s32 $0x100, s11;
	s12 =	sadd.s32 s12, s14  }
0x96c: {  	[hbm4b:s12+s3] =	stream.linear.scatter [tilespmem:s10], [sflag:$0x1], $0x80, $0x38;
	[tilespmem:$0x1E700] =	vst v63  }
0x96d: {  	s8 =	simm.s32 $0x2  }
0x96e: {  	_ =	swait.ge [sflag:s8], $0x1000  }
0x96f: {  	[sflag:s8] =	ssyncset.done $0x0  }
0x970: {  	s20 =	simm.s32 $0x10F0;
	[sflag:s8] =	ssyncadd.s32 $0xFFFFF000  }
0x971: {  	v0 =	vld [tilespmem:s20+$0x0]  }
0x972: {  	v1 =	vld [tilespmem:s20+$0xFFFFFF20]  }
0x973: {  	v2 =	vld [tilespmem:s20+$0xFFFFFF30]  }
0x974: {  	v3 =	vld [tilespmem:s20+$0xFFFFFF40]  }
0x975: {  	v4 =	vld [tilespmem:s20+$0xFFFFFF50]  }
0x976: {  	v5 =	vld [tilespmem:s20+$0xFFFFFF60]  }
0x977: {  	v6 =	vld [tilespmem:s20+$0xFFFFFF70]  }
0x978: {  	v7 =	vld [tilespmem:s20+$0xFFFFFF80]  }
0x979: {  	v8 =	vld [tilespmem:s20+$0xFFFFFF90]  }
0x97a: {  	v9 =	vld [tilespmem:s20+$0xFFFFFFA0]  }
0x97b: {  	v10 =	vld [tilespmem:s20+$0xFFFFFFB0]  }
0x97c: {  	v11 =	vld [tilespmem:s20+$0xFFFFFFC0]  }
0x97d: {  	v12 =	vld [tilespmem:s20+$0xFFFFFFD0]  }
0x97e: {  	v13 =	vld [tilespmem:s20+$0xFFFFFFE0]  }
0x97f: {  	v14 =	vld [tilespmem:s20+$0xFFFFFFF0]  }
0x980: {  	v15 =	vld [tilespmem:s20+$0xFFFFFF10]  }
0x981: {  	v0 =	vld.idx.msk [tilespmem:v0+s7+$0x0], $0xffff  }
0x982: {  	v1 =	vld.idx.msk [tilespmem:v1+s7+$0x0], $0xffff  }
0x983: {  	v2 =	vld.idx.msk [tilespmem:v2+s7+$0x0], $0xffff  }
0x984: {  	v3 =	vld.idx.msk [tilespmem:v3+s7+$0x0], $0xffff  }
0x985: {  	v4 =	vld.idx.msk [tilespmem:v4+s7+$0x0], $0xffff  }
0x986: {  	s8 =	simm.s32 $0x1C880;
	v5 =	vld.idx.msk [tilespmem:v5+s7+$0x0], $0xffff  }
0x987: {  	v6 =	vld.idx.msk [tilespmem:v6+s7+$0x0], $0xffff;
	[tilespmem:s8+$0x70] =	vst v0  }
0x988: {  	v7 =	vld.idx.msk [tilespmem:v7+s7+$0x0], $0xffff;
	[tilespmem:s8+$0xFFFFFF10] =	vst v1  }
0x989: {  	v15 =	vld.idx.msk [tilespmem:v15+s7+$0x0], $0xffff;
	[tilespmem:s8+$0xFFFFFF20] =	vst v2  }
0x98a: {  	v8 =	vld.idx.msk [tilespmem:v8+s7+$0x0], $0xffff;
	[tilespmem:s8+$0xFFFFFF30] =	vst v3  }
0x98b: {  	[tilespmem:s8+$0xFFFFFF40] =	vst v4;
	v0 =	vld.idx.msk [tilespmem:v9+s7+$0x0], $0xffff  }
0x98c: {  	[tilespmem:s8+$0xFFFFFF50] =	vst v5;
	v1 =	vld.idx.msk [tilespmem:v10+s7+$0x0], $0xffff  }
0x98d: {  	[tilespmem:s8+$0xFFFFFF60] =	vst v6;
	v2 =	vld.idx.msk [tilespmem:v11+s7+$0x0], $0xffff  }
0x98e: {  	[tilespmem:s8+$0xFFFFFF70] =	vst v7;
	v3 =	vld.idx.msk [tilespmem:v12+s7+$0x0], $0xffff  }
0x98f: {  	[tilespmem:s8+$0xFFFFFF00] =	vst v15;
	v4 =	vld.idx.msk [tilespmem:v13+s7+$0x0], $0xffff  }
0x990: {  	s10 =	simm.s32 $0x0;
	s11 =	simm.s32 $0x11F0;
	[tilespmem:s8+$0x0] =	vst v8;
	v5 =	vld.idx.msk [tilespmem:v14+s7+$0x0], $0xffff  }
.LBB2_118:
0x991: {  	v6 =	vld [tilespmem:s11+$0x0];
	s10 =	sadd.s32 $0x10, s10;
	[tilespmem:s8+$0x10] =	vst v0  }
0x992: {  	v0 =	vld [tilespmem:s11+$0xFFFFFF20];
	p0 =	slt.u32 s10, $0xF0;
	[tilespmem:s8+$0x20] =	vst v1  }
0x993: {  	v1 =	vld [tilespmem:s11+$0xFFFFFF30];
	[tilespmem:s8+$0x30] =	vst v2  }
0x994: {  	v2 =	vld [tilespmem:s11+$0xFFFFFF40];
	[tilespmem:s8+$0x40] =	vst v3  }
0x995: {  	v3 =	vld [tilespmem:s11+$0xFFFFFF50];
	[tilespmem:s8+$0x50] =	vst v4  }
0x996: {  	v4 =	vld [tilespmem:s11+$0xFFFFFF60];
	[tilespmem:s8+$0x60] =	vst v5  }
0x997: {  	v5 =	vld [tilespmem:s11+$0xFFFFFF70]  }
0x998: {  	v7 =	vld [tilespmem:s11+$0xFFFFFF80]  }
0x999: {  	v6 =	vld.idx.msk [tilespmem:v6+s7+$0x0], $0xffff  }
0x99a: {  	v8 =	vld [tilespmem:s11+$0xFFFFFF90]  }
0x99b: {  	v9 =	vld [tilespmem:s11+$0xFFFFFFA0]  }
0x99c: {  	v10 =	vld [tilespmem:s11+$0xFFFFFFB0]  }
0x99d: {  	v11 =	vld [tilespmem:s11+$0xFFFFFFC0]  }
0x99e: {  	s8 =	sadd.s32 $0x200, s8;
	v12 =	vld [tilespmem:s11+$0xFFFFFFD0]  }
0x99f: {  	v13 =	vld [tilespmem:s11+$0xFFFFFFE0];
	[tilespmem:s8+$0x70] =	vst v6  }
0x9a0: {  	v6 =	vld [tilespmem:s11+$0xFFFFFFF0]  }
0x9a1: {  	v14 =	vld [tilespmem:s11+$0xFFFFFF10]  }
0x9a2: {  	v0 =	vld.idx.msk [tilespmem:v0+s7+$0x0], $0xffff  }
0x9a3: {  	v1 =	vld.idx.msk [tilespmem:v1+s7+$0x0], $0xffff  }
0x9a4: {  	v2 =	vld.idx.msk [tilespmem:v2+s7+$0x0], $0xffff  }
0x9a5: {  	v3 =	vld.idx.msk [tilespmem:v3+s7+$0x0], $0xffff  }
0x9a6: {  	v4 =	vld.idx.msk [tilespmem:v4+s7+$0x0], $0xffff  }
0x9a7: {  	v5 =	vld.idx.msk [tilespmem:v5+s7+$0x0], $0xffff  }
0x9a8: {  	[tilespmem:s8+$0xFFFFFF10] =	vst v0;
	v7 =	vld.idx.msk [tilespmem:v7+s7+$0x0], $0xffff  }
0x9a9: {  	v14 =	vld.idx.msk [tilespmem:v14+s7+$0x0], $0xffff;
	[tilespmem:s8+$0xFFFFFF20] =	vst v1  }
0x9aa: {  	[tilespmem:s8+$0xFFFFFF30] =	vst v2;
	v8 =	vld.idx.msk [tilespmem:v8+s7+$0x0], $0xffff  }
0x9ab: {  	[tilespmem:s8+$0xFFFFFF40] =	vst v3;
	v0 =	vld.idx.msk [tilespmem:v9+s7+$0x0], $0xffff  }
.Ltmp58:
0x9ac: {  	[tilespmem:s8+$0xFFFFFF50] =	vst v4;
	v1 =	vld.idx.msk [tilespmem:v10+s7+$0x0], $0xffff;
	(pc) =	sbr.rel @p0 .LBB2_118-.Ltmp58, $4  }
0x9ad: {  	[tilespmem:s8+$0xFFFFFF60] =	vst v5;
	v2 =	vld.idx.msk [tilespmem:v11+s7+$0x0], $0xffff  }
0x9ae: {  	[tilespmem:s8+$0xFFFFFF70] =	vst v7;
	v3 =	vld.idx.msk [tilespmem:v12+s7+$0x0], $0xffff  }
0x9af: {  	[tilespmem:s8+$0xFFFFFF00] =	vst v14;
	v4 =	vld.idx.msk [tilespmem:v13+s7+$0x0], $0xffff  }
0x9b0: {  	s11 =	sadd.s32 $0x100, s11;
	[tilespmem:s8+$0x0] =	vst v8;
	v5 =	vld.idx.msk [tilespmem:v6+s7+$0x0], $0xffff  }
0x9b1: {  	[tilespmem:s8+$0x10] =	vst v0  }
0x9b2: {  	[tilespmem:s8+$0x20] =	vst v1  }
0x9b3: {  	[tilespmem:s8+$0x30] =	vst v2  }
0x9b4: {  	[tilespmem:s8+$0x40] =	vst v3  }
0x9b5: {  	s10 =	simm.s32 $0x1C780;
	[tilespmem:s8+$0x50] =	vst v4  }
0x9b6: {  	s12 =	sadd.s32 $0x0, s5;
	s11 =	simm.s32 $0x1C880;
	[tilespmem:s8+$0x60] =	vst v5;
	s8 =	simm.s32 $0x80  }
.LBB2_120:
0x9b7: {  	[hbm4b:s12+s3] =	stream.linear.scatter [tilespmem:s10], [sflag:$0x2], $0x80, $0x38;
	[tilespmem:$0x1E700] =	vst v63  }
0x9b8: {  	s12 =	smov.u32 s8;
	s10 =	smov.u32 s11;
	p0 =	sne.s32 s8, $0xF80  }
.Ltmp59:
0x9b9: {  	s8 =	sadd.s32 $0x80, s8;
	(pc) =	sbr.rel @p0 .LBB2_120-.Ltmp59, $2  }
0x9ba: {  	_ =	sdelay $0x2  }
0x9bb: {  	s11 =	sadd.s32 $0x100, s11;
	s12 =	sadd.s32 s12, s5  }
0x9bc: {  	[hbm4b:s12+s3] =	stream.linear.scatter [tilespmem:s10], [sflag:$0x2], $0x80, $0x38;
	[tilespmem:$0x1E700] =	vst v63  }
0x9bd: {  	s8 =	simm.s32 $0x1  }
0x9be: {  	_ =	swait.ge [sflag:s8], $0x1000  }
0x9bf: {  	[sflag:s8] =	ssyncset.done $0x0  }
0x9c0: {  	s20 =	simm.s32 $0x20F0;
	[sflag:s8] =	ssyncadd.s32 $0xFFFFF000  }
0x9c1: {  	v0 =	vld [tilespmem:s20+$0x0]  }
0x9c2: {  	v1 =	vld [tilespmem:s20+$0xFFFFFF20]  }
0x9c3: {  	v2 =	vld [tilespmem:s20+$0xFFFFFF30]  }
0x9c4: {  	v3 =	vld [tilespmem:s20+$0xFFFFFF40]  }
0x9c5: {  	v4 =	vld [tilespmem:s20+$0xFFFFFF50]  }
0x9c6: {  	v5 =	vld [tilespmem:s20+$0xFFFFFF60]  }
0x9c7: {  	v6 =	vld [tilespmem:s20+$0xFFFFFF70]  }
0x9c8: {  	v7 =	vld [tilespmem:s20+$0xFFFFFF80]  }
0x9c9: {  	v8 =	vld [tilespmem:s20+$0xFFFFFF90]  }
0x9ca: {  	v9 =	vld [tilespmem:s20+$0xFFFFFFA0]  }
0x9cb: {  	v10 =	vld [tilespmem:s20+$0xFFFFFFB0]  }
0x9cc: {  	v11 =	vld [tilespmem:s20+$0xFFFFFFC0]  }
0x9cd: {  	v12 =	vld [tilespmem:s20+$0xFFFFFFD0]  }
0x9ce: {  	v13 =	vld [tilespmem:s20+$0xFFFFFFE0]  }
0x9cf: {  	v14 =	vld [tilespmem:s20+$0xFFFFFFF0]  }
0x9d0: {  	v15 =	vld [tilespmem:s20+$0xFFFFFF10]  }
0x9d1: {  	v0 =	vld.idx.msk [tilespmem:v0+s7+$0x0], $0xffff  }
0x9d2: {  	v1 =	vld.idx.msk [tilespmem:v1+s7+$0x0], $0xffff  }
0x9d3: {  	v2 =	vld.idx.msk [tilespmem:v2+s7+$0x0], $0xffff  }
0x9d4: {  	v3 =	vld.idx.msk [tilespmem:v3+s7+$0x0], $0xffff  }
0x9d5: {  	v4 =	vld.idx.msk [tilespmem:v4+s7+$0x0], $0xffff  }
0x9d6: {  	s8 =	simm.s32 $0x1C800;
	v5 =	vld.idx.msk [tilespmem:v5+s7+$0x0], $0xffff  }
0x9d7: {  	v6 =	vld.idx.msk [tilespmem:v6+s7+$0x0], $0xffff;
	[tilespmem:s8+$0x70] =	vst v0  }
0x9d8: {  	v7 =	vld.idx.msk [tilespmem:v7+s7+$0x0], $0xffff;
	[tilespmem:s8+$0xFFFFFF10] =	vst v1  }
0x9d9: {  	v15 =	vld.idx.msk [tilespmem:v15+s7+$0x0], $0xffff;
	[tilespmem:s8+$0xFFFFFF20] =	vst v2  }
0x9da: {  	v8 =	vld.idx.msk [tilespmem:v8+s7+$0x0], $0xffff;
	[tilespmem:s8+$0xFFFFFF30] =	vst v3  }
0x9db: {  	[tilespmem:s8+$0xFFFFFF40] =	vst v4;
	v0 =	vld.idx.msk [tilespmem:v9+s7+$0x0], $0xffff  }
0x9dc: {  	[tilespmem:s8+$0xFFFFFF50] =	vst v5;
	v1 =	vld.idx.msk [tilespmem:v10+s7+$0x0], $0xffff  }
0x9dd: {  	[tilespmem:s8+$0xFFFFFF60] =	vst v6;
	v2 =	vld.idx.msk [tilespmem:v11+s7+$0x0], $0xffff  }
0x9de: {  	[tilespmem:s8+$0xFFFFFF70] =	vst v7;
	v3 =	vld.idx.msk [tilespmem:v12+s7+$0x0], $0xffff  }
0x9df: {  	[tilespmem:s8+$0xFFFFFF00] =	vst v15;
	v4 =	vld.idx.msk [tilespmem:v13+s7+$0x0], $0xffff  }
0x9e0: {  	s10 =	simm.s32 $0x0;
	s11 =	simm.s32 $0x21F0;
	[tilespmem:s8+$0x0] =	vst v8;
	v5 =	vld.idx.msk [tilespmem:v14+s7+$0x0], $0xffff  }
.LBB2_122:
0x9e1: {  	v6 =	vld [tilespmem:s11+$0x0];
	s10 =	sadd.s32 $0x10, s10;
	[tilespmem:s8+$0x10] =	vst v0  }
0x9e2: {  	v0 =	vld [tilespmem:s11+$0xFFFFFF20];
	p0 =	slt.u32 s10, $0xF0;
	[tilespmem:s8+$0x20] =	vst v1  }
0x9e3: {  	v1 =	vld [tilespmem:s11+$0xFFFFFF30];
	[tilespmem:s8+$0x30] =	vst v2  }
0x9e4: {  	v2 =	vld [tilespmem:s11+$0xFFFFFF40];
	[tilespmem:s8+$0x40] =	vst v3  }
0x9e5: {  	v3 =	vld [tilespmem:s11+$0xFFFFFF50];
	[tilespmem:s8+$0x50] =	vst v4  }
0x9e6: {  	v4 =	vld [tilespmem:s11+$0xFFFFFF60];
	[tilespmem:s8+$0x60] =	vst v5  }
0x9e7: {  	v5 =	vld [tilespmem:s11+$0xFFFFFF70]  }
0x9e8: {  	v7 =	vld [tilespmem:s11+$0xFFFFFF80]  }
0x9e9: {  	v6 =	vld.idx.msk [tilespmem:v6+s7+$0x0], $0xffff  }
0x9ea: {  	v8 =	vld [tilespmem:s11+$0xFFFFFF90]  }
0x9eb: {  	v9 =	vld [tilespmem:s11+$0xFFFFFFA0]  }
0x9ec: {  	v10 =	vld [tilespmem:s11+$0xFFFFFFB0]  }
0x9ed: {  	v11 =	vld [tilespmem:s11+$0xFFFFFFC0]  }
0x9ee: {  	s8 =	sadd.s32 $0x200, s8;
	v12 =	vld [tilespmem:s11+$0xFFFFFFD0]  }
0x9ef: {  	v13 =	vld [tilespmem:s11+$0xFFFFFFE0];
	[tilespmem:s8+$0x70] =	vst v6  }
0x9f0: {  	v6 =	vld [tilespmem:s11+$0xFFFFFFF0]  }
0x9f1: {  	v14 =	vld [tilespmem:s11+$0xFFFFFF10]  }
0x9f2: {  	v0 =	vld.idx.msk [tilespmem:v0+s7+$0x0], $0xffff  }
0x9f3: {  	v1 =	vld.idx.msk [tilespmem:v1+s7+$0x0], $0xffff  }
0x9f4: {  	v2 =	vld.idx.msk [tilespmem:v2+s7+$0x0], $0xffff  }
0x9f5: {  	v3 =	vld.idx.msk [tilespmem:v3+s7+$0x0], $0xffff  }
0x9f6: {  	v4 =	vld.idx.msk [tilespmem:v4+s7+$0x0], $0xffff  }
0x9f7: {  	v5 =	vld.idx.msk [tilespmem:v5+s7+$0x0], $0xffff  }
0x9f8: {  	[tilespmem:s8+$0xFFFFFF10] =	vst v0;
	v7 =	vld.idx.msk [tilespmem:v7+s7+$0x0], $0xffff  }
0x9f9: {  	v14 =	vld.idx.msk [tilespmem:v14+s7+$0x0], $0xffff;
	[tilespmem:s8+$0xFFFFFF20] =	vst v1  }
0x9fa: {  	[tilespmem:s8+$0xFFFFFF30] =	vst v2;
	v8 =	vld.idx.msk [tilespmem:v8+s7+$0x0], $0xffff  }
0x9fb: {  	[tilespmem:s8+$0xFFFFFF40] =	vst v3;
	v0 =	vld.idx.msk [tilespmem:v9+s7+$0x0], $0xffff  }
.Ltmp60:
0x9fc: {  	[tilespmem:s8+$0xFFFFFF50] =	vst v4;
	v1 =	vld.idx.msk [tilespmem:v10+s7+$0x0], $0xffff;
	(pc) =	sbr.rel @p0 .LBB2_122-.Ltmp60, $4  }
0x9fd: {  	[tilespmem:s8+$0xFFFFFF60] =	vst v5;
	v2 =	vld.idx.msk [tilespmem:v11+s7+$0x0], $0xffff  }
0x9fe: {  	[tilespmem:s8+$0xFFFFFF70] =	vst v7;
	v3 =	vld.idx.msk [tilespmem:v12+s7+$0x0], $0xffff  }
0x9ff: {  	[tilespmem:s8+$0xFFFFFF00] =	vst v14;
	v4 =	vld.idx.msk [tilespmem:v13+s7+$0x0], $0xffff  }
0xa00: {  	s11 =	sadd.s32 $0x100, s11;
	[tilespmem:s8+$0x0] =	vst v8;
	v5 =	vld.idx.msk [tilespmem:v6+s7+$0x0], $0xffff  }
0xa01: {  	[tilespmem:s8+$0x10] =	vst v0  }
0xa02: {  	[tilespmem:s8+$0x20] =	vst v1  }
0xa03: {  	[tilespmem:s8+$0x30] =	vst v2  }
0xa04: {  	[tilespmem:s8+$0x40] =	vst v3  }
0xa05: {  	s10 =	simm.s32 $0x1C700;
	[tilespmem:s8+$0x50] =	vst v4  }
0xa06: {  	s12 =	sadd.s32 $0x0, s4;
	s11 =	simm.s32 $0x1C800;
	[tilespmem:s8+$0x60] =	vst v5;
	s8 =	simm.s32 $0x80  }
.LBB2_124:
0xa07: {  	[hbm4b:s12+s3] =	stream.linear.scatter [tilespmem:s10], [sflag:$0x1], $0x80, $0x38;
	[tilespmem:$0x1E700] =	vst v63  }
0xa08: {  	s12 =	smov.u32 s8;
	s10 =	smov.u32 s11;
	p0 =	sne.s32 s8, $0xF80  }
.Ltmp61:
0xa09: {  	s8 =	sadd.s32 $0x80, s8;
	(pc) =	sbr.rel @p0 .LBB2_124-.Ltmp61, $2  }
0xa0a: {  	_ =	sdelay $0x2  }
0xa0b: {  	s11 =	sadd.s32 $0x100, s11;
	s12 =	sadd.s32 s12, s4  }
0xa0c: {  	[hbm4b:s12+s3] =	stream.linear.scatter [tilespmem:s10], [sflag:$0x1], $0x80, $0x38;
	[tilespmem:$0x1E700] =	vst v63  }
0xa0d: {  	s8 =	simm.s32 $0x2  }
0xa0e: {  	_ =	swait.ge [sflag:s8], $0x1000  }
0xa0f: {  	[sflag:s8] =	ssyncset.done $0x0  }
0xa10: {  	s20 =	simm.s32 $0x30F0;
	[sflag:s8] =	ssyncadd.s32 $0xFFFFF000  }
0xa11: {  	v0 =	vld [tilespmem:s20+$0x0]  }
0xa12: {  	v1 =	vld [tilespmem:s20+$0xFFFFFF20]  }
0xa13: {  	v2 =	vld [tilespmem:s20+$0xFFFFFF30]  }
0xa14: {  	v3 =	vld [tilespmem:s20+$0xFFFFFF40]  }
0xa15: {  	v4 =	vld [tilespmem:s20+$0xFFFFFF50]  }
0xa16: {  	v5 =	vld [tilespmem:s20+$0xFFFFFF60]  }
0xa17: {  	v6 =	vld [tilespmem:s20+$0xFFFFFF70]  }
0xa18: {  	v7 =	vld [tilespmem:s20+$0xFFFFFF80]  }
0xa19: {  	v8 =	vld [tilespmem:s20+$0xFFFFFF90]  }
0xa1a: {  	v9 =	vld [tilespmem:s20+$0xFFFFFFA0]  }
0xa1b: {  	v10 =	vld [tilespmem:s20+$0xFFFFFFB0]  }
0xa1c: {  	v11 =	vld [tilespmem:s20+$0xFFFFFFC0]  }
0xa1d: {  	v12 =	vld [tilespmem:s20+$0xFFFFFFD0]  }
0xa1e: {  	v13 =	vld [tilespmem:s20+$0xFFFFFFE0]  }
0xa1f: {  	v14 =	vld [tilespmem:s20+$0xFFFFFFF0]  }
0xa20: {  	v15 =	vld [tilespmem:s20+$0xFFFFFF10]  }
0xa21: {  	v0 =	vld.idx.msk [tilespmem:v0+s7+$0x0], $0xffff  }
0xa22: {  	v1 =	vld.idx.msk [tilespmem:v1+s7+$0x0], $0xffff  }
0xa23: {  	v2 =	vld.idx.msk [tilespmem:v2+s7+$0x0], $0xffff  }
0xa24: {  	v3 =	vld.idx.msk [tilespmem:v3+s7+$0x0], $0xffff  }
0xa25: {  	v4 =	vld.idx.msk [tilespmem:v4+s7+$0x0], $0xffff  }
0xa26: {  	s8 =	simm.s32 $0x1C880;
	v5 =	vld.idx.msk [tilespmem:v5+s7+$0x0], $0xffff  }
0xa27: {  	v6 =	vld.idx.msk [tilespmem:v6+s7+$0x0], $0xffff;
	[tilespmem:s8+$0x70] =	vst v0  }
0xa28: {  	v7 =	vld.idx.msk [tilespmem:v7+s7+$0x0], $0xffff;
	[tilespmem:s8+$0xFFFFFF10] =	vst v1  }
0xa29: {  	v15 =	vld.idx.msk [tilespmem:v15+s7+$0x0], $0xffff;
	[tilespmem:s8+$0xFFFFFF20] =	vst v2  }
0xa2a: {  	v8 =	vld.idx.msk [tilespmem:v8+s7+$0x0], $0xffff;
	[tilespmem:s8+$0xFFFFFF30] =	vst v3  }
0xa2b: {  	[tilespmem:s8+$0xFFFFFF40] =	vst v4;
	v0 =	vld.idx.msk [tilespmem:v9+s7+$0x0], $0xffff  }
0xa2c: {  	[tilespmem:s8+$0xFFFFFF50] =	vst v5;
	v1 =	vld.idx.msk [tilespmem:v10+s7+$0x0], $0xffff  }
0xa2d: {  	[tilespmem:s8+$0xFFFFFF60] =	vst v6;
	v2 =	vld.idx.msk [tilespmem:v11+s7+$0x0], $0xffff  }
0xa2e: {  	[tilespmem:s8+$0xFFFFFF70] =	vst v7;
	v3 =	vld.idx.msk [tilespmem:v12+s7+$0x0], $0xffff  }
0xa2f: {  	[tilespmem:s8+$0xFFFFFF00] =	vst v15;
	v4 =	vld.idx.msk [tilespmem:v13+s7+$0x0], $0xffff  }
0xa30: {  	s10 =	simm.s32 $0x0;
	s11 =	simm.s32 $0x31F0;
	[tilespmem:s8+$0x0] =	vst v8;
	v5 =	vld.idx.msk [tilespmem:v14+s7+$0x0], $0xffff  }
.LBB2_126:
0xa31: {  	v6 =	vld [tilespmem:s11+$0x0];
	s10 =	sadd.s32 $0x10, s10;
	[tilespmem:s8+$0x10] =	vst v0  }
0xa32: {  	v0 =	vld [tilespmem:s11+$0xFFFFFF20];
	p0 =	slt.u32 s10, $0xF0;
	[tilespmem:s8+$0x20] =	vst v1  }
0xa33: {  	v1 =	vld [tilespmem:s11+$0xFFFFFF30];
	[tilespmem:s8+$0x30] =	vst v2  }
0xa34: {  	v2 =	vld [tilespmem:s11+$0xFFFFFF40];
	[tilespmem:s8+$0x40] =	vst v3  }
0xa35: {  	v3 =	vld [tilespmem:s11+$0xFFFFFF50];
	[tilespmem:s8+$0x50] =	vst v4  }
0xa36: {  	v4 =	vld [tilespmem:s11+$0xFFFFFF60];
	[tilespmem:s8+$0x60] =	vst v5  }
0xa37: {  	v5 =	vld [tilespmem:s11+$0xFFFFFF70]  }
0xa38: {  	v7 =	vld [tilespmem:s11+$0xFFFFFF80]  }
0xa39: {  	v6 =	vld.idx.msk [tilespmem:v6+s7+$0x0], $0xffff  }
0xa3a: {  	v8 =	vld [tilespmem:s11+$0xFFFFFF90]  }
0xa3b: {  	v9 =	vld [tilespmem:s11+$0xFFFFFFA0]  }
0xa3c: {  	v10 =	vld [tilespmem:s11+$0xFFFFFFB0]  }
0xa3d: {  	v11 =	vld [tilespmem:s11+$0xFFFFFFC0]  }
0xa3e: {  	s8 =	sadd.s32 $0x200, s8;
	v12 =	vld [tilespmem:s11+$0xFFFFFFD0]  }
0xa3f: {  	v13 =	vld [tilespmem:s11+$0xFFFFFFE0];
	[tilespmem:s8+$0x70] =	vst v6  }
0xa40: {  	v6 =	vld [tilespmem:s11+$0xFFFFFFF0]  }
0xa41: {  	v14 =	vld [tilespmem:s11+$0xFFFFFF10]  }
0xa42: {  	v0 =	vld.idx.msk [tilespmem:v0+s7+$0x0], $0xffff  }
0xa43: {  	v1 =	vld.idx.msk [tilespmem:v1+s7+$0x0], $0xffff  }
0xa44: {  	v2 =	vld.idx.msk [tilespmem:v2+s7+$0x0], $0xffff  }
0xa45: {  	v3 =	vld.idx.msk [tilespmem:v3+s7+$0x0], $0xffff  }
0xa46: {  	v4 =	vld.idx.msk [tilespmem:v4+s7+$0x0], $0xffff  }
0xa47: {  	v5 =	vld.idx.msk [tilespmem:v5+s7+$0x0], $0xffff  }
0xa48: {  	[tilespmem:s8+$0xFFFFFF10] =	vst v0;
	v7 =	vld.idx.msk [tilespmem:v7+s7+$0x0], $0xffff  }
0xa49: {  	v14 =	vld.idx.msk [tilespmem:v14+s7+$0x0], $0xffff;
	[tilespmem:s8+$0xFFFFFF20] =	vst v1  }
0xa4a: {  	[tilespmem:s8+$0xFFFFFF30] =	vst v2;
	v8 =	vld.idx.msk [tilespmem:v8+s7+$0x0], $0xffff  }
0xa4b: {  	[tilespmem:s8+$0xFFFFFF40] =	vst v3;
	v0 =	vld.idx.msk [tilespmem:v9+s7+$0x0], $0xffff  }
.Ltmp62:
0xa4c: {  	[tilespmem:s8+$0xFFFFFF50] =	vst v4;
	v1 =	vld.idx.msk [tilespmem:v10+s7+$0x0], $0xffff;
	(pc) =	sbr.rel @p0 .LBB2_126-.Ltmp62, $4  }
0xa4d: {  	[tilespmem:s8+$0xFFFFFF60] =	vst v5;
	v2 =	vld.idx.msk [tilespmem:v11+s7+$0x0], $0xffff  }
0xa4e: {  	[tilespmem:s8+$0xFFFFFF70] =	vst v7;
	v3 =	vld.idx.msk [tilespmem:v12+s7+$0x0], $0xffff  }
0xa4f: {  	[tilespmem:s8+$0xFFFFFF00] =	vst v14;
	v4 =	vld.idx.msk [tilespmem:v13+s7+$0x0], $0xffff  }
0xa50: {  	s11 =	sadd.s32 $0x100, s11;
	[tilespmem:s8+$0x0] =	vst v8;
	v5 =	vld.idx.msk [tilespmem:v6+s7+$0x0], $0xffff  }
0xa51: {  	[tilespmem:s8+$0x10] =	vst v0  }
0xa52: {  	[tilespmem:s8+$0x20] =	vst v1  }
0xa53: {  	[tilespmem:s8+$0x30] =	vst v2  }
0xa54: {  	[tilespmem:s8+$0x40] =	vst v3  }
0xa55: {  	s10 =	simm.s32 $0x1C780;
	[tilespmem:s8+$0x50] =	vst v4  }
0xa56: {  	s12 =	sadd.s32 $0x0, s6;
	s11 =	simm.s32 $0x1C880;
	[tilespmem:s8+$0x60] =	vst v5;
	s8 =	simm.s32 $0x80  }
.LBB2_128:
0xa57: {  	[hbm4b:s12+s3] =	stream.linear.scatter [tilespmem:s10], [sflag:$0x2], $0x80, $0x38;
	[tilespmem:$0x1E700] =	vst v63  }
0xa58: {  	s12 =	smov.u32 s8;
	s10 =	smov.u32 s11;
	p0 =	sne.s32 s8, $0xF80  }
.Ltmp63:
0xa59: {  	s8 =	sadd.s32 $0x80, s8;
	(pc) =	sbr.rel @p0 .LBB2_128-.Ltmp63, $2  }
0xa5a: {  	_ =	sdelay $0x2  }
0xa5b: {  	s11 =	sadd.s32 $0x100, s11;
	s12 =	sadd.s32 s12, s6  }
0xa5c: {  	[hbm4b:s12+s3] =	stream.linear.scatter [tilespmem:s10], [sflag:$0x2], $0x80, $0x38;
	[tilespmem:$0x1E700] =	vst v63  }
0xa5d: {  	s8 =	simm.s32 $0x1  }
0xa5e: {  	_ =	swait.ge [sflag:s8], $0x1000  }
0xa5f: {  	[sflag:s8] =	ssyncset.done $0x0  }
0xa60: {  	s18 =	simm.s32 $0x2;
	[sflag:s8] =	ssyncadd.s32 $0xFFFFF000  }
0xa61: {  	_ =	swait.ge [sflag:s18], $0x1000  }
0xa62: {  	s11 =	rddreg [dreg:$0x1a]  }
0xa63: {  	s20 =	rddreg [dreg:$0x16];
	s11 =	sadd.s32 $0x1, s11  }
0xa64: {  	p0 =	sne.s32 s11, s20  }
.Ltmp64:
0xa65: {  	_ = 	snop;
	(pc) =	sbr.rel @p0 .LBB2_1-.Ltmp64, $3  }
0xa66: {  	_ =	sdelay $0x1  }
0xa67: {  	[sflag:s18] =	ssyncset.done $0x0  }
0xa68: {  	s12 =	rddreg [dreg:$0x4];
	[sflag:s18] =	ssyncadd.s32 $0xFFFFF000  }
0xa69: {  	_ =	sfence.sel $0x180000  }
0xa6a: {  	[bflag:$0x0] =	sbarrier.arrive $0xFFFF  }
0xa6b: {  	_ =	strace $0x90000047  }
0xa6c: {  	s0 =	stileid.u32;
	[bflag:$0x2] =	sbarrier.arrive $0xFFFF  }
0xa6d: {  	p0 =	sne.s32 s0, $0x0;
	s0 =	rddreg [dreg:$0x3]  }
0xa6e: {  	s0 =	sadd.s32 @!p0 $0x100000, s0  }
0xa6f: {  	[sflag:s0] =	ssyncadd.tile.s32 @!p0 $0x1;
	_ =	shalt  }
.Lfunc_end2:
_tile_overlayer_lowered:
.L_overlay_start_2:
0xa70: {  	(tag) =	ssettag $0x2  }
0xa71: {  	s0 =	rddreg [dreg:$0x0];
	s2 =	stileid.u32  }
0xa72: {  	s1 =	rddreg [dreg:$0x1];
	p0 =	sne.s32 s2, $0x0  }
0xa73: {  	s3 =	rddreg [dreg:$0x2];
	[bflag:$0x3] =	sbarrier.arrive $0xFFFF;
	s2 =	simm.s32 @!p0 $0x1C04  }
0xa74: {  	[timem:s3], [sflag:s2] =	dma.local @!p0 [hbm:s0], s1  }
0xa75: {  	s0 =	simm.s32 @!p0 $0x4  }
0xa76: {  	_ =	swait.ge @!p0 [sflag:s0], s1  }
0xa77: {  	s1 =	ssub.s32 @!p0 $0x0, s1;
	[sflag:s0] =	ssyncset.done @!p0 $0x0  }
0xa78: {  	[sflag:s0] =	ssyncadd.s32 @!p0 s1  }
0xa79: {  	[bflag:$0x3] =	sbarrier.arrive $0xFFFF  }
0xa7a: {  	_ =	shalt  }

</sc_bundles>
